<compile_context>
chip_gen: v7x
topology: tpu7x:2x2x1
jax: 0.10.2.dev20260603
libtpu: 0.0.44.dev20260713+nightly
codegen_flags: <defaults>
</compile_context>

<pallas_src>
import functools

import jax
import jax.numpy as jnp
from jax import lax
from jax.experimental import pallas as pl
from jax.experimental.pallas import tpu as pltpu
from jax.experimental.pallas import tpu_sc as plsc


def _build(B, D, V1):
    info = plsc.get_sparse_core_info()
    NC, NS, L = info.num_cores, info.num_subcores, info.num_lanes
    nw = NC * NS
    CW = 512
    RING = 32
    tail0 = (V1 - 1) // 128 * 128
    total_ch = tail0 // CW
    base_ch = total_ch // nw
    spw = base_ch * CW
    n_ch_last = total_ch - base_ch * (nw - 1)
    ntail = V1 - tail0
    bpt = B // NS
    PW = 2048

    mesh = plsc.VectorSubcoreMesh(core_axis_name="c", subcore_axis_name="s")
    i32 = jnp.int32

    @functools.partial(
        pl.kernel,
        mesh=mesh,
        out_type=jax.ShapeDtypeStruct((B, D), jnp.float32),
        scratch_types=[
            pltpu.VMEM((bpt,), i32),
            pltpu.VMEM((bpt,), i32),
            pltpu.VMEM((PW,), i32),
            pltpu.VMEM((B,), i32),
            pltpu.VMEM((B,), i32),
            pltpu.VMEM((D, CW), jnp.float32),
            pltpu.VMEM((D, CW), jnp.float32),
            pltpu.VMEM((ntail, D), jnp.float32),
            pltpu.VMEM((RING, D), jnp.float32),
            pltpu.VMEM_SHARED((B,), i32),
            pltpu.SemaphoreType.DMA,
            pltpu.SemaphoreType.DMA,
            pltpu.SemaphoreType.DMA,
            pltpu.SemaphoreType.DMA,
        ],
        compiler_params=pltpu.CompilerParams(needs_layout_passes=False),
    )
    def k(nid_hbm, map_hbm, tab_t_hbm, tail_hbm, out_hbm,
          nid_v, myidx_v, piece_v, selv_v, selb_v, chunk_a, chunk_b,
          tail_v, stage_v, shared_idx, sem, sem_a, sem_b, osem):
        s = lax.axis_index("s")
        c = lax.axis_index("c")
        wid = s * NC + c
        iota = lax.iota(i32, L)
        lo = wid * spw

        pltpu.async_copy(
            tab_t_hbm.at[:, pl.ds(lo, CW)], chunk_a, sem_a
        )
        pltpu.async_copy(
            tab_t_hbm.at[:, pl.ds(lo + CW, CW)], chunk_b, sem_b
        )

        pltpu.sync_copy(nid_hbm.at[pl.ds(s * bpt, bpt)], nid_v)
        pltpu.async_copy(map_hbm.at[nid_v], myidx_v, sem).wait()
        pltpu.sync_copy(myidx_v, shared_idx.at[pl.ds(s * bpt, bpt)])
        plsc.subcore_barrier()

        hi = jnp.where(wid == nw - 1, V1, lo + spw)
        cnt = jnp.int32(0)
        for p in range(B // PW):
            pltpu.sync_copy(shared_idx.at[pl.ds(p * PW, PW)], piece_v)

            def _sel(g, cnt, p=p):
                v = piece_v[pl.ds(g * L, L)]
                m = (v >= lo) & (v < hi)
                plsc.store_compressed(selv_v.at[pl.ds(cnt, L)], v, mask=m)
                plsc.store_compressed(
                    selb_v.at[pl.ds(cnt, L)],
                    iota + (p * PW + g * L),
                    mask=m,
                )
                return cnt + plsc.all_reduce_population_count(m)[0]

            cnt = lax.fori_loop(0, PW // L, _sel, cnt)
        n_grp = (cnt + L - 1) // L

        def _drain_one(i, _):
            pltpu.make_async_copy(
                stage_v.at[pl.ds(0, 1)],
                out_hbm.at[pl.ds(0, 1)],
                osem,
            ).wait()
            return 0

        def _emit_rows(src_ref, base_off, c0, c1, feature_major, carry0):
            def _grp(gi, carry):
                f, dr = carry
                vv = selv_v[pl.ds(gi * L, L)]
                bb = selb_v[pl.ds(gi * L, L)]
                valid = (iota + gi * L) < cnt
                inm = valid & (vv >= c0) & (vv < c1)
                npick = plsc.all_reduce_population_count(inm)[0]

                need = (f - dr + npick) > RING
                ndr = jnp.where(need, f - dr, 0)

                @pl.when(need)
                def _():
                    lax.fori_loop(0, ndr, _drain_one, 0)

                dr = dr + ndr

                def _pick(t, carry2):
                    m, fj = carry2
                    lane = plsc.all_reduce_ffs(m)[0]
                    onlane = iota == lane
                    ve = jnp.max(jnp.where(onlane, vv, 0)) - base_off
                    be = jnp.max(jnp.where(onlane, bb, 0))
                    slot = fj & (RING - 1)
                    for q in range(D // L):
                        if feature_major:
                            idxs = [iota + q * L, ve + iota * 0]
                        else:
                            idxs = [ve + iota * 0, iota + q * L]
                        vals = plsc.load_gather(src_ref, idxs)
                        plsc.store_scatter(
                            stage_v, [slot + iota * 0, iota + q * L], vals
                        )
                    pltpu.async_copy(
                        stage_v.at[pl.ds(slot, 1)],
                        out_hbm.at[pl.ds(be, 1)],
                        osem,
                    )
                    return (m & jnp.logical_not(onlane), fj + 1)

                f = lax.fori_loop(0, npick, _pick, (inm, f))[1]
                return (f, dr)

            return lax.fori_loop(0, n_grp, _grp, carry0)

        n_ch = jnp.where(wid == nw - 1, n_ch_last, base_ch)
        n_pair = (n_ch + 1) // 2

        def _issue(ch, buf, bsem):
            pltpu.async_copy(
                tab_t_hbm.at[:, pl.ds(lo + ch * CW, CW)], buf, bsem
            )

        def _wait(buf, bsem):
            pltpu.make_async_copy(
                tab_t_hbm.at[:, pl.ds(0, CW)], buf, bsem
            ).wait()

        def _pair(i, carry):
            ch1 = 2 * i + 1
            c0a = lo + 2 * i * CW
            _wait(chunk_a, sem_a)

            @pl.when((ch1 < n_ch) & (i > 0))
            def _():
                _issue(ch1, chunk_b, sem_b)

            carry = _emit_rows(chunk_a, c0a, c0a, c0a + CW, True, carry)

            @pl.when(ch1 + 1 < n_ch)
            def _():
                _issue(ch1 + 1, chunk_a, sem_a)

            @pl.when(ch1 < n_ch)
            def _():
                _wait(chunk_b, sem_b)

            c0b = lo + ch1 * CW
            c1b = jnp.where(ch1 < n_ch, c0b + CW, c0b)
            carry = _emit_rows(chunk_b, c0b, c0b, c1b, True, carry)
            return carry

        carry = lax.fori_loop(
            0, n_pair, _pair, (jnp.int32(0), jnp.int32(0))
        )

        @pl.when(wid == nw - 1)
        def _():
            pltpu.sync_copy(tail_hbm, tail_v)

        c1t = jnp.where(wid == nw - 1, V1, tail0)
        f, dr = _emit_rows(tail_v, tail0, tail0, c1t, False, carry)

        lax.fori_loop(0, f - dr, _drain_one, 0)

    return k, tail0


@jax.jit
def kernel(nid, nid_map, emb_table):
    B = nid.shape[0]
    V1, D = emb_table.shape
    k, tail0 = _build(B, D, V1)
    return k(nid, nid_map, emb_table.T, emb_table[tail0:])

# --- scband reference (transcript-rebuilt; emitter-appended) ---
"""Pipeline reference for scband-feature-less-embedding-49821620633800 (READ-ONLY COPY).

The authoritative reference and input builder live on the scoring server;
editing this copy changes nothing except your own understanding.
"""

import jax, jax.numpy as jnp
import numpy as np

VOCAB = 1_000_000
EMBED = 64
SUB_N = 100_000
BATCH = 16384

def setup_inputs(seed: int = 0) -> dict:
    key = jax.random.key(seed)
    k1, k2, k3 = jax.random.split(key, 3)
    # nid: local node ids within the sampled subgraph
    nid = jax.random.randint(k1, (BATCH,), 0, SUB_N, dtype=jnp.int32)
    # nid_map: sg.nodes['usaanr'].data[dgl.NID] -- maps local sg node ids to global graph node ids
    nid_map = jax.random.randint(k2, (SUB_N,), 0, VOCAB, dtype=jnp.int32)
    # emb['usaanr'] table: num_nodes + 1 rows
    emb_table = jax.random.normal(k3, (VOCAB + 1, EMBED), dtype=jnp.float32) * 0.02
    return {"nid": nid, "nid_map": nid_map, "emb_table": emb_table}

def reference(nid, nid_map, emb_table):
    # idx = sg.nodes['usaanr'].data[dgl.NID][nid].squeeze()
    idx = jnp.take(nid_map, nid, axis=0)
    # out_feature = self.emb['usaanr'](idx).squeeze()
    out_feature = jnp.take(emb_table, idx, axis=0)
    return out_feature

if __name__ == "__main__":
    import jax
    _d = setup_inputs()
    print(jax.jit(kernel)(*tuple(_d.values())))

</pallas_src>

<mosaic_0001>
#map = affine_map<(d0, d1) -> (0)>
#map1 = affine_map<(d0, d1) -> (0, 0)>
module attributes {stable_mosaic.version = 14 : i64} {
  func.func @k(%arg0: i32, %arg1: i32, %arg2: memref<16384xi32, #tpu.memory_space<hbm>>, %arg3: memref<100000xi32, #tpu.memory_space<hbm>>, %arg4: memref<64x1000001xf32, #tpu.memory_space<hbm>>, %arg5: memref<65x64xf32, #tpu.memory_space<hbm>>, %arg6: memref<16384x64xf32, #tpu.memory_space<hbm>>, %arg7: memref<1024xi32, #tpu.memory_space<vmem>>, %arg8: memref<1024xi32, #tpu.memory_space<vmem>>, %arg9: memref<2048xi32, #tpu.memory_space<vmem>>, %arg10: memref<16384xi32, #tpu.memory_space<vmem>>, %arg11: memref<16384xi32, #tpu.memory_space<vmem>>, %arg12: memref<64x512xf32, #tpu.memory_space<vmem>>, %arg13: memref<64x512xf32, #tpu.memory_space<vmem>>, %arg14: memref<65x64xf32, #tpu.memory_space<vmem>>, %arg15: memref<32x64xf32, #tpu.memory_space<vmem>>, %arg16: memref<16384xi32, #tpu.memory_space<vmem_shared>>, %arg17: memref<!tpu.dma_semaphore, #tpu.memory_space<semaphore_mem>>, %arg18: memref<!tpu.dma_semaphore, #tpu.memory_space<semaphore_mem>>, %arg19: memref<!tpu.dma_semaphore, #tpu.memory_space<semaphore_mem>>, %arg20: memref<!tpu.dma_semaphore, #tpu.memory_space<semaphore_mem>>) attributes {dimension_semantics = [#tpu.dimension_semantics<core_parallel>, #tpu.dimension_semantics<subcore_parallel>], iteration_bounds = array<i64: 2, 16>, scalar_prefetch = 0 : i64, scratch_operands = 14 : i64, tpu.core_type = #tpu.core_type<sc_vector_subcore>, window_params = [{transform_indices = #map}, {transform_indices = #map}, {transform_indices = #map1}, {transform_indices = #map1}, {transform_indices = #map1}]} {
    %mul3A = arith.constant 2 : i32
    %mul3A_0 = arith.muli %arg1, %mul3A : i32
    %add3A = arith.addi %mul3A_0, %arg0 : i32
    %iota3A = tpu.iota {dimensions = array<i32: 0>} : vector<16xi32>
    %mul3A_1 = arith.constant 31232 : i32
    %mul3A_2 = arith.muli %add3A, %mul3A_1 : i32
    %dma_start3A = arith.constant 0 : i32
    %dma_start3A_3 = tpu.memref_slice %arg4[%dma_start3A, %mul3A_2] : memref<64x1000001xf32, #tpu.memory_space<hbm>> -> memref<64x512xf32, #tpu.memory_space<hbm>>
    %dma_start3A_4 = arith.constant 0 : i32
    %dma_start3A_5 = tpu.memref_slice %arg4[%dma_start3A_4, %mul3A_2] : memref<64x1000001xf32, #tpu.memory_space<hbm>> -> memref<64x512xf32, #tpu.memory_space<hbm>>
    tpu.enqueue_dma source(%dma_start3A_5 : memref<64x512xf32, #tpu.memory_space<hbm>>) target(%arg12 : memref<64x512xf32, #tpu.memory_space<vmem>>) target_semaphore(%arg18 : memref<!tpu.dma_semaphore, #tpu.memory_space<semaphore_mem>>)
    %add3A_6 = arith.constant 512 : i32
    %add3A_7 = arith.addi %mul3A_2, %add3A_6 : i32
    %dma_start3A_8 = arith.constant 0 : i32
    %dma_start3A_9 = tpu.memref_slice %arg4[%dma_start3A_8, %add3A_7] : memref<64x1000001xf32, #tpu.memory_space<hbm>> -> memref<64x512xf32, #tpu.memory_space<hbm>>
    %dma_start3A_10 = arith.constant 0 : i32
    %dma_start3A_11 = tpu.memref_slice %arg4[%dma_start3A_10, %add3A_7] : memref<64x1000001xf32, #tpu.memory_space<hbm>> -> memref<64x512xf32, #tpu.memory_space<hbm>>
    tpu.enqueue_dma source(%dma_start3A_11 : memref<64x512xf32, #tpu.memory_space<hbm>>) target(%arg13 : memref<64x512xf32, #tpu.memory_space<vmem>>) target_semaphore(%arg19 : memref<!tpu.dma_semaphore, #tpu.memory_space<semaphore_mem>>)
    %mul3A_12 = arith.constant 1024 : i32
    %mul3A_13 = arith.muli %arg1, %mul3A_12 : i32
    "tpu.region"() ({
      %run_scoped3A = tpu.sem_alloc : memref<!tpu.dma_semaphore, #tpu.memory_space<semaphore_mem>>
      %dma_start3A_167 = tpu.memref_slice %arg2[%mul3A_13] : memref<16384xi32, #tpu.memory_space<hbm>> -> memref<1024xi32, #tpu.memory_space<hbm>>
      %dma_start3A_168 = tpu.memref_slice %arg2[%mul3A_13] : memref<16384xi32, #tpu.memory_space<hbm>> -> memref<1024xi32, #tpu.memory_space<hbm>>
      tpu.enqueue_dma source(%dma_start3A_168 : memref<1024xi32, #tpu.memory_space<hbm>>) target(%arg7 : memref<1024xi32, #tpu.memory_space<vmem>>) target_semaphore(%run_scoped3A : memref<!tpu.dma_semaphore, #tpu.memory_space<semaphore_mem>>)
      %dma_wait3A_169 = tpu.memref_slice %arg2[%mul3A_13] : memref<16384xi32, #tpu.memory_space<hbm>> -> memref<1024xi32, #tpu.memory_space<hbm>>
      %dma_wait3A_170 = tpu.memref_slice %arg2[%mul3A_13] : memref<16384xi32, #tpu.memory_space<hbm>> -> memref<1024xi32, #tpu.memory_space<hbm>>
      tpu.wait_dma2 semaphore(%run_scoped3A : memref<!tpu.dma_semaphore, #tpu.memory_space<semaphore_mem>>) src(%dma_wait3A_170 : memref<1024xi32, #tpu.memory_space<hbm>>) dst(%arg7 : memref<1024xi32, #tpu.memory_space<vmem>>)
      tpu.yield
    }) : () -> ()
    %dma_start3A_14 = arith.constant 0 : i32
    %dma_start3A_15 = tpu.memref_slice %arg3[%dma_start3A_14] : memref<100000xi32, #tpu.memory_space<hbm>> -> memref<100000xi32, #tpu.memory_space<hbm>>
    tpu.enqueue_indirect_dma source(%dma_start3A_15 : memref<100000xi32, #tpu.memory_space<hbm>>) target(%arg8 : memref<1024xi32, #tpu.memory_space<vmem>>) offsets(%arg7 : memref<1024xi32, #tpu.memory_space<vmem>>) semaphore(%arg17 : memref<!tpu.dma_semaphore, #tpu.memory_space<semaphore_mem>>)
    %dma_wait3A = arith.constant 0 : i32
    %dma_wait3A_16 = tpu.memref_slice %arg3[%dma_wait3A] : memref<100000xi32, #tpu.memory_space<hbm>> -> memref<100000xi32, #tpu.memory_space<hbm>>
    tpu.wait_indirect_dma semaphore(%arg17 : memref<!tpu.dma_semaphore, #tpu.memory_space<semaphore_mem>>) src(%dma_wait3A_16 : memref<100000xi32, #tpu.memory_space<hbm>>) dst(%arg8 : memref<1024xi32, #tpu.memory_space<vmem>>)
    %mul3A_17 = arith.constant 1024 : i32
    %mul3A_18 = arith.muli %arg1, %mul3A_17 : i32
    "tpu.region"() ({
      %run_scoped3A = tpu.sem_alloc : memref<!tpu.dma_semaphore, #tpu.memory_space<semaphore_mem>>
      %dma_start3A_167 = tpu.memref_slice %arg16[%mul3A_18] : memref<16384xi32, #tpu.memory_space<vmem_shared>> -> memref<1024xi32, #tpu.memory_space<vmem_shared>>
      %dma_start3A_168 = tpu.memref_slice %arg16[%mul3A_18] : memref<16384xi32, #tpu.memory_space<vmem_shared>> -> memref<1024xi32, #tpu.memory_space<vmem_shared>>
      tpu.enqueue_dma source(%arg8 : memref<1024xi32, #tpu.memory_space<vmem>>) target(%dma_start3A_168 : memref<1024xi32, #tpu.memory_space<vmem_shared>>) target_semaphore(%run_scoped3A : memref<!tpu.dma_semaphore, #tpu.memory_space<semaphore_mem>>)
      %dma_wait3A_169 = tpu.memref_slice %arg16[%mul3A_18] : memref<16384xi32, #tpu.memory_space<vmem_shared>> -> memref<1024xi32, #tpu.memory_space<vmem_shared>>
      %dma_wait3A_170 = tpu.memref_slice %arg16[%mul3A_18] : memref<16384xi32, #tpu.memory_space<vmem_shared>> -> memref<1024xi32, #tpu.memory_space<vmem_shared>>
      tpu.wait_dma2 semaphore(%run_scoped3A : memref<!tpu.dma_semaphore, #tpu.memory_space<semaphore_mem>>) src(%arg8 : memref<1024xi32, #tpu.memory_space<vmem>>) dst(%dma_wait3A_170 : memref<1024xi32, #tpu.memory_space<vmem_shared>>)
      tpu.yield
    }) : () -> ()
    %barrier3A = arith.constant 0 : index
    tpu.barrier barrier_id(%barrier3A)
    %eq3A = arith.constant 31 : i32
    %eq3A_19 = arith.cmpi eq, %add3A, %eq3A : i32
    %add3A_20 = arith.constant 31232 : i32
    %add3A_21 = arith.addi %mul3A_2, %add3A_20 : i32
    %jit3A = arith.constant 1000001 : i32
    %select_n3A = arith.select %eq3A_19, %jit3A, %add3A_21 : i32
    "tpu.region"() ({
      %run_scoped3A = tpu.sem_alloc : memref<!tpu.dma_semaphore, #tpu.memory_space<semaphore_mem>>
      %dma_start3A_167 = arith.constant 0 : i32
      %dma_start3A_168 = tpu.memref_slice %arg16[%dma_start3A_167] : memref<16384xi32, #tpu.memory_space<vmem_shared>> -> memref<2048xi32, #tpu.memory_space<vmem_shared>>
      %dma_start3A_169 = arith.constant 0 : i32
      %dma_start3A_170 = tpu.memref_slice %arg16[%dma_start3A_169] : memref<16384xi32, #tpu.memory_space<vmem_shared>> -> memref<2048xi32, #tpu.memory_space<vmem_shared>>
      tpu.enqueue_dma source(%dma_start3A_170 : memref<2048xi32, #tpu.memory_space<vmem_shared>>) target(%arg9 : memref<2048xi32, #tpu.memory_space<vmem>>) target_semaphore(%run_scoped3A : memref<!tpu.dma_semaphore, #tpu.memory_space<semaphore_mem>>)
      %dma_wait3A_171 = arith.constant 0 : i32
      %dma_wait3A_172 = tpu.memref_slice %arg16[%dma_wait3A_171] : memref<16384xi32, #tpu.memory_space<vmem_shared>> -> memref<2048xi32, #tpu.memory_space<vmem_shared>>
      %dma_wait3A_173 = arith.constant 0 : i32
      %dma_wait3A_174 = tpu.memref_slice %arg16[%dma_wait3A_173] : memref<16384xi32, #tpu.memory_space<vmem_shared>> -> memref<2048xi32, #tpu.memory_space<vmem_shared>>
      tpu.wait_dma2 semaphore(%run_scoped3A : memref<!tpu.dma_semaphore, #tpu.memory_space<semaphore_mem>>) src(%dma_wait3A_174 : memref<2048xi32, #tpu.memory_space<vmem_shared>>) dst(%arg9 : memref<2048xi32, #tpu.memory_space<vmem>>)
      tpu.yield
    }) : () -> ()
    %scan3A = arith.constant 0 : i32
    %scan3A_22 = arith.constant 0 : i32
    %scan3A_23 = arith.constant 128 : i32
    %scan3A_24 = arith.addi %scan3A_22, %scan3A_23 : i32
    %scan3A_25 = arith.constant 1 : i32
    %scan3A_26 = scf.for %scan3A_167 = %scan3A_22 to %scan3A_24 step %scan3A_25 iter_args(%scan3A_168 = %scan3A) -> (i32)  : i32 {
      %mul3A_169 = arith.constant 16 : i32
      %mul3A_170 = arith.muli %scan3A_167, %mul3A_169 : i32
      %get3A = arith.index_cast %mul3A_170 : i32 to index
      %get3A_171 = tpu.vector_load %arg9[%get3A] {strides = array<i32>} : memref<2048xi32, #tpu.memory_space<vmem>>, vector<16xi32>,
      %ge3A = vector.broadcast %mul3A_2 : i32 to vector<16xi32>
      %ge3A_172 = arith.cmpi sge, %get3A_171, %ge3A : vector<16xi32>
      %lt3A = vector.broadcast %select_n3A : i32 to vector<16xi32>
      %lt3A_173 = arith.cmpi slt, %get3A_171, %lt3A : vector<16xi32>
      %and3A_174 = arith.andi %ge3A_172, %lt3A_173 : vector<16xi1>
      %swap3A = arith.index_cast %scan3A_168 : i32 to index
      %swap3A_175 = tpu.vector_load %arg10[%swap3A] masked %and3A_174 {strides = array<i32>} : memref<16384xi32, #tpu.memory_space<vmem>>, vector<16xi32>, vector<16xi1>
      tpu.vector_store %arg10[%swap3A], %get3A_171 masked %and3A_174 {strides = array<i32>} : memref<16384xi32, #tpu.memory_space<vmem>>, vector<16xi32>, vector<16xi1>
      %mul3A_176 = arith.constant 16 : i32
      %mul3A_177 = arith.muli %scan3A_167, %mul3A_176 : i32
      %add3A_178 = arith.constant 0 : i32
      %add3A_179 = arith.addi %add3A_178, %mul3A_177 : i32
      %add3A_180 = vector.broadcast %add3A_179 : i32 to vector<16xi32>
      %add3A_181 = arith.addi %iota3A, %add3A_180 : vector<16xi32>
      %swap3A_182 = arith.index_cast %scan3A_168 : i32 to index
      %swap3A_183 = tpu.vector_load %arg11[%swap3A_182] masked %and3A_174 {strides = array<i32>} : memref<16384xi32, #tpu.memory_space<vmem>>, vector<16xi32>, vector<16xi1>
      tpu.vector_store %arg11[%swap3A_182], %add3A_181 masked %and3A_174 {strides = array<i32>} : memref<16384xi32, #tpu.memory_space<vmem>>, vector<16xi32>, vector<16xi1>
      %all_reduce_population_count3A = tpu.all_reduce %and3A_174 {dim = 0 : i64, kind = #tpu.reduction_kind<sum>} : vector<16xi1> -> vector<16xi32>
      %slice3A = vector.extract_strided_slice %all_reduce_population_count3A {offsets = [0], sizes = [1], strides = [1]} : vector<16xi32> to vector<1xi32>
      %squeeze3A = vector.extract %slice3A[0] : i32 from vector<1xi32>
      %add3A_184 = arith.addi %scan3A_168, %squeeze3A : i32
      scf.yield %add3A_184 : i32
    }
    %scan3A_27 = arith.constant 128 : i32
    "tpu.region"() ({
      %run_scoped3A = tpu.sem_alloc : memref<!tpu.dma_semaphore, #tpu.memory_space<semaphore_mem>>
      %dma_start3A_167 = arith.constant 2048 : i32
      %dma_start3A_168 = tpu.memref_slice %arg16[%dma_start3A_167] : memref<16384xi32, #tpu.memory_space<vmem_shared>> -> memref<2048xi32, #tpu.memory_space<vmem_shared>>
      %dma_start3A_169 = arith.constant 2048 : i32
      %dma_start3A_170 = tpu.memref_slice %arg16[%dma_start3A_169] : memref<16384xi32, #tpu.memory_space<vmem_shared>> -> memref<2048xi32, #tpu.memory_space<vmem_shared>>
      tpu.enqueue_dma source(%dma_start3A_170 : memref<2048xi32, #tpu.memory_space<vmem_shared>>) target(%arg9 : memref<2048xi32, #tpu.memory_space<vmem>>) target_semaphore(%run_scoped3A : memref<!tpu.dma_semaphore, #tpu.memory_space<semaphore_mem>>)
      %dma_wait3A_171 = arith.constant 2048 : i32
      %dma_wait3A_172 = tpu.memref_slice %arg16[%dma_wait3A_171] : memref<16384xi32, #tpu.memory_space<vmem_shared>> -> memref<2048xi32, #tpu.memory_space<vmem_shared>>
      %dma_wait3A_173 = arith.constant 2048 : i32
      %dma_wait3A_174 = tpu.memref_slice %arg16[%dma_wait3A_173] : memref<16384xi32, #tpu.memory_space<vmem_shared>> -> memref<2048xi32, #tpu.memory_space<vmem_shared>>
      tpu.wait_dma2 semaphore(%run_scoped3A : memref<!tpu.dma_semaphore, #tpu.memory_space<semaphore_mem>>) src(%dma_wait3A_174 : memref<2048xi32, #tpu.memory_space<vmem_shared>>) dst(%arg9 : memref<2048xi32, #tpu.memory_space<vmem>>)
      tpu.yield
    }) : () -> ()
    %scan3A_28 = arith.constant 0 : i32
    %scan3A_29 = arith.constant 128 : i32
    %scan3A_30 = arith.addi %scan3A_28, %scan3A_29 : i32
    %scan3A_31 = arith.constant 1 : i32
    %scan3A_32 = scf.for %scan3A_167 = %scan3A_28 to %scan3A_30 step %scan3A_31 iter_args(%scan3A_168 = %scan3A_26) -> (i32)  : i32 {
      %mul3A_169 = arith.constant 16 : i32
      %mul3A_170 = arith.muli %scan3A_167, %mul3A_169 : i32
      %get3A = arith.index_cast %mul3A_170 : i32 to index
      %get3A_171 = tpu.vector_load %arg9[%get3A] {strides = array<i32>} : memref<2048xi32, #tpu.memory_space<vmem>>, vector<16xi32>,
      %ge3A = vector.broadcast %mul3A_2 : i32 to vector<16xi32>
      %ge3A_172 = arith.cmpi sge, %get3A_171, %ge3A : vector<16xi32>
      %lt3A = vector.broadcast %select_n3A : i32 to vector<16xi32>
      %lt3A_173 = arith.cmpi slt, %get3A_171, %lt3A : vector<16xi32>
      %and3A_174 = arith.andi %ge3A_172, %lt3A_173 : vector<16xi1>
      %swap3A = arith.index_cast %scan3A_168 : i32 to index
      %swap3A_175 = tpu.vector_load %arg10[%swap3A] masked %and3A_174 {strides = array<i32>} : memref<16384xi32, #tpu.memory_space<vmem>>, vector<16xi32>, vector<16xi1>
      tpu.vector_store %arg10[%swap3A], %get3A_171 masked %and3A_174 {strides = array<i32>} : memref<16384xi32, #tpu.memory_space<vmem>>, vector<16xi32>, vector<16xi1>
      %mul3A_176 = arith.constant 16 : i32
      %mul3A_177 = arith.muli %scan3A_167, %mul3A_176 : i32
      %add3A_178 = arith.constant 2048 : i32
      %add3A_179 = arith.addi %add3A_178, %mul3A_177 : i32
      %add3A_180 = vector.broadcast %add3A_179 : i32 to vector<16xi32>
      %add3A_181 = arith.addi %iota3A, %add3A_180 : vector<16xi32>
      %swap3A_182 = arith.index_cast %scan3A_168 : i32 to index
      %swap3A_183 = tpu.vector_load %arg11[%swap3A_182] masked %and3A_174 {strides = array<i32>} : memref<16384xi32, #tpu.memory_space<vmem>>, vector<16xi32>, vector<16xi1>
      tpu.vector_store %arg11[%swap3A_182], %add3A_181 masked %and3A_174 {strides = array<i32>} : memref<16384xi32, #tpu.memory_space<vmem>>, vector<16xi32>, vector<16xi1>
      %all_reduce_population_count3A = tpu.all_reduce %and3A_174 {dim = 0 : i64, kind = #tpu.reduction_kind<sum>} : vector<16xi1> -> vector<16xi32>
      %slice3A = vector.extract_strided_slice %all_reduce_population_count3A {offsets = [0], sizes = [1], strides = [1]} : vector<16xi32> to vector<1xi32>
      %squeeze3A = vector.extract %slice3A[0] : i32 from vector<1xi32>
      %add3A_184 = arith.addi %scan3A_168, %squeeze3A : i32
      scf.yield %add3A_184 : i32
    }
    %scan3A_33 = arith.constant 128 : i32
    "tpu.region"() ({
      %run_scoped3A = tpu.sem_alloc : memref<!tpu.dma_semaphore, #tpu.memory_space<semaphore_mem>>
      %dma_start3A_167 = arith.constant 4096 : i32
      %dma_start3A_168 = tpu.memref_slice %arg16[%dma_start3A_167] : memref<16384xi32, #tpu.memory_space<vmem_shared>> -> memref<2048xi32, #tpu.memory_space<vmem_shared>>
      %dma_start3A_169 = arith.constant 4096 : i32
      %dma_start3A_170 = tpu.memref_slice %arg16[%dma_start3A_169] : memref<16384xi32, #tpu.memory_space<vmem_shared>> -> memref<2048xi32, #tpu.memory_space<vmem_shared>>
      tpu.enqueue_dma source(%dma_start3A_170 : memref<2048xi32, #tpu.memory_space<vmem_shared>>) target(%arg9 : memref<2048xi32, #tpu.memory_space<vmem>>) target_semaphore(%run_scoped3A : memref<!tpu.dma_semaphore, #tpu.memory_space<semaphore_mem>>)
      %dma_wait3A_171 = arith.constant 4096 : i32
      %dma_wait3A_172 = tpu.memref_slice %arg16[%dma_wait3A_171] : memref<16384xi32, #tpu.memory_space<vmem_shared>> -> memref<2048xi32, #tpu.memory_space<vmem_shared>>
      %dma_wait3A_173 = arith.constant 4096 : i32
      %dma_wait3A_174 = tpu.memref_slice %arg16[%dma_wait3A_173] : memref<16384xi32, #tpu.memory_space<vmem_shared>> -> memref<2048xi32, #tpu.memory_space<vmem_shared>>
      tpu.wait_dma2 semaphore(%run_scoped3A : memref<!tpu.dma_semaphore, #tpu.memory_space<semaphore_mem>>) src(%dma_wait3A_174 : memref<2048xi32, #tpu.memory_space<vmem_shared>>) dst(%arg9 : memref<2048xi32, #tpu.memory_space<vmem>>)
      tpu.yield
    }) : () -> ()
    %scan3A_34 = arith.constant 0 : i32
    %scan3A_35 = arith.constant 128 : i32
    %scan3A_36 = arith.addi %scan3A_34, %scan3A_35 : i32
    %scan3A_37 = arith.constant 1 : i32
    %scan3A_38 = scf.for %scan3A_167 = %scan3A_34 to %scan3A_36 step %scan3A_37 iter_args(%scan3A_168 = %scan3A_32) -> (i32)  : i32 {
      %mul3A_169 = arith.constant 16 : i32
      %mul3A_170 = arith.muli %scan3A_167, %mul3A_169 : i32
      %get3A = arith.index_cast %mul3A_170 : i32 to index
      %get3A_171 = tpu.vector_load %arg9[%get3A] {strides = array<i32>} : memref<2048xi32, #tpu.memory_space<vmem>>, vector<16xi32>,
      %ge3A = vector.broadcast %mul3A_2 : i32 to vector<16xi32>
      %ge3A_172 = arith.cmpi sge, %get3A_171, %ge3A : vector<16xi32>
      %lt3A = vector.broadcast %select_n3A : i32 to vector<16xi32>
      %lt3A_173 = arith.cmpi slt, %get3A_171, %lt3A : vector<16xi32>
      %and3A_174 = arith.andi %ge3A_172, %lt3A_173 : vector<16xi1>
      %swap3A = arith.index_cast %scan3A_168 : i32 to index
      %swap3A_175 = tpu.vector_load %arg10[%swap3A] masked %and3A_174 {strides = array<i32>} : memref<16384xi32, #tpu.memory_space<vmem>>, vector<16xi32>, vector<16xi1>
      tpu.vector_store %arg10[%swap3A], %get3A_171 masked %and3A_174 {strides = array<i32>} : memref<16384xi32, #tpu.memory_space<vmem>>, vector<16xi32>, vector<16xi1>
      %mul3A_176 = arith.constant 16 : i32
      %mul3A_177 = arith.muli %scan3A_167, %mul3A_176 : i32
      %add3A_178 = arith.constant 4096 : i32
      %add3A_179 = arith.addi %add3A_178, %mul3A_177 : i32
      %add3A_180 = vector.broadcast %add3A_179 : i32 to vector<16xi32>
      %add3A_181 = arith.addi %iota3A, %add3A_180 : vector<16xi32>
      %swap3A_182 = arith.index_cast %scan3A_168 : i32 to index
      %swap3A_183 = tpu.vector_load %arg11[%swap3A_182] masked %and3A_174 {strides = array<i32>} : memref<16384xi32, #tpu.memory_space<vmem>>, vector<16xi32>, vector<16xi1>
      tpu.vector_store %arg11[%swap3A_182], %add3A_181 masked %and3A_174 {strides = array<i32>} : memref<16384xi32, #tpu.memory_space<vmem>>, vector<16xi32>, vector<16xi1>
      %all_reduce_population_count3A = tpu.all_reduce %and3A_174 {dim = 0 : i64, kind = #tpu.reduction_kind<sum>} : vector<16xi1> -> vector<16xi32>
      %slice3A = vector.extract_strided_slice %all_reduce_population_count3A {offsets = [0], sizes = [1], strides = [1]} : vector<16xi32> to vector<1xi32>
      %squeeze3A = vector.extract %slice3A[0] : i32 from vector<1xi32>
      %add3A_184 = arith.addi %scan3A_168, %squeeze3A : i32
      scf.yield %add3A_184 : i32
    }
    %scan3A_39 = arith.constant 128 : i32
    "tpu.region"() ({
      %run_scoped3A = tpu.sem_alloc : memref<!tpu.dma_semaphore, #tpu.memory_space<semaphore_mem>>
      %dma_start3A_167 = arith.constant 6144 : i32
      %dma_start3A_168 = tpu.memref_slice %arg16[%dma_start3A_167] : memref<16384xi32, #tpu.memory_space<vmem_shared>> -> memref<2048xi32, #tpu.memory_space<vmem_shared>>
      %dma_start3A_169 = arith.constant 6144 : i32
      %dma_start3A_170 = tpu.memref_slice %arg16[%dma_start3A_169] : memref<16384xi32, #tpu.memory_space<vmem_shared>> -> memref<2048xi32, #tpu.memory_space<vmem_shared>>
      tpu.enqueue_dma source(%dma_start3A_170 : memref<2048xi32, #tpu.memory_space<vmem_shared>>) target(%arg9 : memref<2048xi32, #tpu.memory_space<vmem>>) target_semaphore(%run_scoped3A : memref<!tpu.dma_semaphore, #tpu.memory_space<semaphore_mem>>)
      %dma_wait3A_171 = arith.constant 6144 : i32
      %dma_wait3A_172 = tpu.memref_slice %arg16[%dma_wait3A_171] : memref<16384xi32, #tpu.memory_space<vmem_shared>> -> memref<2048xi32, #tpu.memory_space<vmem_shared>>
      %dma_wait3A_173 = arith.constant 6144 : i32
      %dma_wait3A_174 = tpu.memref_slice %arg16[%dma_wait3A_173] : memref<16384xi32, #tpu.memory_space<vmem_shared>> -> memref<2048xi32, #tpu.memory_space<vmem_shared>>
      tpu.wait_dma2 semaphore(%run_scoped3A : memref<!tpu.dma_semaphore, #tpu.memory_space<semaphore_mem>>) src(%dma_wait3A_174 : memref<2048xi32, #tpu.memory_space<vmem_shared>>) dst(%arg9 : memref<2048xi32, #tpu.memory_space<vmem>>)
      tpu.yield
    }) : () -> ()
    %scan3A_40 = arith.constant 0 : i32
    %scan3A_41 = arith.constant 128 : i32
    %scan3A_42 = arith.addi %scan3A_40, %scan3A_41 : i32
    %scan3A_43 = arith.constant 1 : i32
    %scan3A_44 = scf.for %scan3A_167 = %scan3A_40 to %scan3A_42 step %scan3A_43 iter_args(%scan3A_168 = %scan3A_38) -> (i32)  : i32 {
      %mul3A_169 = arith.constant 16 : i32
      %mul3A_170 = arith.muli %scan3A_167, %mul3A_169 : i32
      %get3A = arith.index_cast %mul3A_170 : i32 to index
      %get3A_171 = tpu.vector_load %arg9[%get3A] {strides = array<i32>} : memref<2048xi32, #tpu.memory_space<vmem>>, vector<16xi32>,
      %ge3A = vector.broadcast %mul3A_2 : i32 to vector<16xi32>
      %ge3A_172 = arith.cmpi sge, %get3A_171, %ge3A : vector<16xi32>
      %lt3A = vector.broadcast %select_n3A : i32 to vector<16xi32>
      %lt3A_173 = arith.cmpi slt, %get3A_171, %lt3A : vector<16xi32>
      %and3A_174 = arith.andi %ge3A_172, %lt3A_173 : vector<16xi1>
      %swap3A = arith.index_cast %scan3A_168 : i32 to index
      %swap3A_175 = tpu.vector_load %arg10[%swap3A] masked %and3A_174 {strides = array<i32>} : memref<16384xi32, #tpu.memory_space<vmem>>, vector<16xi32>, vector<16xi1>
      tpu.vector_store %arg10[%swap3A], %get3A_171 masked %and3A_174 {strides = array<i32>} : memref<16384xi32, #tpu.memory_space<vmem>>, vector<16xi32>, vector<16xi1>
      %mul3A_176 = arith.constant 16 : i32
      %mul3A_177 = arith.muli %scan3A_167, %mul3A_176 : i32
      %add3A_178 = arith.constant 6144 : i32
      %add3A_179 = arith.addi %add3A_178, %mul3A_177 : i32
      %add3A_180 = vector.broadcast %add3A_179 : i32 to vector<16xi32>
      %add3A_181 = arith.addi %iota3A, %add3A_180 : vector<16xi32>
      %swap3A_182 = arith.index_cast %scan3A_168 : i32 to index
      %swap3A_183 = tpu.vector_load %arg11[%swap3A_182] masked %and3A_174 {strides = array<i32>} : memref<16384xi32, #tpu.memory_space<vmem>>, vector<16xi32>, vector<16xi1>
      tpu.vector_store %arg11[%swap3A_182], %add3A_181 masked %and3A_174 {strides = array<i32>} : memref<16384xi32, #tpu.memory_space<vmem>>, vector<16xi32>, vector<16xi1>
      %all_reduce_population_count3A = tpu.all_reduce %and3A_174 {dim = 0 : i64, kind = #tpu.reduction_kind<sum>} : vector<16xi1> -> vector<16xi32>
      %slice3A = vector.extract_strided_slice %all_reduce_population_count3A {offsets = [0], sizes = [1], strides = [1]} : vector<16xi32> to vector<1xi32>
      %squeeze3A = vector.extract %slice3A[0] : i32 from vector<1xi32>
      %add3A_184 = arith.addi %scan3A_168, %squeeze3A : i32
      scf.yield %add3A_184 : i32
    }
    %scan3A_45 = arith.constant 128 : i32
    "tpu.region"() ({
      %run_scoped3A = tpu.sem_alloc : memref<!tpu.dma_semaphore, #tpu.memory_space<semaphore_mem>>
      %dma_start3A_167 = arith.constant 8192 : i32
      %dma_start3A_168 = tpu.memref_slice %arg16[%dma_start3A_167] : memref<16384xi32, #tpu.memory_space<vmem_shared>> -> memref<2048xi32, #tpu.memory_space<vmem_shared>>
      %dma_start3A_169 = arith.constant 8192 : i32
      %dma_start3A_170 = tpu.memref_slice %arg16[%dma_start3A_169] : memref<16384xi32, #tpu.memory_space<vmem_shared>> -> memref<2048xi32, #tpu.memory_space<vmem_shared>>
      tpu.enqueue_dma source(%dma_start3A_170 : memref<2048xi32, #tpu.memory_space<vmem_shared>>) target(%arg9 : memref<2048xi32, #tpu.memory_space<vmem>>) target_semaphore(%run_scoped3A : memref<!tpu.dma_semaphore, #tpu.memory_space<semaphore_mem>>)
      %dma_wait3A_171 = arith.constant 8192 : i32
      %dma_wait3A_172 = tpu.memref_slice %arg16[%dma_wait3A_171] : memref<16384xi32, #tpu.memory_space<vmem_shared>> -> memref<2048xi32, #tpu.memory_space<vmem_shared>>
      %dma_wait3A_173 = arith.constant 8192 : i32
      %dma_wait3A_174 = tpu.memref_slice %arg16[%dma_wait3A_173] : memref<16384xi32, #tpu.memory_space<vmem_shared>> -> memref<2048xi32, #tpu.memory_space<vmem_shared>>
      tpu.wait_dma2 semaphore(%run_scoped3A : memref<!tpu.dma_semaphore, #tpu.memory_space<semaphore_mem>>) src(%dma_wait3A_174 : memref<2048xi32, #tpu.memory_space<vmem_shared>>) dst(%arg9 : memref<2048xi32, #tpu.memory_space<vmem>>)
      tpu.yield
    }) : () -> ()
    %scan3A_46 = arith.constant 0 : i32
    %scan3A_47 = arith.constant 128 : i32
    %scan3A_48 = arith.addi %scan3A_46, %scan3A_47 : i32
    %scan3A_49 = arith.constant 1 : i32
    %scan3A_50 = scf.for %scan3A_167 = %scan3A_46 to %scan3A_48 step %scan3A_49 iter_args(%scan3A_168 = %scan3A_44) -> (i32)  : i32 {
      %mul3A_169 = arith.constant 16 : i32
      %mul3A_170 = arith.muli %scan3A_167, %mul3A_169 : i32
      %get3A = arith.index_cast %mul3A_170 : i32 to index
      %get3A_171 = tpu.vector_load %arg9[%get3A] {strides = array<i32>} : memref<2048xi32, #tpu.memory_space<vmem>>, vector<16xi32>,
      %ge3A = vector.broadcast %mul3A_2 : i32 to vector<16xi32>
      %ge3A_172 = arith.cmpi sge, %get3A_171, %ge3A : vector<16xi32>
      %lt3A = vector.broadcast %select_n3A : i32 to vector<16xi32>
      %lt3A_173 = arith.cmpi slt, %get3A_171, %lt3A : vector<16xi32>
      %and3A_174 = arith.andi %ge3A_172, %lt3A_173 : vector<16xi1>
      %swap3A = arith.index_cast %scan3A_168 : i32 to index
      %swap3A_175 = tpu.vector_load %arg10[%swap3A] masked %and3A_174 {strides = array<i32>} : memref<16384xi32, #tpu.memory_space<vmem>>, vector<16xi32>, vector<16xi1>
      tpu.vector_store %arg10[%swap3A], %get3A_171 masked %and3A_174 {strides = array<i32>} : memref<16384xi32, #tpu.memory_space<vmem>>, vector<16xi32>, vector<16xi1>
      %mul3A_176 = arith.constant 16 : i32
      %mul3A_177 = arith.muli %scan3A_167, %mul3A_176 : i32
      %add3A_178 = arith.constant 8192 : i32
      %add3A_179 = arith.addi %add3A_178, %mul3A_177 : i32
      %add3A_180 = vector.broadcast %add3A_179 : i32 to vector<16xi32>
      %add3A_181 = arith.addi %iota3A, %add3A_180 : vector<16xi32>
      %swap3A_182 = arith.index_cast %scan3A_168 : i32 to index
      %swap3A_183 = tpu.vector_load %arg11[%swap3A_182] masked %and3A_174 {strides = array<i32>} : memref<16384xi32, #tpu.memory_space<vmem>>, vector<16xi32>, vector<16xi1>
      tpu.vector_store %arg11[%swap3A_182], %add3A_181 masked %and3A_174 {strides = array<i32>} : memref<16384xi32, #tpu.memory_space<vmem>>, vector<16xi32>, vector<16xi1>
      %all_reduce_population_count3A = tpu.all_reduce %and3A_174 {dim = 0 : i64, kind = #tpu.reduction_kind<sum>} : vector<16xi1> -> vector<16xi32>
      %slice3A = vector.extract_strided_slice %all_reduce_population_count3A {offsets = [0], sizes = [1], strides = [1]} : vector<16xi32> to vector<1xi32>
      %squeeze3A = vector.extract %slice3A[0] : i32 from vector<1xi32>
      %add3A_184 = arith.addi %scan3A_168, %squeeze3A : i32
      scf.yield %add3A_184 : i32
    }
    %scan3A_51 = arith.constant 128 : i32
    "tpu.region"() ({
      %run_scoped3A = tpu.sem_alloc : memref<!tpu.dma_semaphore, #tpu.memory_space<semaphore_mem>>
      %dma_start3A_167 = arith.constant 10240 : i32
      %dma_start3A_168 = tpu.memref_slice %arg16[%dma_start3A_167] : memref<16384xi32, #tpu.memory_space<vmem_shared>> -> memref<2048xi32, #tpu.memory_space<vmem_shared>>
      %dma_start3A_169 = arith.constant 10240 : i32
      %dma_start3A_170 = tpu.memref_slice %arg16[%dma_start3A_169] : memref<16384xi32, #tpu.memory_space<vmem_shared>> -> memref<2048xi32, #tpu.memory_space<vmem_shared>>
      tpu.enqueue_dma source(%dma_start3A_170 : memref<2048xi32, #tpu.memory_space<vmem_shared>>) target(%arg9 : memref<2048xi32, #tpu.memory_space<vmem>>) target_semaphore(%run_scoped3A : memref<!tpu.dma_semaphore, #tpu.memory_space<semaphore_mem>>)
      %dma_wait3A_171 = arith.constant 10240 : i32
      %dma_wait3A_172 = tpu.memref_slice %arg16[%dma_wait3A_171] : memref<16384xi32, #tpu.memory_space<vmem_shared>> -> memref<2048xi32, #tpu.memory_space<vmem_shared>>
      %dma_wait3A_173 = arith.constant 10240 : i32
      %dma_wait3A_174 = tpu.memref_slice %arg16[%dma_wait3A_173] : memref<16384xi32, #tpu.memory_space<vmem_shared>> -> memref<2048xi32, #tpu.memory_space<vmem_shared>>
      tpu.wait_dma2 semaphore(%run_scoped3A : memref<!tpu.dma_semaphore, #tpu.memory_space<semaphore_mem>>) src(%dma_wait3A_174 : memref<2048xi32, #tpu.memory_space<vmem_shared>>) dst(%arg9 : memref<2048xi32, #tpu.memory_space<vmem>>)
      tpu.yield
    }) : () -> ()
    %scan3A_52 = arith.constant 0 : i32
    %scan3A_53 = arith.constant 128 : i32
    %scan3A_54 = arith.addi %scan3A_52, %scan3A_53 : i32
    %scan3A_55 = arith.constant 1 : i32
    %scan3A_56 = scf.for %scan3A_167 = %scan3A_52 to %scan3A_54 step %scan3A_55 iter_args(%scan3A_168 = %scan3A_50) -> (i32)  : i32 {
      %mul3A_169 = arith.constant 16 : i32
      %mul3A_170 = arith.muli %scan3A_167, %mul3A_169 : i32
      %get3A = arith.index_cast %mul3A_170 : i32 to index
      %get3A_171 = tpu.vector_load %arg9[%get3A] {strides = array<i32>} : memref<2048xi32, #tpu.memory_space<vmem>>, vector<16xi32>,
      %ge3A = vector.broadcast %mul3A_2 : i32 to vector<16xi32>
      %ge3A_172 = arith.cmpi sge, %get3A_171, %ge3A : vector<16xi32>
      %lt3A = vector.broadcast %select_n3A : i32 to vector<16xi32>
      %lt3A_173 = arith.cmpi slt, %get3A_171, %lt3A : vector<16xi32>
      %and3A_174 = arith.andi %ge3A_172, %lt3A_173 : vector<16xi1>
      %swap3A = arith.index_cast %scan3A_168 : i32 to index
      %swap3A_175 = tpu.vector_load %arg10[%swap3A] masked %and3A_174 {strides = array<i32>} : memref<16384xi32, #tpu.memory_space<vmem>>, vector<16xi32>, vector<16xi1>
      tpu.vector_store %arg10[%swap3A], %get3A_171 masked %and3A_174 {strides = array<i32>} : memref<16384xi32, #tpu.memory_space<vmem>>, vector<16xi32>, vector<16xi1>
      %mul3A_176 = arith.constant 16 : i32
      %mul3A_177 = arith.muli %scan3A_167, %mul3A_176 : i32
      %add3A_178 = arith.constant 10240 : i32
      %add3A_179 = arith.addi %add3A_178, %mul3A_177 : i32
      %add3A_180 = vector.broadcast %add3A_179 : i32 to vector<16xi32>
      %add3A_181 = arith.addi %iota3A, %add3A_180 : vector<16xi32>
      %swap3A_182 = arith.index_cast %scan3A_168 : i32 to index
      %swap3A_183 = tpu.vector_load %arg11[%swap3A_182] masked %and3A_174 {strides = array<i32>} : memref<16384xi32, #tpu.memory_space<vmem>>, vector<16xi32>, vector<16xi1>
      tpu.vector_store %arg11[%swap3A_182], %add3A_181 masked %and3A_174 {strides = array<i32>} : memref<16384xi32, #tpu.memory_space<vmem>>, vector<16xi32>, vector<16xi1>
      %all_reduce_population_count3A = tpu.all_reduce %and3A_174 {dim = 0 : i64, kind = #tpu.reduction_kind<sum>} : vector<16xi1> -> vector<16xi32>
      %slice3A = vector.extract_strided_slice %all_reduce_population_count3A {offsets = [0], sizes = [1], strides = [1]} : vector<16xi32> to vector<1xi32>
      %squeeze3A = vector.extract %slice3A[0] : i32 from vector<1xi32>
      %add3A_184 = arith.addi %scan3A_168, %squeeze3A : i32
      scf.yield %add3A_184 : i32
    }
    %scan3A_57 = arith.constant 128 : i32
    "tpu.region"() ({
      %run_scoped3A = tpu.sem_alloc : memref<!tpu.dma_semaphore, #tpu.memory_space<semaphore_mem>>
      %dma_start3A_167 = arith.constant 12288 : i32
      %dma_start3A_168 = tpu.memref_slice %arg16[%dma_start3A_167] : memref<16384xi32, #tpu.memory_space<vmem_shared>> -> memref<2048xi32, #tpu.memory_space<vmem_shared>>
      %dma_start3A_169 = arith.constant 12288 : i32
      %dma_start3A_170 = tpu.memref_slice %arg16[%dma_start3A_169] : memref<16384xi32, #tpu.memory_space<vmem_shared>> -> memref<2048xi32, #tpu.memory_space<vmem_shared>>
      tpu.enqueue_dma source(%dma_start3A_170 : memref<2048xi32, #tpu.memory_space<vmem_shared>>) target(%arg9 : memref<2048xi32, #tpu.memory_space<vmem>>) target_semaphore(%run_scoped3A : memref<!tpu.dma_semaphore, #tpu.memory_space<semaphore_mem>>)
      %dma_wait3A_171 = arith.constant 12288 : i32
      %dma_wait3A_172 = tpu.memref_slice %arg16[%dma_wait3A_171] : memref<16384xi32, #tpu.memory_space<vmem_shared>> -> memref<2048xi32, #tpu.memory_space<vmem_shared>>
      %dma_wait3A_173 = arith.constant 12288 : i32
      %dma_wait3A_174 = tpu.memref_slice %arg16[%dma_wait3A_173] : memref<16384xi32, #tpu.memory_space<vmem_shared>> -> memref<2048xi32, #tpu.memory_space<vmem_shared>>
      tpu.wait_dma2 semaphore(%run_scoped3A : memref<!tpu.dma_semaphore, #tpu.memory_space<semaphore_mem>>) src(%dma_wait3A_174 : memref<2048xi32, #tpu.memory_space<vmem_shared>>) dst(%arg9 : memref<2048xi32, #tpu.memory_space<vmem>>)
      tpu.yield
    }) : () -> ()
    %scan3A_58 = arith.constant 0 : i32
    %scan3A_59 = arith.constant 128 : i32
    %scan3A_60 = arith.addi %scan3A_58, %scan3A_59 : i32
    %scan3A_61 = arith.constant 1 : i32
    %scan3A_62 = scf.for %scan3A_167 = %scan3A_58 to %scan3A_60 step %scan3A_61 iter_args(%scan3A_168 = %scan3A_56) -> (i32)  : i32 {
      %mul3A_169 = arith.constant 16 : i32
      %mul3A_170 = arith.muli %scan3A_167, %mul3A_169 : i32
      %get3A = arith.index_cast %mul3A_170 : i32 to index
      %get3A_171 = tpu.vector_load %arg9[%get3A] {strides = array<i32>} : memref<2048xi32, #tpu.memory_space<vmem>>, vector<16xi32>,
      %ge3A = vector.broadcast %mul3A_2 : i32 to vector<16xi32>
      %ge3A_172 = arith.cmpi sge, %get3A_171, %ge3A : vector<16xi32>
      %lt3A = vector.broadcast %select_n3A : i32 to vector<16xi32>
      %lt3A_173 = arith.cmpi slt, %get3A_171, %lt3A : vector<16xi32>
      %and3A_174 = arith.andi %ge3A_172, %lt3A_173 : vector<16xi1>
      %swap3A = arith.index_cast %scan3A_168 : i32 to index
      %swap3A_175 = tpu.vector_load %arg10[%swap3A] masked %and3A_174 {strides = array<i32>} : memref<16384xi32, #tpu.memory_space<vmem>>, vector<16xi32>, vector<16xi1>
      tpu.vector_store %arg10[%swap3A], %get3A_171 masked %and3A_174 {strides = array<i32>} : memref<16384xi32, #tpu.memory_space<vmem>>, vector<16xi32>, vector<16xi1>
      %mul3A_176 = arith.constant 16 : i32
      %mul3A_177 = arith.muli %scan3A_167, %mul3A_176 : i32
      %add3A_178 = arith.constant 12288 : i32
      %add3A_179 = arith.addi %add3A_178, %mul3A_177 : i32
      %add3A_180 = vector.broadcast %add3A_179 : i32 to vector<16xi32>
      %add3A_181 = arith.addi %iota3A, %add3A_180 : vector<16xi32>
      %swap3A_182 = arith.index_cast %scan3A_168 : i32 to index
      %swap3A_183 = tpu.vector_load %arg11[%swap3A_182] masked %and3A_174 {strides = array<i32>} : memref<16384xi32, #tpu.memory_space<vmem>>, vector<16xi32>, vector<16xi1>
      tpu.vector_store %arg11[%swap3A_182], %add3A_181 masked %and3A_174 {strides = array<i32>} : memref<16384xi32, #tpu.memory_space<vmem>>, vector<16xi32>, vector<16xi1>
      %all_reduce_population_count3A = tpu.all_reduce %and3A_174 {dim = 0 : i64, kind = #tpu.reduction_kind<sum>} : vector<16xi1> -> vector<16xi32>
      %slice3A = vector.extract_strided_slice %all_reduce_population_count3A {offsets = [0], sizes = [1], strides = [1]} : vector<16xi32> to vector<1xi32>
      %squeeze3A = vector.extract %slice3A[0] : i32 from vector<1xi32>
      %add3A_184 = arith.addi %scan3A_168, %squeeze3A : i32
      scf.yield %add3A_184 : i32
    }
    %scan3A_63 = arith.constant 128 : i32
    "tpu.region"() ({
      %run_scoped3A = tpu.sem_alloc : memref<!tpu.dma_semaphore, #tpu.memory_space<semaphore_mem>>
      %dma_start3A_167 = arith.constant 14336 : i32
      %dma_start3A_168 = tpu.memref_slice %arg16[%dma_start3A_167] : memref<16384xi32, #tpu.memory_space<vmem_shared>> -> memref<2048xi32, #tpu.memory_space<vmem_shared>>
      %dma_start3A_169 = arith.constant 14336 : i32
      %dma_start3A_170 = tpu.memref_slice %arg16[%dma_start3A_169] : memref<16384xi32, #tpu.memory_space<vmem_shared>> -> memref<2048xi32, #tpu.memory_space<vmem_shared>>
      tpu.enqueue_dma source(%dma_start3A_170 : memref<2048xi32, #tpu.memory_space<vmem_shared>>) target(%arg9 : memref<2048xi32, #tpu.memory_space<vmem>>) target_semaphore(%run_scoped3A : memref<!tpu.dma_semaphore, #tpu.memory_space<semaphore_mem>>)
      %dma_wait3A_171 = arith.constant 14336 : i32
      %dma_wait3A_172 = tpu.memref_slice %arg16[%dma_wait3A_171] : memref<16384xi32, #tpu.memory_space<vmem_shared>> -> memref<2048xi32, #tpu.memory_space<vmem_shared>>
      %dma_wait3A_173 = arith.constant 14336 : i32
      %dma_wait3A_174 = tpu.memref_slice %arg16[%dma_wait3A_173] : memref<16384xi32, #tpu.memory_space<vmem_shared>> -> memref<2048xi32, #tpu.memory_space<vmem_shared>>
      tpu.wait_dma2 semaphore(%run_scoped3A : memref<!tpu.dma_semaphore, #tpu.memory_space<semaphore_mem>>) src(%dma_wait3A_174 : memref<2048xi32, #tpu.memory_space<vmem_shared>>) dst(%arg9 : memref<2048xi32, #tpu.memory_space<vmem>>)
      tpu.yield
    }) : () -> ()
    %scan3A_64 = arith.constant 0 : i32
    %scan3A_65 = arith.constant 128 : i32
    %scan3A_66 = arith.addi %scan3A_64, %scan3A_65 : i32
    %scan3A_67 = arith.constant 1 : i32
    %scan3A_68 = scf.for %scan3A_167 = %scan3A_64 to %scan3A_66 step %scan3A_67 iter_args(%scan3A_168 = %scan3A_62) -> (i32)  : i32 {
      %mul3A_169 = arith.constant 16 : i32
      %mul3A_170 = arith.muli %scan3A_167, %mul3A_169 : i32
      %get3A = arith.index_cast %mul3A_170 : i32 to index
      %get3A_171 = tpu.vector_load %arg9[%get3A] {strides = array<i32>} : memref<2048xi32, #tpu.memory_space<vmem>>, vector<16xi32>,
      %ge3A = vector.broadcast %mul3A_2 : i32 to vector<16xi32>
      %ge3A_172 = arith.cmpi sge, %get3A_171, %ge3A : vector<16xi32>
      %lt3A = vector.broadcast %select_n3A : i32 to vector<16xi32>
      %lt3A_173 = arith.cmpi slt, %get3A_171, %lt3A : vector<16xi32>
      %and3A_174 = arith.andi %ge3A_172, %lt3A_173 : vector<16xi1>
      %swap3A = arith.index_cast %scan3A_168 : i32 to index
      %swap3A_175 = tpu.vector_load %arg10[%swap3A] masked %and3A_174 {strides = array<i32>} : memref<16384xi32, #tpu.memory_space<vmem>>, vector<16xi32>, vector<16xi1>
      tpu.vector_store %arg10[%swap3A], %get3A_171 masked %and3A_174 {strides = array<i32>} : memref<16384xi32, #tpu.memory_space<vmem>>, vector<16xi32>, vector<16xi1>
      %mul3A_176 = arith.constant 16 : i32
      %mul3A_177 = arith.muli %scan3A_167, %mul3A_176 : i32
      %add3A_178 = arith.constant 14336 : i32
      %add3A_179 = arith.addi %add3A_178, %mul3A_177 : i32
      %add3A_180 = vector.broadcast %add3A_179 : i32 to vector<16xi32>
      %add3A_181 = arith.addi %iota3A, %add3A_180 : vector<16xi32>
      %swap3A_182 = arith.index_cast %scan3A_168 : i32 to index
      %swap3A_183 = tpu.vector_load %arg11[%swap3A_182] masked %and3A_174 {strides = array<i32>} : memref<16384xi32, #tpu.memory_space<vmem>>, vector<16xi32>, vector<16xi1>
      tpu.vector_store %arg11[%swap3A_182], %add3A_181 masked %and3A_174 {strides = array<i32>} : memref<16384xi32, #tpu.memory_space<vmem>>, vector<16xi32>, vector<16xi1>
      %all_reduce_population_count3A = tpu.all_reduce %and3A_174 {dim = 0 : i64, kind = #tpu.reduction_kind<sum>} : vector<16xi1> -> vector<16xi32>
      %slice3A = vector.extract_strided_slice %all_reduce_population_count3A {offsets = [0], sizes = [1], strides = [1]} : vector<16xi32> to vector<1xi32>
      %squeeze3A = vector.extract %slice3A[0] : i32 from vector<1xi32>
      %add3A_184 = arith.addi %scan3A_168, %squeeze3A : i32
      scf.yield %add3A_184 : i32
    }
    %scan3A_69 = arith.constant 128 : i32
    %add3A_70 = arith.constant 16 : i32
    %add3A_71 = arith.addi %scan3A_68, %add3A_70 : i32
    %sub3A = arith.constant 1 : i32
    %sub3A_72 = arith.subi %add3A_71, %sub3A : i32
    %jit3A_73 = arith.constant 16 : i32
    %div3A = arith.divsi %sub3A_72, %jit3A_73 : i32
    %sign3A = arith.constant 0 : i32
    %sign3A_74 = arith.cmpi sgt, %sub3A_72, %sign3A : i32
    %sign3A_75 = arith.extui %sign3A_74 : i1 to i32
    %sign3A_76 = arith.constant 0 : i32
    %sign3A_77 = arith.cmpi slt, %sub3A_72, %sign3A_76 : i32
    %sign3A_78 = arith.extui %sign3A_77 : i1 to i32
    %sign3A_79 = arith.subi %sign3A_75, %sign3A_78 : i32
    %sign3A_80 = arith.constant 0 : i32
    %sign3A_81 = arith.cmpi sgt, %jit3A_73, %sign3A_80 : i32
    %sign3A_82 = arith.extui %sign3A_81 : i1 to i32
    %sign3A_83 = arith.constant 0 : i32
    %sign3A_84 = arith.cmpi slt, %jit3A_73, %sign3A_83 : i32
    %sign3A_85 = arith.extui %sign3A_84 : i1 to i32
    %sign3A_86 = arith.subi %sign3A_82, %sign3A_85 : i32
    %ne3A = arith.cmpi ne, %sign3A_79, %sign3A_86 : i32
    %rem3A = arith.remsi %sub3A_72, %jit3A_73 : i32
    %ne3A_87 = arith.constant 0 : i32
    %ne3A_88 = arith.cmpi ne, %rem3A, %ne3A_87 : i32
    %and3A = arith.andi %ne3A, %ne3A_88 : i1
    %sub3A_89 = arith.constant 1 : i32
    %sub3A_90 = arith.subi %div3A, %sub3A_89 : i32
    %select_n3A_91 = arith.select %and3A, %sub3A_90, %div3A : i32
    %eq3A_92 = arith.constant 31 : i32
    %eq3A_93 = arith.cmpi eq, %add3A, %eq3A_92 : i32
    %jit3A_94 = arith.constant 62 : i32
    %jit3A_95 = arith.constant 61 : i32
    %select_n3A_96 = arith.select %eq3A_93, %jit3A_94, %jit3A_95 : i32
    %add3A_97 = arith.constant 1 : i32
    %add3A_98 = arith.addi %select_n3A_96, %add3A_97 : i32
    %jit3A_99 = arith.constant 2 : i32
    %div3A_100 = arith.divsi %add3A_98, %jit3A_99 : i32
    %sign3A_101 = arith.constant 0 : i32
    %sign3A_102 = arith.cmpi sgt, %add3A_98, %sign3A_101 : i32
    %sign3A_103 = arith.extui %sign3A_102 : i1 to i32
    %sign3A_104 = arith.constant 0 : i32
    %sign3A_105 = arith.cmpi slt, %add3A_98, %sign3A_104 : i32
    %sign3A_106 = arith.extui %sign3A_105 : i1 to i32
    %sign3A_107 = arith.subi %sign3A_103, %sign3A_106 : i32
    %sign3A_108 = arith.constant 0 : i32
    %sign3A_109 = arith.cmpi sgt, %jit3A_99, %sign3A_108 : i32
    %sign3A_110 = arith.extui %sign3A_109 : i1 to i32
    %sign3A_111 = arith.constant 0 : i32
    %sign3A_112 = arith.cmpi slt, %jit3A_99, %sign3A_111 : i32
    %sign3A_113 = arith.extui %sign3A_112 : i1 to i32
    %sign3A_114 = arith.subi %sign3A_110, %sign3A_113 : i32
    %ne3A_115 = arith.cmpi ne, %sign3A_107, %sign3A_114 : i32
    %rem3A_116 = arith.remsi %add3A_98, %jit3A_99 : i32
    %ne3A_117 = arith.constant 0 : i32
    %ne3A_118 = arith.cmpi ne, %rem3A_116, %ne3A_117 : i32
    %and3A_119 = arith.andi %ne3A_115, %ne3A_118 : i1
    %sub3A_120 = arith.constant 1 : i32
    %sub3A_121 = arith.subi %div3A_100, %sub3A_120 : i32
    %select_n3A_122 = arith.select %and3A_119, %sub3A_121, %div3A_100 : i32
    %while3A = arith.constant 0 : i32
    %while3A_123 = arith.constant 0 : i32
    %while3A_124 = arith.constant 0 : i32
    %while3A_125 = arith.subi %select_n3A_122, %while3A : i32
    %while3A_126 = arith.addi %while3A, %while3A_125 : i32
    %while3A_127 = arith.constant 1 : i32
    %while3A_128 = arith.divsi %while3A_125, %while3A_127 : i32
    %while3A_129 = arith.muli %while3A_128, %while3A_127 : i32
    %while3A_130 = arith.addi %while3A, %while3A_129 : i32
    %while3A_131 = arith.constant 1 : i32
    %while3A_132:2 = scf.for %while3A_167 = %while3A to %while3A_130 step %while3A_131 iter_args(%while3A_168 = %while3A_123, %while3A_169 = %while3A_124) -> (i32, i32)  : i32 {
      %mul3A_170 = arith.constant 2 : i32
      %mul3A_171 = arith.muli %mul3A_170, %while3A_167 : i32
      %add3A_172 = arith.constant 1 : i32
      %add3A_173 = arith.addi %mul3A_171, %add3A_172 : i32
      %mul3A_174 = arith.constant 2 : i32
      %mul3A_175 = arith.muli %mul3A_174, %while3A_167 : i32
      %mul3A_176 = arith.constant 512 : i32
      %mul3A_177 = arith.muli %mul3A_175, %mul3A_176 : i32
      %add3A_178 = arith.addi %mul3A_2, %mul3A_177 : i32
      %dma_wait3A_179 = arith.constant 0 : i32
      %dma_wait3A_180 = arith.constant 0 : i32
      %dma_wait3A_181 = tpu.memref_slice %arg4[%dma_wait3A_179, %dma_wait3A_180] : memref<64x1000001xf32, #tpu.memory_space<hbm>> -> memref<64x512xf32, #tpu.memory_space<hbm>>
      %dma_wait3A_182 = arith.constant 0 : i32
      %dma_wait3A_183 = arith.constant 0 : i32
      %dma_wait3A_184 = tpu.memref_slice %arg4[%dma_wait3A_182, %dma_wait3A_183] : memref<64x1000001xf32, #tpu.memory_space<hbm>> -> memref<64x512xf32, #tpu.memory_space<hbm>>
      tpu.wait_dma2 semaphore(%arg18 : memref<!tpu.dma_semaphore, #tpu.memory_space<semaphore_mem>>) src(%dma_wait3A_184 : memref<64x512xf32, #tpu.memory_space<hbm>>) dst(%arg12 : memref<64x512xf32, #tpu.memory_space<vmem>>)
      %lt3A = arith.cmpi slt, %add3A_173, %select_n3A_96 : i32
      %gt3A = arith.constant 0 : i32
      %gt3A_185 = arith.cmpi sgt, %while3A_167, %gt3A : i32
      %and3A_186 = arith.andi %lt3A, %gt3A_185 : i1
      %convert_element_type3A_187 = arith.extui %and3A_186 : i1 to i32
      %cond3A_188 = arith.constant 0 : i32
      %cond3A_189 = arith.cmpi ne, %convert_element_type3A_187, %cond3A_188 : i32
      scf.if %cond3A_189 {
        %mul3A_231 = arith.constant 512 : i32
        %mul3A_232 = arith.muli %add3A_173, %mul3A_231 : i32
        %add3A_233 = arith.addi %mul3A_2, %mul3A_232 : i32
        %dma_start3A_234 = arith.constant 0 : i32
        %dma_start3A_235 = tpu.memref_slice %arg4[%dma_start3A_234, %add3A_233] : memref<64x1000001xf32, #tpu.memory_space<hbm>> -> memref<64x512xf32, #tpu.memory_space<hbm>>
        %dma_start3A_236 = arith.constant 0 : i32
        %dma_start3A_237 = tpu.memref_slice %arg4[%dma_start3A_236, %add3A_233] : memref<64x1000001xf32, #tpu.memory_space<hbm>> -> memref<64x512xf32, #tpu.memory_space<hbm>>
        tpu.enqueue_dma source(%dma_start3A_237 : memref<64x512xf32, #tpu.memory_space<hbm>>) target(%arg13 : memref<64x512xf32, #tpu.memory_space<vmem>>) target_semaphore(%arg19 : memref<!tpu.dma_semaphore, #tpu.memory_space<semaphore_mem>>)
      } else {
      }
      %add3A_190 = arith.constant 512 : i32
      %add3A_191 = arith.addi %add3A_178, %add3A_190 : i32
      %while3A_192 = arith.constant 0 : i32
      %while3A_193 = arith.subi %select_n3A_91, %while3A_192 : i32
      %while3A_194 = arith.addi %while3A_192, %while3A_193 : i32
      %while3A_195 = arith.constant 1 : i32
      %while3A_196 = arith.divsi %while3A_193, %while3A_195 : i32
      %while3A_197 = arith.muli %while3A_196, %while3A_195 : i32
      %while3A_198 = arith.addi %while3A_192, %while3A_197 : i32
      %while3A_199 = arith.constant 1 : i32
      %while3A_200:2 = scf.for %while3A_231 = %while3A_192 to %while3A_198 step %while3A_199 iter_args(%while3A_232 = %while3A_168, %while3A_233 = %while3A_169) -> (i32, i32)  : i32 {
        %mul3A_234 = arith.constant 16 : i32
        %mul3A_235 = arith.muli %while3A_231, %mul3A_234 : i32
        %get3A = arith.index_cast %mul3A_235 : i32 to index
        %get3A_236 = tpu.vector_load %arg10[%get3A] {strides = array<i32>} : memref<16384xi32, #tpu.memory_space<vmem>>, vector<16xi32>,
        %mul3A_237 = arith.constant 16 : i32
        %mul3A_238 = arith.muli %while3A_231, %mul3A_237 : i32
        %get3A_239 = arith.index_cast %mul3A_238 : i32 to index
        %get3A_240 = tpu.vector_load %arg11[%get3A_239] {strides = array<i32>} : memref<16384xi32, #tpu.memory_space<vmem>>, vector<16xi32>,
        %mul3A_241 = arith.constant 16 : i32
        %mul3A_242 = arith.muli %while3A_231, %mul3A_241 : i32
        %add3A_243 = vector.broadcast %mul3A_242 : i32 to vector<16xi32>
        %add3A_244 = arith.addi %iota3A, %add3A_243 : vector<16xi32>
        %lt3A_245 = vector.broadcast %scan3A_68 : i32 to vector<16xi32>
        %lt3A_246 = arith.cmpi slt, %add3A_244, %lt3A_245 : vector<16xi32>
        %ge3A = vector.broadcast %add3A_178 : i32 to vector<16xi32>
        %ge3A_247 = arith.cmpi sge, %get3A_236, %ge3A : vector<16xi32>
        %and3A_248 = arith.andi %lt3A_246, %ge3A_247 : vector<16xi1>
        %lt3A_249 = vector.broadcast %add3A_191 : i32 to vector<16xi32>
        %lt3A_250 = arith.cmpi slt, %get3A_236, %lt3A_249 : vector<16xi32>
        %and3A_251 = arith.andi %and3A_248, %lt3A_250 : vector<16xi1>
        %all_reduce_population_count3A = tpu.all_reduce %and3A_251 {dim = 0 : i64, kind = #tpu.reduction_kind<sum>} : vector<16xi1> -> vector<16xi32>
        %slice3A = vector.extract_strided_slice %all_reduce_population_count3A {offsets = [0], sizes = [1], strides = [1]} : vector<16xi32> to vector<1xi32>
        %squeeze3A = vector.extract %slice3A[0] : i32 from vector<1xi32>
        %sub3A_252 = arith.subi %while3A_232, %while3A_233 : i32
        %add3A_253 = arith.addi %sub3A_252, %squeeze3A : i32
        %gt3A_254 = arith.constant 32 : i32
        %gt3A_255 = arith.cmpi sgt, %add3A_253, %gt3A_254 : i32
        %sub3A_256 = arith.subi %while3A_232, %while3A_233 : i32
        %jit3A_257 = arith.constant 0 : i32
        %select_n3A_258 = arith.select %gt3A_255, %sub3A_256, %jit3A_257 : i32
        %convert_element_type3A_259 = arith.extui %gt3A_255 : i1 to i32
        %cond3A_260 = arith.constant 0 : i32
        %cond3A_261 = arith.cmpi ne, %convert_element_type3A_259, %cond3A_260 : i32
        scf.if %cond3A_261 {
          %while3A_274 = arith.constant 0 : i32
          %while3A_275 = arith.constant 0 : i32
          %while3A_276 = arith.subi %select_n3A_258, %while3A_274 : i32
          %while3A_277 = arith.addi %while3A_274, %while3A_276 : i32
          %while3A_278 = arith.constant 1 : i32
          %while3A_279 = arith.divsi %while3A_276, %while3A_278 : i32
          %while3A_280 = arith.muli %while3A_279, %while3A_278 : i32
          %while3A_281 = arith.addi %while3A_274, %while3A_280 : i32
          %while3A_282 = arith.constant 1 : i32
          %while3A_283 = scf.for %while3A_286 = %while3A_274 to %while3A_281 step %while3A_282 iter_args(%while3A_287 = %while3A_275) -> (i32)  : i32 {
            %dma_wait3A_288 = arith.constant 0 : i32
            %dma_wait3A_289 = arith.constant 0 : i32
            %dma_wait3A_290 = tpu.memref_slice %arg15[%dma_wait3A_288, %dma_wait3A_289] : memref<32x64xf32, #tpu.memory_space<vmem>> -> memref<1x64xf32, #tpu.memory_space<vmem>>
            %dma_wait3A_291 = arith.constant 0 : i32
            %dma_wait3A_292 = arith.constant 0 : i32
            %dma_wait3A_293 = tpu.memref_slice %arg6[%dma_wait3A_291, %dma_wait3A_292] : memref<16384x64xf32, #tpu.memory_space<hbm>> -> memref<1x64xf32, #tpu.memory_space<hbm>>
            %dma_wait3A_294 = arith.constant 0 : i32
            %dma_wait3A_295 = arith.constant 0 : i32
            %dma_wait3A_296 = tpu.memref_slice %arg6[%dma_wait3A_294, %dma_wait3A_295] : memref<16384x64xf32, #tpu.memory_space<hbm>> -> memref<1x64xf32, #tpu.memory_space<hbm>>
            %dma_wait3A_297 = arith.constant 0 : i32
            %dma_wait3A_298 = arith.constant 0 : i32
            %dma_wait3A_299 = tpu.memref_slice %arg15[%dma_wait3A_297, %dma_wait3A_298] : memref<32x64xf32, #tpu.memory_space<vmem>> -> memref<1x64xf32, #tpu.memory_space<vmem>>
            tpu.wait_dma2 semaphore(%arg20 : memref<!tpu.dma_semaphore, #tpu.memory_space<semaphore_mem>>) src(%dma_wait3A_299 : memref<1x64xf32, #tpu.memory_space<vmem>>) dst(%dma_wait3A_296 : memref<1x64xf32, #tpu.memory_space<hbm>>)
            %while3A_300 = arith.constant 0 : i32
            scf.yield %while3A_300 : i32
          }
          %while3A_284 = arith.constant 1 : i32
          %while3A_285 = scf.for %while3A_286 = %while3A_281 to %while3A_277 step %while3A_284 iter_args(%while3A_287 = %while3A_283) -> (i32)  : i32 {
            %dma_wait3A_288 = arith.constant 0 : i32
            %dma_wait3A_289 = arith.constant 0 : i32
            %dma_wait3A_290 = tpu.memref_slice %arg15[%dma_wait3A_288, %dma_wait3A_289] : memref<32x64xf32, #tpu.memory_space<vmem>> -> memref<1x64xf32, #tpu.memory_space<vmem>>
            %dma_wait3A_291 = arith.constant 0 : i32
            %dma_wait3A_292 = arith.constant 0 : i32
            %dma_wait3A_293 = tpu.memref_slice %arg6[%dma_wait3A_291, %dma_wait3A_292] : memref<16384x64xf32, #tpu.memory_space<hbm>> -> memref<1x64xf32, #tpu.memory_space<hbm>>
            %dma_wait3A_294 = arith.constant 0 : i32
            %dma_wait3A_295 = arith.constant 0 : i32
            %dma_wait3A_296 = tpu.memref_slice %arg6[%dma_wait3A_294, %dma_wait3A_295] : memref<16384x64xf32, #tpu.memory_space<hbm>> -> memref<1x64xf32, #tpu.memory_space<hbm>>
            %dma_wait3A_297 = arith.constant 0 : i32
            %dma_wait3A_298 = arith.constant 0 : i32
            %dma_wait3A_299 = tpu.memref_slice %arg15[%dma_wait3A_297, %dma_wait3A_298] : memref<32x64xf32, #tpu.memory_space<vmem>> -> memref<1x64xf32, #tpu.memory_space<vmem>>
            tpu.wait_dma2 semaphore(%arg20 : memref<!tpu.dma_semaphore, #tpu.memory_space<semaphore_mem>>) src(%dma_wait3A_299 : memref<1x64xf32, #tpu.memory_space<vmem>>) dst(%dma_wait3A_296 : memref<1x64xf32, #tpu.memory_space<hbm>>)
            %while3A_300 = arith.constant 0 : i32
            scf.yield %while3A_300 : i32
          }
        } else {
        }
        %add3A_262 = arith.addi %while3A_233, %select_n3A_258 : i32
        %while3A_263 = arith.constant 0 : i32
        %while3A_264 = arith.subi %squeeze3A, %while3A_263 : i32
        %while3A_265 = arith.addi %while3A_263, %while3A_264 : i32
        %while3A_266 = arith.constant 1 : i32
        %while3A_267 = arith.divsi %while3A_264, %while3A_266 : i32
        %while3A_268 = arith.muli %while3A_267, %while3A_266 : i32
        %while3A_269 = arith.addi %while3A_263, %while3A_268 : i32
        %while3A_270 = arith.constant 1 : i32
        %while3A_271:2 = scf.for %while3A_274 = %while3A_263 to %while3A_269 step %while3A_270 iter_args(%while3A_275 = %and3A_251, %while3A_276 = %while3A_232) -> (vector<16xi1>, i32)  : i32 {
          %all_reduce_ffs3A = tpu.all_reduce %while3A_275 {dim = 0 : i64, kind = #tpu.reduction_kind<find_first_set>} : vector<16xi1> -> vector<16xi32>
          %slice3A_277 = vector.extract_strided_slice %all_reduce_ffs3A {offsets = [0], sizes = [1], strides = [1]} : vector<16xi32> to vector<1xi32>
          %squeeze3A_278 = vector.extract %slice3A_277[0] : i32 from vector<1xi32>
          %eq3A_279 = vector.broadcast %squeeze3A_278 : i32 to vector<16xi32>
          %eq3A_280 = arith.cmpi eq, %iota3A, %eq3A_279 : vector<16xi32>
          %jit3A_281 = arith.constant 0 : i32
          %broadcast_in_dim3A = vector.broadcast %jit3A_281 : i32 to vector<16xi32>
          %select_n3A_282 = arith.select %eq3A_280, %get3A_236, %broadcast_in_dim3A : vector<16xi1>, vector<16xi32>
          %reduce_max3A = arith.constant true
          %reduce_max3A_283 = vector.broadcast %reduce_max3A : i1 to vector<16xi1>
          %reduce_max3A_284 = arith.constant -2147483648 : i32
          %reduce_max3A_285 = vector.broadcast %reduce_max3A_284 : i32 to vector<16xi32>
          %reduce_max3A_286 = arith.xori %select_n3A_282, %reduce_max3A_285 : vector<16xi32>
          %reduce_max3A_287 = tpu.scan <max>, %reduce_max3A_286 masked %reduce_max3A_283 : vector<16xi32>, vector<16xi1> -> vector<16xi32>
          %reduce_max3A_288 = arith.xori %reduce_max3A_287, %reduce_max3A_285 : vector<16xi32>
          %reduce_max3A_289 = vector.extract %reduce_max3A_288[15] : i32 from vector<16xi32>
          %sub3A_290 = arith.subi %reduce_max3A_289, %add3A_178 : i32
          %jit3A_291 = arith.constant 0 : i32
          %broadcast_in_dim3A_292 = vector.broadcast %jit3A_291 : i32 to vector<16xi32>
          %select_n3A_293 = arith.select %eq3A_280, %get3A_240, %broadcast_in_dim3A_292 : vector<16xi1>, vector<16xi32>
          %reduce_max3A_294 = arith.constant true
          %reduce_max3A_295 = vector.broadcast %reduce_max3A_294 : i1 to vector<16xi1>
          %reduce_max3A_296 = arith.constant -2147483648 : i32
          %reduce_max3A_297 = vector.broadcast %reduce_max3A_296 : i32 to vector<16xi32>
          %reduce_max3A_298 = arith.xori %select_n3A_293, %reduce_max3A_297 : vector<16xi32>
          %reduce_max3A_299 = tpu.scan <max>, %reduce_max3A_298 masked %reduce_max3A_295 : vector<16xi32>, vector<16xi1> -> vector<16xi32>
          %reduce_max3A_300 = arith.xori %reduce_max3A_299, %reduce_max3A_297 : vector<16xi32>
          %reduce_max3A_301 = vector.extract %reduce_max3A_300[15] : i32 from vector<16xi32>
          %and3A_302 = arith.constant 31 : i32
          %and3A_303 = arith.andi %while3A_276, %and3A_302 : i32
          %add3A_304 = arith.constant 0 : i32
          %add3A_305 = vector.broadcast %add3A_304 : i32 to vector<16xi32>
          %add3A_306 = arith.addi %iota3A, %add3A_305 : vector<16xi32>
          %mul3A_307 = arith.constant 0 : i32
          %mul3A_308 = vector.broadcast %mul3A_307 : i32 to vector<16xi32>
          %mul3A_309 = arith.muli %iota3A, %mul3A_308 : vector<16xi32>
          %add3A_310 = vector.broadcast %sub3A_290 : i32 to vector<16xi32>
          %add3A_311 = arith.addi %add3A_310, %mul3A_309 : vector<16xi32>
          %gather3A = tpu.vector_load_idx %arg12[%add3A_306, %add3A_311] : memref<64x512xf32, #tpu.memory_space<vmem>>[vector<16xi32>, vector<16xi32>], vector<16xf32>,
          %mul3A_312 = arith.constant 0 : i32
          %mul3A_313 = vector.broadcast %mul3A_312 : i32 to vector<16xi32>
          %mul3A_314 = arith.muli %iota3A, %mul3A_313 : vector<16xi32>
          %add3A_315 = vector.broadcast %and3A_303 : i32 to vector<16xi32>
          %add3A_316 = arith.addi %add3A_315, %mul3A_314 : vector<16xi32>
          %add3A_317 = arith.constant 0 : i32
          %add3A_318 = vector.broadcast %add3A_317 : i32 to vector<16xi32>
          %add3A_319 = arith.addi %iota3A, %add3A_318 : vector<16xi32>
          tpu.vector_store_idx %arg15[%add3A_316, %add3A_319], %gather3A : memref<32x64xf32, #tpu.memory_space<vmem>>[vector<16xi32>, vector<16xi32>], vector<16xf32>,
          %add3A_320 = arith.constant 16 : i32
          %add3A_321 = vector.broadcast %add3A_320 : i32 to vector<16xi32>
          %add3A_322 = arith.addi %iota3A, %add3A_321 : vector<16xi32>
          %mul3A_323 = arith.constant 0 : i32
          %mul3A_324 = vector.broadcast %mul3A_323 : i32 to vector<16xi32>
          %mul3A_325 = arith.muli %iota3A, %mul3A_324 : vector<16xi32>
          %add3A_326 = vector.broadcast %sub3A_290 : i32 to vector<16xi32>
          %add3A_327 = arith.addi %add3A_326, %mul3A_325 : vector<16xi32>
          %gather3A_328 = tpu.vector_load_idx %arg12[%add3A_322, %add3A_327] : memref<64x512xf32, #tpu.memory_space<vmem>>[vector<16xi32>, vector<16xi32>], vector<16xf32>,
          %mul3A_329 = arith.constant 0 : i32
          %mul3A_330 = vector.broadcast %mul3A_329 : i32 to vector<16xi32>
          %mul3A_331 = arith.muli %iota3A, %mul3A_330 : vector<16xi32>
          %add3A_332 = vector.broadcast %and3A_303 : i32 to vector<16xi32>
          %add3A_333 = arith.addi %add3A_332, %mul3A_331 : vector<16xi32>
          %add3A_334 = arith.constant 16 : i32
          %add3A_335 = vector.broadcast %add3A_334 : i32 to vector<16xi32>
          %add3A_336 = arith.addi %iota3A, %add3A_335 : vector<16xi32>
          tpu.vector_store_idx %arg15[%add3A_333, %add3A_336], %gather3A_328 : memref<32x64xf32, #tpu.memory_space<vmem>>[vector<16xi32>, vector<16xi32>], vector<16xf32>,
          %add3A_337 = arith.constant 32 : i32
          %add3A_338 = vector.broadcast %add3A_337 : i32 to vector<16xi32>
          %add3A_339 = arith.addi %iota3A, %add3A_338 : vector<16xi32>
          %mul3A_340 = arith.constant 0 : i32
          %mul3A_341 = vector.broadcast %mul3A_340 : i32 to vector<16xi32>
          %mul3A_342 = arith.muli %iota3A, %mul3A_341 : vector<16xi32>
          %add3A_343 = vector.broadcast %sub3A_290 : i32 to vector<16xi32>
          %add3A_344 = arith.addi %add3A_343, %mul3A_342 : vector<16xi32>
          %gather3A_345 = tpu.vector_load_idx %arg12[%add3A_339, %add3A_344] : memref<64x512xf32, #tpu.memory_space<vmem>>[vector<16xi32>, vector<16xi32>], vector<16xf32>,
          %mul3A_346 = arith.constant 0 : i32
          %mul3A_347 = vector.broadcast %mul3A_346 : i32 to vector<16xi32>
          %mul3A_348 = arith.muli %iota3A, %mul3A_347 : vector<16xi32>
          %add3A_349 = vector.broadcast %and3A_303 : i32 to vector<16xi32>
          %add3A_350 = arith.addi %add3A_349, %mul3A_348 : vector<16xi32>
          %add3A_351 = arith.constant 32 : i32
          %add3A_352 = vector.broadcast %add3A_351 : i32 to vector<16xi32>
          %add3A_353 = arith.addi %iota3A, %add3A_352 : vector<16xi32>
          tpu.vector_store_idx %arg15[%add3A_350, %add3A_353], %gather3A_345 : memref<32x64xf32, #tpu.memory_space<vmem>>[vector<16xi32>, vector<16xi32>], vector<16xf32>,
          %add3A_354 = arith.constant 48 : i32
          %add3A_355 = vector.broadcast %add3A_354 : i32 to vector<16xi32>
          %add3A_356 = arith.addi %iota3A, %add3A_355 : vector<16xi32>
          %mul3A_357 = arith.constant 0 : i32
          %mul3A_358 = vector.broadcast %mul3A_357 : i32 to vector<16xi32>
          %mul3A_359 = arith.muli %iota3A, %mul3A_358 : vector<16xi32>
          %add3A_360 = vector.broadcast %sub3A_290 : i32 to vector<16xi32>
          %add3A_361 = arith.addi %add3A_360, %mul3A_359 : vector<16xi32>
          %gather3A_362 = tpu.vector_load_idx %arg12[%add3A_356, %add3A_361] : memref<64x512xf32, #tpu.memory_space<vmem>>[vector<16xi32>, vector<16xi32>], vector<16xf32>,
          %mul3A_363 = arith.constant 0 : i32
          %mul3A_364 = vector.broadcast %mul3A_363 : i32 to vector<16xi32>
          %mul3A_365 = arith.muli %iota3A, %mul3A_364 : vector<16xi32>
          %add3A_366 = vector.broadcast %and3A_303 : i32 to vector<16xi32>
          %add3A_367 = arith.addi %add3A_366, %mul3A_365 : vector<16xi32>
          %add3A_368 = arith.constant 48 : i32
          %add3A_369 = vector.broadcast %add3A_368 : i32 to vector<16xi32>
          %add3A_370 = arith.addi %iota3A, %add3A_369 : vector<16xi32>
          tpu.vector_store_idx %arg15[%add3A_367, %add3A_370], %gather3A_362 : memref<32x64xf32, #tpu.memory_space<vmem>>[vector<16xi32>, vector<16xi32>], vector<16xf32>,
          %dma_start3A_371 = arith.constant 0 : i32
          %dma_start3A_372 = tpu.memref_slice %arg15[%and3A_303, %dma_start3A_371] : memref<32x64xf32, #tpu.memory_space<vmem>> -> memref<1x64xf32, #tpu.memory_space<vmem>>
          %dma_start3A_373 = arith.constant 0 : i32
          %dma_start3A_374 = tpu.memref_slice %arg6[%reduce_max3A_301, %dma_start3A_373] : memref<16384x64xf32, #tpu.memory_space<hbm>> -> memref<1x64xf32, #tpu.memory_space<hbm>>
          %dma_start3A_375 = arith.constant 0 : i32
          %dma_start3A_376 = tpu.memref_slice %arg6[%reduce_max3A_301, %dma_start3A_375] : memref<16384x64xf32, #tpu.memory_space<hbm>> -> memref<1x64xf32, #tpu.memory_space<hbm>>
          %dma_start3A_377 = arith.constant 0 : i32
          %dma_start3A_378 = tpu.memref_slice %arg15[%and3A_303, %dma_start3A_377] : memref<32x64xf32, #tpu.memory_space<vmem>> -> memref<1x64xf32, #tpu.memory_space<vmem>>
          tpu.enqueue_dma source(%dma_start3A_378 : memref<1x64xf32, #tpu.memory_space<vmem>>) target(%dma_start3A_376 : memref<1x64xf32, #tpu.memory_space<hbm>>) target_semaphore(%arg20 : memref<!tpu.dma_semaphore, #tpu.memory_space<semaphore_mem>>)
          %not3A = arith.constant dense<true> : vector<16xi1>
          %not3A_379 = arith.xori %eq3A_280, %not3A : vector<16xi1>
          %and3A_380 = arith.andi %while3A_275, %not3A_379 : vector<16xi1>
          %add3A_381 = arith.constant 1 : i32
          %add3A_382 = arith.addi %while3A_276, %add3A_381 : i32
          scf.yield %and3A_380, %add3A_382 : vector<16xi1>, i32
        }
        %while3A_272 = arith.constant 1 : i32
        %while3A_273:2 = scf.for %while3A_274 = %while3A_269 to %while3A_265 step %while3A_272 iter_args(%while3A_275 = %while3A_271#0, %while3A_276 = %while3A_271#1) -> (vector<16xi1>, i32)  : i32 {
          %all_reduce_ffs3A = tpu.all_reduce %while3A_275 {dim = 0 : i64, kind = #tpu.reduction_kind<find_first_set>} : vector<16xi1> -> vector<16xi32>
          %slice3A_277 = vector.extract_strided_slice %all_reduce_ffs3A {offsets = [0], sizes = [1], strides = [1]} : vector<16xi32> to vector<1xi32>
          %squeeze3A_278 = vector.extract %slice3A_277[0] : i32 from vector<1xi32>
          %eq3A_279 = vector.broadcast %squeeze3A_278 : i32 to vector<16xi32>
          %eq3A_280 = arith.cmpi eq, %iota3A, %eq3A_279 : vector<16xi32>
          %jit3A_281 = arith.constant 0 : i32
          %broadcast_in_dim3A = vector.broadcast %jit3A_281 : i32 to vector<16xi32>
          %select_n3A_282 = arith.select %eq3A_280, %get3A_236, %broadcast_in_dim3A : vector<16xi1>, vector<16xi32>
          %reduce_max3A = arith.constant true
          %reduce_max3A_283 = vector.broadcast %reduce_max3A : i1 to vector<16xi1>
          %reduce_max3A_284 = arith.constant -2147483648 : i32
          %reduce_max3A_285 = vector.broadcast %reduce_max3A_284 : i32 to vector<16xi32>
          %reduce_max3A_286 = arith.xori %select_n3A_282, %reduce_max3A_285 : vector<16xi32>
          %reduce_max3A_287 = tpu.scan <max>, %reduce_max3A_286 masked %reduce_max3A_283 : vector<16xi32>, vector<16xi1> -> vector<16xi32>
          %reduce_max3A_288 = arith.xori %reduce_max3A_287, %reduce_max3A_285 : vector<16xi32>
          %reduce_max3A_289 = vector.extract %reduce_max3A_288[15] : i32 from vector<16xi32>
          %sub3A_290 = arith.subi %reduce_max3A_289, %add3A_178 : i32
          %jit3A_291 = arith.constant 0 : i32
          %broadcast_in_dim3A_292 = vector.broadcast %jit3A_291 : i32 to vector<16xi32>
          %select_n3A_293 = arith.select %eq3A_280, %get3A_240, %broadcast_in_dim3A_292 : vector<16xi1>, vector<16xi32>
          %reduce_max3A_294 = arith.constant true
          %reduce_max3A_295 = vector.broadcast %reduce_max3A_294 : i1 to vector<16xi1>
          %reduce_max3A_296 = arith.constant -2147483648 : i32
          %reduce_max3A_297 = vector.broadcast %reduce_max3A_296 : i32 to vector<16xi32>
          %reduce_max3A_298 = arith.xori %select_n3A_293, %reduce_max3A_297 : vector<16xi32>
          %reduce_max3A_299 = tpu.scan <max>, %reduce_max3A_298 masked %reduce_max3A_295 : vector<16xi32>, vector<16xi1> -> vector<16xi32>
          %reduce_max3A_300 = arith.xori %reduce_max3A_299, %reduce_max3A_297 : vector<16xi32>
          %reduce_max3A_301 = vector.extract %reduce_max3A_300[15] : i32 from vector<16xi32>
          %and3A_302 = arith.constant 31 : i32
          %and3A_303 = arith.andi %while3A_276, %and3A_302 : i32
          %add3A_304 = arith.constant 0 : i32
          %add3A_305 = vector.broadcast %add3A_304 : i32 to vector<16xi32>
          %add3A_306 = arith.addi %iota3A, %add3A_305 : vector<16xi32>
          %mul3A_307 = arith.constant 0 : i32
          %mul3A_308 = vector.broadcast %mul3A_307 : i32 to vector<16xi32>
          %mul3A_309 = arith.muli %iota3A, %mul3A_308 : vector<16xi32>
          %add3A_310 = vector.broadcast %sub3A_290 : i32 to vector<16xi32>
          %add3A_311 = arith.addi %add3A_310, %mul3A_309 : vector<16xi32>
          %gather3A = tpu.vector_load_idx %arg12[%add3A_306, %add3A_311] : memref<64x512xf32, #tpu.memory_space<vmem>>[vector<16xi32>, vector<16xi32>], vector<16xf32>,
          %mul3A_312 = arith.constant 0 : i32
          %mul3A_313 = vector.broadcast %mul3A_312 : i32 to vector<16xi32>
          %mul3A_314 = arith.muli %iota3A, %mul3A_313 : vector<16xi32>
          %add3A_315 = vector.broadcast %and3A_303 : i32 to vector<16xi32>
          %add3A_316 = arith.addi %add3A_315, %mul3A_314 : vector<16xi32>
          %add3A_317 = arith.constant 0 : i32
          %add3A_318 = vector.broadcast %add3A_317 : i32 to vector<16xi32>
          %add3A_319 = arith.addi %iota3A, %add3A_318 : vector<16xi32>
          tpu.vector_store_idx %arg15[%add3A_316, %add3A_319], %gather3A : memref<32x64xf32, #tpu.memory_space<vmem>>[vector<16xi32>, vector<16xi32>], vector<16xf32>,
          %add3A_320 = arith.constant 16 : i32
          %add3A_321 = vector.broadcast %add3A_320 : i32 to vector<16xi32>
          %add3A_322 = arith.addi %iota3A, %add3A_321 : vector<16xi32>
          %mul3A_323 = arith.constant 0 : i32
          %mul3A_324 = vector.broadcast %mul3A_323 : i32 to vector<16xi32>
          %mul3A_325 = arith.muli %iota3A, %mul3A_324 : vector<16xi32>
          %add3A_326 = vector.broadcast %sub3A_290 : i32 to vector<16xi32>
          %add3A_327 = arith.addi %add3A_326, %mul3A_325 : vector<16xi32>
          %gather3A_328 = tpu.vector_load_idx %arg12[%add3A_322, %add3A_327] : memref<64x512xf32, #tpu.memory_space<vmem>>[vector<16xi32>, vector<16xi32>], vector<16xf32>,
          %mul3A_329 = arith.constant 0 : i32
          %mul3A_330 = vector.broadcast %mul3A_329 : i32 to vector<16xi32>
          %mul3A_331 = arith.muli %iota3A, %mul3A_330 : vector<16xi32>
          %add3A_332 = vector.broadcast %and3A_303 : i32 to vector<16xi32>
          %add3A_333 = arith.addi %add3A_332, %mul3A_331 : vector<16xi32>
          %add3A_334 = arith.constant 16 : i32
          %add3A_335 = vector.broadcast %add3A_334 : i32 to vector<16xi32>
          %add3A_336 = arith.addi %iota3A, %add3A_335 : vector<16xi32>
          tpu.vector_store_idx %arg15[%add3A_333, %add3A_336], %gather3A_328 : memref<32x64xf32, #tpu.memory_space<vmem>>[vector<16xi32>, vector<16xi32>], vector<16xf32>,
          %add3A_337 = arith.constant 32 : i32
          %add3A_338 = vector.broadcast %add3A_337 : i32 to vector<16xi32>
          %add3A_339 = arith.addi %iota3A, %add3A_338 : vector<16xi32>
          %mul3A_340 = arith.constant 0 : i32
          %mul3A_341 = vector.broadcast %mul3A_340 : i32 to vector<16xi32>
          %mul3A_342 = arith.muli %iota3A, %mul3A_341 : vector<16xi32>
          %add3A_343 = vector.broadcast %sub3A_290 : i32 to vector<16xi32>
          %add3A_344 = arith.addi %add3A_343, %mul3A_342 : vector<16xi32>
          %gather3A_345 = tpu.vector_load_idx %arg12[%add3A_339, %add3A_344] : memref<64x512xf32, #tpu.memory_space<vmem>>[vector<16xi32>, vector<16xi32>], vector<16xf32>,
          %mul3A_346 = arith.constant 0 : i32
          %mul3A_347 = vector.broadcast %mul3A_346 : i32 to vector<16xi32>
          %mul3A_348 = arith.muli %iota3A, %mul3A_347 : vector<16xi32>
          %add3A_349 = vector.broadcast %and3A_303 : i32 to vector<16xi32>
          %add3A_350 = arith.addi %add3A_349, %mul3A_348 : vector<16xi32>
          %add3A_351 = arith.constant 32 : i32
          %add3A_352 = vector.broadcast %add3A_351 : i32 to vector<16xi32>
          %add3A_353 = arith.addi %iota3A, %add3A_352 : vector<16xi32>
          tpu.vector_store_idx %arg15[%add3A_350, %add3A_353], %gather3A_345 : memref<32x64xf32, #tpu.memory_space<vmem>>[vector<16xi32>, vector<16xi32>], vector<16xf32>,
          %add3A_354 = arith.constant 48 : i32
          %add3A_355 = vector.broadcast %add3A_354 : i32 to vector<16xi32>
          %add3A_356 = arith.addi %iota3A, %add3A_355 : vector<16xi32>
          %mul3A_357 = arith.constant 0 : i32
          %mul3A_358 = vector.broadcast %mul3A_357 : i32 to vector<16xi32>
          %mul3A_359 = arith.muli %iota3A, %mul3A_358 : vector<16xi32>
          %add3A_360 = vector.broadcast %sub3A_290 : i32 to vector<16xi32>
          %add3A_361 = arith.addi %add3A_360, %mul3A_359 : vector<16xi32>
          %gather3A_362 = tpu.vector_load_idx %arg12[%add3A_356, %add3A_361] : memref<64x512xf32, #tpu.memory_space<vmem>>[vector<16xi32>, vector<16xi32>], vector<16xf32>,
          %mul3A_363 = arith.constant 0 : i32
          %mul3A_364 = vector.broadcast %mul3A_363 : i32 to vector<16xi32>
          %mul3A_365 = arith.muli %iota3A, %mul3A_364 : vector<16xi32>
          %add3A_366 = vector.broadcast %and3A_303 : i32 to vector<16xi32>
          %add3A_367 = arith.addi %add3A_366, %mul3A_365 : vector<16xi32>
          %add3A_368 = arith.constant 48 : i32
          %add3A_369 = vector.broadcast %add3A_368 : i32 to vector<16xi32>
          %add3A_370 = arith.addi %iota3A, %add3A_369 : vector<16xi32>
          tpu.vector_store_idx %arg15[%add3A_367, %add3A_370], %gather3A_362 : memref<32x64xf32, #tpu.memory_space<vmem>>[vector<16xi32>, vector<16xi32>], vector<16xf32>,
          %dma_start3A_371 = arith.constant 0 : i32
          %dma_start3A_372 = tpu.memref_slice %arg15[%and3A_303, %dma_start3A_371] : memref<32x64xf32, #tpu.memory_space<vmem>> -> memref<1x64xf32, #tpu.memory_space<vmem>>
          %dma_start3A_373 = arith.constant 0 : i32
          %dma_start3A_374 = tpu.memref_slice %arg6[%reduce_max3A_301, %dma_start3A_373] : memref<16384x64xf32, #tpu.memory_space<hbm>> -> memref<1x64xf32, #tpu.memory_space<hbm>>
          %dma_start3A_375 = arith.constant 0 : i32
          %dma_start3A_376 = tpu.memref_slice %arg6[%reduce_max3A_301, %dma_start3A_375] : memref<16384x64xf32, #tpu.memory_space<hbm>> -> memref<1x64xf32, #tpu.memory_space<hbm>>
          %dma_start3A_377 = arith.constant 0 : i32
          %dma_start3A_378 = tpu.memref_slice %arg15[%and3A_303, %dma_start3A_377] : memref<32x64xf32, #tpu.memory_space<vmem>> -> memref<1x64xf32, #tpu.memory_space<vmem>>
          tpu.enqueue_dma source(%dma_start3A_378 : memref<1x64xf32, #tpu.memory_space<vmem>>) target(%dma_start3A_376 : memref<1x64xf32, #tpu.memory_space<hbm>>) target_semaphore(%arg20 : memref<!tpu.dma_semaphore, #tpu.memory_space<semaphore_mem>>)
          %not3A = arith.constant dense<true> : vector<16xi1>
          %not3A_379 = arith.xori %eq3A_280, %not3A : vector<16xi1>
          %and3A_380 = arith.andi %while3A_275, %not3A_379 : vector<16xi1>
          %add3A_381 = arith.constant 1 : i32
          %add3A_382 = arith.addi %while3A_276, %add3A_381 : i32
          scf.yield %and3A_380, %add3A_382 : vector<16xi1>, i32
        }
        scf.yield %while3A_273#1, %add3A_262 : i32, i32
      }
      %while3A_201 = arith.constant 1 : i32
      %while3A_202:2 = scf.for %while3A_231 = %while3A_198 to %while3A_194 step %while3A_201 iter_args(%while3A_232 = %while3A_200#0, %while3A_233 = %while3A_200#1) -> (i32, i32)  : i32 {
        %mul3A_234 = arith.constant 16 : i32
        %mul3A_235 = arith.muli %while3A_231, %mul3A_234 : i32
        %get3A = arith.index_cast %mul3A_235 : i32 to index
        %get3A_236 = tpu.vector_load %arg10[%get3A] {strides = array<i32>} : memref<16384xi32, #tpu.memory_space<vmem>>, vector<16xi32>,
        %mul3A_237 = arith.constant 16 : i32
        %mul3A_238 = arith.muli %while3A_231, %mul3A_237 : i32
        %get3A_239 = arith.index_cast %mul3A_238 : i32 to index
        %get3A_240 = tpu.vector_load %arg11[%get3A_239] {strides = array<i32>} : memref<16384xi32, #tpu.memory_space<vmem>>, vector<16xi32>,
        %mul3A_241 = arith.constant 16 : i32
        %mul3A_242 = arith.muli %while3A_231, %mul3A_241 : i32
        %add3A_243 = vector.broadcast %mul3A_242 : i32 to vector<16xi32>
        %add3A_244 = arith.addi %iota3A, %add3A_243 : vector<16xi32>
        %lt3A_245 = vector.broadcast %scan3A_68 : i32 to vector<16xi32>
        %lt3A_246 = arith.cmpi slt, %add3A_244, %lt3A_245 : vector<16xi32>
        %ge3A = vector.broadcast %add3A_178 : i32 to vector<16xi32>
        %ge3A_247 = arith.cmpi sge, %get3A_236, %ge3A : vector<16xi32>
        %and3A_248 = arith.andi %lt3A_246, %ge3A_247 : vector<16xi1>
        %lt3A_249 = vector.broadcast %add3A_191 : i32 to vector<16xi32>
        %lt3A_250 = arith.cmpi slt, %get3A_236, %lt3A_249 : vector<16xi32>
        %and3A_251 = arith.andi %and3A_248, %lt3A_250 : vector<16xi1>
        %all_reduce_population_count3A = tpu.all_reduce %and3A_251 {dim = 0 : i64, kind = #tpu.reduction_kind<sum>} : vector<16xi1> -> vector<16xi32>
        %slice3A = vector.extract_strided_slice %all_reduce_population_count3A {offsets = [0], sizes = [1], strides = [1]} : vector<16xi32> to vector<1xi32>
        %squeeze3A = vector.extract %slice3A[0] : i32 from vector<1xi32>
        %sub3A_252 = arith.subi %while3A_232, %while3A_233 : i32
        %add3A_253 = arith.addi %sub3A_252, %squeeze3A : i32
        %gt3A_254 = arith.constant 32 : i32
        %gt3A_255 = arith.cmpi sgt, %add3A_253, %gt3A_254 : i32
        %sub3A_256 = arith.subi %while3A_232, %while3A_233 : i32
        %jit3A_257 = arith.constant 0 : i32
        %select_n3A_258 = arith.select %gt3A_255, %sub3A_256, %jit3A_257 : i32
        %convert_element_type3A_259 = arith.extui %gt3A_255 : i1 to i32
        %cond3A_260 = arith.constant 0 : i32
        %cond3A_261 = arith.cmpi ne, %convert_element_type3A_259, %cond3A_260 : i32
        scf.if %cond3A_261 {
          %while3A_274 = arith.constant 0 : i32
          %while3A_275 = arith.constant 0 : i32
          %while3A_276 = arith.subi %select_n3A_258, %while3A_274 : i32
          %while3A_277 = arith.addi %while3A_274, %while3A_276 : i32
          %while3A_278 = arith.constant 1 : i32
          %while3A_279 = arith.divsi %while3A_276, %while3A_278 : i32
          %while3A_280 = arith.muli %while3A_279, %while3A_278 : i32
          %while3A_281 = arith.addi %while3A_274, %while3A_280 : i32
          %while3A_282 = arith.constant 1 : i32
          %while3A_283 = scf.for %while3A_286 = %while3A_274 to %while3A_281 step %while3A_282 iter_args(%while3A_287 = %while3A_275) -> (i32)  : i32 {
            %dma_wait3A_288 = arith.constant 0 : i32
            %dma_wait3A_289 = arith.constant 0 : i32
            %dma_wait3A_290 = tpu.memref_slice %arg15[%dma_wait3A_288, %dma_wait3A_289] : memref<32x64xf32, #tpu.memory_space<vmem>> -> memref<1x64xf32, #tpu.memory_space<vmem>>
            %dma_wait3A_291 = arith.constant 0 : i32
            %dma_wait3A_292 = arith.constant 0 : i32
            %dma_wait3A_293 = tpu.memref_slice %arg6[%dma_wait3A_291, %dma_wait3A_292] : memref<16384x64xf32, #tpu.memory_space<hbm>> -> memref<1x64xf32, #tpu.memory_space<hbm>>
            %dma_wait3A_294 = arith.constant 0 : i32
            %dma_wait3A_295 = arith.constant 0 : i32
            %dma_wait3A_296 = tpu.memref_slice %arg6[%dma_wait3A_294, %dma_wait3A_295] : memref<16384x64xf32, #tpu.memory_space<hbm>> -> memref<1x64xf32, #tpu.memory_space<hbm>>
            %dma_wait3A_297 = arith.constant 0 : i32
            %dma_wait3A_298 = arith.constant 0 : i32
            %dma_wait3A_299 = tpu.memref_slice %arg15[%dma_wait3A_297, %dma_wait3A_298] : memref<32x64xf32, #tpu.memory_space<vmem>> -> memref<1x64xf32, #tpu.memory_space<vmem>>
            tpu.wait_dma2 semaphore(%arg20 : memref<!tpu.dma_semaphore, #tpu.memory_space<semaphore_mem>>) src(%dma_wait3A_299 : memref<1x64xf32, #tpu.memory_space<vmem>>) dst(%dma_wait3A_296 : memref<1x64xf32, #tpu.memory_space<hbm>>)
            %while3A_300 = arith.constant 0 : i32
            scf.yield %while3A_300 : i32
          }
          %while3A_284 = arith.constant 1 : i32
          %while3A_285 = scf.for %while3A_286 = %while3A_281 to %while3A_277 step %while3A_284 iter_args(%while3A_287 = %while3A_283) -> (i32)  : i32 {
            %dma_wait3A_288 = arith.constant 0 : i32
            %dma_wait3A_289 = arith.constant 0 : i32
            %dma_wait3A_290 = tpu.memref_slice %arg15[%dma_wait3A_288, %dma_wait3A_289] : memref<32x64xf32, #tpu.memory_space<vmem>> -> memref<1x64xf32, #tpu.memory_space<vmem>>
            %dma_wait3A_291 = arith.constant 0 : i32
            %dma_wait3A_292 = arith.constant 0 : i32
            %dma_wait3A_293 = tpu.memref_slice %arg6[%dma_wait3A_291, %dma_wait3A_292] : memref<16384x64xf32, #tpu.memory_space<hbm>> -> memref<1x64xf32, #tpu.memory_space<hbm>>
            %dma_wait3A_294 = arith.constant 0 : i32
            %dma_wait3A_295 = arith.constant 0 : i32
            %dma_wait3A_296 = tpu.memref_slice %arg6[%dma_wait3A_294, %dma_wait3A_295] : memref<16384x64xf32, #tpu.memory_space<hbm>> -> memref<1x64xf32, #tpu.memory_space<hbm>>
            %dma_wait3A_297 = arith.constant 0 : i32
            %dma_wait3A_298 = arith.constant 0 : i32
            %dma_wait3A_299 = tpu.memref_slice %arg15[%dma_wait3A_297, %dma_wait3A_298] : memref<32x64xf32, #tpu.memory_space<vmem>> -> memref<1x64xf32, #tpu.memory_space<vmem>>
            tpu.wait_dma2 semaphore(%arg20 : memref<!tpu.dma_semaphore, #tpu.memory_space<semaphore_mem>>) src(%dma_wait3A_299 : memref<1x64xf32, #tpu.memory_space<vmem>>) dst(%dma_wait3A_296 : memref<1x64xf32, #tpu.memory_space<hbm>>)
            %while3A_300 = arith.constant 0 : i32
            scf.yield %while3A_300 : i32
          }
        } else {
        }
        %add3A_262 = arith.addi %while3A_233, %select_n3A_258 : i32
        %while3A_263 = arith.constant 0 : i32
        %while3A_264 = arith.subi %squeeze3A, %while3A_263 : i32
        %while3A_265 = arith.addi %while3A_263, %while3A_264 : i32
        %while3A_266 = arith.constant 1 : i32
        %while3A_267 = arith.divsi %while3A_264, %while3A_266 : i32
        %while3A_268 = arith.muli %while3A_267, %while3A_266 : i32
        %while3A_269 = arith.addi %while3A_263, %while3A_268 : i32
        %while3A_270 = arith.constant 1 : i32
        %while3A_271:2 = scf.for %while3A_274 = %while3A_263 to %while3A_269 step %while3A_270 iter_args(%while3A_275 = %and3A_251, %while3A_276 = %while3A_232) -> (vector<16xi1>, i32)  : i32 {
          %all_reduce_ffs3A = tpu.all_reduce %while3A_275 {dim = 0 : i64, kind = #tpu.reduction_kind<find_first_set>} : vector<16xi1> -> vector<16xi32>
          %slice3A_277 = vector.extract_strided_slice %all_reduce_ffs3A {offsets = [0], sizes = [1], strides = [1]} : vector<16xi32> to vector<1xi32>
          %squeeze3A_278 = vector.extract %slice3A_277[0] : i32 from vector<1xi32>
          %eq3A_279 = vector.broadcast %squeeze3A_278 : i32 to vector<16xi32>
          %eq3A_280 = arith.cmpi eq, %iota3A, %eq3A_279 : vector<16xi32>
          %jit3A_281 = arith.constant 0 : i32
          %broadcast_in_dim3A = vector.broadcast %jit3A_281 : i32 to vector<16xi32>
          %select_n3A_282 = arith.select %eq3A_280, %get3A_236, %broadcast_in_dim3A : vector<16xi1>, vector<16xi32>
          %reduce_max3A = arith.constant true
          %reduce_max3A_283 = vector.broadcast %reduce_max3A : i1 to vector<16xi1>
          %reduce_max3A_284 = arith.constant -2147483648 : i32
          %reduce_max3A_285 = vector.broadcast %reduce_max3A_284 : i32 to vector<16xi32>
          %reduce_max3A_286 = arith.xori %select_n3A_282, %reduce_max3A_285 : vector<16xi32>
          %reduce_max3A_287 = tpu.scan <max>, %reduce_max3A_286 masked %reduce_max3A_283 : vector<16xi32>, vector<16xi1> -> vector<16xi32>
          %reduce_max3A_288 = arith.xori %reduce_max3A_287, %reduce_max3A_285 : vector<16xi32>
          %reduce_max3A_289 = vector.extract %reduce_max3A_288[15] : i32 from vector<16xi32>
          %sub3A_290 = arith.subi %reduce_max3A_289, %add3A_178 : i32
          %jit3A_291 = arith.constant 0 : i32
          %broadcast_in_dim3A_292 = vector.broadcast %jit3A_291 : i32 to vector<16xi32>
          %select_n3A_293 = arith.select %eq3A_280, %get3A_240, %broadcast_in_dim3A_292 : vector<16xi1>, vector<16xi32>
          %reduce_max3A_294 = arith.constant true
          %reduce_max3A_295 = vector.broadcast %reduce_max3A_294 : i1 to vector<16xi1>
          %reduce_max3A_296 = arith.constant -2147483648 : i32
          %reduce_max3A_297 = vector.broadcast %reduce_max3A_296 : i32 to vector<16xi32>
          %reduce_max3A_298 = arith.xori %select_n3A_293, %reduce_max3A_297 : vector<16xi32>
          %reduce_max3A_299 = tpu.scan <max>, %reduce_max3A_298 masked %reduce_max3A_295 : vector<16xi32>, vector<16xi1> -> vector<16xi32>
          %reduce_max3A_300 = arith.xori %reduce_max3A_299, %reduce_max3A_297 : vector<16xi32>
          %reduce_max3A_301 = vector.extract %reduce_max3A_300[15] : i32 from vector<16xi32>
          %and3A_302 = arith.constant 31 : i32
          %and3A_303 = arith.andi %while3A_276, %and3A_302 : i32
          %add3A_304 = arith.constant 0 : i32
          %add3A_305 = vector.broadcast %add3A_304 : i32 to vector<16xi32>
          %add3A_306 = arith.addi %iota3A, %add3A_305 : vector<16xi32>
          %mul3A_307 = arith.constant 0 : i32
          %mul3A_308 = vector.broadcast %mul3A_307 : i32 to vector<16xi32>
          %mul3A_309 = arith.muli %iota3A, %mul3A_308 : vector<16xi32>
          %add3A_310 = vector.broadcast %sub3A_290 : i32 to vector<16xi32>
          %add3A_311 = arith.addi %add3A_310, %mul3A_309 : vector<16xi32>
          %gather3A = tpu.vector_load_idx %arg12[%add3A_306, %add3A_311] : memref<64x512xf32, #tpu.memory_space<vmem>>[vector<16xi32>, vector<16xi32>], vector<16xf32>,
          %mul3A_312 = arith.constant 0 : i32
          %mul3A_313 = vector.broadcast %mul3A_312 : i32 to vector<16xi32>
          %mul3A_314 = arith.muli %iota3A, %mul3A_313 : vector<16xi32>
          %add3A_315 = vector.broadcast %and3A_303 : i32 to vector<16xi32>
          %add3A_316 = arith.addi %add3A_315, %mul3A_314 : vector<16xi32>
          %add3A_317 = arith.constant 0 : i32
          %add3A_318 = vector.broadcast %add3A_317 : i32 to vector<16xi32>
          %add3A_319 = arith.addi %iota3A, %add3A_318 : vector<16xi32>
          tpu.vector_store_idx %arg15[%add3A_316, %add3A_319], %gather3A : memref<32x64xf32, #tpu.memory_space<vmem>>[vector<16xi32>, vector<16xi32>], vector<16xf32>,
          %add3A_320 = arith.constant 16 : i32
          %add3A_321 = vector.broadcast %add3A_320 : i32 to vector<16xi32>
          %add3A_322 = arith.addi %iota3A, %add3A_321 : vector<16xi32>
          %mul3A_323 = arith.constant 0 : i32
          %mul3A_324 = vector.broadcast %mul3A_323 : i32 to vector<16xi32>
          %mul3A_325 = arith.muli %iota3A, %mul3A_324 : vector<16xi32>
          %add3A_326 = vector.broadcast %sub3A_290 : i32 to vector<16xi32>
          %add3A_327 = arith.addi %add3A_326, %mul3A_325 : vector<16xi32>
          %gather3A_328 = tpu.vector_load_idx %arg12[%add3A_322, %add3A_327] : memref<64x512xf32, #tpu.memory_space<vmem>>[vector<16xi32>, vector<16xi32>], vector<16xf32>,
          %mul3A_329 = arith.constant 0 : i32
          %mul3A_330 = vector.broadcast %mul3A_329 : i32 to vector<16xi32>
          %mul3A_331 = arith.muli %iota3A, %mul3A_330 : vector<16xi32>
          %add3A_332 = vector.broadcast %and3A_303 : i32 to vector<16xi32>
          %add3A_333 = arith.addi %add3A_332, %mul3A_331 : vector<16xi32>
          %add3A_334 = arith.constant 16 : i32
          %add3A_335 = vector.broadcast %add3A_334 : i32 to vector<16xi32>
          %add3A_336 = arith.addi %iota3A, %add3A_335 : vector<16xi32>
          tpu.vector_store_idx %arg15[%add3A_333, %add3A_336], %gather3A_328 : memref<32x64xf32, #tpu.memory_space<vmem>>[vector<16xi32>, vector<16xi32>], vector<16xf32>,
          %add3A_337 = arith.constant 32 : i32
          %add3A_338 = vector.broadcast %add3A_337 : i32 to vector<16xi32>
          %add3A_339 = arith.addi %iota3A, %add3A_338 : vector<16xi32>
          %mul3A_340 = arith.constant 0 : i32
          %mul3A_341 = vector.broadcast %mul3A_340 : i32 to vector<16xi32>
          %mul3A_342 = arith.muli %iota3A, %mul3A_341 : vector<16xi32>
          %add3A_343 = vector.broadcast %sub3A_290 : i32 to vector<16xi32>
          %add3A_344 = arith.addi %add3A_343, %mul3A_342 : vector<16xi32>
          %gather3A_345 = tpu.vector_load_idx %arg12[%add3A_339, %add3A_344] : memref<64x512xf32, #tpu.memory_space<vmem>>[vector<16xi32>, vector<16xi32>], vector<16xf32>,
          %mul3A_346 = arith.constant 0 : i32
          %mul3A_347 = vector.broadcast %mul3A_346 : i32 to vector<16xi32>
          %mul3A_348 = arith.muli %iota3A, %mul3A_347 : vector<16xi32>
          %add3A_349 = vector.broadcast %and3A_303 : i32 to vector<16xi32>
          %add3A_350 = arith.addi %add3A_349, %mul3A_348 : vector<16xi32>
          %add3A_351 = arith.constant 32 : i32
          %add3A_352 = vector.broadcast %add3A_351 : i32 to vector<16xi32>
          %add3A_353 = arith.addi %iota3A, %add3A_352 : vector<16xi32>
          tpu.vector_store_idx %arg15[%add3A_350, %add3A_353], %gather3A_345 : memref<32x64xf32, #tpu.memory_space<vmem>>[vector<16xi32>, vector<16xi32>], vector<16xf32>,
          %add3A_354 = arith.constant 48 : i32
          %add3A_355 = vector.broadcast %add3A_354 : i32 to vector<16xi32>
          %add3A_356 = arith.addi %iota3A, %add3A_355 : vector<16xi32>
          %mul3A_357 = arith.constant 0 : i32
          %mul3A_358 = vector.broadcast %mul3A_357 : i32 to vector<16xi32>
          %mul3A_359 = arith.muli %iota3A, %mul3A_358 : vector<16xi32>
          %add3A_360 = vector.broadcast %sub3A_290 : i32 to vector<16xi32>
          %add3A_361 = arith.addi %add3A_360, %mul3A_359 : vector<16xi32>
          %gather3A_362 = tpu.vector_load_idx %arg12[%add3A_356, %add3A_361] : memref<64x512xf32, #tpu.memory_space<vmem>>[vector<16xi32>, vector<16xi32>], vector<16xf32>,
          %mul3A_363 = arith.constant 0 : i32
          %mul3A_364 = vector.broadcast %mul3A_363 : i32 to vector<16xi32>
          %mul3A_365 = arith.muli %iota3A, %mul3A_364 : vector<16xi32>
          %add3A_366 = vector.broadcast %and3A_303 : i32 to vector<16xi32>
          %add3A_367 = arith.addi %add3A_366, %mul3A_365 : vector<16xi32>
          %add3A_368 = arith.constant 48 : i32
          %add3A_369 = vector.broadcast %add3A_368 : i32 to vector<16xi32>
          %add3A_370 = arith.addi %iota3A, %add3A_369 : vector<16xi32>
          tpu.vector_store_idx %arg15[%add3A_367, %add3A_370], %gather3A_362 : memref<32x64xf32, #tpu.memory_space<vmem>>[vector<16xi32>, vector<16xi32>], vector<16xf32>,
          %dma_start3A_371 = arith.constant 0 : i32
          %dma_start3A_372 = tpu.memref_slice %arg15[%and3A_303, %dma_start3A_371] : memref<32x64xf32, #tpu.memory_space<vmem>> -> memref<1x64xf32, #tpu.memory_space<vmem>>
          %dma_start3A_373 = arith.constant 0 : i32
          %dma_start3A_374 = tpu.memref_slice %arg6[%reduce_max3A_301, %dma_start3A_373] : memref<16384x64xf32, #tpu.memory_space<hbm>> -> memref<1x64xf32, #tpu.memory_space<hbm>>
          %dma_start3A_375 = arith.constant 0 : i32
          %dma_start3A_376 = tpu.memref_slice %arg6[%reduce_max3A_301, %dma_start3A_375] : memref<16384x64xf32, #tpu.memory_space<hbm>> -> memref<1x64xf32, #tpu.memory_space<hbm>>
          %dma_start3A_377 = arith.constant 0 : i32
          %dma_start3A_378 = tpu.memref_slice %arg15[%and3A_303, %dma_start3A_377] : memref<32x64xf32, #tpu.memory_space<vmem>> -> memref<1x64xf32, #tpu.memory_space<vmem>>
          tpu.enqueue_dma source(%dma_start3A_378 : memref<1x64xf32, #tpu.memory_space<vmem>>) target(%dma_start3A_376 : memref<1x64xf32, #tpu.memory_space<hbm>>) target_semaphore(%arg20 : memref<!tpu.dma_semaphore, #tpu.memory_space<semaphore_mem>>)
          %not3A = arith.constant dense<true> : vector<16xi1>
          %not3A_379 = arith.xori %eq3A_280, %not3A : vector<16xi1>
          %and3A_380 = arith.andi %while3A_275, %not3A_379 : vector<16xi1>
          %add3A_381 = arith.constant 1 : i32
          %add3A_382 = arith.addi %while3A_276, %add3A_381 : i32
          scf.yield %and3A_380, %add3A_382 : vector<16xi1>, i32
        }
        %while3A_272 = arith.constant 1 : i32
        %while3A_273:2 = scf.for %while3A_274 = %while3A_269 to %while3A_265 step %while3A_272 iter_args(%while3A_275 = %while3A_271#0, %while3A_276 = %while3A_271#1) -> (vector<16xi1>, i32)  : i32 {
          %all_reduce_ffs3A = tpu.all_reduce %while3A_275 {dim = 0 : i64, kind = #tpu.reduction_kind<find_first_set>} : vector<16xi1> -> vector<16xi32>
          %slice3A_277 = vector.extract_strided_slice %all_reduce_ffs3A {offsets = [0], sizes = [1], strides = [1]} : vector<16xi32> to vector<1xi32>
          %squeeze3A_278 = vector.extract %slice3A_277[0] : i32 from vector<1xi32>
          %eq3A_279 = vector.broadcast %squeeze3A_278 : i32 to vector<16xi32>
          %eq3A_280 = arith.cmpi eq, %iota3A, %eq3A_279 : vector<16xi32>
          %jit3A_281 = arith.constant 0 : i32
          %broadcast_in_dim3A = vector.broadcast %jit3A_281 : i32 to vector<16xi32>
          %select_n3A_282 = arith.select %eq3A_280, %get3A_236, %broadcast_in_dim3A : vector<16xi1>, vector<16xi32>
          %reduce_max3A = arith.constant true
          %reduce_max3A_283 = vector.broadcast %reduce_max3A : i1 to vector<16xi1>
          %reduce_max3A_284 = arith.constant -2147483648 : i32
          %reduce_max3A_285 = vector.broadcast %reduce_max3A_284 : i32 to vector<16xi32>
          %reduce_max3A_286 = arith.xori %select_n3A_282, %reduce_max3A_285 : vector<16xi32>
          %reduce_max3A_287 = tpu.scan <max>, %reduce_max3A_286 masked %reduce_max3A_283 : vector<16xi32>, vector<16xi1> -> vector<16xi32>
          %reduce_max3A_288 = arith.xori %reduce_max3A_287, %reduce_max3A_285 : vector<16xi32>
          %reduce_max3A_289 = vector.extract %reduce_max3A_288[15] : i32 from vector<16xi32>
          %sub3A_290 = arith.subi %reduce_max3A_289, %add3A_178 : i32
          %jit3A_291 = arith.constant 0 : i32
          %broadcast_in_dim3A_292 = vector.broadcast %jit3A_291 : i32 to vector<16xi32>
          %select_n3A_293 = arith.select %eq3A_280, %get3A_240, %broadcast_in_dim3A_292 : vector<16xi1>, vector<16xi32>
          %reduce_max3A_294 = arith.constant true
          %reduce_max3A_295 = vector.broadcast %reduce_max3A_294 : i1 to vector<16xi1>
          %reduce_max3A_296 = arith.constant -2147483648 : i32
          %reduce_max3A_297 = vector.broadcast %reduce_max3A_296 : i32 to vector<16xi32>
          %reduce_max3A_298 = arith.xori %select_n3A_293, %reduce_max3A_297 : vector<16xi32>
          %reduce_max3A_299 = tpu.scan <max>, %reduce_max3A_298 masked %reduce_max3A_295 : vector<16xi32>, vector<16xi1> -> vector<16xi32>
          %reduce_max3A_300 = arith.xori %reduce_max3A_299, %reduce_max3A_297 : vector<16xi32>
          %reduce_max3A_301 = vector.extract %reduce_max3A_300[15] : i32 from vector<16xi32>
          %and3A_302 = arith.constant 31 : i32
          %and3A_303 = arith.andi %while3A_276, %and3A_302 : i32
          %add3A_304 = arith.constant 0 : i32
          %add3A_305 = vector.broadcast %add3A_304 : i32 to vector<16xi32>
          %add3A_306 = arith.addi %iota3A, %add3A_305 : vector<16xi32>
          %mul3A_307 = arith.constant 0 : i32
          %mul3A_308 = vector.broadcast %mul3A_307 : i32 to vector<16xi32>
          %mul3A_309 = arith.muli %iota3A, %mul3A_308 : vector<16xi32>
          %add3A_310 = vector.broadcast %sub3A_290 : i32 to vector<16xi32>
          %add3A_311 = arith.addi %add3A_310, %mul3A_309 : vector<16xi32>
          %gather3A = tpu.vector_load_idx %arg12[%add3A_306, %add3A_311] : memref<64x512xf32, #tpu.memory_space<vmem>>[vector<16xi32>, vector<16xi32>], vector<16xf32>,
          %mul3A_312 = arith.constant 0 : i32
          %mul3A_313 = vector.broadcast %mul3A_312 : i32 to vector<16xi32>
          %mul3A_314 = arith.muli %iota3A, %mul3A_313 : vector<16xi32>
          %add3A_315 = vector.broadcast %and3A_303 : i32 to vector<16xi32>
          %add3A_316 = arith.addi %add3A_315, %mul3A_314 : vector<16xi32>
          %add3A_317 = arith.constant 0 : i32
          %add3A_318 = vector.broadcast %add3A_317 : i32 to vector<16xi32>
          %add3A_319 = arith.addi %iota3A, %add3A_318 : vector<16xi32>
          tpu.vector_store_idx %arg15[%add3A_316, %add3A_319], %gather3A : memref<32x64xf32, #tpu.memory_space<vmem>>[vector<16xi32>, vector<16xi32>], vector<16xf32>,
          %add3A_320 = arith.constant 16 : i32
          %add3A_321 = vector.broadcast %add3A_320 : i32 to vector<16xi32>
          %add3A_322 = arith.addi %iota3A, %add3A_321 : vector<16xi32>
          %mul3A_323 = arith.constant 0 : i32
          %mul3A_324 = vector.broadcast %mul3A_323 : i32 to vector<16xi32>
          %mul3A_325 = arith.muli %iota3A, %mul3A_324 : vector<16xi32>
          %add3A_326 = vector.broadcast %sub3A_290 : i32 to vector<16xi32>
          %add3A_327 = arith.addi %add3A_326, %mul3A_325 : vector<16xi32>
          %gather3A_328 = tpu.vector_load_idx %arg12[%add3A_322, %add3A_327] : memref<64x512xf32, #tpu.memory_space<vmem>>[vector<16xi32>, vector<16xi32>], vector<16xf32>,
          %mul3A_329 = arith.constant 0 : i32
          %mul3A_330 = vector.broadcast %mul3A_329 : i32 to vector<16xi32>
          %mul3A_331 = arith.muli %iota3A, %mul3A_330 : vector<16xi32>
          %add3A_332 = vector.broadcast %and3A_303 : i32 to vector<16xi32>
          %add3A_333 = arith.addi %add3A_332, %mul3A_331 : vector<16xi32>
          %add3A_334 = arith.constant 16 : i32
          %add3A_335 = vector.broadcast %add3A_334 : i32 to vector<16xi32>
          %add3A_336 = arith.addi %iota3A, %add3A_335 : vector<16xi32>
          tpu.vector_store_idx %arg15[%add3A_333, %add3A_336], %gather3A_328 : memref<32x64xf32, #tpu.memory_space<vmem>>[vector<16xi32>, vector<16xi32>], vector<16xf32>,
          %add3A_337 = arith.constant 32 : i32
          %add3A_338 = vector.broadcast %add3A_337 : i32 to vector<16xi32>
          %add3A_339 = arith.addi %iota3A, %add3A_338 : vector<16xi32>
          %mul3A_340 = arith.constant 0 : i32
          %mul3A_341 = vector.broadcast %mul3A_340 : i32 to vector<16xi32>
          %mul3A_342 = arith.muli %iota3A, %mul3A_341 : vector<16xi32>
          %add3A_343 = vector.broadcast %sub3A_290 : i32 to vector<16xi32>
          %add3A_344 = arith.addi %add3A_343, %mul3A_342 : vector<16xi32>
          %gather3A_345 = tpu.vector_load_idx %arg12[%add3A_339, %add3A_344] : memref<64x512xf32, #tpu.memory_space<vmem>>[vector<16xi32>, vector<16xi32>], vector<16xf32>,
          %mul3A_346 = arith.constant 0 : i32
          %mul3A_347 = vector.broadcast %mul3A_346 : i32 to vector<16xi32>
          %mul3A_348 = arith.muli %iota3A, %mul3A_347 : vector<16xi32>
          %add3A_349 = vector.broadcast %and3A_303 : i32 to vector<16xi32>
          %add3A_350 = arith.addi %add3A_349, %mul3A_348 : vector<16xi32>
          %add3A_351 = arith.constant 32 : i32
          %add3A_352 = vector.broadcast %add3A_351 : i32 to vector<16xi32>
          %add3A_353 = arith.addi %iota3A, %add3A_352 : vector<16xi32>
          tpu.vector_store_idx %arg15[%add3A_350, %add3A_353], %gather3A_345 : memref<32x64xf32, #tpu.memory_space<vmem>>[vector<16xi32>, vector<16xi32>], vector<16xf32>,
          %add3A_354 = arith.constant 48 : i32
          %add3A_355 = vector.broadcast %add3A_354 : i32 to vector<16xi32>
          %add3A_356 = arith.addi %iota3A, %add3A_355 : vector<16xi32>
          %mul3A_357 = arith.constant 0 : i32
          %mul3A_358 = vector.broadcast %mul3A_357 : i32 to vector<16xi32>
          %mul3A_359 = arith.muli %iota3A, %mul3A_358 : vector<16xi32>
          %add3A_360 = vector.broadcast %sub3A_290 : i32 to vector<16xi32>
          %add3A_361 = arith.addi %add3A_360, %mul3A_359 : vector<16xi32>
          %gather3A_362 = tpu.vector_load_idx %arg12[%add3A_356, %add3A_361] : memref<64x512xf32, #tpu.memory_space<vmem>>[vector<16xi32>, vector<16xi32>], vector<16xf32>,
          %mul3A_363 = arith.constant 0 : i32
          %mul3A_364 = vector.broadcast %mul3A_363 : i32 to vector<16xi32>
          %mul3A_365 = arith.muli %iota3A, %mul3A_364 : vector<16xi32>
          %add3A_366 = vector.broadcast %and3A_303 : i32 to vector<16xi32>
          %add3A_367 = arith.addi %add3A_366, %mul3A_365 : vector<16xi32>
          %add3A_368 = arith.constant 48 : i32
          %add3A_369 = vector.broadcast %add3A_368 : i32 to vector<16xi32>
          %add3A_370 = arith.addi %iota3A, %add3A_369 : vector<16xi32>
          tpu.vector_store_idx %arg15[%add3A_367, %add3A_370], %gather3A_362 : memref<32x64xf32, #tpu.memory_space<vmem>>[vector<16xi32>, vector<16xi32>], vector<16xf32>,
          %dma_start3A_371 = arith.constant 0 : i32
          %dma_start3A_372 = tpu.memref_slice %arg15[%and3A_303, %dma_start3A_371] : memref<32x64xf32, #tpu.memory_space<vmem>> -> memref<1x64xf32, #tpu.memory_space<vmem>>
          %dma_start3A_373 = arith.constant 0 : i32
          %dma_start3A_374 = tpu.memref_slice %arg6[%reduce_max3A_301, %dma_start3A_373] : memref<16384x64xf32, #tpu.memory_space<hbm>> -> memref<1x64xf32, #tpu.memory_space<hbm>>
          %dma_start3A_375 = arith.constant 0 : i32
          %dma_start3A_376 = tpu.memref_slice %arg6[%reduce_max3A_301, %dma_start3A_375] : memref<16384x64xf32, #tpu.memory_space<hbm>> -> memref<1x64xf32, #tpu.memory_space<hbm>>
          %dma_start3A_377 = arith.constant 0 : i32
          %dma_start3A_378 = tpu.memref_slice %arg15[%and3A_303, %dma_start3A_377] : memref<32x64xf32, #tpu.memory_space<vmem>> -> memref<1x64xf32, #tpu.memory_space<vmem>>
          tpu.enqueue_dma source(%dma_start3A_378 : memref<1x64xf32, #tpu.memory_space<vmem>>) target(%dma_start3A_376 : memref<1x64xf32, #tpu.memory_space<hbm>>) target_semaphore(%arg20 : memref<!tpu.dma_semaphore, #tpu.memory_space<semaphore_mem>>)
          %not3A = arith.constant dense<true> : vector<16xi1>
          %not3A_379 = arith.xori %eq3A_280, %not3A : vector<16xi1>
          %and3A_380 = arith.andi %while3A_275, %not3A_379 : vector<16xi1>
          %add3A_381 = arith.constant 1 : i32
          %add3A_382 = arith.addi %while3A_276, %add3A_381 : i32
          scf.yield %and3A_380, %add3A_382 : vector<16xi1>, i32
        }
        scf.yield %while3A_273#1, %add3A_262 : i32, i32
      }
      %add3A_203 = arith.constant 1 : i32
      %add3A_204 = arith.addi %add3A_173, %add3A_203 : i32
      %lt3A_205 = arith.cmpi slt, %add3A_204, %select_n3A_96 : i32
      %convert_element_type3A_206 = arith.extui %lt3A_205 : i1 to i32
      %cond3A_207 = arith.constant 0 : i32
      %cond3A_208 = arith.cmpi ne, %convert_element_type3A_206, %cond3A_207 : i32
      scf.if %cond3A_208 {
        %add3A_231 = arith.constant 1 : i32
        %add3A_232 = arith.addi %add3A_173, %add3A_231 : i32
        %mul3A_233 = arith.constant 512 : i32
        %mul3A_234 = arith.muli %add3A_232, %mul3A_233 : i32
        %add3A_235 = arith.addi %mul3A_2, %mul3A_234 : i32
        %dma_start3A_236 = arith.constant 0 : i32
        %dma_start3A_237 = tpu.memref_slice %arg4[%dma_start3A_236, %add3A_235] : memref<64x1000001xf32, #tpu.memory_space<hbm>> -> memref<64x512xf32, #tpu.memory_space<hbm>>
        %dma_start3A_238 = arith.constant 0 : i32
        %dma_start3A_239 = tpu.memref_slice %arg4[%dma_start3A_238, %add3A_235] : memref<64x1000001xf32, #tpu.memory_space<hbm>> -> memref<64x512xf32, #tpu.memory_space<hbm>>
        tpu.enqueue_dma source(%dma_start3A_239 : memref<64x512xf32, #tpu.memory_space<hbm>>) target(%arg12 : memref<64x512xf32, #tpu.memory_space<vmem>>) target_semaphore(%arg18 : memref<!tpu.dma_semaphore, #tpu.memory_space<semaphore_mem>>)
      } else {
      }
      %lt3A_209 = arith.cmpi slt, %add3A_173, %select_n3A_96 : i32
      %convert_element_type3A_210 = arith.extui %lt3A_209 : i1 to i32
      %cond3A_211 = arith.constant 0 : i32
      %cond3A_212 = arith.cmpi ne, %convert_element_type3A_210, %cond3A_211 : i32
      scf.if %cond3A_212 {
        %dma_wait3A_231 = arith.constant 0 : i32
        %dma_wait3A_232 = arith.constant 0 : i32
        %dma_wait3A_233 = tpu.memref_slice %arg4[%dma_wait3A_231, %dma_wait3A_232] : memref<64x1000001xf32, #tpu.memory_space<hbm>> -> memref<64x512xf32, #tpu.memory_space<hbm>>
        %dma_wait3A_234 = arith.constant 0 : i32
        %dma_wait3A_235 = arith.constant 0 : i32
        %dma_wait3A_236 = tpu.memref_slice %arg4[%dma_wait3A_234, %dma_wait3A_235] : memref<64x1000001xf32, #tpu.memory_space<hbm>> -> memref<64x512xf32, #tpu.memory_space<hbm>>
        tpu.wait_dma2 semaphore(%arg19 : memref<!tpu.dma_semaphore, #tpu.memory_space<semaphore_mem>>) src(%dma_wait3A_236 : memref<64x512xf32, #tpu.memory_space<hbm>>) dst(%arg13 : memref<64x512xf32, #tpu.memory_space<vmem>>)
      } else {
      }
      %mul3A_213 = arith.constant 512 : i32
      %mul3A_214 = arith.muli %add3A_173, %mul3A_213 : i32
      %add3A_215 = arith.addi %mul3A_2, %mul3A_214 : i32
      %lt3A_216 = arith.cmpi slt, %add3A_173, %select_n3A_96 : i32
      %add3A_217 = arith.constant 512 : i32
      %add3A_218 = arith.addi %add3A_215, %add3A_217 : i32
      %select_n3A_219 = arith.select %lt3A_216, %add3A_218, %add3A_215 : i32
      %while3A_220 = arith.constant 0 : i32
      %while3A_221 = arith.subi %select_n3A_91, %while3A_220 : i32
      %while3A_222 = arith.addi %while3A_220, %while3A_221 : i32
      %while3A_223 = arith.constant 1 : i32
      %while3A_224 = arith.divsi %while3A_221, %while3A_223 : i32
      %while3A_225 = arith.muli %while3A_224, %while3A_223 : i32
      %while3A_226 = arith.addi %while3A_220, %while3A_225 : i32
      %while3A_227 = arith.constant 1 : i32
      %while3A_228:2 = scf.for %while3A_231 = %while3A_220 to %while3A_226 step %while3A_227 iter_args(%while3A_232 = %while3A_202#0, %while3A_233 = %while3A_202#1) -> (i32, i32)  : i32 {
        %mul3A_234 = arith.constant 16 : i32
        %mul3A_235 = arith.muli %while3A_231, %mul3A_234 : i32
        %get3A = arith.index_cast %mul3A_235 : i32 to index
        %get3A_236 = tpu.vector_load %arg10[%get3A] {strides = array<i32>} : memref<16384xi32, #tpu.memory_space<vmem>>, vector<16xi32>,
        %mul3A_237 = arith.constant 16 : i32
        %mul3A_238 = arith.muli %while3A_231, %mul3A_237 : i32
        %get3A_239 = arith.index_cast %mul3A_238 : i32 to index
        %get3A_240 = tpu.vector_load %arg11[%get3A_239] {strides = array<i32>} : memref<16384xi32, #tpu.memory_space<vmem>>, vector<16xi32>,
        %mul3A_241 = arith.constant 16 : i32
        %mul3A_242 = arith.muli %while3A_231, %mul3A_241 : i32
        %add3A_243 = vector.broadcast %mul3A_242 : i32 to vector<16xi32>
        %add3A_244 = arith.addi %iota3A, %add3A_243 : vector<16xi32>
        %lt3A_245 = vector.broadcast %scan3A_68 : i32 to vector<16xi32>
        %lt3A_246 = arith.cmpi slt, %add3A_244, %lt3A_245 : vector<16xi32>
        %ge3A = vector.broadcast %add3A_215 : i32 to vector<16xi32>
        %ge3A_247 = arith.cmpi sge, %get3A_236, %ge3A : vector<16xi32>
        %and3A_248 = arith.andi %lt3A_246, %ge3A_247 : vector<16xi1>
        %lt3A_249 = vector.broadcast %select_n3A_219 : i32 to vector<16xi32>
        %lt3A_250 = arith.cmpi slt, %get3A_236, %lt3A_249 : vector<16xi32>
        %and3A_251 = arith.andi %and3A_248, %lt3A_250 : vector<16xi1>
        %all_reduce_population_count3A = tpu.all_reduce %and3A_251 {dim = 0 : i64, kind = #tpu.reduction_kind<sum>} : vector<16xi1> -> vector<16xi32>
        %slice3A = vector.extract_strided_slice %all_reduce_population_count3A {offsets = [0], sizes = [1], strides = [1]} : vector<16xi32> to vector<1xi32>
        %squeeze3A = vector.extract %slice3A[0] : i32 from vector<1xi32>
        %sub3A_252 = arith.subi %while3A_232, %while3A_233 : i32
        %add3A_253 = arith.addi %sub3A_252, %squeeze3A : i32
        %gt3A_254 = arith.constant 32 : i32
        %gt3A_255 = arith.cmpi sgt, %add3A_253, %gt3A_254 : i32
        %sub3A_256 = arith.subi %while3A_232, %while3A_233 : i32
        %jit3A_257 = arith.constant 0 : i32
        %select_n3A_258 = arith.select %gt3A_255, %sub3A_256, %jit3A_257 : i32
        %convert_element_type3A_259 = arith.extui %gt3A_255 : i1 to i32
        %cond3A_260 = arith.constant 0 : i32
        %cond3A_261 = arith.cmpi ne, %convert_element_type3A_259, %cond3A_260 : i32
        scf.if %cond3A_261 {
          %while3A_274 = arith.constant 0 : i32
          %while3A_275 = arith.constant 0 : i32
          %while3A_276 = arith.subi %select_n3A_258, %while3A_274 : i32
          %while3A_277 = arith.addi %while3A_274, %while3A_276 : i32
          %while3A_278 = arith.constant 1 : i32
          %while3A_279 = arith.divsi %while3A_276, %while3A_278 : i32
          %while3A_280 = arith.muli %while3A_279, %while3A_278 : i32
          %while3A_281 = arith.addi %while3A_274, %while3A_280 : i32
          %while3A_282 = arith.constant 1 : i32
          %while3A_283 = scf.for %while3A_286 = %while3A_274 to %while3A_281 step %while3A_282 iter_args(%while3A_287 = %while3A_275) -> (i32)  : i32 {
            %dma_wait3A_288 = arith.constant 0 : i32
            %dma_wait3A_289 = arith.constant 0 : i32
            %dma_wait3A_290 = tpu.memref_slice %arg15[%dma_wait3A_288, %dma_wait3A_289] : memref<32x64xf32, #tpu.memory_space<vmem>> -> memref<1x64xf32, #tpu.memory_space<vmem>>
            %dma_wait3A_291 = arith.constant 0 : i32
            %dma_wait3A_292 = arith.constant 0 : i32
            %dma_wait3A_293 = tpu.memref_slice %arg6[%dma_wait3A_291, %dma_wait3A_292] : memref<16384x64xf32, #tpu.memory_space<hbm>> -> memref<1x64xf32, #tpu.memory_space<hbm>>
            %dma_wait3A_294 = arith.constant 0 : i32
            %dma_wait3A_295 = arith.constant 0 : i32
            %dma_wait3A_296 = tpu.memref_slice %arg6[%dma_wait3A_294, %dma_wait3A_295] : memref<16384x64xf32, #tpu.memory_space<hbm>> -> memref<1x64xf32, #tpu.memory_space<hbm>>
            %dma_wait3A_297 = arith.constant 0 : i32
            %dma_wait3A_298 = arith.constant 0 : i32
            %dma_wait3A_299 = tpu.memref_slice %arg15[%dma_wait3A_297, %dma_wait3A_298] : memref<32x64xf32, #tpu.memory_space<vmem>> -> memref<1x64xf32, #tpu.memory_space<vmem>>
            tpu.wait_dma2 semaphore(%arg20 : memref<!tpu.dma_semaphore, #tpu.memory_space<semaphore_mem>>) src(%dma_wait3A_299 : memref<1x64xf32, #tpu.memory_space<vmem>>) dst(%dma_wait3A_296 : memref<1x64xf32, #tpu.memory_space<hbm>>)
            %while3A_300 = arith.constant 0 : i32
            scf.yield %while3A_300 : i32
          }
          %while3A_284 = arith.constant 1 : i32
          %while3A_285 = scf.for %while3A_286 = %while3A_281 to %while3A_277 step %while3A_284 iter_args(%while3A_287 = %while3A_283) -> (i32)  : i32 {
            %dma_wait3A_288 = arith.constant 0 : i32
            %dma_wait3A_289 = arith.constant 0 : i32
            %dma_wait3A_290 = tpu.memref_slice %arg15[%dma_wait3A_288, %dma_wait3A_289] : memref<32x64xf32, #tpu.memory_space<vmem>> -> memref<1x64xf32, #tpu.memory_space<vmem>>
            %dma_wait3A_291 = arith.constant 0 : i32
            %dma_wait3A_292 = arith.constant 0 : i32
            %dma_wait3A_293 = tpu.memref_slice %arg6[%dma_wait3A_291, %dma_wait3A_292] : memref<16384x64xf32, #tpu.memory_space<hbm>> -> memref<1x64xf32, #tpu.memory_space<hbm>>
            %dma_wait3A_294 = arith.constant 0 : i32
            %dma_wait3A_295 = arith.constant 0 : i32
            %dma_wait3A_296 = tpu.memref_slice %arg6[%dma_wait3A_294, %dma_wait3A_295] : memref<16384x64xf32, #tpu.memory_space<hbm>> -> memref<1x64xf32, #tpu.memory_space<hbm>>
            %dma_wait3A_297 = arith.constant 0 : i32
            %dma_wait3A_298 = arith.constant 0 : i32
            %dma_wait3A_299 = tpu.memref_slice %arg15[%dma_wait3A_297, %dma_wait3A_298] : memref<32x64xf32, #tpu.memory_space<vmem>> -> memref<1x64xf32, #tpu.memory_space<vmem>>
            tpu.wait_dma2 semaphore(%arg20 : memref<!tpu.dma_semaphore, #tpu.memory_space<semaphore_mem>>) src(%dma_wait3A_299 : memref<1x64xf32, #tpu.memory_space<vmem>>) dst(%dma_wait3A_296 : memref<1x64xf32, #tpu.memory_space<hbm>>)
            %while3A_300 = arith.constant 0 : i32
            scf.yield %while3A_300 : i32
          }
        } else {
        }
        %add3A_262 = arith.addi %while3A_233, %select_n3A_258 : i32
        %while3A_263 = arith.constant 0 : i32
        %while3A_264 = arith.subi %squeeze3A, %while3A_263 : i32
        %while3A_265 = arith.addi %while3A_263, %while3A_264 : i32
        %while3A_266 = arith.constant 1 : i32
        %while3A_267 = arith.divsi %while3A_264, %while3A_266 : i32
        %while3A_268 = arith.muli %while3A_267, %while3A_266 : i32
        %while3A_269 = arith.addi %while3A_263, %while3A_268 : i32
        %while3A_270 = arith.constant 1 : i32
        %while3A_271:2 = scf.for %while3A_274 = %while3A_263 to %while3A_269 step %while3A_270 iter_args(%while3A_275 = %and3A_251, %while3A_276 = %while3A_232) -> (vector<16xi1>, i32)  : i32 {
          %all_reduce_ffs3A = tpu.all_reduce %while3A_275 {dim = 0 : i64, kind = #tpu.reduction_kind<find_first_set>} : vector<16xi1> -> vector<16xi32>
          %slice3A_277 = vector.extract_strided_slice %all_reduce_ffs3A {offsets = [0], sizes = [1], strides = [1]} : vector<16xi32> to vector<1xi32>
          %squeeze3A_278 = vector.extract %slice3A_277[0] : i32 from vector<1xi32>
          %eq3A_279 = vector.broadcast %squeeze3A_278 : i32 to vector<16xi32>
          %eq3A_280 = arith.cmpi eq, %iota3A, %eq3A_279 : vector<16xi32>
          %jit3A_281 = arith.constant 0 : i32
          %broadcast_in_dim3A = vector.broadcast %jit3A_281 : i32 to vector<16xi32>
          %select_n3A_282 = arith.select %eq3A_280, %get3A_236, %broadcast_in_dim3A : vector<16xi1>, vector<16xi32>
          %reduce_max3A = arith.constant true
          %reduce_max3A_283 = vector.broadcast %reduce_max3A : i1 to vector<16xi1>
          %reduce_max3A_284 = arith.constant -2147483648 : i32
          %reduce_max3A_285 = vector.broadcast %reduce_max3A_284 : i32 to vector<16xi32>
          %reduce_max3A_286 = arith.xori %select_n3A_282, %reduce_max3A_285 : vector<16xi32>
          %reduce_max3A_287 = tpu.scan <max>, %reduce_max3A_286 masked %reduce_max3A_283 : vector<16xi32>, vector<16xi1> -> vector<16xi32>
          %reduce_max3A_288 = arith.xori %reduce_max3A_287, %reduce_max3A_285 : vector<16xi32>
          %reduce_max3A_289 = vector.extract %reduce_max3A_288[15] : i32 from vector<16xi32>
          %sub3A_290 = arith.subi %reduce_max3A_289, %add3A_215 : i32
          %jit3A_291 = arith.constant 0 : i32
          %broadcast_in_dim3A_292 = vector.broadcast %jit3A_291 : i32 to vector<16xi32>
          %select_n3A_293 = arith.select %eq3A_280, %get3A_240, %broadcast_in_dim3A_292 : vector<16xi1>, vector<16xi32>
          %reduce_max3A_294 = arith.constant true
          %reduce_max3A_295 = vector.broadcast %reduce_max3A_294 : i1 to vector<16xi1>
          %reduce_max3A_296 = arith.constant -2147483648 : i32
          %reduce_max3A_297 = vector.broadcast %reduce_max3A_296 : i32 to vector<16xi32>
          %reduce_max3A_298 = arith.xori %select_n3A_293, %reduce_max3A_297 : vector<16xi32>
          %reduce_max3A_299 = tpu.scan <max>, %reduce_max3A_298 masked %reduce_max3A_295 : vector<16xi32>, vector<16xi1> -> vector<16xi32>
          %reduce_max3A_300 = arith.xori %reduce_max3A_299, %reduce_max3A_297 : vector<16xi32>
          %reduce_max3A_301 = vector.extract %reduce_max3A_300[15] : i32 from vector<16xi32>
          %and3A_302 = arith.constant 31 : i32
          %and3A_303 = arith.andi %while3A_276, %and3A_302 : i32
          %add3A_304 = arith.constant 0 : i32
          %add3A_305 = vector.broadcast %add3A_304 : i32 to vector<16xi32>
          %add3A_306 = arith.addi %iota3A, %add3A_305 : vector<16xi32>
          %mul3A_307 = arith.constant 0 : i32
          %mul3A_308 = vector.broadcast %mul3A_307 : i32 to vector<16xi32>
          %mul3A_309 = arith.muli %iota3A, %mul3A_308 : vector<16xi32>
          %add3A_310 = vector.broadcast %sub3A_290 : i32 to vector<16xi32>
          %add3A_311 = arith.addi %add3A_310, %mul3A_309 : vector<16xi32>
          %gather3A = tpu.vector_load_idx %arg13[%add3A_306, %add3A_311] : memref<64x512xf32, #tpu.memory_space<vmem>>[vector<16xi32>, vector<16xi32>], vector<16xf32>,
          %mul3A_312 = arith.constant 0 : i32
          %mul3A_313 = vector.broadcast %mul3A_312 : i32 to vector<16xi32>
          %mul3A_314 = arith.muli %iota3A, %mul3A_313 : vector<16xi32>
          %add3A_315 = vector.broadcast %and3A_303 : i32 to vector<16xi32>
          %add3A_316 = arith.addi %add3A_315, %mul3A_314 : vector<16xi32>
          %add3A_317 = arith.constant 0 : i32
          %add3A_318 = vector.broadcast %add3A_317 : i32 to vector<16xi32>
          %add3A_319 = arith.addi %iota3A, %add3A_318 : vector<16xi32>
          tpu.vector_store_idx %arg15[%add3A_316, %add3A_319], %gather3A : memref<32x64xf32, #tpu.memory_space<vmem>>[vector<16xi32>, vector<16xi32>], vector<16xf32>,
          %add3A_320 = arith.constant 16 : i32
          %add3A_321 = vector.broadcast %add3A_320 : i32 to vector<16xi32>
          %add3A_322 = arith.addi %iota3A, %add3A_321 : vector<16xi32>
          %mul3A_323 = arith.constant 0 : i32
          %mul3A_324 = vector.broadcast %mul3A_323 : i32 to vector<16xi32>
          %mul3A_325 = arith.muli %iota3A, %mul3A_324 : vector<16xi32>
          %add3A_326 = vector.broadcast %sub3A_290 : i32 to vector<16xi32>
          %add3A_327 = arith.addi %add3A_326, %mul3A_325 : vector<16xi32>
          %gather3A_328 = tpu.vector_load_idx %arg13[%add3A_322, %add3A_327] : memref<64x512xf32, #tpu.memory_space<vmem>>[vector<16xi32>, vector<16xi32>], vector<16xf32>,
          %mul3A_329 = arith.constant 0 : i32
          %mul3A_330 = vector.broadcast %mul3A_329 : i32 to vector<16xi32>
          %mul3A_331 = arith.muli %iota3A, %mul3A_330 : vector<16xi32>
          %add3A_332 = vector.broadcast %and3A_303 : i32 to vector<16xi32>
          %add3A_333 = arith.addi %add3A_332, %mul3A_331 : vector<16xi32>
          %add3A_334 = arith.constant 16 : i32
          %add3A_335 = vector.broadcast %add3A_334 : i32 to vector<16xi32>
          %add3A_336 = arith.addi %iota3A, %add3A_335 : vector<16xi32>
          tpu.vector_store_idx %arg15[%add3A_333, %add3A_336], %gather3A_328 : memref<32x64xf32, #tpu.memory_space<vmem>>[vector<16xi32>, vector<16xi32>], vector<16xf32>,
          %add3A_337 = arith.constant 32 : i32
          %add3A_338 = vector.broadcast %add3A_337 : i32 to vector<16xi32>
          %add3A_339 = arith.addi %iota3A, %add3A_338 : vector<16xi32>
          %mul3A_340 = arith.constant 0 : i32
          %mul3A_341 = vector.broadcast %mul3A_340 : i32 to vector<16xi32>
          %mul3A_342 = arith.muli %iota3A, %mul3A_341 : vector<16xi32>
          %add3A_343 = vector.broadcast %sub3A_290 : i32 to vector<16xi32>
          %add3A_344 = arith.addi %add3A_343, %mul3A_342 : vector<16xi32>
          %gather3A_345 = tpu.vector_load_idx %arg13[%add3A_339, %add3A_344] : memref<64x512xf32, #tpu.memory_space<vmem>>[vector<16xi32>, vector<16xi32>], vector<16xf32>,
          %mul3A_346 = arith.constant 0 : i32
          %mul3A_347 = vector.broadcast %mul3A_346 : i32 to vector<16xi32>
          %mul3A_348 = arith.muli %iota3A, %mul3A_347 : vector<16xi32>
          %add3A_349 = vector.broadcast %and3A_303 : i32 to vector<16xi32>
          %add3A_350 = arith.addi %add3A_349, %mul3A_348 : vector<16xi32>
          %add3A_351 = arith.constant 32 : i32
          %add3A_352 = vector.broadcast %add3A_351 : i32 to vector<16xi32>
          %add3A_353 = arith.addi %iota3A, %add3A_352 : vector<16xi32>
          tpu.vector_store_idx %arg15[%add3A_350, %add3A_353], %gather3A_345 : memref<32x64xf32, #tpu.memory_space<vmem>>[vector<16xi32>, vector<16xi32>], vector<16xf32>,
          %add3A_354 = arith.constant 48 : i32
          %add3A_355 = vector.broadcast %add3A_354 : i32 to vector<16xi32>
          %add3A_356 = arith.addi %iota3A, %add3A_355 : vector<16xi32>
          %mul3A_357 = arith.constant 0 : i32
          %mul3A_358 = vector.broadcast %mul3A_357 : i32 to vector<16xi32>
          %mul3A_359 = arith.muli %iota3A, %mul3A_358 : vector<16xi32>
          %add3A_360 = vector.broadcast %sub3A_290 : i32 to vector<16xi32>
          %add3A_361 = arith.addi %add3A_360, %mul3A_359 : vector<16xi32>
          %gather3A_362 = tpu.vector_load_idx %arg13[%add3A_356, %add3A_361] : memref<64x512xf32, #tpu.memory_space<vmem>>[vector<16xi32>, vector<16xi32>], vector<16xf32>,
          %mul3A_363 = arith.constant 0 : i32
          %mul3A_364 = vector.broadcast %mul3A_363 : i32 to vector<16xi32>
          %mul3A_365 = arith.muli %iota3A, %mul3A_364 : vector<16xi32>
          %add3A_366 = vector.broadcast %and3A_303 : i32 to vector<16xi32>
          %add3A_367 = arith.addi %add3A_366, %mul3A_365 : vector<16xi32>
          %add3A_368 = arith.constant 48 : i32
          %add3A_369 = vector.broadcast %add3A_368 : i32 to vector<16xi32>
          %add3A_370 = arith.addi %iota3A, %add3A_369 : vector<16xi32>
          tpu.vector_store_idx %arg15[%add3A_367, %add3A_370], %gather3A_362 : memref<32x64xf32, #tpu.memory_space<vmem>>[vector<16xi32>, vector<16xi32>], vector<16xf32>,
          %dma_start3A_371 = arith.constant 0 : i32
          %dma_start3A_372 = tpu.memref_slice %arg15[%and3A_303, %dma_start3A_371] : memref<32x64xf32, #tpu.memory_space<vmem>> -> memref<1x64xf32, #tpu.memory_space<vmem>>
          %dma_start3A_373 = arith.constant 0 : i32
          %dma_start3A_374 = tpu.memref_slice %arg6[%reduce_max3A_301, %dma_start3A_373] : memref<16384x64xf32, #tpu.memory_space<hbm>> -> memref<1x64xf32, #tpu.memory_space<hbm>>
          %dma_start3A_375 = arith.constant 0 : i32
          %dma_start3A_376 = tpu.memref_slice %arg6[%reduce_max3A_301, %dma_start3A_375] : memref<16384x64xf32, #tpu.memory_space<hbm>> -> memref<1x64xf32, #tpu.memory_space<hbm>>
          %dma_start3A_377 = arith.constant 0 : i32
          %dma_start3A_378 = tpu.memref_slice %arg15[%and3A_303, %dma_start3A_377] : memref<32x64xf32, #tpu.memory_space<vmem>> -> memref<1x64xf32, #tpu.memory_space<vmem>>
          tpu.enqueue_dma source(%dma_start3A_378 : memref<1x64xf32, #tpu.memory_space<vmem>>) target(%dma_start3A_376 : memref<1x64xf32, #tpu.memory_space<hbm>>) target_semaphore(%arg20 : memref<!tpu.dma_semaphore, #tpu.memory_space<semaphore_mem>>)
          %not3A = arith.constant dense<true> : vector<16xi1>
          %not3A_379 = arith.xori %eq3A_280, %not3A : vector<16xi1>
          %and3A_380 = arith.andi %while3A_275, %not3A_379 : vector<16xi1>
          %add3A_381 = arith.constant 1 : i32
          %add3A_382 = arith.addi %while3A_276, %add3A_381 : i32
          scf.yield %and3A_380, %add3A_382 : vector<16xi1>, i32
        }
        %while3A_272 = arith.constant 1 : i32
        %while3A_273:2 = scf.for %while3A_274 = %while3A_269 to %while3A_265 step %while3A_272 iter_args(%while3A_275 = %while3A_271#0, %while3A_276 = %while3A_271#1) -> (vector<16xi1>, i32)  : i32 {
          %all_reduce_ffs3A = tpu.all_reduce %while3A_275 {dim = 0 : i64, kind = #tpu.reduction_kind<find_first_set>} : vector<16xi1> -> vector<16xi32>
          %slice3A_277 = vector.extract_strided_slice %all_reduce_ffs3A {offsets = [0], sizes = [1], strides = [1]} : vector<16xi32> to vector<1xi32>
          %squeeze3A_278 = vector.extract %slice3A_277[0] : i32 from vector<1xi32>
          %eq3A_279 = vector.broadcast %squeeze3A_278 : i32 to vector<16xi32>
          %eq3A_280 = arith.cmpi eq, %iota3A, %eq3A_279 : vector<16xi32>
          %jit3A_281 = arith.constant 0 : i32
          %broadcast_in_dim3A = vector.broadcast %jit3A_281 : i32 to vector<16xi32>
          %select_n3A_282 = arith.select %eq3A_280, %get3A_236, %broadcast_in_dim3A : vector<16xi1>, vector<16xi32>
          %reduce_max3A = arith.constant true
          %reduce_max3A_283 = vector.broadcast %reduce_max3A : i1 to vector<16xi1>
          %reduce_max3A_284 = arith.constant -2147483648 : i32
          %reduce_max3A_285 = vector.broadcast %reduce_max3A_284 : i32 to vector<16xi32>
          %reduce_max3A_286 = arith.xori %select_n3A_282, %reduce_max3A_285 : vector<16xi32>
          %reduce_max3A_287 = tpu.scan <max>, %reduce_max3A_286 masked %reduce_max3A_283 : vector<16xi32>, vector<16xi1> -> vector<16xi32>
          %reduce_max3A_288 = arith.xori %reduce_max3A_287, %reduce_max3A_285 : vector<16xi32>
          %reduce_max3A_289 = vector.extract %reduce_max3A_288[15] : i32 from vector<16xi32>
          %sub3A_290 = arith.subi %reduce_max3A_289, %add3A_215 : i32
          %jit3A_291 = arith.constant 0 : i32
          %broadcast_in_dim3A_292 = vector.broadcast %jit3A_291 : i32 to vector<16xi32>
          %select_n3A_293 = arith.select %eq3A_280, %get3A_240, %broadcast_in_dim3A_292 : vector<16xi1>, vector<16xi32>
          %reduce_max3A_294 = arith.constant true
          %reduce_max3A_295 = vector.broadcast %reduce_max3A_294 : i1 to vector<16xi1>
          %reduce_max3A_296 = arith.constant -2147483648 : i32
          %reduce_max3A_297 = vector.broadcast %reduce_max3A_296 : i32 to vector<16xi32>
          %reduce_max3A_298 = arith.xori %select_n3A_293, %reduce_max3A_297 : vector<16xi32>
          %reduce_max3A_299 = tpu.scan <max>, %reduce_max3A_298 masked %reduce_max3A_295 : vector<16xi32>, vector<16xi1> -> vector<16xi32>
          %reduce_max3A_300 = arith.xori %reduce_max3A_299, %reduce_max3A_297 : vector<16xi32>
          %reduce_max3A_301 = vector.extract %reduce_max3A_300[15] : i32 from vector<16xi32>
          %and3A_302 = arith.constant 31 : i32
          %and3A_303 = arith.andi %while3A_276, %and3A_302 : i32
          %add3A_304 = arith.constant 0 : i32
          %add3A_305 = vector.broadcast %add3A_304 : i32 to vector<16xi32>
          %add3A_306 = arith.addi %iota3A, %add3A_305 : vector<16xi32>
          %mul3A_307 = arith.constant 0 : i32
          %mul3A_308 = vector.broadcast %mul3A_307 : i32 to vector<16xi32>
          %mul3A_309 = arith.muli %iota3A, %mul3A_308 : vector<16xi32>
          %add3A_310 = vector.broadcast %sub3A_290 : i32 to vector<16xi32>
          %add3A_311 = arith.addi %add3A_310, %mul3A_309 : vector<16xi32>
          %gather3A = tpu.vector_load_idx %arg13[%add3A_306, %add3A_311] : memref<64x512xf32, #tpu.memory_space<vmem>>[vector<16xi32>, vector<16xi32>], vector<16xf32>,
          %mul3A_312 = arith.constant 0 : i32
          %mul3A_313 = vector.broadcast %mul3A_312 : i32 to vector<16xi32>
          %mul3A_314 = arith.muli %iota3A, %mul3A_313 : vector<16xi32>
          %add3A_315 = vector.broadcast %and3A_303 : i32 to vector<16xi32>
          %add3A_316 = arith.addi %add3A_315, %mul3A_314 : vector<16xi32>
          %add3A_317 = arith.constant 0 : i32
          %add3A_318 = vector.broadcast %add3A_317 : i32 to vector<16xi32>
          %add3A_319 = arith.addi %iota3A, %add3A_318 : vector<16xi32>
          tpu.vector_store_idx %arg15[%add3A_316, %add3A_319], %gather3A : memref<32x64xf32, #tpu.memory_space<vmem>>[vector<16xi32>, vector<16xi32>], vector<16xf32>,
          %add3A_320 = arith.constant 16 : i32
          %add3A_321 = vector.broadcast %add3A_320 : i32 to vector<16xi32>
          %add3A_322 = arith.addi %iota3A, %add3A_321 : vector<16xi32>
          %mul3A_323 = arith.constant 0 : i32
          %mul3A_324 = vector.broadcast %mul3A_323 : i32 to vector<16xi32>
          %mul3A_325 = arith.muli %iota3A, %mul3A_324 : vector<16xi32>
          %add3A_326 = vector.broadcast %sub3A_290 : i32 to vector<16xi32>
          %add3A_327 = arith.addi %add3A_326, %mul3A_325 : vector<16xi32>
          %gather3A_328 = tpu.vector_load_idx %arg13[%add3A_322, %add3A_327] : memref<64x512xf32, #tpu.memory_space<vmem>>[vector<16xi32>, vector<16xi32>], vector<16xf32>,
          %mul3A_329 = arith.constant 0 : i32
          %mul3A_330 = vector.broadcast %mul3A_329 : i32 to vector<16xi32>
          %mul3A_331 = arith.muli %iota3A, %mul3A_330 : vector<16xi32>
          %add3A_332 = vector.broadcast %and3A_303 : i32 to vector<16xi32>
          %add3A_333 = arith.addi %add3A_332, %mul3A_331 : vector<16xi32>
          %add3A_334 = arith.constant 16 : i32
          %add3A_335 = vector.broadcast %add3A_334 : i32 to vector<16xi32>
          %add3A_336 = arith.addi %iota3A, %add3A_335 : vector<16xi32>
          tpu.vector_store_idx %arg15[%add3A_333, %add3A_336], %gather3A_328 : memref<32x64xf32, #tpu.memory_space<vmem>>[vector<16xi32>, vector<16xi32>], vector<16xf32>,
          %add3A_337 = arith.constant 32 : i32
          %add3A_338 = vector.broadcast %add3A_337 : i32 to vector<16xi32>
          %add3A_339 = arith.addi %iota3A, %add3A_338 : vector<16xi32>
          %mul3A_340 = arith.constant 0 : i32
          %mul3A_341 = vector.broadcast %mul3A_340 : i32 to vector<16xi32>
          %mul3A_342 = arith.muli %iota3A, %mul3A_341 : vector<16xi32>
          %add3A_343 = vector.broadcast %sub3A_290 : i32 to vector<16xi32>
          %add3A_344 = arith.addi %add3A_343, %mul3A_342 : vector<16xi32>
          %gather3A_345 = tpu.vector_load_idx %arg13[%add3A_339, %add3A_344] : memref<64x512xf32, #tpu.memory_space<vmem>>[vector<16xi32>, vector<16xi32>], vector<16xf32>,
          %mul3A_346 = arith.constant 0 : i32
          %mul3A_347 = vector.broadcast %mul3A_346 : i32 to vector<16xi32>
          %mul3A_348 = arith.muli %iota3A, %mul3A_347 : vector<16xi32>
          %add3A_349 = vector.broadcast %and3A_303 : i32 to vector<16xi32>
          %add3A_350 = arith.addi %add3A_349, %mul3A_348 : vector<16xi32>
          %add3A_351 = arith.constant 32 : i32
          %add3A_352 = vector.broadcast %add3A_351 : i32 to vector<16xi32>
          %add3A_353 = arith.addi %iota3A, %add3A_352 : vector<16xi32>
          tpu.vector_store_idx %arg15[%add3A_350, %add3A_353], %gather3A_345 : memref<32x64xf32, #tpu.memory_space<vmem>>[vector<16xi32>, vector<16xi32>], vector<16xf32>,
          %add3A_354 = arith.constant 48 : i32
          %add3A_355 = vector.broadcast %add3A_354 : i32 to vector<16xi32>
          %add3A_356 = arith.addi %iota3A, %add3A_355 : vector<16xi32>
          %mul3A_357 = arith.constant 0 : i32
          %mul3A_358 = vector.broadcast %mul3A_357 : i32 to vector<16xi32>
          %mul3A_359 = arith.muli %iota3A, %mul3A_358 : vector<16xi32>
          %add3A_360 = vector.broadcast %sub3A_290 : i32 to vector<16xi32>
          %add3A_361 = arith.addi %add3A_360, %mul3A_359 : vector<16xi32>
          %gather3A_362 = tpu.vector_load_idx %arg13[%add3A_356, %add3A_361] : memref<64x512xf32, #tpu.memory_space<vmem>>[vector<16xi32>, vector<16xi32>], vector<16xf32>,
          %mul3A_363 = arith.constant 0 : i32
          %mul3A_364 = vector.broadcast %mul3A_363 : i32 to vector<16xi32>
          %mul3A_365 = arith.muli %iota3A, %mul3A_364 : vector<16xi32>
          %add3A_366 = vector.broadcast %and3A_303 : i32 to vector<16xi32>
          %add3A_367 = arith.addi %add3A_366, %mul3A_365 : vector<16xi32>
          %add3A_368 = arith.constant 48 : i32
          %add3A_369 = vector.broadcast %add3A_368 : i32 to vector<16xi32>
          %add3A_370 = arith.addi %iota3A, %add3A_369 : vector<16xi32>
          tpu.vector_store_idx %arg15[%add3A_367, %add3A_370], %gather3A_362 : memref<32x64xf32, #tpu.memory_space<vmem>>[vector<16xi32>, vector<16xi32>], vector<16xf32>,
          %dma_start3A_371 = arith.constant 0 : i32
          %dma_start3A_372 = tpu.memref_slice %arg15[%and3A_303, %dma_start3A_371] : memref<32x64xf32, #tpu.memory_space<vmem>> -> memref<1x64xf32, #tpu.memory_space<vmem>>
          %dma_start3A_373 = arith.constant 0 : i32
          %dma_start3A_374 = tpu.memref_slice %arg6[%reduce_max3A_301, %dma_start3A_373] : memref<16384x64xf32, #tpu.memory_space<hbm>> -> memref<1x64xf32, #tpu.memory_space<hbm>>
          %dma_start3A_375 = arith.constant 0 : i32
          %dma_start3A_376 = tpu.memref_slice %arg6[%reduce_max3A_301, %dma_start3A_375] : memref<16384x64xf32, #tpu.memory_space<hbm>> -> memref<1x64xf32, #tpu.memory_space<hbm>>
          %dma_start3A_377 = arith.constant 0 : i32
          %dma_start3A_378 = tpu.memref_slice %arg15[%and3A_303, %dma_start3A_377] : memref<32x64xf32, #tpu.memory_space<vmem>> -> memref<1x64xf32, #tpu.memory_space<vmem>>
          tpu.enqueue_dma source(%dma_start3A_378 : memref<1x64xf32, #tpu.memory_space<vmem>>) target(%dma_start3A_376 : memref<1x64xf32, #tpu.memory_space<hbm>>) target_semaphore(%arg20 : memref<!tpu.dma_semaphore, #tpu.memory_space<semaphore_mem>>)
          %not3A = arith.constant dense<true> : vector<16xi1>
          %not3A_379 = arith.xori %eq3A_280, %not3A : vector<16xi1>
          %and3A_380 = arith.andi %while3A_275, %not3A_379 : vector<16xi1>
          %add3A_381 = arith.constant 1 : i32
          %add3A_382 = arith.addi %while3A_276, %add3A_381 : i32
          scf.yield %and3A_380, %add3A_382 : vector<16xi1>, i32
        }
        scf.yield %while3A_273#1, %add3A_262 : i32, i32
      }
      %while3A_229 = arith.constant 1 : i32
      %while3A_230:2 = scf.for %while3A_231 = %while3A_226 to %while3A_222 step %while3A_229 iter_args(%while3A_232 = %while3A_228#0, %while3A_233 = %while3A_228#1) -> (i32, i32)  : i32 {
        %mul3A_234 = arith.constant 16 : i32
        %mul3A_235 = arith.muli %while3A_231, %mul3A_234 : i32
        %get3A = arith.index_cast %mul3A_235 : i32 to index
        %get3A_236 = tpu.vector_load %arg10[%get3A] {strides = array<i32>} : memref<16384xi32, #tpu.memory_space<vmem>>, vector<16xi32>,
        %mul3A_237 = arith.constant 16 : i32
        %mul3A_238 = arith.muli %while3A_231, %mul3A_237 : i32
        %get3A_239 = arith.index_cast %mul3A_238 : i32 to index
        %get3A_240 = tpu.vector_load %arg11[%get3A_239] {strides = array<i32>} : memref<16384xi32, #tpu.memory_space<vmem>>, vector<16xi32>,
        %mul3A_241 = arith.constant 16 : i32
        %mul3A_242 = arith.muli %while3A_231, %mul3A_241 : i32
        %add3A_243 = vector.broadcast %mul3A_242 : i32 to vector<16xi32>
        %add3A_244 = arith.addi %iota3A, %add3A_243 : vector<16xi32>
        %lt3A_245 = vector.broadcast %scan3A_68 : i32 to vector<16xi32>
        %lt3A_246 = arith.cmpi slt, %add3A_244, %lt3A_245 : vector<16xi32>
        %ge3A = vector.broadcast %add3A_215 : i32 to vector<16xi32>
        %ge3A_247 = arith.cmpi sge, %get3A_236, %ge3A : vector<16xi32>
        %and3A_248 = arith.andi %lt3A_246, %ge3A_247 : vector<16xi1>
        %lt3A_249 = vector.broadcast %select_n3A_219 : i32 to vector<16xi32>
        %lt3A_250 = arith.cmpi slt, %get3A_236, %lt3A_249 : vector<16xi32>
        %and3A_251 = arith.andi %and3A_248, %lt3A_250 : vector<16xi1>
        %all_reduce_population_count3A = tpu.all_reduce %and3A_251 {dim = 0 : i64, kind = #tpu.reduction_kind<sum>} : vector<16xi1> -> vector<16xi32>
        %slice3A = vector.extract_strided_slice %all_reduce_population_count3A {offsets = [0], sizes = [1], strides = [1]} : vector<16xi32> to vector<1xi32>
        %squeeze3A = vector.extract %slice3A[0] : i32 from vector<1xi32>
        %sub3A_252 = arith.subi %while3A_232, %while3A_233 : i32
        %add3A_253 = arith.addi %sub3A_252, %squeeze3A : i32
        %gt3A_254 = arith.constant 32 : i32
        %gt3A_255 = arith.cmpi sgt, %add3A_253, %gt3A_254 : i32
        %sub3A_256 = arith.subi %while3A_232, %while3A_233 : i32
        %jit3A_257 = arith.constant 0 : i32
        %select_n3A_258 = arith.select %gt3A_255, %sub3A_256, %jit3A_257 : i32
        %convert_element_type3A_259 = arith.extui %gt3A_255 : i1 to i32
        %cond3A_260 = arith.constant 0 : i32
        %cond3A_261 = arith.cmpi ne, %convert_element_type3A_259, %cond3A_260 : i32
        scf.if %cond3A_261 {
          %while3A_274 = arith.constant 0 : i32
          %while3A_275 = arith.constant 0 : i32
          %while3A_276 = arith.subi %select_n3A_258, %while3A_274 : i32
          %while3A_277 = arith.addi %while3A_274, %while3A_276 : i32
          %while3A_278 = arith.constant 1 : i32
          %while3A_279 = arith.divsi %while3A_276, %while3A_278 : i32
          %while3A_280 = arith.muli %while3A_279, %while3A_278 : i32
          %while3A_281 = arith.addi %while3A_274, %while3A_280 : i32
          %while3A_282 = arith.constant 1 : i32
          %while3A_283 = scf.for %while3A_286 = %while3A_274 to %while3A_281 step %while3A_282 iter_args(%while3A_287 = %while3A_275) -> (i32)  : i32 {
            %dma_wait3A_288 = arith.constant 0 : i32
            %dma_wait3A_289 = arith.constant 0 : i32
            %dma_wait3A_290 = tpu.memref_slice %arg15[%dma_wait3A_288, %dma_wait3A_289] : memref<32x64xf32, #tpu.memory_space<vmem>> -> memref<1x64xf32, #tpu.memory_space<vmem>>
            %dma_wait3A_291 = arith.constant 0 : i32
            %dma_wait3A_292 = arith.constant 0 : i32
            %dma_wait3A_293 = tpu.memref_slice %arg6[%dma_wait3A_291, %dma_wait3A_292] : memref<16384x64xf32, #tpu.memory_space<hbm>> -> memref<1x64xf32, #tpu.memory_space<hbm>>
            %dma_wait3A_294 = arith.constant 0 : i32
            %dma_wait3A_295 = arith.constant 0 : i32
            %dma_wait3A_296 = tpu.memref_slice %arg6[%dma_wait3A_294, %dma_wait3A_295] : memref<16384x64xf32, #tpu.memory_space<hbm>> -> memref<1x64xf32, #tpu.memory_space<hbm>>
            %dma_wait3A_297 = arith.constant 0 : i32
            %dma_wait3A_298 = arith.constant 0 : i32
            %dma_wait3A_299 = tpu.memref_slice %arg15[%dma_wait3A_297, %dma_wait3A_298] : memref<32x64xf32, #tpu.memory_space<vmem>> -> memref<1x64xf32, #tpu.memory_space<vmem>>
            tpu.wait_dma2 semaphore(%arg20 : memref<!tpu.dma_semaphore, #tpu.memory_space<semaphore_mem>>) src(%dma_wait3A_299 : memref<1x64xf32, #tpu.memory_space<vmem>>) dst(%dma_wait3A_296 : memref<1x64xf32, #tpu.memory_space<hbm>>)
            %while3A_300 = arith.constant 0 : i32
            scf.yield %while3A_300 : i32
          }
          %while3A_284 = arith.constant 1 : i32
          %while3A_285 = scf.for %while3A_286 = %while3A_281 to %while3A_277 step %while3A_284 iter_args(%while3A_287 = %while3A_283) -> (i32)  : i32 {
            %dma_wait3A_288 = arith.constant 0 : i32
            %dma_wait3A_289 = arith.constant 0 : i32
            %dma_wait3A_290 = tpu.memref_slice %arg15[%dma_wait3A_288, %dma_wait3A_289] : memref<32x64xf32, #tpu.memory_space<vmem>> -> memref<1x64xf32, #tpu.memory_space<vmem>>
            %dma_wait3A_291 = arith.constant 0 : i32
            %dma_wait3A_292 = arith.constant 0 : i32
            %dma_wait3A_293 = tpu.memref_slice %arg6[%dma_wait3A_291, %dma_wait3A_292] : memref<16384x64xf32, #tpu.memory_space<hbm>> -> memref<1x64xf32, #tpu.memory_space<hbm>>
            %dma_wait3A_294 = arith.constant 0 : i32
            %dma_wait3A_295 = arith.constant 0 : i32
            %dma_wait3A_296 = tpu.memref_slice %arg6[%dma_wait3A_294, %dma_wait3A_295] : memref<16384x64xf32, #tpu.memory_space<hbm>> -> memref<1x64xf32, #tpu.memory_space<hbm>>
            %dma_wait3A_297 = arith.constant 0 : i32
            %dma_wait3A_298 = arith.constant 0 : i32
            %dma_wait3A_299 = tpu.memref_slice %arg15[%dma_wait3A_297, %dma_wait3A_298] : memref<32x64xf32, #tpu.memory_space<vmem>> -> memref<1x64xf32, #tpu.memory_space<vmem>>
            tpu.wait_dma2 semaphore(%arg20 : memref<!tpu.dma_semaphore, #tpu.memory_space<semaphore_mem>>) src(%dma_wait3A_299 : memref<1x64xf32, #tpu.memory_space<vmem>>) dst(%dma_wait3A_296 : memref<1x64xf32, #tpu.memory_space<hbm>>)
            %while3A_300 = arith.constant 0 : i32
            scf.yield %while3A_300 : i32
          }
        } else {
        }
        %add3A_262 = arith.addi %while3A_233, %select_n3A_258 : i32
        %while3A_263 = arith.constant 0 : i32
        %while3A_264 = arith.subi %squeeze3A, %while3A_263 : i32
        %while3A_265 = arith.addi %while3A_263, %while3A_264 : i32
        %while3A_266 = arith.constant 1 : i32
        %while3A_267 = arith.divsi %while3A_264, %while3A_266 : i32
        %while3A_268 = arith.muli %while3A_267, %while3A_266 : i32
        %while3A_269 = arith.addi %while3A_263, %while3A_268 : i32
        %while3A_270 = arith.constant 1 : i32
        %while3A_271:2 = scf.for %while3A_274 = %while3A_263 to %while3A_269 step %while3A_270 iter_args(%while3A_275 = %and3A_251, %while3A_276 = %while3A_232) -> (vector<16xi1>, i32)  : i32 {
          %all_reduce_ffs3A = tpu.all_reduce %while3A_275 {dim = 0 : i64, kind = #tpu.reduction_kind<find_first_set>} : vector<16xi1> -> vector<16xi32>
          %slice3A_277 = vector.extract_strided_slice %all_reduce_ffs3A {offsets = [0], sizes = [1], strides = [1]} : vector<16xi32> to vector<1xi32>
          %squeeze3A_278 = vector.extract %slice3A_277[0] : i32 from vector<1xi32>
          %eq3A_279 = vector.broadcast %squeeze3A_278 : i32 to vector<16xi32>
          %eq3A_280 = arith.cmpi eq, %iota3A, %eq3A_279 : vector<16xi32>
          %jit3A_281 = arith.constant 0 : i32
          %broadcast_in_dim3A = vector.broadcast %jit3A_281 : i32 to vector<16xi32>
          %select_n3A_282 = arith.select %eq3A_280, %get3A_236, %broadcast_in_dim3A : vector<16xi1>, vector<16xi32>
          %reduce_max3A = arith.constant true
          %reduce_max3A_283 = vector.broadcast %reduce_max3A : i1 to vector<16xi1>
          %reduce_max3A_284 = arith.constant -2147483648 : i32
          %reduce_max3A_285 = vector.broadcast %reduce_max3A_284 : i32 to vector<16xi32>
          %reduce_max3A_286 = arith.xori %select_n3A_282, %reduce_max3A_285 : vector<16xi32>
          %reduce_max3A_287 = tpu.scan <max>, %reduce_max3A_286 masked %reduce_max3A_283 : vector<16xi32>, vector<16xi1> -> vector<16xi32>
          %reduce_max3A_288 = arith.xori %reduce_max3A_287, %reduce_max3A_285 : vector<16xi32>
          %reduce_max3A_289 = vector.extract %reduce_max3A_288[15] : i32 from vector<16xi32>
          %sub3A_290 = arith.subi %reduce_max3A_289, %add3A_215 : i32
          %jit3A_291 = arith.constant 0 : i32
          %broadcast_in_dim3A_292 = vector.broadcast %jit3A_291 : i32 to vector<16xi32>
          %select_n3A_293 = arith.select %eq3A_280, %get3A_240, %broadcast_in_dim3A_292 : vector<16xi1>, vector<16xi32>
          %reduce_max3A_294 = arith.constant true
          %reduce_max3A_295 = vector.broadcast %reduce_max3A_294 : i1 to vector<16xi1>
          %reduce_max3A_296 = arith.constant -2147483648 : i32
          %reduce_max3A_297 = vector.broadcast %reduce_max3A_296 : i32 to vector<16xi32>
          %reduce_max3A_298 = arith.xori %select_n3A_293, %reduce_max3A_297 : vector<16xi32>
          %reduce_max3A_299 = tpu.scan <max>, %reduce_max3A_298 masked %reduce_max3A_295 : vector<16xi32>, vector<16xi1> -> vector<16xi32>
          %reduce_max3A_300 = arith.xori %reduce_max3A_299, %reduce_max3A_297 : vector<16xi32>
          %reduce_max3A_301 = vector.extract %reduce_max3A_300[15] : i32 from vector<16xi32>
          %and3A_302 = arith.constant 31 : i32
          %and3A_303 = arith.andi %while3A_276, %and3A_302 : i32
          %add3A_304 = arith.constant 0 : i32
          %add3A_305 = vector.broadcast %add3A_304 : i32 to vector<16xi32>
          %add3A_306 = arith.addi %iota3A, %add3A_305 : vector<16xi32>
          %mul3A_307 = arith.constant 0 : i32
          %mul3A_308 = vector.broadcast %mul3A_307 : i32 to vector<16xi32>
          %mul3A_309 = arith.muli %iota3A, %mul3A_308 : vector<16xi32>
          %add3A_310 = vector.broadcast %sub3A_290 : i32 to vector<16xi32>
          %add3A_311 = arith.addi %add3A_310, %mul3A_309 : vector<16xi32>
          %gather3A = tpu.vector_load_idx %arg13[%add3A_306, %add3A_311] : memref<64x512xf32, #tpu.memory_space<vmem>>[vector<16xi32>, vector<16xi32>], vector<16xf32>,
          %mul3A_312 = arith.constant 0 : i32
          %mul3A_313 = vector.broadcast %mul3A_312 : i32 to vector<16xi32>
          %mul3A_314 = arith.muli %iota3A, %mul3A_313 : vector<16xi32>
          %add3A_315 = vector.broadcast %and3A_303 : i32 to vector<16xi32>
          %add3A_316 = arith.addi %add3A_315, %mul3A_314 : vector<16xi32>
          %add3A_317 = arith.constant 0 : i32
          %add3A_318 = vector.broadcast %add3A_317 : i32 to vector<16xi32>
          %add3A_319 = arith.addi %iota3A, %add3A_318 : vector<16xi32>
          tpu.vector_store_idx %arg15[%add3A_316, %add3A_319], %gather3A : memref<32x64xf32, #tpu.memory_space<vmem>>[vector<16xi32>, vector<16xi32>], vector<16xf32>,
          %add3A_320 = arith.constant 16 : i32
          %add3A_321 = vector.broadcast %add3A_320 : i32 to vector<16xi32>
          %add3A_322 = arith.addi %iota3A, %add3A_321 : vector<16xi32>
          %mul3A_323 = arith.constant 0 : i32
          %mul3A_324 = vector.broadcast %mul3A_323 : i32 to vector<16xi32>
          %mul3A_325 = arith.muli %iota3A, %mul3A_324 : vector<16xi32>
          %add3A_326 = vector.broadcast %sub3A_290 : i32 to vector<16xi32>
          %add3A_327 = arith.addi %add3A_326, %mul3A_325 : vector<16xi32>
          %gather3A_328 = tpu.vector_load_idx %arg13[%add3A_322, %add3A_327] : memref<64x512xf32, #tpu.memory_space<vmem>>[vector<16xi32>, vector<16xi32>], vector<16xf32>,
          %mul3A_329 = arith.constant 0 : i32
          %mul3A_330 = vector.broadcast %mul3A_329 : i32 to vector<16xi32>
          %mul3A_331 = arith.muli %iota3A, %mul3A_330 : vector<16xi32>
          %add3A_332 = vector.broadcast %and3A_303 : i32 to vector<16xi32>
          %add3A_333 = arith.addi %add3A_332, %mul3A_331 : vector<16xi32>
          %add3A_334 = arith.constant 16 : i32
          %add3A_335 = vector.broadcast %add3A_334 : i32 to vector<16xi32>
          %add3A_336 = arith.addi %iota3A, %add3A_335 : vector<16xi32>
          tpu.vector_store_idx %arg15[%add3A_333, %add3A_336], %gather3A_328 : memref<32x64xf32, #tpu.memory_space<vmem>>[vector<16xi32>, vector<16xi32>], vector<16xf32>,
          %add3A_337 = arith.constant 32 : i32
          %add3A_338 = vector.broadcast %add3A_337 : i32 to vector<16xi32>
          %add3A_339 = arith.addi %iota3A, %add3A_338 : vector<16xi32>
          %mul3A_340 = arith.constant 0 : i32
          %mul3A_341 = vector.broadcast %mul3A_340 : i32 to vector<16xi32>
          %mul3A_342 = arith.muli %iota3A, %mul3A_341 : vector<16xi32>
          %add3A_343 = vector.broadcast %sub3A_290 : i32 to vector<16xi32>
          %add3A_344 = arith.addi %add3A_343, %mul3A_342 : vector<16xi32>
          %gather3A_345 = tpu.vector_load_idx %arg13[%add3A_339, %add3A_344] : memref<64x512xf32, #tpu.memory_space<vmem>>[vector<16xi32>, vector<16xi32>], vector<16xf32>,
          %mul3A_346 = arith.constant 0 : i32
          %mul3A_347 = vector.broadcast %mul3A_346 : i32 to vector<16xi32>
          %mul3A_348 = arith.muli %iota3A, %mul3A_347 : vector<16xi32>
          %add3A_349 = vector.broadcast %and3A_303 : i32 to vector<16xi32>
          %add3A_350 = arith.addi %add3A_349, %mul3A_348 : vector<16xi32>
          %add3A_351 = arith.constant 32 : i32
          %add3A_352 = vector.broadcast %add3A_351 : i32 to vector<16xi32>
          %add3A_353 = arith.addi %iota3A, %add3A_352 : vector<16xi32>
          tpu.vector_store_idx %arg15[%add3A_350, %add3A_353], %gather3A_345 : memref<32x64xf32, #tpu.memory_space<vmem>>[vector<16xi32>, vector<16xi32>], vector<16xf32>,
          %add3A_354 = arith.constant 48 : i32
          %add3A_355 = vector.broadcast %add3A_354 : i32 to vector<16xi32>
          %add3A_356 = arith.addi %iota3A, %add3A_355 : vector<16xi32>
          %mul3A_357 = arith.constant 0 : i32
          %mul3A_358 = vector.broadcast %mul3A_357 : i32 to vector<16xi32>
          %mul3A_359 = arith.muli %iota3A, %mul3A_358 : vector<16xi32>
          %add3A_360 = vector.broadcast %sub3A_290 : i32 to vector<16xi32>
          %add3A_361 = arith.addi %add3A_360, %mul3A_359 : vector<16xi32>
          %gather3A_362 = tpu.vector_load_idx %arg13[%add3A_356, %add3A_361] : memref<64x512xf32, #tpu.memory_space<vmem>>[vector<16xi32>, vector<16xi32>], vector<16xf32>,
          %mul3A_363 = arith.constant 0 : i32
          %mul3A_364 = vector.broadcast %mul3A_363 : i32 to vector<16xi32>
          %mul3A_365 = arith.muli %iota3A, %mul3A_364 : vector<16xi32>
          %add3A_366 = vector.broadcast %and3A_303 : i32 to vector<16xi32>
          %add3A_367 = arith.addi %add3A_366, %mul3A_365 : vector<16xi32>
          %add3A_368 = arith.constant 48 : i32
          %add3A_369 = vector.broadcast %add3A_368 : i32 to vector<16xi32>
          %add3A_370 = arith.addi %iota3A, %add3A_369 : vector<16xi32>
          tpu.vector_store_idx %arg15[%add3A_367, %add3A_370], %gather3A_362 : memref<32x64xf32, #tpu.memory_space<vmem>>[vector<16xi32>, vector<16xi32>], vector<16xf32>,
          %dma_start3A_371 = arith.constant 0 : i32
          %dma_start3A_372 = tpu.memref_slice %arg15[%and3A_303, %dma_start3A_371] : memref<32x64xf32, #tpu.memory_space<vmem>> -> memref<1x64xf32, #tpu.memory_space<vmem>>
          %dma_start3A_373 = arith.constant 0 : i32
          %dma_start3A_374 = tpu.memref_slice %arg6[%reduce_max3A_301, %dma_start3A_373] : memref<16384x64xf32, #tpu.memory_space<hbm>> -> memref<1x64xf32, #tpu.memory_space<hbm>>
          %dma_start3A_375 = arith.constant 0 : i32
          %dma_start3A_376 = tpu.memref_slice %arg6[%reduce_max3A_301, %dma_start3A_375] : memref<16384x64xf32, #tpu.memory_space<hbm>> -> memref<1x64xf32, #tpu.memory_space<hbm>>
          %dma_start3A_377 = arith.constant 0 : i32
          %dma_start3A_378 = tpu.memref_slice %arg15[%and3A_303, %dma_start3A_377] : memref<32x64xf32, #tpu.memory_space<vmem>> -> memref<1x64xf32, #tpu.memory_space<vmem>>
          tpu.enqueue_dma source(%dma_start3A_378 : memref<1x64xf32, #tpu.memory_space<vmem>>) target(%dma_start3A_376 : memref<1x64xf32, #tpu.memory_space<hbm>>) target_semaphore(%arg20 : memref<!tpu.dma_semaphore, #tpu.memory_space<semaphore_mem>>)
          %not3A = arith.constant dense<true> : vector<16xi1>
          %not3A_379 = arith.xori %eq3A_280, %not3A : vector<16xi1>
          %and3A_380 = arith.andi %while3A_275, %not3A_379 : vector<16xi1>
          %add3A_381 = arith.constant 1 : i32
          %add3A_382 = arith.addi %while3A_276, %add3A_381 : i32
          scf.yield %and3A_380, %add3A_382 : vector<16xi1>, i32
        }
        %while3A_272 = arith.constant 1 : i32
        %while3A_273:2 = scf.for %while3A_274 = %while3A_269 to %while3A_265 step %while3A_272 iter_args(%while3A_275 = %while3A_271#0, %while3A_276 = %while3A_271#1) -> (vector<16xi1>, i32)  : i32 {
          %all_reduce_ffs3A = tpu.all_reduce %while3A_275 {dim = 0 : i64, kind = #tpu.reduction_kind<find_first_set>} : vector<16xi1> -> vector<16xi32>
          %slice3A_277 = vector.extract_strided_slice %all_reduce_ffs3A {offsets = [0], sizes = [1], strides = [1]} : vector<16xi32> to vector<1xi32>
          %squeeze3A_278 = vector.extract %slice3A_277[0] : i32 from vector<1xi32>
          %eq3A_279 = vector.broadcast %squeeze3A_278 : i32 to vector<16xi32>
          %eq3A_280 = arith.cmpi eq, %iota3A, %eq3A_279 : vector<16xi32>
          %jit3A_281 = arith.constant 0 : i32
          %broadcast_in_dim3A = vector.broadcast %jit3A_281 : i32 to vector<16xi32>
          %select_n3A_282 = arith.select %eq3A_280, %get3A_236, %broadcast_in_dim3A : vector<16xi1>, vector<16xi32>
          %reduce_max3A = arith.constant true
          %reduce_max3A_283 = vector.broadcast %reduce_max3A : i1 to vector<16xi1>
          %reduce_max3A_284 = arith.constant -2147483648 : i32
          %reduce_max3A_285 = vector.broadcast %reduce_max3A_284 : i32 to vector<16xi32>
          %reduce_max3A_286 = arith.xori %select_n3A_282, %reduce_max3A_285 : vector<16xi32>
          %reduce_max3A_287 = tpu.scan <max>, %reduce_max3A_286 masked %reduce_max3A_283 : vector<16xi32>, vector<16xi1> -> vector<16xi32>
          %reduce_max3A_288 = arith.xori %reduce_max3A_287, %reduce_max3A_285 : vector<16xi32>
          %reduce_max3A_289 = vector.extract %reduce_max3A_288[15] : i32 from vector<16xi32>
          %sub3A_290 = arith.subi %reduce_max3A_289, %add3A_215 : i32
          %jit3A_291 = arith.constant 0 : i32
          %broadcast_in_dim3A_292 = vector.broadcast %jit3A_291 : i32 to vector<16xi32>
          %select_n3A_293 = arith.select %eq3A_280, %get3A_240, %broadcast_in_dim3A_292 : vector<16xi1>, vector<16xi32>
          %reduce_max3A_294 = arith.constant true
          %reduce_max3A_295 = vector.broadcast %reduce_max3A_294 : i1 to vector<16xi1>
          %reduce_max3A_296 = arith.constant -2147483648 : i32
          %reduce_max3A_297 = vector.broadcast %reduce_max3A_296 : i32 to vector<16xi32>
          %reduce_max3A_298 = arith.xori %select_n3A_293, %reduce_max3A_297 : vector<16xi32>
          %reduce_max3A_299 = tpu.scan <max>, %reduce_max3A_298 masked %reduce_max3A_295 : vector<16xi32>, vector<16xi1> -> vector<16xi32>
          %reduce_max3A_300 = arith.xori %reduce_max3A_299, %reduce_max3A_297 : vector<16xi32>
          %reduce_max3A_301 = vector.extract %reduce_max3A_300[15] : i32 from vector<16xi32>
          %and3A_302 = arith.constant 31 : i32
          %and3A_303 = arith.andi %while3A_276, %and3A_302 : i32
          %add3A_304 = arith.constant 0 : i32
          %add3A_305 = vector.broadcast %add3A_304 : i32 to vector<16xi32>
          %add3A_306 = arith.addi %iota3A, %add3A_305 : vector<16xi32>
          %mul3A_307 = arith.constant 0 : i32
          %mul3A_308 = vector.broadcast %mul3A_307 : i32 to vector<16xi32>
          %mul3A_309 = arith.muli %iota3A, %mul3A_308 : vector<16xi32>
          %add3A_310 = vector.broadcast %sub3A_290 : i32 to vector<16xi32>
          %add3A_311 = arith.addi %add3A_310, %mul3A_309 : vector<16xi32>
          %gather3A = tpu.vector_load_idx %arg13[%add3A_306, %add3A_311] : memref<64x512xf32, #tpu.memory_space<vmem>>[vector<16xi32>, vector<16xi32>], vector<16xf32>,
          %mul3A_312 = arith.constant 0 : i32
          %mul3A_313 = vector.broadcast %mul3A_312 : i32 to vector<16xi32>
          %mul3A_314 = arith.muli %iota3A, %mul3A_313 : vector<16xi32>
          %add3A_315 = vector.broadcast %and3A_303 : i32 to vector<16xi32>
          %add3A_316 = arith.addi %add3A_315, %mul3A_314 : vector<16xi32>
          %add3A_317 = arith.constant 0 : i32
          %add3A_318 = vector.broadcast %add3A_317 : i32 to vector<16xi32>
          %add3A_319 = arith.addi %iota3A, %add3A_318 : vector<16xi32>
          tpu.vector_store_idx %arg15[%add3A_316, %add3A_319], %gather3A : memref<32x64xf32, #tpu.memory_space<vmem>>[vector<16xi32>, vector<16xi32>], vector<16xf32>,
          %add3A_320 = arith.constant 16 : i32
          %add3A_321 = vector.broadcast %add3A_320 : i32 to vector<16xi32>
          %add3A_322 = arith.addi %iota3A, %add3A_321 : vector<16xi32>
          %mul3A_323 = arith.constant 0 : i32
          %mul3A_324 = vector.broadcast %mul3A_323 : i32 to vector<16xi32>
          %mul3A_325 = arith.muli %iota3A, %mul3A_324 : vector<16xi32>
          %add3A_326 = vector.broadcast %sub3A_290 : i32 to vector<16xi32>
          %add3A_327 = arith.addi %add3A_326, %mul3A_325 : vector<16xi32>
          %gather3A_328 = tpu.vector_load_idx %arg13[%add3A_322, %add3A_327] : memref<64x512xf32, #tpu.memory_space<vmem>>[vector<16xi32>, vector<16xi32>], vector<16xf32>,
          %mul3A_329 = arith.constant 0 : i32
          %mul3A_330 = vector.broadcast %mul3A_329 : i32 to vector<16xi32>
          %mul3A_331 = arith.muli %iota3A, %mul3A_330 : vector<16xi32>
          %add3A_332 = vector.broadcast %and3A_303 : i32 to vector<16xi32>
          %add3A_333 = arith.addi %add3A_332, %mul3A_331 : vector<16xi32>
          %add3A_334 = arith.constant 16 : i32
          %add3A_335 = vector.broadcast %add3A_334 : i32 to vector<16xi32>
          %add3A_336 = arith.addi %iota3A, %add3A_335 : vector<16xi32>
          tpu.vector_store_idx %arg15[%add3A_333, %add3A_336], %gather3A_328 : memref<32x64xf32, #tpu.memory_space<vmem>>[vector<16xi32>, vector<16xi32>], vector<16xf32>,
          %add3A_337 = arith.constant 32 : i32
          %add3A_338 = vector.broadcast %add3A_337 : i32 to vector<16xi32>
          %add3A_339 = arith.addi %iota3A, %add3A_338 : vector<16xi32>
          %mul3A_340 = arith.constant 0 : i32
          %mul3A_341 = vector.broadcast %mul3A_340 : i32 to vector<16xi32>
          %mul3A_342 = arith.muli %iota3A, %mul3A_341 : vector<16xi32>
          %add3A_343 = vector.broadcast %sub3A_290 : i32 to vector<16xi32>
          %add3A_344 = arith.addi %add3A_343, %mul3A_342 : vector<16xi32>
          %gather3A_345 = tpu.vector_load_idx %arg13[%add3A_339, %add3A_344] : memref<64x512xf32, #tpu.memory_space<vmem>>[vector<16xi32>, vector<16xi32>], vector<16xf32>,
          %mul3A_346 = arith.constant 0 : i32
          %mul3A_347 = vector.broadcast %mul3A_346 : i32 to vector<16xi32>
          %mul3A_348 = arith.muli %iota3A, %mul3A_347 : vector<16xi32>
          %add3A_349 = vector.broadcast %and3A_303 : i32 to vector<16xi32>
          %add3A_350 = arith.addi %add3A_349, %mul3A_348 : vector<16xi32>
          %add3A_351 = arith.constant 32 : i32
          %add3A_352 = vector.broadcast %add3A_351 : i32 to vector<16xi32>
          %add3A_353 = arith.addi %iota3A, %add3A_352 : vector<16xi32>
          tpu.vector_store_idx %arg15[%add3A_350, %add3A_353], %gather3A_345 : memref<32x64xf32, #tpu.memory_space<vmem>>[vector<16xi32>, vector<16xi32>], vector<16xf32>,
          %add3A_354 = arith.constant 48 : i32
          %add3A_355 = vector.broadcast %add3A_354 : i32 to vector<16xi32>
          %add3A_356 = arith.addi %iota3A, %add3A_355 : vector<16xi32>
          %mul3A_357 = arith.constant 0 : i32
          %mul3A_358 = vector.broadcast %mul3A_357 : i32 to vector<16xi32>
          %mul3A_359 = arith.muli %iota3A, %mul3A_358 : vector<16xi32>
          %add3A_360 = vector.broadcast %sub3A_290 : i32 to vector<16xi32>
          %add3A_361 = arith.addi %add3A_360, %mul3A_359 : vector<16xi32>
          %gather3A_362 = tpu.vector_load_idx %arg13[%add3A_356, %add3A_361] : memref<64x512xf32, #tpu.memory_space<vmem>>[vector<16xi32>, vector<16xi32>], vector<16xf32>,
          %mul3A_363 = arith.constant 0 : i32
          %mul3A_364 = vector.broadcast %mul3A_363 : i32 to vector<16xi32>
          %mul3A_365 = arith.muli %iota3A, %mul3A_364 : vector<16xi32>
          %add3A_366 = vector.broadcast %and3A_303 : i32 to vector<16xi32>
          %add3A_367 = arith.addi %add3A_366, %mul3A_365 : vector<16xi32>
          %add3A_368 = arith.constant 48 : i32
          %add3A_369 = vector.broadcast %add3A_368 : i32 to vector<16xi32>
          %add3A_370 = arith.addi %iota3A, %add3A_369 : vector<16xi32>
          tpu.vector_store_idx %arg15[%add3A_367, %add3A_370], %gather3A_362 : memref<32x64xf32, #tpu.memory_space<vmem>>[vector<16xi32>, vector<16xi32>], vector<16xf32>,
          %dma_start3A_371 = arith.constant 0 : i32
          %dma_start3A_372 = tpu.memref_slice %arg15[%and3A_303, %dma_start3A_371] : memref<32x64xf32, #tpu.memory_space<vmem>> -> memref<1x64xf32, #tpu.memory_space<vmem>>
          %dma_start3A_373 = arith.constant 0 : i32
          %dma_start3A_374 = tpu.memref_slice %arg6[%reduce_max3A_301, %dma_start3A_373] : memref<16384x64xf32, #tpu.memory_space<hbm>> -> memref<1x64xf32, #tpu.memory_space<hbm>>
          %dma_start3A_375 = arith.constant 0 : i32
          %dma_start3A_376 = tpu.memref_slice %arg6[%reduce_max3A_301, %dma_start3A_375] : memref<16384x64xf32, #tpu.memory_space<hbm>> -> memref<1x64xf32, #tpu.memory_space<hbm>>
          %dma_start3A_377 = arith.constant 0 : i32
          %dma_start3A_378 = tpu.memref_slice %arg15[%and3A_303, %dma_start3A_377] : memref<32x64xf32, #tpu.memory_space<vmem>> -> memref<1x64xf32, #tpu.memory_space<vmem>>
          tpu.enqueue_dma source(%dma_start3A_378 : memref<1x64xf32, #tpu.memory_space<vmem>>) target(%dma_start3A_376 : memref<1x64xf32, #tpu.memory_space<hbm>>) target_semaphore(%arg20 : memref<!tpu.dma_semaphore, #tpu.memory_space<semaphore_mem>>)
          %not3A = arith.constant dense<true> : vector<16xi1>
          %not3A_379 = arith.xori %eq3A_280, %not3A : vector<16xi1>
          %and3A_380 = arith.andi %while3A_275, %not3A_379 : vector<16xi1>
          %add3A_381 = arith.constant 1 : i32
          %add3A_382 = arith.addi %while3A_276, %add3A_381 : i32
          scf.yield %and3A_380, %add3A_382 : vector<16xi1>, i32
        }
        scf.yield %while3A_273#1, %add3A_262 : i32, i32
      }
      scf.yield %while3A_230#0, %while3A_230#1 : i32, i32
    }
    %while3A_133 = arith.constant 1 : i32
    %while3A_134:2 = scf.for %while3A_167 = %while3A_130 to %while3A_126 step %while3A_133 iter_args(%while3A_168 = %while3A_132#0, %while3A_169 = %while3A_132#1) -> (i32, i32)  : i32 {
      %mul3A_170 = arith.constant 2 : i32
      %mul3A_171 = arith.muli %mul3A_170, %while3A_167 : i32
      %add3A_172 = arith.constant 1 : i32
      %add3A_173 = arith.addi %mul3A_171, %add3A_172 : i32
      %mul3A_174 = arith.constant 2 : i32
      %mul3A_175 = arith.muli %mul3A_174, %while3A_167 : i32
      %mul3A_176 = arith.constant 512 : i32
      %mul3A_177 = arith.muli %mul3A_175, %mul3A_176 : i32
      %add3A_178 = arith.addi %mul3A_2, %mul3A_177 : i32
      %dma_wait3A_179 = arith.constant 0 : i32
      %dma_wait3A_180 = arith.constant 0 : i32
      %dma_wait3A_181 = tpu.memref_slice %arg4[%dma_wait3A_179, %dma_wait3A_180] : memref<64x1000001xf32, #tpu.memory_space<hbm>> -> memref<64x512xf32, #tpu.memory_space<hbm>>
      %dma_wait3A_182 = arith.constant 0 : i32
      %dma_wait3A_183 = arith.constant 0 : i32
      %dma_wait3A_184 = tpu.memref_slice %arg4[%dma_wait3A_182, %dma_wait3A_183] : memref<64x1000001xf32, #tpu.memory_space<hbm>> -> memref<64x512xf32, #tpu.memory_space<hbm>>
      tpu.wait_dma2 semaphore(%arg18 : memref<!tpu.dma_semaphore, #tpu.memory_space<semaphore_mem>>) src(%dma_wait3A_184 : memref<64x512xf32, #tpu.memory_space<hbm>>) dst(%arg12 : memref<64x512xf32, #tpu.memory_space<vmem>>)
      %lt3A = arith.cmpi slt, %add3A_173, %select_n3A_96 : i32
      %gt3A = arith.constant 0 : i32
      %gt3A_185 = arith.cmpi sgt, %while3A_167, %gt3A : i32
      %and3A_186 = arith.andi %lt3A, %gt3A_185 : i1
      %convert_element_type3A_187 = arith.extui %and3A_186 : i1 to i32
      %cond3A_188 = arith.constant 0 : i32
      %cond3A_189 = arith.cmpi ne, %convert_element_type3A_187, %cond3A_188 : i32
      scf.if %cond3A_189 {
        %mul3A_231 = arith.constant 512 : i32
        %mul3A_232 = arith.muli %add3A_173, %mul3A_231 : i32
        %add3A_233 = arith.addi %mul3A_2, %mul3A_232 : i32
        %dma_start3A_234 = arith.constant 0 : i32
        %dma_start3A_235 = tpu.memref_slice %arg4[%dma_start3A_234, %add3A_233] : memref<64x1000001xf32, #tpu.memory_space<hbm>> -> memref<64x512xf32, #tpu.memory_space<hbm>>
        %dma_start3A_236 = arith.constant 0 : i32
        %dma_start3A_237 = tpu.memref_slice %arg4[%dma_start3A_236, %add3A_233] : memref<64x1000001xf32, #tpu.memory_space<hbm>> -> memref<64x512xf32, #tpu.memory_space<hbm>>
        tpu.enqueue_dma source(%dma_start3A_237 : memref<64x512xf32, #tpu.memory_space<hbm>>) target(%arg13 : memref<64x512xf32, #tpu.memory_space<vmem>>) target_semaphore(%arg19 : memref<!tpu.dma_semaphore, #tpu.memory_space<semaphore_mem>>)
      } else {
      }
      %add3A_190 = arith.constant 512 : i32
      %add3A_191 = arith.addi %add3A_178, %add3A_190 : i32
      %while3A_192 = arith.constant 0 : i32
      %while3A_193 = arith.subi %select_n3A_91, %while3A_192 : i32
      %while3A_194 = arith.addi %while3A_192, %while3A_193 : i32
      %while3A_195 = arith.constant 1 : i32
      %while3A_196 = arith.divsi %while3A_193, %while3A_195 : i32
      %while3A_197 = arith.muli %while3A_196, %while3A_195 : i32
      %while3A_198 = arith.addi %while3A_192, %while3A_197 : i32
      %while3A_199 = arith.constant 1 : i32
      %while3A_200:2 = scf.for %while3A_231 = %while3A_192 to %while3A_198 step %while3A_199 iter_args(%while3A_232 = %while3A_168, %while3A_233 = %while3A_169) -> (i32, i32)  : i32 {
        %mul3A_234 = arith.constant 16 : i32
        %mul3A_235 = arith.muli %while3A_231, %mul3A_234 : i32
        %get3A = arith.index_cast %mul3A_235 : i32 to index
        %get3A_236 = tpu.vector_load %arg10[%get3A] {strides = array<i32>} : memref<16384xi32, #tpu.memory_space<vmem>>, vector<16xi32>,
        %mul3A_237 = arith.constant 16 : i32
        %mul3A_238 = arith.muli %while3A_231, %mul3A_237 : i32
        %get3A_239 = arith.index_cast %mul3A_238 : i32 to index
        %get3A_240 = tpu.vector_load %arg11[%get3A_239] {strides = array<i32>} : memref<16384xi32, #tpu.memory_space<vmem>>, vector<16xi32>,
        %mul3A_241 = arith.constant 16 : i32
        %mul3A_242 = arith.muli %while3A_231, %mul3A_241 : i32
        %add3A_243 = vector.broadcast %mul3A_242 : i32 to vector<16xi32>
        %add3A_244 = arith.addi %iota3A, %add3A_243 : vector<16xi32>
        %lt3A_245 = vector.broadcast %scan3A_68 : i32 to vector<16xi32>
        %lt3A_246 = arith.cmpi slt, %add3A_244, %lt3A_245 : vector<16xi32>
        %ge3A = vector.broadcast %add3A_178 : i32 to vector<16xi32>
        %ge3A_247 = arith.cmpi sge, %get3A_236, %ge3A : vector<16xi32>
        %and3A_248 = arith.andi %lt3A_246, %ge3A_247 : vector<16xi1>
        %lt3A_249 = vector.broadcast %add3A_191 : i32 to vector<16xi32>
        %lt3A_250 = arith.cmpi slt, %get3A_236, %lt3A_249 : vector<16xi32>
        %and3A_251 = arith.andi %and3A_248, %lt3A_250 : vector<16xi1>
        %all_reduce_population_count3A = tpu.all_reduce %and3A_251 {dim = 0 : i64, kind = #tpu.reduction_kind<sum>} : vector<16xi1> -> vector<16xi32>
        %slice3A = vector.extract_strided_slice %all_reduce_population_count3A {offsets = [0], sizes = [1], strides = [1]} : vector<16xi32> to vector<1xi32>
        %squeeze3A = vector.extract %slice3A[0] : i32 from vector<1xi32>
        %sub3A_252 = arith.subi %while3A_232, %while3A_233 : i32
        %add3A_253 = arith.addi %sub3A_252, %squeeze3A : i32
        %gt3A_254 = arith.constant 32 : i32
        %gt3A_255 = arith.cmpi sgt, %add3A_253, %gt3A_254 : i32
        %sub3A_256 = arith.subi %while3A_232, %while3A_233 : i32
        %jit3A_257 = arith.constant 0 : i32
        %select_n3A_258 = arith.select %gt3A_255, %sub3A_256, %jit3A_257 : i32
        %convert_element_type3A_259 = arith.extui %gt3A_255 : i1 to i32
        %cond3A_260 = arith.constant 0 : i32
        %cond3A_261 = arith.cmpi ne, %convert_element_type3A_259, %cond3A_260 : i32
        scf.if %cond3A_261 {
          %while3A_274 = arith.constant 0 : i32
          %while3A_275 = arith.constant 0 : i32
          %while3A_276 = arith.subi %select_n3A_258, %while3A_274 : i32
          %while3A_277 = arith.addi %while3A_274, %while3A_276 : i32
          %while3A_278 = arith.constant 1 : i32
          %while3A_279 = arith.divsi %while3A_276, %while3A_278 : i32
          %while3A_280 = arith.muli %while3A_279, %while3A_278 : i32
          %while3A_281 = arith.addi %while3A_274, %while3A_280 : i32
          %while3A_282 = arith.constant 1 : i32
          %while3A_283 = scf.for %while3A_286 = %while3A_274 to %while3A_281 step %while3A_282 iter_args(%while3A_287 = %while3A_275) -> (i32)  : i32 {
            %dma_wait3A_288 = arith.constant 0 : i32
            %dma_wait3A_289 = arith.constant 0 : i32
            %dma_wait3A_290 = tpu.memref_slice %arg15[%dma_wait3A_288, %dma_wait3A_289] : memref<32x64xf32, #tpu.memory_space<vmem>> -> memref<1x64xf32, #tpu.memory_space<vmem>>
            %dma_wait3A_291 = arith.constant 0 : i32
            %dma_wait3A_292 = arith.constant 0 : i32
            %dma_wait3A_293 = tpu.memref_slice %arg6[%dma_wait3A_291, %dma_wait3A_292] : memref<16384x64xf32, #tpu.memory_space<hbm>> -> memref<1x64xf32, #tpu.memory_space<hbm>>
            %dma_wait3A_294 = arith.constant 0 : i32
            %dma_wait3A_295 = arith.constant 0 : i32
            %dma_wait3A_296 = tpu.memref_slice %arg6[%dma_wait3A_294, %dma_wait3A_295] : memref<16384x64xf32, #tpu.memory_space<hbm>> -> memref<1x64xf32, #tpu.memory_space<hbm>>
            %dma_wait3A_297 = arith.constant 0 : i32
            %dma_wait3A_298 = arith.constant 0 : i32
            %dma_wait3A_299 = tpu.memref_slice %arg15[%dma_wait3A_297, %dma_wait3A_298] : memref<32x64xf32, #tpu.memory_space<vmem>> -> memref<1x64xf32, #tpu.memory_space<vmem>>
            tpu.wait_dma2 semaphore(%arg20 : memref<!tpu.dma_semaphore, #tpu.memory_space<semaphore_mem>>) src(%dma_wait3A_299 : memref<1x64xf32, #tpu.memory_space<vmem>>) dst(%dma_wait3A_296 : memref<1x64xf32, #tpu.memory_space<hbm>>)
            %while3A_300 = arith.constant 0 : i32
            scf.yield %while3A_300 : i32
          }
          %while3A_284 = arith.constant 1 : i32
          %while3A_285 = scf.for %while3A_286 = %while3A_281 to %while3A_277 step %while3A_284 iter_args(%while3A_287 = %while3A_283) -> (i32)  : i32 {
            %dma_wait3A_288 = arith.constant 0 : i32
            %dma_wait3A_289 = arith.constant 0 : i32
            %dma_wait3A_290 = tpu.memref_slice %arg15[%dma_wait3A_288, %dma_wait3A_289] : memref<32x64xf32, #tpu.memory_space<vmem>> -> memref<1x64xf32, #tpu.memory_space<vmem>>
            %dma_wait3A_291 = arith.constant 0 : i32
            %dma_wait3A_292 = arith.constant 0 : i32
            %dma_wait3A_293 = tpu.memref_slice %arg6[%dma_wait3A_291, %dma_wait3A_292] : memref<16384x64xf32, #tpu.memory_space<hbm>> -> memref<1x64xf32, #tpu.memory_space<hbm>>
            %dma_wait3A_294 = arith.constant 0 : i32
            %dma_wait3A_295 = arith.constant 0 : i32
            %dma_wait3A_296 = tpu.memref_slice %arg6[%dma_wait3A_294, %dma_wait3A_295] : memref<16384x64xf32, #tpu.memory_space<hbm>> -> memref<1x64xf32, #tpu.memory_space<hbm>>
            %dma_wait3A_297 = arith.constant 0 : i32
            %dma_wait3A_298 = arith.constant 0 : i32
            %dma_wait3A_299 = tpu.memref_slice %arg15[%dma_wait3A_297, %dma_wait3A_298] : memref<32x64xf32, #tpu.memory_space<vmem>> -> memref<1x64xf32, #tpu.memory_space<vmem>>
            tpu.wait_dma2 semaphore(%arg20 : memref<!tpu.dma_semaphore, #tpu.memory_space<semaphore_mem>>) src(%dma_wait3A_299 : memref<1x64xf32, #tpu.memory_space<vmem>>) dst(%dma_wait3A_296 : memref<1x64xf32, #tpu.memory_space<hbm>>)
            %while3A_300 = arith.constant 0 : i32
            scf.yield %while3A_300 : i32
          }
        } else {
        }
        %add3A_262 = arith.addi %while3A_233, %select_n3A_258 : i32
        %while3A_263 = arith.constant 0 : i32
        %while3A_264 = arith.subi %squeeze3A, %while3A_263 : i32
        %while3A_265 = arith.addi %while3A_263, %while3A_264 : i32
        %while3A_266 = arith.constant 1 : i32
        %while3A_267 = arith.divsi %while3A_264, %while3A_266 : i32
        %while3A_268 = arith.muli %while3A_267, %while3A_266 : i32
        %while3A_269 = arith.addi %while3A_263, %while3A_268 : i32
        %while3A_270 = arith.constant 1 : i32
        %while3A_271:2 = scf.for %while3A_274 = %while3A_263 to %while3A_269 step %while3A_270 iter_args(%while3A_275 = %and3A_251, %while3A_276 = %while3A_232) -> (vector<16xi1>, i32)  : i32 {
          %all_reduce_ffs3A = tpu.all_reduce %while3A_275 {dim = 0 : i64, kind = #tpu.reduction_kind<find_first_set>} : vector<16xi1> -> vector<16xi32>
          %slice3A_277 = vector.extract_strided_slice %all_reduce_ffs3A {offsets = [0], sizes = [1], strides = [1]} : vector<16xi32> to vector<1xi32>
          %squeeze3A_278 = vector.extract %slice3A_277[0] : i32 from vector<1xi32>
          %eq3A_279 = vector.broadcast %squeeze3A_278 : i32 to vector<16xi32>
          %eq3A_280 = arith.cmpi eq, %iota3A, %eq3A_279 : vector<16xi32>
          %jit3A_281 = arith.constant 0 : i32
          %broadcast_in_dim3A = vector.broadcast %jit3A_281 : i32 to vector<16xi32>
          %select_n3A_282 = arith.select %eq3A_280, %get3A_236, %broadcast_in_dim3A : vector<16xi1>, vector<16xi32>
          %reduce_max3A = arith.constant true
          %reduce_max3A_283 = vector.broadcast %reduce_max3A : i1 to vector<16xi1>
          %reduce_max3A_284 = arith.constant -2147483648 : i32
          %reduce_max3A_285 = vector.broadcast %reduce_max3A_284 : i32 to vector<16xi32>
          %reduce_max3A_286 = arith.xori %select_n3A_282, %reduce_max3A_285 : vector<16xi32>
          %reduce_max3A_287 = tpu.scan <max>, %reduce_max3A_286 masked %reduce_max3A_283 : vector<16xi32>, vector<16xi1> -> vector<16xi32>
          %reduce_max3A_288 = arith.xori %reduce_max3A_287, %reduce_max3A_285 : vector<16xi32>
          %reduce_max3A_289 = vector.extract %reduce_max3A_288[15] : i32 from vector<16xi32>
          %sub3A_290 = arith.subi %reduce_max3A_289, %add3A_178 : i32
          %jit3A_291 = arith.constant 0 : i32
          %broadcast_in_dim3A_292 = vector.broadcast %jit3A_291 : i32 to vector<16xi32>
          %select_n3A_293 = arith.select %eq3A_280, %get3A_240, %broadcast_in_dim3A_292 : vector<16xi1>, vector<16xi32>
          %reduce_max3A_294 = arith.constant true
          %reduce_max3A_295 = vector.broadcast %reduce_max3A_294 : i1 to vector<16xi1>
          %reduce_max3A_296 = arith.constant -2147483648 : i32
          %reduce_max3A_297 = vector.broadcast %reduce_max3A_296 : i32 to vector<16xi32>
          %reduce_max3A_298 = arith.xori %select_n3A_293, %reduce_max3A_297 : vector<16xi32>
          %reduce_max3A_299 = tpu.scan <max>, %reduce_max3A_298 masked %reduce_max3A_295 : vector<16xi32>, vector<16xi1> -> vector<16xi32>
          %reduce_max3A_300 = arith.xori %reduce_max3A_299, %reduce_max3A_297 : vector<16xi32>
          %reduce_max3A_301 = vector.extract %reduce_max3A_300[15] : i32 from vector<16xi32>
          %and3A_302 = arith.constant 31 : i32
          %and3A_303 = arith.andi %while3A_276, %and3A_302 : i32
          %add3A_304 = arith.constant 0 : i32
          %add3A_305 = vector.broadcast %add3A_304 : i32 to vector<16xi32>
          %add3A_306 = arith.addi %iota3A, %add3A_305 : vector<16xi32>
          %mul3A_307 = arith.constant 0 : i32
          %mul3A_308 = vector.broadcast %mul3A_307 : i32 to vector<16xi32>
          %mul3A_309 = arith.muli %iota3A, %mul3A_308 : vector<16xi32>
          %add3A_310 = vector.broadcast %sub3A_290 : i32 to vector<16xi32>
          %add3A_311 = arith.addi %add3A_310, %mul3A_309 : vector<16xi32>
          %gather3A = tpu.vector_load_idx %arg12[%add3A_306, %add3A_311] : memref<64x512xf32, #tpu.memory_space<vmem>>[vector<16xi32>, vector<16xi32>], vector<16xf32>,
          %mul3A_312 = arith.constant 0 : i32
          %mul3A_313 = vector.broadcast %mul3A_312 : i32 to vector<16xi32>
          %mul3A_314 = arith.muli %iota3A, %mul3A_313 : vector<16xi32>
          %add3A_315 = vector.broadcast %and3A_303 : i32 to vector<16xi32>
          %add3A_316 = arith.addi %add3A_315, %mul3A_314 : vector<16xi32>
          %add3A_317 = arith.constant 0 : i32
          %add3A_318 = vector.broadcast %add3A_317 : i32 to vector<16xi32>
          %add3A_319 = arith.addi %iota3A, %add3A_318 : vector<16xi32>
          tpu.vector_store_idx %arg15[%add3A_316, %add3A_319], %gather3A : memref<32x64xf32, #tpu.memory_space<vmem>>[vector<16xi32>, vector<16xi32>], vector<16xf32>,
          %add3A_320 = arith.constant 16 : i32
          %add3A_321 = vector.broadcast %add3A_320 : i32 to vector<16xi32>
          %add3A_322 = arith.addi %iota3A, %add3A_321 : vector<16xi32>
          %mul3A_323 = arith.constant 0 : i32
          %mul3A_324 = vector.broadcast %mul3A_323 : i32 to vector<16xi32>
          %mul3A_325 = arith.muli %iota3A, %mul3A_324 : vector<16xi32>
          %add3A_326 = vector.broadcast %sub3A_290 : i32 to vector<16xi32>
          %add3A_327 = arith.addi %add3A_326, %mul3A_325 : vector<16xi32>
          %gather3A_328 = tpu.vector_load_idx %arg12[%add3A_322, %add3A_327] : memref<64x512xf32, #tpu.memory_space<vmem>>[vector<16xi32>, vector<16xi32>], vector<16xf32>,
          %mul3A_329 = arith.constant 0 : i32
          %mul3A_330 = vector.broadcast %mul3A_329 : i32 to vector<16xi32>
          %mul3A_331 = arith.muli %iota3A, %mul3A_330 : vector<16xi32>
          %add3A_332 = vector.broadcast %and3A_303 : i32 to vector<16xi32>
          %add3A_333 = arith.addi %add3A_332, %mul3A_331 : vector<16xi32>
          %add3A_334 = arith.constant 16 : i32
          %add3A_335 = vector.broadcast %add3A_334 : i32 to vector<16xi32>
          %add3A_336 = arith.addi %iota3A, %add3A_335 : vector<16xi32>
          tpu.vector_store_idx %arg15[%add3A_333, %add3A_336], %gather3A_328 : memref<32x64xf32, #tpu.memory_space<vmem>>[vector<16xi32>, vector<16xi32>], vector<16xf32>,
          %add3A_337 = arith.constant 32 : i32
          %add3A_338 = vector.broadcast %add3A_337 : i32 to vector<16xi32>
          %add3A_339 = arith.addi %iota3A, %add3A_338 : vector<16xi32>
          %mul3A_340 = arith.constant 0 : i32
          %mul3A_341 = vector.broadcast %mul3A_340 : i32 to vector<16xi32>
          %mul3A_342 = arith.muli %iota3A, %mul3A_341 : vector<16xi32>
          %add3A_343 = vector.broadcast %sub3A_290 : i32 to vector<16xi32>
          %add3A_344 = arith.addi %add3A_343, %mul3A_342 : vector<16xi32>
          %gather3A_345 = tpu.vector_load_idx %arg12[%add3A_339, %add3A_344] : memref<64x512xf32, #tpu.memory_space<vmem>>[vector<16xi32>, vector<16xi32>], vector<16xf32>,
          %mul3A_346 = arith.constant 0 : i32
          %mul3A_347 = vector.broadcast %mul3A_346 : i32 to vector<16xi32>
          %mul3A_348 = arith.muli %iota3A, %mul3A_347 : vector<16xi32>
          %add3A_349 = vector.broadcast %and3A_303 : i32 to vector<16xi32>
          %add3A_350 = arith.addi %add3A_349, %mul3A_348 : vector<16xi32>
          %add3A_351 = arith.constant 32 : i32
          %add3A_352 = vector.broadcast %add3A_351 : i32 to vector<16xi32>
          %add3A_353 = arith.addi %iota3A, %add3A_352 : vector<16xi32>
          tpu.vector_store_idx %arg15[%add3A_350, %add3A_353], %gather3A_345 : memref<32x64xf32, #tpu.memory_space<vmem>>[vector<16xi32>, vector<16xi32>], vector<16xf32>,
          %add3A_354 = arith.constant 48 : i32
          %add3A_355 = vector.broadcast %add3A_354 : i32 to vector<16xi32>
          %add3A_356 = arith.addi %iota3A, %add3A_355 : vector<16xi32>
          %mul3A_357 = arith.constant 0 : i32
          %mul3A_358 = vector.broadcast %mul3A_357 : i32 to vector<16xi32>
          %mul3A_359 = arith.muli %iota3A, %mul3A_358 : vector<16xi32>
          %add3A_360 = vector.broadcast %sub3A_290 : i32 to vector<16xi32>
          %add3A_361 = arith.addi %add3A_360, %mul3A_359 : vector<16xi32>
          %gather3A_362 = tpu.vector_load_idx %arg12[%add3A_356, %add3A_361] : memref<64x512xf32, #tpu.memory_space<vmem>>[vector<16xi32>, vector<16xi32>], vector<16xf32>,
          %mul3A_363 = arith.constant 0 : i32
          %mul3A_364 = vector.broadcast %mul3A_363 : i32 to vector<16xi32>
          %mul3A_365 = arith.muli %iota3A, %mul3A_364 : vector<16xi32>
          %add3A_366 = vector.broadcast %and3A_303 : i32 to vector<16xi32>
          %add3A_367 = arith.addi %add3A_366, %mul3A_365 : vector<16xi32>
          %add3A_368 = arith.constant 48 : i32
          %add3A_369 = vector.broadcast %add3A_368 : i32 to vector<16xi32>
          %add3A_370 = arith.addi %iota3A, %add3A_369 : vector<16xi32>
          tpu.vector_store_idx %arg15[%add3A_367, %add3A_370], %gather3A_362 : memref<32x64xf32, #tpu.memory_space<vmem>>[vector<16xi32>, vector<16xi32>], vector<16xf32>,
          %dma_start3A_371 = arith.constant 0 : i32
          %dma_start3A_372 = tpu.memref_slice %arg15[%and3A_303, %dma_start3A_371] : memref<32x64xf32, #tpu.memory_space<vmem>> -> memref<1x64xf32, #tpu.memory_space<vmem>>
          %dma_start3A_373 = arith.constant 0 : i32
          %dma_start3A_374 = tpu.memref_slice %arg6[%reduce_max3A_301, %dma_start3A_373] : memref<16384x64xf32, #tpu.memory_space<hbm>> -> memref<1x64xf32, #tpu.memory_space<hbm>>
          %dma_start3A_375 = arith.constant 0 : i32
          %dma_start3A_376 = tpu.memref_slice %arg6[%reduce_max3A_301, %dma_start3A_375] : memref<16384x64xf32, #tpu.memory_space<hbm>> -> memref<1x64xf32, #tpu.memory_space<hbm>>
          %dma_start3A_377 = arith.constant 0 : i32
          %dma_start3A_378 = tpu.memref_slice %arg15[%and3A_303, %dma_start3A_377] : memref<32x64xf32, #tpu.memory_space<vmem>> -> memref<1x64xf32, #tpu.memory_space<vmem>>
          tpu.enqueue_dma source(%dma_start3A_378 : memref<1x64xf32, #tpu.memory_space<vmem>>) target(%dma_start3A_376 : memref<1x64xf32, #tpu.memory_space<hbm>>) target_semaphore(%arg20 : memref<!tpu.dma_semaphore, #tpu.memory_space<semaphore_mem>>)
          %not3A = arith.constant dense<true> : vector<16xi1>
          %not3A_379 = arith.xori %eq3A_280, %not3A : vector<16xi1>
          %and3A_380 = arith.andi %while3A_275, %not3A_379 : vector<16xi1>
          %add3A_381 = arith.constant 1 : i32
          %add3A_382 = arith.addi %while3A_276, %add3A_381 : i32
          scf.yield %and3A_380, %add3A_382 : vector<16xi1>, i32
        }
        %while3A_272 = arith.constant 1 : i32
        %while3A_273:2 = scf.for %while3A_274 = %while3A_269 to %while3A_265 step %while3A_272 iter_args(%while3A_275 = %while3A_271#0, %while3A_276 = %while3A_271#1) -> (vector<16xi1>, i32)  : i32 {
          %all_reduce_ffs3A = tpu.all_reduce %while3A_275 {dim = 0 : i64, kind = #tpu.reduction_kind<find_first_set>} : vector<16xi1> -> vector<16xi32>
          %slice3A_277 = vector.extract_strided_slice %all_reduce_ffs3A {offsets = [0], sizes = [1], strides = [1]} : vector<16xi32> to vector<1xi32>
          %squeeze3A_278 = vector.extract %slice3A_277[0] : i32 from vector<1xi32>
          %eq3A_279 = vector.broadcast %squeeze3A_278 : i32 to vector<16xi32>
          %eq3A_280 = arith.cmpi eq, %iota3A, %eq3A_279 : vector<16xi32>
          %jit3A_281 = arith.constant 0 : i32
          %broadcast_in_dim3A = vector.broadcast %jit3A_281 : i32 to vector<16xi32>
          %select_n3A_282 = arith.select %eq3A_280, %get3A_236, %broadcast_in_dim3A : vector<16xi1>, vector<16xi32>
          %reduce_max3A = arith.constant true
          %reduce_max3A_283 = vector.broadcast %reduce_max3A : i1 to vector<16xi1>
          %reduce_max3A_284 = arith.constant -2147483648 : i32
          %reduce_max3A_285 = vector.broadcast %reduce_max3A_284 : i32 to vector<16xi32>
          %reduce_max3A_286 = arith.xori %select_n3A_282, %reduce_max3A_285 : vector<16xi32>
          %reduce_max3A_287 = tpu.scan <max>, %reduce_max3A_286 masked %reduce_max3A_283 : vector<16xi32>, vector<16xi1> -> vector<16xi32>
          %reduce_max3A_288 = arith.xori %reduce_max3A_287, %reduce_max3A_285 : vector<16xi32>
          %reduce_max3A_289 = vector.extract %reduce_max3A_288[15] : i32 from vector<16xi32>
          %sub3A_290 = arith.subi %reduce_max3A_289, %add3A_178 : i32
          %jit3A_291 = arith.constant 0 : i32
          %broadcast_in_dim3A_292 = vector.broadcast %jit3A_291 : i32 to vector<16xi32>
          %select_n3A_293 = arith.select %eq3A_280, %get3A_240, %broadcast_in_dim3A_292 : vector<16xi1>, vector<16xi32>
          %reduce_max3A_294 = arith.constant true
          %reduce_max3A_295 = vector.broadcast %reduce_max3A_294 : i1 to vector<16xi1>
          %reduce_max3A_296 = arith.constant -2147483648 : i32
          %reduce_max3A_297 = vector.broadcast %reduce_max3A_296 : i32 to vector<16xi32>
          %reduce_max3A_298 = arith.xori %select_n3A_293, %reduce_max3A_297 : vector<16xi32>
          %reduce_max3A_299 = tpu.scan <max>, %reduce_max3A_298 masked %reduce_max3A_295 : vector<16xi32>, vector<16xi1> -> vector<16xi32>
          %reduce_max3A_300 = arith.xori %reduce_max3A_299, %reduce_max3A_297 : vector<16xi32>
          %reduce_max3A_301 = vector.extract %reduce_max3A_300[15] : i32 from vector<16xi32>
          %and3A_302 = arith.constant 31 : i32
          %and3A_303 = arith.andi %while3A_276, %and3A_302 : i32
          %add3A_304 = arith.constant 0 : i32
          %add3A_305 = vector.broadcast %add3A_304 : i32 to vector<16xi32>
          %add3A_306 = arith.addi %iota3A, %add3A_305 : vector<16xi32>
          %mul3A_307 = arith.constant 0 : i32
          %mul3A_308 = vector.broadcast %mul3A_307 : i32 to vector<16xi32>
          %mul3A_309 = arith.muli %iota3A, %mul3A_308 : vector<16xi32>
          %add3A_310 = vector.broadcast %sub3A_290 : i32 to vector<16xi32>
          %add3A_311 = arith.addi %add3A_310, %mul3A_309 : vector<16xi32>
          %gather3A = tpu.vector_load_idx %arg12[%add3A_306, %add3A_311] : memref<64x512xf32, #tpu.memory_space<vmem>>[vector<16xi32>, vector<16xi32>], vector<16xf32>,
          %mul3A_312 = arith.constant 0 : i32
          %mul3A_313 = vector.broadcast %mul3A_312 : i32 to vector<16xi32>
          %mul3A_314 = arith.muli %iota3A, %mul3A_313 : vector<16xi32>
          %add3A_315 = vector.broadcast %and3A_303 : i32 to vector<16xi32>
          %add3A_316 = arith.addi %add3A_315, %mul3A_314 : vector<16xi32>
          %add3A_317 = arith.constant 0 : i32
          %add3A_318 = vector.broadcast %add3A_317 : i32 to vector<16xi32>
          %add3A_319 = arith.addi %iota3A, %add3A_318 : vector<16xi32>
          tpu.vector_store_idx %arg15[%add3A_316, %add3A_319], %gather3A : memref<32x64xf32, #tpu.memory_space<vmem>>[vector<16xi32>, vector<16xi32>], vector<16xf32>,
          %add3A_320 = arith.constant 16 : i32
          %add3A_321 = vector.broadcast %add3A_320 : i32 to vector<16xi32>
          %add3A_322 = arith.addi %iota3A, %add3A_321 : vector<16xi32>
          %mul3A_323 = arith.constant 0 : i32
          %mul3A_324 = vector.broadcast %mul3A_323 : i32 to vector<16xi32>
          %mul3A_325 = arith.muli %iota3A, %mul3A_324 : vector<16xi32>
          %add3A_326 = vector.broadcast %sub3A_290 : i32 to vector<16xi32>
          %add3A_327 = arith.addi %add3A_326, %mul3A_325 : vector<16xi32>
          %gather3A_328 = tpu.vector_load_idx %arg12[%add3A_322, %add3A_327] : memref<64x512xf32, #tpu.memory_space<vmem>>[vector<16xi32>, vector<16xi32>], vector<16xf32>,
          %mul3A_329 = arith.constant 0 : i32
          %mul3A_330 = vector.broadcast %mul3A_329 : i32 to vector<16xi32>
          %mul3A_331 = arith.muli %iota3A, %mul3A_330 : vector<16xi32>
          %add3A_332 = vector.broadcast %and3A_303 : i32 to vector<16xi32>
          %add3A_333 = arith.addi %add3A_332, %mul3A_331 : vector<16xi32>
          %add3A_334 = arith.constant 16 : i32
          %add3A_335 = vector.broadcast %add3A_334 : i32 to vector<16xi32>
          %add3A_336 = arith.addi %iota3A, %add3A_335 : vector<16xi32>
          tpu.vector_store_idx %arg15[%add3A_333, %add3A_336], %gather3A_328 : memref<32x64xf32, #tpu.memory_space<vmem>>[vector<16xi32>, vector<16xi32>], vector<16xf32>,
          %add3A_337 = arith.constant 32 : i32
          %add3A_338 = vector.broadcast %add3A_337 : i32 to vector<16xi32>
          %add3A_339 = arith.addi %iota3A, %add3A_338 : vector<16xi32>
          %mul3A_340 = arith.constant 0 : i32
          %mul3A_341 = vector.broadcast %mul3A_340 : i32 to vector<16xi32>
          %mul3A_342 = arith.muli %iota3A, %mul3A_341 : vector<16xi32>
          %add3A_343 = vector.broadcast %sub3A_290 : i32 to vector<16xi32>
          %add3A_344 = arith.addi %add3A_343, %mul3A_342 : vector<16xi32>
          %gather3A_345 = tpu.vector_load_idx %arg12[%add3A_339, %add3A_344] : memref<64x512xf32, #tpu.memory_space<vmem>>[vector<16xi32>, vector<16xi32>], vector<16xf32>,
          %mul3A_346 = arith.constant 0 : i32
          %mul3A_347 = vector.broadcast %mul3A_346 : i32 to vector<16xi32>
          %mul3A_348 = arith.muli %iota3A, %mul3A_347 : vector<16xi32>
          %add3A_349 = vector.broadcast %and3A_303 : i32 to vector<16xi32>
          %add3A_350 = arith.addi %add3A_349, %mul3A_348 : vector<16xi32>
          %add3A_351 = arith.constant 32 : i32
          %add3A_352 = vector.broadcast %add3A_351 : i32 to vector<16xi32>
          %add3A_353 = arith.addi %iota3A, %add3A_352 : vector<16xi32>
          tpu.vector_store_idx %arg15[%add3A_350, %add3A_353], %gather3A_345 : memref<32x64xf32, #tpu.memory_space<vmem>>[vector<16xi32>, vector<16xi32>], vector<16xf32>,
          %add3A_354 = arith.constant 48 : i32
          %add3A_355 = vector.broadcast %add3A_354 : i32 to vector<16xi32>
          %add3A_356 = arith.addi %iota3A, %add3A_355 : vector<16xi32>
          %mul3A_357 = arith.constant 0 : i32
          %mul3A_358 = vector.broadcast %mul3A_357 : i32 to vector<16xi32>
          %mul3A_359 = arith.muli %iota3A, %mul3A_358 : vector<16xi32>
          %add3A_360 = vector.broadcast %sub3A_290 : i32 to vector<16xi32>
          %add3A_361 = arith.addi %add3A_360, %mul3A_359 : vector<16xi32>
          %gather3A_362 = tpu.vector_load_idx %arg12[%add3A_356, %add3A_361] : memref<64x512xf32, #tpu.memory_space<vmem>>[vector<16xi32>, vector<16xi32>], vector<16xf32>,
          %mul3A_363 = arith.constant 0 : i32
          %mul3A_364 = vector.broadcast %mul3A_363 : i32 to vector<16xi32>
          %mul3A_365 = arith.muli %iota3A, %mul3A_364 : vector<16xi32>
          %add3A_366 = vector.broadcast %and3A_303 : i32 to vector<16xi32>
          %add3A_367 = arith.addi %add3A_366, %mul3A_365 : vector<16xi32>
          %add3A_368 = arith.constant 48 : i32
          %add3A_369 = vector.broadcast %add3A_368 : i32 to vector<16xi32>
          %add3A_370 = arith.addi %iota3A, %add3A_369 : vector<16xi32>
          tpu.vector_store_idx %arg15[%add3A_367, %add3A_370], %gather3A_362 : memref<32x64xf32, #tpu.memory_space<vmem>>[vector<16xi32>, vector<16xi32>], vector<16xf32>,
          %dma_start3A_371 = arith.constant 0 : i32
          %dma_start3A_372 = tpu.memref_slice %arg15[%and3A_303, %dma_start3A_371] : memref<32x64xf32, #tpu.memory_space<vmem>> -> memref<1x64xf32, #tpu.memory_space<vmem>>
          %dma_start3A_373 = arith.constant 0 : i32
          %dma_start3A_374 = tpu.memref_slice %arg6[%reduce_max3A_301, %dma_start3A_373] : memref<16384x64xf32, #tpu.memory_space<hbm>> -> memref<1x64xf32, #tpu.memory_space<hbm>>
          %dma_start3A_375 = arith.constant 0 : i32
          %dma_start3A_376 = tpu.memref_slice %arg6[%reduce_max3A_301, %dma_start3A_375] : memref<16384x64xf32, #tpu.memory_space<hbm>> -> memref<1x64xf32, #tpu.memory_space<hbm>>
          %dma_start3A_377 = arith.constant 0 : i32
          %dma_start3A_378 = tpu.memref_slice %arg15[%and3A_303, %dma_start3A_377] : memref<32x64xf32, #tpu.memory_space<vmem>> -> memref<1x64xf32, #tpu.memory_space<vmem>>
          tpu.enqueue_dma source(%dma_start3A_378 : memref<1x64xf32, #tpu.memory_space<vmem>>) target(%dma_start3A_376 : memref<1x64xf32, #tpu.memory_space<hbm>>) target_semaphore(%arg20 : memref<!tpu.dma_semaphore, #tpu.memory_space<semaphore_mem>>)
          %not3A = arith.constant dense<true> : vector<16xi1>
          %not3A_379 = arith.xori %eq3A_280, %not3A : vector<16xi1>
          %and3A_380 = arith.andi %while3A_275, %not3A_379 : vector<16xi1>
          %add3A_381 = arith.constant 1 : i32
          %add3A_382 = arith.addi %while3A_276, %add3A_381 : i32
          scf.yield %and3A_380, %add3A_382 : vector<16xi1>, i32
        }
        scf.yield %while3A_273#1, %add3A_262 : i32, i32
      }
      %while3A_201 = arith.constant 1 : i32
      %while3A_202:2 = scf.for %while3A_231 = %while3A_198 to %while3A_194 step %while3A_201 iter_args(%while3A_232 = %while3A_200#0, %while3A_233 = %while3A_200#1) -> (i32, i32)  : i32 {
        %mul3A_234 = arith.constant 16 : i32
        %mul3A_235 = arith.muli %while3A_231, %mul3A_234 : i32
        %get3A = arith.index_cast %mul3A_235 : i32 to index
        %get3A_236 = tpu.vector_load %arg10[%get3A] {strides = array<i32>} : memref<16384xi32, #tpu.memory_space<vmem>>, vector<16xi32>,
        %mul3A_237 = arith.constant 16 : i32
        %mul3A_238 = arith.muli %while3A_231, %mul3A_237 : i32
        %get3A_239 = arith.index_cast %mul3A_238 : i32 to index
        %get3A_240 = tpu.vector_load %arg11[%get3A_239] {strides = array<i32>} : memref<16384xi32, #tpu.memory_space<vmem>>, vector<16xi32>,
        %mul3A_241 = arith.constant 16 : i32
        %mul3A_242 = arith.muli %while3A_231, %mul3A_241 : i32
        %add3A_243 = vector.broadcast %mul3A_242 : i32 to vector<16xi32>
        %add3A_244 = arith.addi %iota3A, %add3A_243 : vector<16xi32>
        %lt3A_245 = vector.broadcast %scan3A_68 : i32 to vector<16xi32>
        %lt3A_246 = arith.cmpi slt, %add3A_244, %lt3A_245 : vector<16xi32>
        %ge3A = vector.broadcast %add3A_178 : i32 to vector<16xi32>
        %ge3A_247 = arith.cmpi sge, %get3A_236, %ge3A : vector<16xi32>
        %and3A_248 = arith.andi %lt3A_246, %ge3A_247 : vector<16xi1>
        %lt3A_249 = vector.broadcast %add3A_191 : i32 to vector<16xi32>
        %lt3A_250 = arith.cmpi slt, %get3A_236, %lt3A_249 : vector<16xi32>
        %and3A_251 = arith.andi %and3A_248, %lt3A_250 : vector<16xi1>
        %all_reduce_population_count3A = tpu.all_reduce %and3A_251 {dim = 0 : i64, kind = #tpu.reduction_kind<sum>} : vector<16xi1> -> vector<16xi32>
        %slice3A = vector.extract_strided_slice %all_reduce_population_count3A {offsets = [0], sizes = [1], strides = [1]} : vector<16xi32> to vector<1xi32>
        %squeeze3A = vector.extract %slice3A[0] : i32 from vector<1xi32>
        %sub3A_252 = arith.subi %while3A_232, %while3A_233 : i32
        %add3A_253 = arith.addi %sub3A_252, %squeeze3A : i32
        %gt3A_254 = arith.constant 32 : i32
        %gt3A_255 = arith.cmpi sgt, %add3A_253, %gt3A_254 : i32
        %sub3A_256 = arith.subi %while3A_232, %while3A_233 : i32
        %jit3A_257 = arith.constant 0 : i32
        %select_n3A_258 = arith.select %gt3A_255, %sub3A_256, %jit3A_257 : i32
        %convert_element_type3A_259 = arith.extui %gt3A_255 : i1 to i32
        %cond3A_260 = arith.constant 0 : i32
        %cond3A_261 = arith.cmpi ne, %convert_element_type3A_259, %cond3A_260 : i32
        scf.if %cond3A_261 {
          %while3A_274 = arith.constant 0 : i32
          %while3A_275 = arith.constant 0 : i32
          %while3A_276 = arith.subi %select_n3A_258, %while3A_274 : i32
          %while3A_277 = arith.addi %while3A_274, %while3A_276 : i32
          %while3A_278 = arith.constant 1 : i32
          %while3A_279 = arith.divsi %while3A_276, %while3A_278 : i32
          %while3A_280 = arith.muli %while3A_279, %while3A_278 : i32
          %while3A_281 = arith.addi %while3A_274, %while3A_280 : i32
          %while3A_282 = arith.constant 1 : i32
          %while3A_283 = scf.for %while3A_286 = %while3A_274 to %while3A_281 step %while3A_282 iter_args(%while3A_287 = %while3A_275) -> (i32)  : i32 {
            %dma_wait3A_288 = arith.constant 0 : i32
            %dma_wait3A_289 = arith.constant 0 : i32
            %dma_wait3A_290 = tpu.memref_slice %arg15[%dma_wait3A_288, %dma_wait3A_289] : memref<32x64xf32, #tpu.memory_space<vmem>> -> memref<1x64xf32, #tpu.memory_space<vmem>>
            %dma_wait3A_291 = arith.constant 0 : i32
            %dma_wait3A_292 = arith.constant 0 : i32
            %dma_wait3A_293 = tpu.memref_slice %arg6[%dma_wait3A_291, %dma_wait3A_292] : memref<16384x64xf32, #tpu.memory_space<hbm>> -> memref<1x64xf32, #tpu.memory_space<hbm>>
            %dma_wait3A_294 = arith.constant 0 : i32
            %dma_wait3A_295 = arith.constant 0 : i32
            %dma_wait3A_296 = tpu.memref_slice %arg6[%dma_wait3A_294, %dma_wait3A_295] : memref<16384x64xf32, #tpu.memory_space<hbm>> -> memref<1x64xf32, #tpu.memory_space<hbm>>
            %dma_wait3A_297 = arith.constant 0 : i32
            %dma_wait3A_298 = arith.constant 0 : i32
            %dma_wait3A_299 = tpu.memref_slice %arg15[%dma_wait3A_297, %dma_wait3A_298] : memref<32x64xf32, #tpu.memory_space<vmem>> -> memref<1x64xf32, #tpu.memory_space<vmem>>
            tpu.wait_dma2 semaphore(%arg20 : memref<!tpu.dma_semaphore, #tpu.memory_space<semaphore_mem>>) src(%dma_wait3A_299 : memref<1x64xf32, #tpu.memory_space<vmem>>) dst(%dma_wait3A_296 : memref<1x64xf32, #tpu.memory_space<hbm>>)
            %while3A_300 = arith.constant 0 : i32
            scf.yield %while3A_300 : i32
          }
          %while3A_284 = arith.constant 1 : i32
          %while3A_285 = scf.for %while3A_286 = %while3A_281 to %while3A_277 step %while3A_284 iter_args(%while3A_287 = %while3A_283) -> (i32)  : i32 {
            %dma_wait3A_288 = arith.constant 0 : i32
            %dma_wait3A_289 = arith.constant 0 : i32
            %dma_wait3A_290 = tpu.memref_slice %arg15[%dma_wait3A_288, %dma_wait3A_289] : memref<32x64xf32, #tpu.memory_space<vmem>> -> memref<1x64xf32, #tpu.memory_space<vmem>>
            %dma_wait3A_291 = arith.constant 0 : i32
            %dma_wait3A_292 = arith.constant 0 : i32
            %dma_wait3A_293 = tpu.memref_slice %arg6[%dma_wait3A_291, %dma_wait3A_292] : memref<16384x64xf32, #tpu.memory_space<hbm>> -> memref<1x64xf32, #tpu.memory_space<hbm>>
            %dma_wait3A_294 = arith.constant 0 : i32
            %dma_wait3A_295 = arith.constant 0 : i32
            %dma_wait3A_296 = tpu.memref_slice %arg6[%dma_wait3A_294, %dma_wait3A_295] : memref<16384x64xf32, #tpu.memory_space<hbm>> -> memref<1x64xf32, #tpu.memory_space<hbm>>
            %dma_wait3A_297 = arith.constant 0 : i32
            %dma_wait3A_298 = arith.constant 0 : i32
            %dma_wait3A_299 = tpu.memref_slice %arg15[%dma_wait3A_297, %dma_wait3A_298] : memref<32x64xf32, #tpu.memory_space<vmem>> -> memref<1x64xf32, #tpu.memory_space<vmem>>
            tpu.wait_dma2 semaphore(%arg20 : memref<!tpu.dma_semaphore, #tpu.memory_space<semaphore_mem>>) src(%dma_wait3A_299 : memref<1x64xf32, #tpu.memory_space<vmem>>) dst(%dma_wait3A_296 : memref<1x64xf32, #tpu.memory_space<hbm>>)
            %while3A_300 = arith.constant 0 : i32
            scf.yield %while3A_300 : i32
          }
        } else {
        }
        %add3A_262 = arith.addi %while3A_233, %select_n3A_258 : i32
        %while3A_263 = arith.constant 0 : i32
        %while3A_264 = arith.subi %squeeze3A, %while3A_263 : i32
        %while3A_265 = arith.addi %while3A_263, %while3A_264 : i32
        %while3A_266 = arith.constant 1 : i32
        %while3A_267 = arith.divsi %while3A_264, %while3A_266 : i32
        %while3A_268 = arith.muli %while3A_267, %while3A_266 : i32
        %while3A_269 = arith.addi %while3A_263, %while3A_268 : i32
        %while3A_270 = arith.constant 1 : i32
        %while3A_271:2 = scf.for %while3A_274 = %while3A_263 to %while3A_269 step %while3A_270 iter_args(%while3A_275 = %and3A_251, %while3A_276 = %while3A_232) -> (vector<16xi1>, i32)  : i32 {
          %all_reduce_ffs3A = tpu.all_reduce %while3A_275 {dim = 0 : i64, kind = #tpu.reduction_kind<find_first_set>} : vector<16xi1> -> vector<16xi32>
          %slice3A_277 = vector.extract_strided_slice %all_reduce_ffs3A {offsets = [0], sizes = [1], strides = [1]} : vector<16xi32> to vector<1xi32>
          %squeeze3A_278 = vector.extract %slice3A_277[0] : i32 from vector<1xi32>
          %eq3A_279 = vector.broadcast %squeeze3A_278 : i32 to vector<16xi32>
          %eq3A_280 = arith.cmpi eq, %iota3A, %eq3A_279 : vector<16xi32>
          %jit3A_281 = arith.constant 0 : i32
          %broadcast_in_dim3A = vector.broadcast %jit3A_281 : i32 to vector<16xi32>
          %select_n3A_282 = arith.select %eq3A_280, %get3A_236, %broadcast_in_dim3A : vector<16xi1>, vector<16xi32>
          %reduce_max3A = arith.constant true
          %reduce_max3A_283 = vector.broadcast %reduce_max3A : i1 to vector<16xi1>
          %reduce_max3A_284 = arith.constant -2147483648 : i32
          %reduce_max3A_285 = vector.broadcast %reduce_max3A_284 : i32 to vector<16xi32>
          %reduce_max3A_286 = arith.xori %select_n3A_282, %reduce_max3A_285 : vector<16xi32>
          %reduce_max3A_287 = tpu.scan <max>, %reduce_max3A_286 masked %reduce_max3A_283 : vector<16xi32>, vector<16xi1> -> vector<16xi32>
          %reduce_max3A_288 = arith.xori %reduce_max3A_287, %reduce_max3A_285 : vector<16xi32>
          %reduce_max3A_289 = vector.extract %reduce_max3A_288[15] : i32 from vector<16xi32>
          %sub3A_290 = arith.subi %reduce_max3A_289, %add3A_178 : i32
          %jit3A_291 = arith.constant 0 : i32
          %broadcast_in_dim3A_292 = vector.broadcast %jit3A_291 : i32 to vector<16xi32>
          %select_n3A_293 = arith.select %eq3A_280, %get3A_240, %broadcast_in_dim3A_292 : vector<16xi1>, vector<16xi32>
          %reduce_max3A_294 = arith.constant true
          %reduce_max3A_295 = vector.broadcast %reduce_max3A_294 : i1 to vector<16xi1>
          %reduce_max3A_296 = arith.constant -2147483648 : i32
          %reduce_max3A_297 = vector.broadcast %reduce_max3A_296 : i32 to vector<16xi32>
          %reduce_max3A_298 = arith.xori %select_n3A_293, %reduce_max3A_297 : vector<16xi32>
          %reduce_max3A_299 = tpu.scan <max>, %reduce_max3A_298 masked %reduce_max3A_295 : vector<16xi32>, vector<16xi1> -> vector<16xi32>
          %reduce_max3A_300 = arith.xori %reduce_max3A_299, %reduce_max3A_297 : vector<16xi32>
          %reduce_max3A_301 = vector.extract %reduce_max3A_300[15] : i32 from vector<16xi32>
          %and3A_302 = arith.constant 31 : i32
          %and3A_303 = arith.andi %while3A_276, %and3A_302 : i32
          %add3A_304 = arith.constant 0 : i32
          %add3A_305 = vector.broadcast %add3A_304 : i32 to vector<16xi32>
          %add3A_306 = arith.addi %iota3A, %add3A_305 : vector<16xi32>
          %mul3A_307 = arith.constant 0 : i32
          %mul3A_308 = vector.broadcast %mul3A_307 : i32 to vector<16xi32>
          %mul3A_309 = arith.muli %iota3A, %mul3A_308 : vector<16xi32>
          %add3A_310 = vector.broadcast %sub3A_290 : i32 to vector<16xi32>
          %add3A_311 = arith.addi %add3A_310, %mul3A_309 : vector<16xi32>
          %gather3A = tpu.vector_load_idx %arg12[%add3A_306, %add3A_311] : memref<64x512xf32, #tpu.memory_space<vmem>>[vector<16xi32>, vector<16xi32>], vector<16xf32>,
          %mul3A_312 = arith.constant 0 : i32
          %mul3A_313 = vector.broadcast %mul3A_312 : i32 to vector<16xi32>
          %mul3A_314 = arith.muli %iota3A, %mul3A_313 : vector<16xi32>
          %add3A_315 = vector.broadcast %and3A_303 : i32 to vector<16xi32>
          %add3A_316 = arith.addi %add3A_315, %mul3A_314 : vector<16xi32>
          %add3A_317 = arith.constant 0 : i32
          %add3A_318 = vector.broadcast %add3A_317 : i32 to vector<16xi32>
          %add3A_319 = arith.addi %iota3A, %add3A_318 : vector<16xi32>
          tpu.vector_store_idx %arg15[%add3A_316, %add3A_319], %gather3A : memref<32x64xf32, #tpu.memory_space<vmem>>[vector<16xi32>, vector<16xi32>], vector<16xf32>,
          %add3A_320 = arith.constant 16 : i32
          %add3A_321 = vector.broadcast %add3A_320 : i32 to vector<16xi32>
          %add3A_322 = arith.addi %iota3A, %add3A_321 : vector<16xi32>
          %mul3A_323 = arith.constant 0 : i32
          %mul3A_324 = vector.broadcast %mul3A_323 : i32 to vector<16xi32>
          %mul3A_325 = arith.muli %iota3A, %mul3A_324 : vector<16xi32>
          %add3A_326 = vector.broadcast %sub3A_290 : i32 to vector<16xi32>
          %add3A_327 = arith.addi %add3A_326, %mul3A_325 : vector<16xi32>
          %gather3A_328 = tpu.vector_load_idx %arg12[%add3A_322, %add3A_327] : memref<64x512xf32, #tpu.memory_space<vmem>>[vector<16xi32>, vector<16xi32>], vector<16xf32>,
          %mul3A_329 = arith.constant 0 : i32
          %mul3A_330 = vector.broadcast %mul3A_329 : i32 to vector<16xi32>
          %mul3A_331 = arith.muli %iota3A, %mul3A_330 : vector<16xi32>
          %add3A_332 = vector.broadcast %and3A_303 : i32 to vector<16xi32>
          %add3A_333 = arith.addi %add3A_332, %mul3A_331 : vector<16xi32>
          %add3A_334 = arith.constant 16 : i32
          %add3A_335 = vector.broadcast %add3A_334 : i32 to vector<16xi32>
          %add3A_336 = arith.addi %iota3A, %add3A_335 : vector<16xi32>
          tpu.vector_store_idx %arg15[%add3A_333, %add3A_336], %gather3A_328 : memref<32x64xf32, #tpu.memory_space<vmem>>[vector<16xi32>, vector<16xi32>], vector<16xf32>,
          %add3A_337 = arith.constant 32 : i32
          %add3A_338 = vector.broadcast %add3A_337 : i32 to vector<16xi32>
          %add3A_339 = arith.addi %iota3A, %add3A_338 : vector<16xi32>
          %mul3A_340 = arith.constant 0 : i32
          %mul3A_341 = vector.broadcast %mul3A_340 : i32 to vector<16xi32>
          %mul3A_342 = arith.muli %iota3A, %mul3A_341 : vector<16xi32>
          %add3A_343 = vector.broadcast %sub3A_290 : i32 to vector<16xi32>
          %add3A_344 = arith.addi %add3A_343, %mul3A_342 : vector<16xi32>
          %gather3A_345 = tpu.vector_load_idx %arg12[%add3A_339, %add3A_344] : memref<64x512xf32, #tpu.memory_space<vmem>>[vector<16xi32>, vector<16xi32>], vector<16xf32>,
          %mul3A_346 = arith.constant 0 : i32
          %mul3A_347 = vector.broadcast %mul3A_346 : i32 to vector<16xi32>
          %mul3A_348 = arith.muli %iota3A, %mul3A_347 : vector<16xi32>
          %add3A_349 = vector.broadcast %and3A_303 : i32 to vector<16xi32>
          %add3A_350 = arith.addi %add3A_349, %mul3A_348 : vector<16xi32>
          %add3A_351 = arith.constant 32 : i32
          %add3A_352 = vector.broadcast %add3A_351 : i32 to vector<16xi32>
          %add3A_353 = arith.addi %iota3A, %add3A_352 : vector<16xi32>
          tpu.vector_store_idx %arg15[%add3A_350, %add3A_353], %gather3A_345 : memref<32x64xf32, #tpu.memory_space<vmem>>[vector<16xi32>, vector<16xi32>], vector<16xf32>,
          %add3A_354 = arith.constant 48 : i32
          %add3A_355 = vector.broadcast %add3A_354 : i32 to vector<16xi32>
          %add3A_356 = arith.addi %iota3A, %add3A_355 : vector<16xi32>
          %mul3A_357 = arith.constant 0 : i32
          %mul3A_358 = vector.broadcast %mul3A_357 : i32 to vector<16xi32>
          %mul3A_359 = arith.muli %iota3A, %mul3A_358 : vector<16xi32>
          %add3A_360 = vector.broadcast %sub3A_290 : i32 to vector<16xi32>
          %add3A_361 = arith.addi %add3A_360, %mul3A_359 : vector<16xi32>
          %gather3A_362 = tpu.vector_load_idx %arg12[%add3A_356, %add3A_361] : memref<64x512xf32, #tpu.memory_space<vmem>>[vector<16xi32>, vector<16xi32>], vector<16xf32>,
          %mul3A_363 = arith.constant 0 : i32
          %mul3A_364 = vector.broadcast %mul3A_363 : i32 to vector<16xi32>
          %mul3A_365 = arith.muli %iota3A, %mul3A_364 : vector<16xi32>
          %add3A_366 = vector.broadcast %and3A_303 : i32 to vector<16xi32>
          %add3A_367 = arith.addi %add3A_366, %mul3A_365 : vector<16xi32>
          %add3A_368 = arith.constant 48 : i32
          %add3A_369 = vector.broadcast %add3A_368 : i32 to vector<16xi32>
          %add3A_370 = arith.addi %iota3A, %add3A_369 : vector<16xi32>
          tpu.vector_store_idx %arg15[%add3A_367, %add3A_370], %gather3A_362 : memref<32x64xf32, #tpu.memory_space<vmem>>[vector<16xi32>, vector<16xi32>], vector<16xf32>,
          %dma_start3A_371 = arith.constant 0 : i32
          %dma_start3A_372 = tpu.memref_slice %arg15[%and3A_303, %dma_start3A_371] : memref<32x64xf32, #tpu.memory_space<vmem>> -> memref<1x64xf32, #tpu.memory_space<vmem>>
          %dma_start3A_373 = arith.constant 0 : i32
          %dma_start3A_374 = tpu.memref_slice %arg6[%reduce_max3A_301, %dma_start3A_373] : memref<16384x64xf32, #tpu.memory_space<hbm>> -> memref<1x64xf32, #tpu.memory_space<hbm>>
          %dma_start3A_375 = arith.constant 0 : i32
          %dma_start3A_376 = tpu.memref_slice %arg6[%reduce_max3A_301, %dma_start3A_375] : memref<16384x64xf32, #tpu.memory_space<hbm>> -> memref<1x64xf32, #tpu.memory_space<hbm>>
          %dma_start3A_377 = arith.constant 0 : i32
          %dma_start3A_378 = tpu.memref_slice %arg15[%and3A_303, %dma_start3A_377] : memref<32x64xf32, #tpu.memory_space<vmem>> -> memref<1x64xf32, #tpu.memory_space<vmem>>
          tpu.enqueue_dma source(%dma_start3A_378 : memref<1x64xf32, #tpu.memory_space<vmem>>) target(%dma_start3A_376 : memref<1x64xf32, #tpu.memory_space<hbm>>) target_semaphore(%arg20 : memref<!tpu.dma_semaphore, #tpu.memory_space<semaphore_mem>>)
          %not3A = arith.constant dense<true> : vector<16xi1>
          %not3A_379 = arith.xori %eq3A_280, %not3A : vector<16xi1>
          %and3A_380 = arith.andi %while3A_275, %not3A_379 : vector<16xi1>
          %add3A_381 = arith.constant 1 : i32
          %add3A_382 = arith.addi %while3A_276, %add3A_381 : i32
          scf.yield %and3A_380, %add3A_382 : vector<16xi1>, i32
        }
        %while3A_272 = arith.constant 1 : i32
        %while3A_273:2 = scf.for %while3A_274 = %while3A_269 to %while3A_265 step %while3A_272 iter_args(%while3A_275 = %while3A_271#0, %while3A_276 = %while3A_271#1) -> (vector<16xi1>, i32)  : i32 {
          %all_reduce_ffs3A = tpu.all_reduce %while3A_275 {dim = 0 : i64, kind = #tpu.reduction_kind<find_first_set>} : vector<16xi1> -> vector<16xi32>
          %slice3A_277 = vector.extract_strided_slice %all_reduce_ffs3A {offsets = [0], sizes = [1], strides = [1]} : vector<16xi32> to vector<1xi32>
          %squeeze3A_278 = vector.extract %slice3A_277[0] : i32 from vector<1xi32>
          %eq3A_279 = vector.broadcast %squeeze3A_278 : i32 to vector<16xi32>
          %eq3A_280 = arith.cmpi eq, %iota3A, %eq3A_279 : vector<16xi32>
          %jit3A_281 = arith.constant 0 : i32
          %broadcast_in_dim3A = vector.broadcast %jit3A_281 : i32 to vector<16xi32>
          %select_n3A_282 = arith.select %eq3A_280, %get3A_236, %broadcast_in_dim3A : vector<16xi1>, vector<16xi32>
          %reduce_max3A = arith.constant true
          %reduce_max3A_283 = vector.broadcast %reduce_max3A : i1 to vector<16xi1>
          %reduce_max3A_284 = arith.constant -2147483648 : i32
          %reduce_max3A_285 = vector.broadcast %reduce_max3A_284 : i32 to vector<16xi32>
          %reduce_max3A_286 = arith.xori %select_n3A_282, %reduce_max3A_285 : vector<16xi32>
          %reduce_max3A_287 = tpu.scan <max>, %reduce_max3A_286 masked %reduce_max3A_283 : vector<16xi32>, vector<16xi1> -> vector<16xi32>
          %reduce_max3A_288 = arith.xori %reduce_max3A_287, %reduce_max3A_285 : vector<16xi32>
          %reduce_max3A_289 = vector.extract %reduce_max3A_288[15] : i32 from vector<16xi32>
          %sub3A_290 = arith.subi %reduce_max3A_289, %add3A_178 : i32
          %jit3A_291 = arith.constant 0 : i32
          %broadcast_in_dim3A_292 = vector.broadcast %jit3A_291 : i32 to vector<16xi32>
          %select_n3A_293 = arith.select %eq3A_280, %get3A_240, %broadcast_in_dim3A_292 : vector<16xi1>, vector<16xi32>
          %reduce_max3A_294 = arith.constant true
          %reduce_max3A_295 = vector.broadcast %reduce_max3A_294 : i1 to vector<16xi1>
          %reduce_max3A_296 = arith.constant -2147483648 : i32
          %reduce_max3A_297 = vector.broadcast %reduce_max3A_296 : i32 to vector<16xi32>
          %reduce_max3A_298 = arith.xori %select_n3A_293, %reduce_max3A_297 : vector<16xi32>
          %reduce_max3A_299 = tpu.scan <max>, %reduce_max3A_298 masked %reduce_max3A_295 : vector<16xi32>, vector<16xi1> -> vector<16xi32>
          %reduce_max3A_300 = arith.xori %reduce_max3A_299, %reduce_max3A_297 : vector<16xi32>
          %reduce_max3A_301 = vector.extract %reduce_max3A_300[15] : i32 from vector<16xi32>
          %and3A_302 = arith.constant 31 : i32
          %and3A_303 = arith.andi %while3A_276, %and3A_302 : i32
          %add3A_304 = arith.constant 0 : i32
          %add3A_305 = vector.broadcast %add3A_304 : i32 to vector<16xi32>
          %add3A_306 = arith.addi %iota3A, %add3A_305 : vector<16xi32>
          %mul3A_307 = arith.constant 0 : i32
          %mul3A_308 = vector.broadcast %mul3A_307 : i32 to vector<16xi32>
          %mul3A_309 = arith.muli %iota3A, %mul3A_308 : vector<16xi32>
          %add3A_310 = vector.broadcast %sub3A_290 : i32 to vector<16xi32>
          %add3A_311 = arith.addi %add3A_310, %mul3A_309 : vector<16xi32>
          %gather3A = tpu.vector_load_idx %arg12[%add3A_306, %add3A_311] : memref<64x512xf32, #tpu.memory_space<vmem>>[vector<16xi32>, vector<16xi32>], vector<16xf32>,
          %mul3A_312 = arith.constant 0 : i32
          %mul3A_313 = vector.broadcast %mul3A_312 : i32 to vector<16xi32>
          %mul3A_314 = arith.muli %iota3A, %mul3A_313 : vector<16xi32>
          %add3A_315 = vector.broadcast %and3A_303 : i32 to vector<16xi32>
          %add3A_316 = arith.addi %add3A_315, %mul3A_314 : vector<16xi32>
          %add3A_317 = arith.constant 0 : i32
          %add3A_318 = vector.broadcast %add3A_317 : i32 to vector<16xi32>
          %add3A_319 = arith.addi %iota3A, %add3A_318 : vector<16xi32>
          tpu.vector_store_idx %arg15[%add3A_316, %add3A_319], %gather3A : memref<32x64xf32, #tpu.memory_space<vmem>>[vector<16xi32>, vector<16xi32>], vector<16xf32>,
          %add3A_320 = arith.constant 16 : i32
          %add3A_321 = vector.broadcast %add3A_320 : i32 to vector<16xi32>
          %add3A_322 = arith.addi %iota3A, %add3A_321 : vector<16xi32>
          %mul3A_323 = arith.constant 0 : i32
          %mul3A_324 = vector.broadcast %mul3A_323 : i32 to vector<16xi32>
          %mul3A_325 = arith.muli %iota3A, %mul3A_324 : vector<16xi32>
          %add3A_326 = vector.broadcast %sub3A_290 : i32 to vector<16xi32>
          %add3A_327 = arith.addi %add3A_326, %mul3A_325 : vector<16xi32>
          %gather3A_328 = tpu.vector_load_idx %arg12[%add3A_322, %add3A_327] : memref<64x512xf32, #tpu.memory_space<vmem>>[vector<16xi32>, vector<16xi32>], vector<16xf32>,
          %mul3A_329 = arith.constant 0 : i32
          %mul3A_330 = vector.broadcast %mul3A_329 : i32 to vector<16xi32>
          %mul3A_331 = arith.muli %iota3A, %mul3A_330 : vector<16xi32>
          %add3A_332 = vector.broadcast %and3A_303 : i32 to vector<16xi32>
          %add3A_333 = arith.addi %add3A_332, %mul3A_331 : vector<16xi32>
          %add3A_334 = arith.constant 16 : i32
          %add3A_335 = vector.broadcast %add3A_334 : i32 to vector<16xi32>
          %add3A_336 = arith.addi %iota3A, %add3A_335 : vector<16xi32>
          tpu.vector_store_idx %arg15[%add3A_333, %add3A_336], %gather3A_328 : memref<32x64xf32, #tpu.memory_space<vmem>>[vector<16xi32>, vector<16xi32>], vector<16xf32>,
          %add3A_337 = arith.constant 32 : i32
          %add3A_338 = vector.broadcast %add3A_337 : i32 to vector<16xi32>
          %add3A_339 = arith.addi %iota3A, %add3A_338 : vector<16xi32>
          %mul3A_340 = arith.constant 0 : i32
          %mul3A_341 = vector.broadcast %mul3A_340 : i32 to vector<16xi32>
          %mul3A_342 = arith.muli %iota3A, %mul3A_341 : vector<16xi32>
          %add3A_343 = vector.broadcast %sub3A_290 : i32 to vector<16xi32>
          %add3A_344 = arith.addi %add3A_343, %mul3A_342 : vector<16xi32>
          %gather3A_345 = tpu.vector_load_idx %arg12[%add3A_339, %add3A_344] : memref<64x512xf32, #tpu.memory_space<vmem>>[vector<16xi32>, vector<16xi32>], vector<16xf32>,
          %mul3A_346 = arith.constant 0 : i32
          %mul3A_347 = vector.broadcast %mul3A_346 : i32 to vector<16xi32>
          %mul3A_348 = arith.muli %iota3A, %mul3A_347 : vector<16xi32>
          %add3A_349 = vector.broadcast %and3A_303 : i32 to vector<16xi32>
          %add3A_350 = arith.addi %add3A_349, %mul3A_348 : vector<16xi32>
          %add3A_351 = arith.constant 32 : i32
          %add3A_352 = vector.broadcast %add3A_351 : i32 to vector<16xi32>
          %add3A_353 = arith.addi %iota3A, %add3A_352 : vector<16xi32>
          tpu.vector_store_idx %arg15[%add3A_350, %add3A_353], %gather3A_345 : memref<32x64xf32, #tpu.memory_space<vmem>>[vector<16xi32>, vector<16xi32>], vector<16xf32>,
          %add3A_354 = arith.constant 48 : i32
          %add3A_355 = vector.broadcast %add3A_354 : i32 to vector<16xi32>
          %add3A_356 = arith.addi %iota3A, %add3A_355 : vector<16xi32>
          %mul3A_357 = arith.constant 0 : i32
          %mul3A_358 = vector.broadcast %mul3A_357 : i32 to vector<16xi32>
          %mul3A_359 = arith.muli %iota3A, %mul3A_358 : vector<16xi32>
          %add3A_360 = vector.broadcast %sub3A_290 : i32 to vector<16xi32>
          %add3A_361 = arith.addi %add3A_360, %mul3A_359 : vector<16xi32>
          %gather3A_362 = tpu.vector_load_idx %arg12[%add3A_356, %add3A_361] : memref<64x512xf32, #tpu.memory_space<vmem>>[vector<16xi32>, vector<16xi32>], vector<16xf32>,
          %mul3A_363 = arith.constant 0 : i32
          %mul3A_364 = vector.broadcast %mul3A_363 : i32 to vector<16xi32>
          %mul3A_365 = arith.muli %iota3A, %mul3A_364 : vector<16xi32>
          %add3A_366 = vector.broadcast %and3A_303 : i32 to vector<16xi32>
          %add3A_367 = arith.addi %add3A_366, %mul3A_365 : vector<16xi32>
          %add3A_368 = arith.constant 48 : i32
          %add3A_369 = vector.broadcast %add3A_368 : i32 to vector<16xi32>
          %add3A_370 = arith.addi %iota3A, %add3A_369 : vector<16xi32>
          tpu.vector_store_idx %arg15[%add3A_367, %add3A_370], %gather3A_362 : memref<32x64xf32, #tpu.memory_space<vmem>>[vector<16xi32>, vector<16xi32>], vector<16xf32>,
          %dma_start3A_371 = arith.constant 0 : i32
          %dma_start3A_372 = tpu.memref_slice %arg15[%and3A_303, %dma_start3A_371] : memref<32x64xf32, #tpu.memory_space<vmem>> -> memref<1x64xf32, #tpu.memory_space<vmem>>
          %dma_start3A_373 = arith.constant 0 : i32
          %dma_start3A_374 = tpu.memref_slice %arg6[%reduce_max3A_301, %dma_start3A_373] : memref<16384x64xf32, #tpu.memory_space<hbm>> -> memref<1x64xf32, #tpu.memory_space<hbm>>
          %dma_start3A_375 = arith.constant 0 : i32
          %dma_start3A_376 = tpu.memref_slice %arg6[%reduce_max3A_301, %dma_start3A_375] : memref<16384x64xf32, #tpu.memory_space<hbm>> -> memref<1x64xf32, #tpu.memory_space<hbm>>
          %dma_start3A_377 = arith.constant 0 : i32
          %dma_start3A_378 = tpu.memref_slice %arg15[%and3A_303, %dma_start3A_377] : memref<32x64xf32, #tpu.memory_space<vmem>> -> memref<1x64xf32, #tpu.memory_space<vmem>>
          tpu.enqueue_dma source(%dma_start3A_378 : memref<1x64xf32, #tpu.memory_space<vmem>>) target(%dma_start3A_376 : memref<1x64xf32, #tpu.memory_space<hbm>>) target_semaphore(%arg20 : memref<!tpu.dma_semaphore, #tpu.memory_space<semaphore_mem>>)
          %not3A = arith.constant dense<true> : vector<16xi1>
          %not3A_379 = arith.xori %eq3A_280, %not3A : vector<16xi1>
          %and3A_380 = arith.andi %while3A_275, %not3A_379 : vector<16xi1>
          %add3A_381 = arith.constant 1 : i32
          %add3A_382 = arith.addi %while3A_276, %add3A_381 : i32
          scf.yield %and3A_380, %add3A_382 : vector<16xi1>, i32
        }
        scf.yield %while3A_273#1, %add3A_262 : i32, i32
      }
      %add3A_203 = arith.constant 1 : i32
      %add3A_204 = arith.addi %add3A_173, %add3A_203 : i32
      %lt3A_205 = arith.cmpi slt, %add3A_204, %select_n3A_96 : i32
      %convert_element_type3A_206 = arith.extui %lt3A_205 : i1 to i32
      %cond3A_207 = arith.constant 0 : i32
      %cond3A_208 = arith.cmpi ne, %convert_element_type3A_206, %cond3A_207 : i32
      scf.if %cond3A_208 {
        %add3A_231 = arith.constant 1 : i32
        %add3A_232 = arith.addi %add3A_173, %add3A_231 : i32
        %mul3A_233 = arith.constant 512 : i32
        %mul3A_234 = arith.muli %add3A_232, %mul3A_233 : i32
        %add3A_235 = arith.addi %mul3A_2, %mul3A_234 : i32
        %dma_start3A_236 = arith.constant 0 : i32
        %dma_start3A_237 = tpu.memref_slice %arg4[%dma_start3A_236, %add3A_235] : memref<64x1000001xf32, #tpu.memory_space<hbm>> -> memref<64x512xf32, #tpu.memory_space<hbm>>
        %dma_start3A_238 = arith.constant 0 : i32
        %dma_start3A_239 = tpu.memref_slice %arg4[%dma_start3A_238, %add3A_235] : memref<64x1000001xf32, #tpu.memory_space<hbm>> -> memref<64x512xf32, #tpu.memory_space<hbm>>
        tpu.enqueue_dma source(%dma_start3A_239 : memref<64x512xf32, #tpu.memory_space<hbm>>) target(%arg12 : memref<64x512xf32, #tpu.memory_space<vmem>>) target_semaphore(%arg18 : memref<!tpu.dma_semaphore, #tpu.memory_space<semaphore_mem>>)
      } else {
      }
      %lt3A_209 = arith.cmpi slt, %add3A_173, %select_n3A_96 : i32
      %convert_element_type3A_210 = arith.extui %lt3A_209 : i1 to i32
      %cond3A_211 = arith.constant 0 : i32
      %cond3A_212 = arith.cmpi ne, %convert_element_type3A_210, %cond3A_211 : i32
      scf.if %cond3A_212 {
        %dma_wait3A_231 = arith.constant 0 : i32
        %dma_wait3A_232 = arith.constant 0 : i32
        %dma_wait3A_233 = tpu.memref_slice %arg4[%dma_wait3A_231, %dma_wait3A_232] : memref<64x1000001xf32, #tpu.memory_space<hbm>> -> memref<64x512xf32, #tpu.memory_space<hbm>>
        %dma_wait3A_234 = arith.constant 0 : i32
        %dma_wait3A_235 = arith.constant 0 : i32
        %dma_wait3A_236 = tpu.memref_slice %arg4[%dma_wait3A_234, %dma_wait3A_235] : memref<64x1000001xf32, #tpu.memory_space<hbm>> -> memref<64x512xf32, #tpu.memory_space<hbm>>
        tpu.wait_dma2 semaphore(%arg19 : memref<!tpu.dma_semaphore, #tpu.memory_space<semaphore_mem>>) src(%dma_wait3A_236 : memref<64x512xf32, #tpu.memory_space<hbm>>) dst(%arg13 : memref<64x512xf32, #tpu.memory_space<vmem>>)
      } else {
      }
      %mul3A_213 = arith.constant 512 : i32
      %mul3A_214 = arith.muli %add3A_173, %mul3A_213 : i32
      %add3A_215 = arith.addi %mul3A_2, %mul3A_214 : i32
      %lt3A_216 = arith.cmpi slt, %add3A_173, %select_n3A_96 : i32
      %add3A_217 = arith.constant 512 : i32
      %add3A_218 = arith.addi %add3A_215, %add3A_217 : i32
      %select_n3A_219 = arith.select %lt3A_216, %add3A_218, %add3A_215 : i32
      %while3A_220 = arith.constant 0 : i32
      %while3A_221 = arith.subi %select_n3A_91, %while3A_220 : i32
      %while3A_222 = arith.addi %while3A_220, %while3A_221 : i32
      %while3A_223 = arith.constant 1 : i32
      %while3A_224 = arith.divsi %while3A_221, %while3A_223 : i32
      %while3A_225 = arith.muli %while3A_224, %while3A_223 : i32
      %while3A_226 = arith.addi %while3A_220, %while3A_225 : i32
      %while3A_227 = arith.constant 1 : i32
      %while3A_228:2 = scf.for %while3A_231 = %while3A_220 to %while3A_226 step %while3A_227 iter_args(%while3A_232 = %while3A_202#0, %while3A_233 = %while3A_202#1) -> (i32, i32)  : i32 {
        %mul3A_234 = arith.constant 16 : i32
        %mul3A_235 = arith.muli %while3A_231, %mul3A_234 : i32
        %get3A = arith.index_cast %mul3A_235 : i32 to index
        %get3A_236 = tpu.vector_load %arg10[%get3A] {strides = array<i32>} : memref<16384xi32, #tpu.memory_space<vmem>>, vector<16xi32>,
        %mul3A_237 = arith.constant 16 : i32
        %mul3A_238 = arith.muli %while3A_231, %mul3A_237 : i32
        %get3A_239 = arith.index_cast %mul3A_238 : i32 to index
        %get3A_240 = tpu.vector_load %arg11[%get3A_239] {strides = array<i32>} : memref<16384xi32, #tpu.memory_space<vmem>>, vector<16xi32>,
        %mul3A_241 = arith.constant 16 : i32
        %mul3A_242 = arith.muli %while3A_231, %mul3A_241 : i32
        %add3A_243 = vector.broadcast %mul3A_242 : i32 to vector<16xi32>
        %add3A_244 = arith.addi %iota3A, %add3A_243 : vector<16xi32>
        %lt3A_245 = vector.broadcast %scan3A_68 : i32 to vector<16xi32>
        %lt3A_246 = arith.cmpi slt, %add3A_244, %lt3A_245 : vector<16xi32>
        %ge3A = vector.broadcast %add3A_215 : i32 to vector<16xi32>
        %ge3A_247 = arith.cmpi sge, %get3A_236, %ge3A : vector<16xi32>
        %and3A_248 = arith.andi %lt3A_246, %ge3A_247 : vector<16xi1>
        %lt3A_249 = vector.broadcast %select_n3A_219 : i32 to vector<16xi32>
        %lt3A_250 = arith.cmpi slt, %get3A_236, %lt3A_249 : vector<16xi32>
        %and3A_251 = arith.andi %and3A_248, %lt3A_250 : vector<16xi1>
        %all_reduce_population_count3A = tpu.all_reduce %and3A_251 {dim = 0 : i64, kind = #tpu.reduction_kind<sum>} : vector<16xi1> -> vector<16xi32>
        %slice3A = vector.extract_strided_slice %all_reduce_population_count3A {offsets = [0], sizes = [1], strides = [1]} : vector<16xi32> to vector<1xi32>
        %squeeze3A = vector.extract %slice3A[0] : i32 from vector<1xi32>
        %sub3A_252 = arith.subi %while3A_232, %while3A_233 : i32
        %add3A_253 = arith.addi %sub3A_252, %squeeze3A : i32
        %gt3A_254 = arith.constant 32 : i32
        %gt3A_255 = arith.cmpi sgt, %add3A_253, %gt3A_254 : i32
        %sub3A_256 = arith.subi %while3A_232, %while3A_233 : i32
        %jit3A_257 = arith.constant 0 : i32
        %select_n3A_258 = arith.select %gt3A_255, %sub3A_256, %jit3A_257 : i32
        %convert_element_type3A_259 = arith.extui %gt3A_255 : i1 to i32
        %cond3A_260 = arith.constant 0 : i32
        %cond3A_261 = arith.cmpi ne, %convert_element_type3A_259, %cond3A_260 : i32
        scf.if %cond3A_261 {
          %while3A_274 = arith.constant 0 : i32
          %while3A_275 = arith.constant 0 : i32
          %while3A_276 = arith.subi %select_n3A_258, %while3A_274 : i32
          %while3A_277 = arith.addi %while3A_274, %while3A_276 : i32
          %while3A_278 = arith.constant 1 : i32
          %while3A_279 = arith.divsi %while3A_276, %while3A_278 : i32
          %while3A_280 = arith.muli %while3A_279, %while3A_278 : i32
          %while3A_281 = arith.addi %while3A_274, %while3A_280 : i32
          %while3A_282 = arith.constant 1 : i32
          %while3A_283 = scf.for %while3A_286 = %while3A_274 to %while3A_281 step %while3A_282 iter_args(%while3A_287 = %while3A_275) -> (i32)  : i32 {
            %dma_wait3A_288 = arith.constant 0 : i32
            %dma_wait3A_289 = arith.constant 0 : i32
            %dma_wait3A_290 = tpu.memref_slice %arg15[%dma_wait3A_288, %dma_wait3A_289] : memref<32x64xf32, #tpu.memory_space<vmem>> -> memref<1x64xf32, #tpu.memory_space<vmem>>
            %dma_wait3A_291 = arith.constant 0 : i32
            %dma_wait3A_292 = arith.constant 0 : i32
            %dma_wait3A_293 = tpu.memref_slice %arg6[%dma_wait3A_291, %dma_wait3A_292] : memref<16384x64xf32, #tpu.memory_space<hbm>> -> memref<1x64xf32, #tpu.memory_space<hbm>>
            %dma_wait3A_294 = arith.constant 0 : i32
            %dma_wait3A_295 = arith.constant 0 : i32
            %dma_wait3A_296 = tpu.memref_slice %arg6[%dma_wait3A_294, %dma_wait3A_295] : memref<16384x64xf32, #tpu.memory_space<hbm>> -> memref<1x64xf32, #tpu.memory_space<hbm>>
            %dma_wait3A_297 = arith.constant 0 : i32
            %dma_wait3A_298 = arith.constant 0 : i32
            %dma_wait3A_299 = tpu.memref_slice %arg15[%dma_wait3A_297, %dma_wait3A_298] : memref<32x64xf32, #tpu.memory_space<vmem>> -> memref<1x64xf32, #tpu.memory_space<vmem>>
            tpu.wait_dma2 semaphore(%arg20 : memref<!tpu.dma_semaphore, #tpu.memory_space<semaphore_mem>>) src(%dma_wait3A_299 : memref<1x64xf32, #tpu.memory_space<vmem>>) dst(%dma_wait3A_296 : memref<1x64xf32, #tpu.memory_space<hbm>>)
            %while3A_300 = arith.constant 0 : i32
            scf.yield %while3A_300 : i32
          }
          %while3A_284 = arith.constant 1 : i32
          %while3A_285 = scf.for %while3A_286 = %while3A_281 to %while3A_277 step %while3A_284 iter_args(%while3A_287 = %while3A_283) -> (i32)  : i32 {
            %dma_wait3A_288 = arith.constant 0 : i32
            %dma_wait3A_289 = arith.constant 0 : i32
            %dma_wait3A_290 = tpu.memref_slice %arg15[%dma_wait3A_288, %dma_wait3A_289] : memref<32x64xf32, #tpu.memory_space<vmem>> -> memref<1x64xf32, #tpu.memory_space<vmem>>
            %dma_wait3A_291 = arith.constant 0 : i32
            %dma_wait3A_292 = arith.constant 0 : i32
            %dma_wait3A_293 = tpu.memref_slice %arg6[%dma_wait3A_291, %dma_wait3A_292] : memref<16384x64xf32, #tpu.memory_space<hbm>> -> memref<1x64xf32, #tpu.memory_space<hbm>>
            %dma_wait3A_294 = arith.constant 0 : i32
            %dma_wait3A_295 = arith.constant 0 : i32
            %dma_wait3A_296 = tpu.memref_slice %arg6[%dma_wait3A_294, %dma_wait3A_295] : memref<16384x64xf32, #tpu.memory_space<hbm>> -> memref<1x64xf32, #tpu.memory_space<hbm>>
            %dma_wait3A_297 = arith.constant 0 : i32
            %dma_wait3A_298 = arith.constant 0 : i32
            %dma_wait3A_299 = tpu.memref_slice %arg15[%dma_wait3A_297, %dma_wait3A_298] : memref<32x64xf32, #tpu.memory_space<vmem>> -> memref<1x64xf32, #tpu.memory_space<vmem>>
            tpu.wait_dma2 semaphore(%arg20 : memref<!tpu.dma_semaphore, #tpu.memory_space<semaphore_mem>>) src(%dma_wait3A_299 : memref<1x64xf32, #tpu.memory_space<vmem>>) dst(%dma_wait3A_296 : memref<1x64xf32, #tpu.memory_space<hbm>>)
            %while3A_300 = arith.constant 0 : i32
            scf.yield %while3A_300 : i32
          }
        } else {
        }
        %add3A_262 = arith.addi %while3A_233, %select_n3A_258 : i32
        %while3A_263 = arith.constant 0 : i32
        %while3A_264 = arith.subi %squeeze3A, %while3A_263 : i32
        %while3A_265 = arith.addi %while3A_263, %while3A_264 : i32
        %while3A_266 = arith.constant 1 : i32
        %while3A_267 = arith.divsi %while3A_264, %while3A_266 : i32
        %while3A_268 = arith.muli %while3A_267, %while3A_266 : i32
        %while3A_269 = arith.addi %while3A_263, %while3A_268 : i32
        %while3A_270 = arith.constant 1 : i32
        %while3A_271:2 = scf.for %while3A_274 = %while3A_263 to %while3A_269 step %while3A_270 iter_args(%while3A_275 = %and3A_251, %while3A_276 = %while3A_232) -> (vector<16xi1>, i32)  : i32 {
          %all_reduce_ffs3A = tpu.all_reduce %while3A_275 {dim = 0 : i64, kind = #tpu.reduction_kind<find_first_set>} : vector<16xi1> -> vector<16xi32>
          %slice3A_277 = vector.extract_strided_slice %all_reduce_ffs3A {offsets = [0], sizes = [1], strides = [1]} : vector<16xi32> to vector<1xi32>
          %squeeze3A_278 = vector.extract %slice3A_277[0] : i32 from vector<1xi32>
          %eq3A_279 = vector.broadcast %squeeze3A_278 : i32 to vector<16xi32>
          %eq3A_280 = arith.cmpi eq, %iota3A, %eq3A_279 : vector<16xi32>
          %jit3A_281 = arith.constant 0 : i32
          %broadcast_in_dim3A = vector.broadcast %jit3A_281 : i32 to vector<16xi32>
          %select_n3A_282 = arith.select %eq3A_280, %get3A_236, %broadcast_in_dim3A : vector<16xi1>, vector<16xi32>
          %reduce_max3A = arith.constant true
          %reduce_max3A_283 = vector.broadcast %reduce_max3A : i1 to vector<16xi1>
          %reduce_max3A_284 = arith.constant -2147483648 : i32
          %reduce_max3A_285 = vector.broadcast %reduce_max3A_284 : i32 to vector<16xi32>
          %reduce_max3A_286 = arith.xori %select_n3A_282, %reduce_max3A_285 : vector<16xi32>
          %reduce_max3A_287 = tpu.scan <max>, %reduce_max3A_286 masked %reduce_max3A_283 : vector<16xi32>, vector<16xi1> -> vector<16xi32>
          %reduce_max3A_288 = arith.xori %reduce_max3A_287, %reduce_max3A_285 : vector<16xi32>
          %reduce_max3A_289 = vector.extract %reduce_max3A_288[15] : i32 from vector<16xi32>
          %sub3A_290 = arith.subi %reduce_max3A_289, %add3A_215 : i32
          %jit3A_291 = arith.constant 0 : i32
          %broadcast_in_dim3A_292 = vector.broadcast %jit3A_291 : i32 to vector<16xi32>
          %select_n3A_293 = arith.select %eq3A_280, %get3A_240, %broadcast_in_dim3A_292 : vector<16xi1>, vector<16xi32>
          %reduce_max3A_294 = arith.constant true
          %reduce_max3A_295 = vector.broadcast %reduce_max3A_294 : i1 to vector<16xi1>
          %reduce_max3A_296 = arith.constant -2147483648 : i32
          %reduce_max3A_297 = vector.broadcast %reduce_max3A_296 : i32 to vector<16xi32>
          %reduce_max3A_298 = arith.xori %select_n3A_293, %reduce_max3A_297 : vector<16xi32>
          %reduce_max3A_299 = tpu.scan <max>, %reduce_max3A_298 masked %reduce_max3A_295 : vector<16xi32>, vector<16xi1> -> vector<16xi32>
          %reduce_max3A_300 = arith.xori %reduce_max3A_299, %reduce_max3A_297 : vector<16xi32>
          %reduce_max3A_301 = vector.extract %reduce_max3A_300[15] : i32 from vector<16xi32>
          %and3A_302 = arith.constant 31 : i32
          %and3A_303 = arith.andi %while3A_276, %and3A_302 : i32
          %add3A_304 = arith.constant 0 : i32
          %add3A_305 = vector.broadcast %add3A_304 : i32 to vector<16xi32>
          %add3A_306 = arith.addi %iota3A, %add3A_305 : vector<16xi32>
          %mul3A_307 = arith.constant 0 : i32
          %mul3A_308 = vector.broadcast %mul3A_307 : i32 to vector<16xi32>
          %mul3A_309 = arith.muli %iota3A, %mul3A_308 : vector<16xi32>
          %add3A_310 = vector.broadcast %sub3A_290 : i32 to vector<16xi32>
          %add3A_311 = arith.addi %add3A_310, %mul3A_309 : vector<16xi32>
          %gather3A = tpu.vector_load_idx %arg13[%add3A_306, %add3A_311] : memref<64x512xf32, #tpu.memory_space<vmem>>[vector<16xi32>, vector<16xi32>], vector<16xf32>,
          %mul3A_312 = arith.constant 0 : i32
          %mul3A_313 = vector.broadcast %mul3A_312 : i32 to vector<16xi32>
          %mul3A_314 = arith.muli %iota3A, %mul3A_313 : vector<16xi32>
          %add3A_315 = vector.broadcast %and3A_303 : i32 to vector<16xi32>
          %add3A_316 = arith.addi %add3A_315, %mul3A_314 : vector<16xi32>
          %add3A_317 = arith.constant 0 : i32
          %add3A_318 = vector.broadcast %add3A_317 : i32 to vector<16xi32>
          %add3A_319 = arith.addi %iota3A, %add3A_318 : vector<16xi32>
          tpu.vector_store_idx %arg15[%add3A_316, %add3A_319], %gather3A : memref<32x64xf32, #tpu.memory_space<vmem>>[vector<16xi32>, vector<16xi32>], vector<16xf32>,
          %add3A_320 = arith.constant 16 : i32
          %add3A_321 = vector.broadcast %add3A_320 : i32 to vector<16xi32>
          %add3A_322 = arith.addi %iota3A, %add3A_321 : vector<16xi32>
          %mul3A_323 = arith.constant 0 : i32
          %mul3A_324 = vector.broadcast %mul3A_323 : i32 to vector<16xi32>
          %mul3A_325 = arith.muli %iota3A, %mul3A_324 : vector<16xi32>
          %add3A_326 = vector.broadcast %sub3A_290 : i32 to vector<16xi32>
          %add3A_327 = arith.addi %add3A_326, %mul3A_325 : vector<16xi32>
          %gather3A_328 = tpu.vector_load_idx %arg13[%add3A_322, %add3A_327] : memref<64x512xf32, #tpu.memory_space<vmem>>[vector<16xi32>, vector<16xi32>], vector<16xf32>,
          %mul3A_329 = arith.constant 0 : i32
          %mul3A_330 = vector.broadcast %mul3A_329 : i32 to vector<16xi32>
          %mul3A_331 = arith.muli %iota3A, %mul3A_330 : vector<16xi32>
          %add3A_332 = vector.broadcast %and3A_303 : i32 to vector<16xi32>
          %add3A_333 = arith.addi %add3A_332, %mul3A_331 : vector<16xi32>
          %add3A_334 = arith.constant 16 : i32
          %add3A_335 = vector.broadcast %add3A_334 : i32 to vector<16xi32>
          %add3A_336 = arith.addi %iota3A, %add3A_335 : vector<16xi32>
          tpu.vector_store_idx %arg15[%add3A_333, %add3A_336], %gather3A_328 : memref<32x64xf32, #tpu.memory_space<vmem>>[vector<16xi32>, vector<16xi32>], vector<16xf32>,
          %add3A_337 = arith.constant 32 : i32
          %add3A_338 = vector.broadcast %add3A_337 : i32 to vector<16xi32>
          %add3A_339 = arith.addi %iota3A, %add3A_338 : vector<16xi32>
          %mul3A_340 = arith.constant 0 : i32
          %mul3A_341 = vector.broadcast %mul3A_340 : i32 to vector<16xi32>
          %mul3A_342 = arith.muli %iota3A, %mul3A_341 : vector<16xi32>
          %add3A_343 = vector.broadcast %sub3A_290 : i32 to vector<16xi32>
          %add3A_344 = arith.addi %add3A_343, %mul3A_342 : vector<16xi32>
          %gather3A_345 = tpu.vector_load_idx %arg13[%add3A_339, %add3A_344] : memref<64x512xf32, #tpu.memory_space<vmem>>[vector<16xi32>, vector<16xi32>], vector<16xf32>,
          %mul3A_346 = arith.constant 0 : i32
          %mul3A_347 = vector.broadcast %mul3A_346 : i32 to vector<16xi32>
          %mul3A_348 = arith.muli %iota3A, %mul3A_347 : vector<16xi32>
          %add3A_349 = vector.broadcast %and3A_303 : i32 to vector<16xi32>
          %add3A_350 = arith.addi %add3A_349, %mul3A_348 : vector<16xi32>
          %add3A_351 = arith.constant 32 : i32
          %add3A_352 = vector.broadcast %add3A_351 : i32 to vector<16xi32>
          %add3A_353 = arith.addi %iota3A, %add3A_352 : vector<16xi32>
          tpu.vector_store_idx %arg15[%add3A_350, %add3A_353], %gather3A_345 : memref<32x64xf32, #tpu.memory_space<vmem>>[vector<16xi32>, vector<16xi32>], vector<16xf32>,
          %add3A_354 = arith.constant 48 : i32
          %add3A_355 = vector.broadcast %add3A_354 : i32 to vector<16xi32>
          %add3A_356 = arith.addi %iota3A, %add3A_355 : vector<16xi32>
          %mul3A_357 = arith.constant 0 : i32
          %mul3A_358 = vector.broadcast %mul3A_357 : i32 to vector<16xi32>
          %mul3A_359 = arith.muli %iota3A, %mul3A_358 : vector<16xi32>
          %add3A_360 = vector.broadcast %sub3A_290 : i32 to vector<16xi32>
          %add3A_361 = arith.addi %add3A_360, %mul3A_359 : vector<16xi32>
          %gather3A_362 = tpu.vector_load_idx %arg13[%add3A_356, %add3A_361] : memref<64x512xf32, #tpu.memory_space<vmem>>[vector<16xi32>, vector<16xi32>], vector<16xf32>,
          %mul3A_363 = arith.constant 0 : i32
          %mul3A_364 = vector.broadcast %mul3A_363 : i32 to vector<16xi32>
          %mul3A_365 = arith.muli %iota3A, %mul3A_364 : vector<16xi32>
          %add3A_366 = vector.broadcast %and3A_303 : i32 to vector<16xi32>
          %add3A_367 = arith.addi %add3A_366, %mul3A_365 : vector<16xi32>
          %add3A_368 = arith.constant 48 : i32
          %add3A_369 = vector.broadcast %add3A_368 : i32 to vector<16xi32>
          %add3A_370 = arith.addi %iota3A, %add3A_369 : vector<16xi32>
          tpu.vector_store_idx %arg15[%add3A_367, %add3A_370], %gather3A_362 : memref<32x64xf32, #tpu.memory_space<vmem>>[vector<16xi32>, vector<16xi32>], vector<16xf32>,
          %dma_start3A_371 = arith.constant 0 : i32
          %dma_start3A_372 = tpu.memref_slice %arg15[%and3A_303, %dma_start3A_371] : memref<32x64xf32, #tpu.memory_space<vmem>> -> memref<1x64xf32, #tpu.memory_space<vmem>>
          %dma_start3A_373 = arith.constant 0 : i32
          %dma_start3A_374 = tpu.memref_slice %arg6[%reduce_max3A_301, %dma_start3A_373] : memref<16384x64xf32, #tpu.memory_space<hbm>> -> memref<1x64xf32, #tpu.memory_space<hbm>>
          %dma_start3A_375 = arith.constant 0 : i32
          %dma_start3A_376 = tpu.memref_slice %arg6[%reduce_max3A_301, %dma_start3A_375] : memref<16384x64xf32, #tpu.memory_space<hbm>> -> memref<1x64xf32, #tpu.memory_space<hbm>>
          %dma_start3A_377 = arith.constant 0 : i32
          %dma_start3A_378 = tpu.memref_slice %arg15[%and3A_303, %dma_start3A_377] : memref<32x64xf32, #tpu.memory_space<vmem>> -> memref<1x64xf32, #tpu.memory_space<vmem>>
          tpu.enqueue_dma source(%dma_start3A_378 : memref<1x64xf32, #tpu.memory_space<vmem>>) target(%dma_start3A_376 : memref<1x64xf32, #tpu.memory_space<hbm>>) target_semaphore(%arg20 : memref<!tpu.dma_semaphore, #tpu.memory_space<semaphore_mem>>)
          %not3A = arith.constant dense<true> : vector<16xi1>
          %not3A_379 = arith.xori %eq3A_280, %not3A : vector<16xi1>
          %and3A_380 = arith.andi %while3A_275, %not3A_379 : vector<16xi1>
          %add3A_381 = arith.constant 1 : i32
          %add3A_382 = arith.addi %while3A_276, %add3A_381 : i32
          scf.yield %and3A_380, %add3A_382 : vector<16xi1>, i32
        }
        %while3A_272 = arith.constant 1 : i32
        %while3A_273:2 = scf.for %while3A_274 = %while3A_269 to %while3A_265 step %while3A_272 iter_args(%while3A_275 = %while3A_271#0, %while3A_276 = %while3A_271#1) -> (vector<16xi1>, i32)  : i32 {
          %all_reduce_ffs3A = tpu.all_reduce %while3A_275 {dim = 0 : i64, kind = #tpu.reduction_kind<find_first_set>} : vector<16xi1> -> vector<16xi32>
          %slice3A_277 = vector.extract_strided_slice %all_reduce_ffs3A {offsets = [0], sizes = [1], strides = [1]} : vector<16xi32> to vector<1xi32>
          %squeeze3A_278 = vector.extract %slice3A_277[0] : i32 from vector<1xi32>
          %eq3A_279 = vector.broadcast %squeeze3A_278 : i32 to vector<16xi32>
          %eq3A_280 = arith.cmpi eq, %iota3A, %eq3A_279 : vector<16xi32>
          %jit3A_281 = arith.constant 0 : i32
          %broadcast_in_dim3A = vector.broadcast %jit3A_281 : i32 to vector<16xi32>
          %select_n3A_282 = arith.select %eq3A_280, %get3A_236, %broadcast_in_dim3A : vector<16xi1>, vector<16xi32>
          %reduce_max3A = arith.constant true
          %reduce_max3A_283 = vector.broadcast %reduce_max3A : i1 to vector<16xi1>
          %reduce_max3A_284 = arith.constant -2147483648 : i32
          %reduce_max3A_285 = vector.broadcast %reduce_max3A_284 : i32 to vector<16xi32>
          %reduce_max3A_286 = arith.xori %select_n3A_282, %reduce_max3A_285 : vector<16xi32>
          %reduce_max3A_287 = tpu.scan <max>, %reduce_max3A_286 masked %reduce_max3A_283 : vector<16xi32>, vector<16xi1> -> vector<16xi32>
          %reduce_max3A_288 = arith.xori %reduce_max3A_287, %reduce_max3A_285 : vector<16xi32>
          %reduce_max3A_289 = vector.extract %reduce_max3A_288[15] : i32 from vector<16xi32>
          %sub3A_290 = arith.subi %reduce_max3A_289, %add3A_215 : i32
          %jit3A_291 = arith.constant 0 : i32
          %broadcast_in_dim3A_292 = vector.broadcast %jit3A_291 : i32 to vector<16xi32>
          %select_n3A_293 = arith.select %eq3A_280, %get3A_240, %broadcast_in_dim3A_292 : vector<16xi1>, vector<16xi32>
          %reduce_max3A_294 = arith.constant true
          %reduce_max3A_295 = vector.broadcast %reduce_max3A_294 : i1 to vector<16xi1>
          %reduce_max3A_296 = arith.constant -2147483648 : i32
          %reduce_max3A_297 = vector.broadcast %reduce_max3A_296 : i32 to vector<16xi32>
          %reduce_max3A_298 = arith.xori %select_n3A_293, %reduce_max3A_297 : vector<16xi32>
          %reduce_max3A_299 = tpu.scan <max>, %reduce_max3A_298 masked %reduce_max3A_295 : vector<16xi32>, vector<16xi1> -> vector<16xi32>
          %reduce_max3A_300 = arith.xori %reduce_max3A_299, %reduce_max3A_297 : vector<16xi32>
          %reduce_max3A_301 = vector.extract %reduce_max3A_300[15] : i32 from vector<16xi32>
          %and3A_302 = arith.constant 31 : i32
          %and3A_303 = arith.andi %while3A_276, %and3A_302 : i32
          %add3A_304 = arith.constant 0 : i32
          %add3A_305 = vector.broadcast %add3A_304 : i32 to vector<16xi32>
          %add3A_306 = arith.addi %iota3A, %add3A_305 : vector<16xi32>
          %mul3A_307 = arith.constant 0 : i32
          %mul3A_308 = vector.broadcast %mul3A_307 : i32 to vector<16xi32>
          %mul3A_309 = arith.muli %iota3A, %mul3A_308 : vector<16xi32>
          %add3A_310 = vector.broadcast %sub3A_290 : i32 to vector<16xi32>
          %add3A_311 = arith.addi %add3A_310, %mul3A_309 : vector<16xi32>
          %gather3A = tpu.vector_load_idx %arg13[%add3A_306, %add3A_311] : memref<64x512xf32, #tpu.memory_space<vmem>>[vector<16xi32>, vector<16xi32>], vector<16xf32>,
          %mul3A_312 = arith.constant 0 : i32
          %mul3A_313 = vector.broadcast %mul3A_312 : i32 to vector<16xi32>
          %mul3A_314 = arith.muli %iota3A, %mul3A_313 : vector<16xi32>
          %add3A_315 = vector.broadcast %and3A_303 : i32 to vector<16xi32>
          %add3A_316 = arith.addi %add3A_315, %mul3A_314 : vector<16xi32>
          %add3A_317 = arith.constant 0 : i32
          %add3A_318 = vector.broadcast %add3A_317 : i32 to vector<16xi32>
          %add3A_319 = arith.addi %iota3A, %add3A_318 : vector<16xi32>
          tpu.vector_store_idx %arg15[%add3A_316, %add3A_319], %gather3A : memref<32x64xf32, #tpu.memory_space<vmem>>[vector<16xi32>, vector<16xi32>], vector<16xf32>,
          %add3A_320 = arith.constant 16 : i32
          %add3A_321 = vector.broadcast %add3A_320 : i32 to vector<16xi32>
          %add3A_322 = arith.addi %iota3A, %add3A_321 : vector<16xi32>
          %mul3A_323 = arith.constant 0 : i32
          %mul3A_324 = vector.broadcast %mul3A_323 : i32 to vector<16xi32>
          %mul3A_325 = arith.muli %iota3A, %mul3A_324 : vector<16xi32>
          %add3A_326 = vector.broadcast %sub3A_290 : i32 to vector<16xi32>
          %add3A_327 = arith.addi %add3A_326, %mul3A_325 : vector<16xi32>
          %gather3A_328 = tpu.vector_load_idx %arg13[%add3A_322, %add3A_327] : memref<64x512xf32, #tpu.memory_space<vmem>>[vector<16xi32>, vector<16xi32>], vector<16xf32>,
          %mul3A_329 = arith.constant 0 : i32
          %mul3A_330 = vector.broadcast %mul3A_329 : i32 to vector<16xi32>
          %mul3A_331 = arith.muli %iota3A, %mul3A_330 : vector<16xi32>
          %add3A_332 = vector.broadcast %and3A_303 : i32 to vector<16xi32>
          %add3A_333 = arith.addi %add3A_332, %mul3A_331 : vector<16xi32>
          %add3A_334 = arith.constant 16 : i32
          %add3A_335 = vector.broadcast %add3A_334 : i32 to vector<16xi32>
          %add3A_336 = arith.addi %iota3A, %add3A_335 : vector<16xi32>
          tpu.vector_store_idx %arg15[%add3A_333, %add3A_336], %gather3A_328 : memref<32x64xf32, #tpu.memory_space<vmem>>[vector<16xi32>, vector<16xi32>], vector<16xf32>,
          %add3A_337 = arith.constant 32 : i32
          %add3A_338 = vector.broadcast %add3A_337 : i32 to vector<16xi32>
          %add3A_339 = arith.addi %iota3A, %add3A_338 : vector<16xi32>
          %mul3A_340 = arith.constant 0 : i32
          %mul3A_341 = vector.broadcast %mul3A_340 : i32 to vector<16xi32>
          %mul3A_342 = arith.muli %iota3A, %mul3A_341 : vector<16xi32>
          %add3A_343 = vector.broadcast %sub3A_290 : i32 to vector<16xi32>
          %add3A_344 = arith.addi %add3A_343, %mul3A_342 : vector<16xi32>
          %gather3A_345 = tpu.vector_load_idx %arg13[%add3A_339, %add3A_344] : memref<64x512xf32, #tpu.memory_space<vmem>>[vector<16xi32>, vector<16xi32>], vector<16xf32>,
          %mul3A_346 = arith.constant 0 : i32
          %mul3A_347 = vector.broadcast %mul3A_346 : i32 to vector<16xi32>
          %mul3A_348 = arith.muli %iota3A, %mul3A_347 : vector<16xi32>
          %add3A_349 = vector.broadcast %and3A_303 : i32 to vector<16xi32>
          %add3A_350 = arith.addi %add3A_349, %mul3A_348 : vector<16xi32>
          %add3A_351 = arith.constant 32 : i32
          %add3A_352 = vector.broadcast %add3A_351 : i32 to vector<16xi32>
          %add3A_353 = arith.addi %iota3A, %add3A_352 : vector<16xi32>
          tpu.vector_store_idx %arg15[%add3A_350, %add3A_353], %gather3A_345 : memref<32x64xf32, #tpu.memory_space<vmem>>[vector<16xi32>, vector<16xi32>], vector<16xf32>,
          %add3A_354 = arith.constant 48 : i32
          %add3A_355 = vector.broadcast %add3A_354 : i32 to vector<16xi32>
          %add3A_356 = arith.addi %iota3A, %add3A_355 : vector<16xi32>
          %mul3A_357 = arith.constant 0 : i32
          %mul3A_358 = vector.broadcast %mul3A_357 : i32 to vector<16xi32>
          %mul3A_359 = arith.muli %iota3A, %mul3A_358 : vector<16xi32>
          %add3A_360 = vector.broadcast %sub3A_290 : i32 to vector<16xi32>
          %add3A_361 = arith.addi %add3A_360, %mul3A_359 : vector<16xi32>
          %gather3A_362 = tpu.vector_load_idx %arg13[%add3A_356, %add3A_361] : memref<64x512xf32, #tpu.memory_space<vmem>>[vector<16xi32>, vector<16xi32>], vector<16xf32>,
          %mul3A_363 = arith.constant 0 : i32
          %mul3A_364 = vector.broadcast %mul3A_363 : i32 to vector<16xi32>
          %mul3A_365 = arith.muli %iota3A, %mul3A_364 : vector<16xi32>
          %add3A_366 = vector.broadcast %and3A_303 : i32 to vector<16xi32>
          %add3A_367 = arith.addi %add3A_366, %mul3A_365 : vector<16xi32>
          %add3A_368 = arith.constant 48 : i32
          %add3A_369 = vector.broadcast %add3A_368 : i32 to vector<16xi32>
          %add3A_370 = arith.addi %iota3A, %add3A_369 : vector<16xi32>
          tpu.vector_store_idx %arg15[%add3A_367, %add3A_370], %gather3A_362 : memref<32x64xf32, #tpu.memory_space<vmem>>[vector<16xi32>, vector<16xi32>], vector<16xf32>,
          %dma_start3A_371 = arith.constant 0 : i32
          %dma_start3A_372 = tpu.memref_slice %arg15[%and3A_303, %dma_start3A_371] : memref<32x64xf32, #tpu.memory_space<vmem>> -> memref<1x64xf32, #tpu.memory_space<vmem>>
          %dma_start3A_373 = arith.constant 0 : i32
          %dma_start3A_374 = tpu.memref_slice %arg6[%reduce_max3A_301, %dma_start3A_373] : memref<16384x64xf32, #tpu.memory_space<hbm>> -> memref<1x64xf32, #tpu.memory_space<hbm>>
          %dma_start3A_375 = arith.constant 0 : i32
          %dma_start3A_376 = tpu.memref_slice %arg6[%reduce_max3A_301, %dma_start3A_375] : memref<16384x64xf32, #tpu.memory_space<hbm>> -> memref<1x64xf32, #tpu.memory_space<hbm>>
          %dma_start3A_377 = arith.constant 0 : i32
          %dma_start3A_378 = tpu.memref_slice %arg15[%and3A_303, %dma_start3A_377] : memref<32x64xf32, #tpu.memory_space<vmem>> -> memref<1x64xf32, #tpu.memory_space<vmem>>
          tpu.enqueue_dma source(%dma_start3A_378 : memref<1x64xf32, #tpu.memory_space<vmem>>) target(%dma_start3A_376 : memref<1x64xf32, #tpu.memory_space<hbm>>) target_semaphore(%arg20 : memref<!tpu.dma_semaphore, #tpu.memory_space<semaphore_mem>>)
          %not3A = arith.constant dense<true> : vector<16xi1>
          %not3A_379 = arith.xori %eq3A_280, %not3A : vector<16xi1>
          %and3A_380 = arith.andi %while3A_275, %not3A_379 : vector<16xi1>
          %add3A_381 = arith.constant 1 : i32
          %add3A_382 = arith.addi %while3A_276, %add3A_381 : i32
          scf.yield %and3A_380, %add3A_382 : vector<16xi1>, i32
        }
        scf.yield %while3A_273#1, %add3A_262 : i32, i32
      }
      %while3A_229 = arith.constant 1 : i32
      %while3A_230:2 = scf.for %while3A_231 = %while3A_226 to %while3A_222 step %while3A_229 iter_args(%while3A_232 = %while3A_228#0, %while3A_233 = %while3A_228#1) -> (i32, i32)  : i32 {
        %mul3A_234 = arith.constant 16 : i32
        %mul3A_235 = arith.muli %while3A_231, %mul3A_234 : i32
        %get3A = arith.index_cast %mul3A_235 : i32 to index
        %get3A_236 = tpu.vector_load %arg10[%get3A] {strides = array<i32>} : memref<16384xi32, #tpu.memory_space<vmem>>, vector<16xi32>,
        %mul3A_237 = arith.constant 16 : i32
        %mul3A_238 = arith.muli %while3A_231, %mul3A_237 : i32
        %get3A_239 = arith.index_cast %mul3A_238 : i32 to index
        %get3A_240 = tpu.vector_load %arg11[%get3A_239] {strides = array<i32>} : memref<16384xi32, #tpu.memory_space<vmem>>, vector<16xi32>,
        %mul3A_241 = arith.constant 16 : i32
        %mul3A_242 = arith.muli %while3A_231, %mul3A_241 : i32
        %add3A_243 = vector.broadcast %mul3A_242 : i32 to vector<16xi32>
        %add3A_244 = arith.addi %iota3A, %add3A_243 : vector<16xi32>
        %lt3A_245 = vector.broadcast %scan3A_68 : i32 to vector<16xi32>
        %lt3A_246 = arith.cmpi slt, %add3A_244, %lt3A_245 : vector<16xi32>
        %ge3A = vector.broadcast %add3A_215 : i32 to vector<16xi32>
        %ge3A_247 = arith.cmpi sge, %get3A_236, %ge3A : vector<16xi32>
        %and3A_248 = arith.andi %lt3A_246, %ge3A_247 : vector<16xi1>
        %lt3A_249 = vector.broadcast %select_n3A_219 : i32 to vector<16xi32>
        %lt3A_250 = arith.cmpi slt, %get3A_236, %lt3A_249 : vector<16xi32>
        %and3A_251 = arith.andi %and3A_248, %lt3A_250 : vector<16xi1>
        %all_reduce_population_count3A = tpu.all_reduce %and3A_251 {dim = 0 : i64, kind = #tpu.reduction_kind<sum>} : vector<16xi1> -> vector<16xi32>
        %slice3A = vector.extract_strided_slice %all_reduce_population_count3A {offsets = [0], sizes = [1], strides = [1]} : vector<16xi32> to vector<1xi32>
        %squeeze3A = vector.extract %slice3A[0] : i32 from vector<1xi32>
        %sub3A_252 = arith.subi %while3A_232, %while3A_233 : i32
        %add3A_253 = arith.addi %sub3A_252, %squeeze3A : i32
        %gt3A_254 = arith.constant 32 : i32
        %gt3A_255 = arith.cmpi sgt, %add3A_253, %gt3A_254 : i32
        %sub3A_256 = arith.subi %while3A_232, %while3A_233 : i32
        %jit3A_257 = arith.constant 0 : i32
        %select_n3A_258 = arith.select %gt3A_255, %sub3A_256, %jit3A_257 : i32
        %convert_element_type3A_259 = arith.extui %gt3A_255 : i1 to i32
        %cond3A_260 = arith.constant 0 : i32
        %cond3A_261 = arith.cmpi ne, %convert_element_type3A_259, %cond3A_260 : i32
        scf.if %cond3A_261 {
          %while3A_274 = arith.constant 0 : i32
          %while3A_275 = arith.constant 0 : i32
          %while3A_276 = arith.subi %select_n3A_258, %while3A_274 : i32
          %while3A_277 = arith.addi %while3A_274, %while3A_276 : i32
          %while3A_278 = arith.constant 1 : i32
          %while3A_279 = arith.divsi %while3A_276, %while3A_278 : i32
          %while3A_280 = arith.muli %while3A_279, %while3A_278 : i32
          %while3A_281 = arith.addi %while3A_274, %while3A_280 : i32
          %while3A_282 = arith.constant 1 : i32
          %while3A_283 = scf.for %while3A_286 = %while3A_274 to %while3A_281 step %while3A_282 iter_args(%while3A_287 = %while3A_275) -> (i32)  : i32 {
            %dma_wait3A_288 = arith.constant 0 : i32
            %dma_wait3A_289 = arith.constant 0 : i32
            %dma_wait3A_290 = tpu.memref_slice %arg15[%dma_wait3A_288, %dma_wait3A_289] : memref<32x64xf32, #tpu.memory_space<vmem>> -> memref<1x64xf32, #tpu.memory_space<vmem>>
            %dma_wait3A_291 = arith.constant 0 : i32
            %dma_wait3A_292 = arith.constant 0 : i32
            %dma_wait3A_293 = tpu.memref_slice %arg6[%dma_wait3A_291, %dma_wait3A_292] : memref<16384x64xf32, #tpu.memory_space<hbm>> -> memref<1x64xf32, #tpu.memory_space<hbm>>
            %dma_wait3A_294 = arith.constant 0 : i32
            %dma_wait3A_295 = arith.constant 0 : i32
            %dma_wait3A_296 = tpu.memref_slice %arg6[%dma_wait3A_294, %dma_wait3A_295] : memref<16384x64xf32, #tpu.memory_space<hbm>> -> memref<1x64xf32, #tpu.memory_space<hbm>>
            %dma_wait3A_297 = arith.constant 0 : i32
            %dma_wait3A_298 = arith.constant 0 : i32
            %dma_wait3A_299 = tpu.memref_slice %arg15[%dma_wait3A_297, %dma_wait3A_298] : memref<32x64xf32, #tpu.memory_space<vmem>> -> memref<1x64xf32, #tpu.memory_space<vmem>>
            tpu.wait_dma2 semaphore(%arg20 : memref<!tpu.dma_semaphore, #tpu.memory_space<semaphore_mem>>) src(%dma_wait3A_299 : memref<1x64xf32, #tpu.memory_space<vmem>>) dst(%dma_wait3A_296 : memref<1x64xf32, #tpu.memory_space<hbm>>)
            %while3A_300 = arith.constant 0 : i32
            scf.yield %while3A_300 : i32
          }
          %while3A_284 = arith.constant 1 : i32
          %while3A_285 = scf.for %while3A_286 = %while3A_281 to %while3A_277 step %while3A_284 iter_args(%while3A_287 = %while3A_283) -> (i32)  : i32 {
            %dma_wait3A_288 = arith.constant 0 : i32
            %dma_wait3A_289 = arith.constant 0 : i32
            %dma_wait3A_290 = tpu.memref_slice %arg15[%dma_wait3A_288, %dma_wait3A_289] : memref<32x64xf32, #tpu.memory_space<vmem>> -> memref<1x64xf32, #tpu.memory_space<vmem>>
            %dma_wait3A_291 = arith.constant 0 : i32
            %dma_wait3A_292 = arith.constant 0 : i32
            %dma_wait3A_293 = tpu.memref_slice %arg6[%dma_wait3A_291, %dma_wait3A_292] : memref<16384x64xf32, #tpu.memory_space<hbm>> -> memref<1x64xf32, #tpu.memory_space<hbm>>
            %dma_wait3A_294 = arith.constant 0 : i32
            %dma_wait3A_295 = arith.constant 0 : i32
            %dma_wait3A_296 = tpu.memref_slice %arg6[%dma_wait3A_294, %dma_wait3A_295] : memref<16384x64xf32, #tpu.memory_space<hbm>> -> memref<1x64xf32, #tpu.memory_space<hbm>>
            %dma_wait3A_297 = arith.constant 0 : i32
            %dma_wait3A_298 = arith.constant 0 : i32
            %dma_wait3A_299 = tpu.memref_slice %arg15[%dma_wait3A_297, %dma_wait3A_298] : memref<32x64xf32, #tpu.memory_space<vmem>> -> memref<1x64xf32, #tpu.memory_space<vmem>>
            tpu.wait_dma2 semaphore(%arg20 : memref<!tpu.dma_semaphore, #tpu.memory_space<semaphore_mem>>) src(%dma_wait3A_299 : memref<1x64xf32, #tpu.memory_space<vmem>>) dst(%dma_wait3A_296 : memref<1x64xf32, #tpu.memory_space<hbm>>)
            %while3A_300 = arith.constant 0 : i32
            scf.yield %while3A_300 : i32
          }
        } else {
        }
        %add3A_262 = arith.addi %while3A_233, %select_n3A_258 : i32
        %while3A_263 = arith.constant 0 : i32
        %while3A_264 = arith.subi %squeeze3A, %while3A_263 : i32
        %while3A_265 = arith.addi %while3A_263, %while3A_264 : i32
        %while3A_266 = arith.constant 1 : i32
        %while3A_267 = arith.divsi %while3A_264, %while3A_266 : i32
        %while3A_268 = arith.muli %while3A_267, %while3A_266 : i32
        %while3A_269 = arith.addi %while3A_263, %while3A_268 : i32
        %while3A_270 = arith.constant 1 : i32
        %while3A_271:2 = scf.for %while3A_274 = %while3A_263 to %while3A_269 step %while3A_270 iter_args(%while3A_275 = %and3A_251, %while3A_276 = %while3A_232) -> (vector<16xi1>, i32)  : i32 {
          %all_reduce_ffs3A = tpu.all_reduce %while3A_275 {dim = 0 : i64, kind = #tpu.reduction_kind<find_first_set>} : vector<16xi1> -> vector<16xi32>
          %slice3A_277 = vector.extract_strided_slice %all_reduce_ffs3A {offsets = [0], sizes = [1], strides = [1]} : vector<16xi32> to vector<1xi32>
          %squeeze3A_278 = vector.extract %slice3A_277[0] : i32 from vector<1xi32>
          %eq3A_279 = vector.broadcast %squeeze3A_278 : i32 to vector<16xi32>
          %eq3A_280 = arith.cmpi eq, %iota3A, %eq3A_279 : vector<16xi32>
          %jit3A_281 = arith.constant 0 : i32
          %broadcast_in_dim3A = vector.broadcast %jit3A_281 : i32 to vector<16xi32>
          %select_n3A_282 = arith.select %eq3A_280, %get3A_236, %broadcast_in_dim3A : vector<16xi1>, vector<16xi32>
          %reduce_max3A = arith.constant true
          %reduce_max3A_283 = vector.broadcast %reduce_max3A : i1 to vector<16xi1>
          %reduce_max3A_284 = arith.constant -2147483648 : i32
          %reduce_max3A_285 = vector.broadcast %reduce_max3A_284 : i32 to vector<16xi32>
          %reduce_max3A_286 = arith.xori %select_n3A_282, %reduce_max3A_285 : vector<16xi32>
          %reduce_max3A_287 = tpu.scan <max>, %reduce_max3A_286 masked %reduce_max3A_283 : vector<16xi32>, vector<16xi1> -> vector<16xi32>
          %reduce_max3A_288 = arith.xori %reduce_max3A_287, %reduce_max3A_285 : vector<16xi32>
          %reduce_max3A_289 = vector.extract %reduce_max3A_288[15] : i32 from vector<16xi32>
          %sub3A_290 = arith.subi %reduce_max3A_289, %add3A_215 : i32
          %jit3A_291 = arith.constant 0 : i32
          %broadcast_in_dim3A_292 = vector.broadcast %jit3A_291 : i32 to vector<16xi32>
          %select_n3A_293 = arith.select %eq3A_280, %get3A_240, %broadcast_in_dim3A_292 : vector<16xi1>, vector<16xi32>
          %reduce_max3A_294 = arith.constant true
          %reduce_max3A_295 = vector.broadcast %reduce_max3A_294 : i1 to vector<16xi1>
          %reduce_max3A_296 = arith.constant -2147483648 : i32
          %reduce_max3A_297 = vector.broadcast %reduce_max3A_296 : i32 to vector<16xi32>
          %reduce_max3A_298 = arith.xori %select_n3A_293, %reduce_max3A_297 : vector<16xi32>
          %reduce_max3A_299 = tpu.scan <max>, %reduce_max3A_298 masked %reduce_max3A_295 : vector<16xi32>, vector<16xi1> -> vector<16xi32>
          %reduce_max3A_300 = arith.xori %reduce_max3A_299, %reduce_max3A_297 : vector<16xi32>
          %reduce_max3A_301 = vector.extract %reduce_max3A_300[15] : i32 from vector<16xi32>
          %and3A_302 = arith.constant 31 : i32
          %and3A_303 = arith.andi %while3A_276, %and3A_302 : i32
          %add3A_304 = arith.constant 0 : i32
          %add3A_305 = vector.broadcast %add3A_304 : i32 to vector<16xi32>
          %add3A_306 = arith.addi %iota3A, %add3A_305 : vector<16xi32>
          %mul3A_307 = arith.constant 0 : i32
          %mul3A_308 = vector.broadcast %mul3A_307 : i32 to vector<16xi32>
          %mul3A_309 = arith.muli %iota3A, %mul3A_308 : vector<16xi32>
          %add3A_310 = vector.broadcast %sub3A_290 : i32 to vector<16xi32>
          %add3A_311 = arith.addi %add3A_310, %mul3A_309 : vector<16xi32>
          %gather3A = tpu.vector_load_idx %arg13[%add3A_306, %add3A_311] : memref<64x512xf32, #tpu.memory_space<vmem>>[vector<16xi32>, vector<16xi32>], vector<16xf32>,
          %mul3A_312 = arith.constant 0 : i32
          %mul3A_313 = vector.broadcast %mul3A_312 : i32 to vector<16xi32>
          %mul3A_314 = arith.muli %iota3A, %mul3A_313 : vector<16xi32>
          %add3A_315 = vector.broadcast %and3A_303 : i32 to vector<16xi32>
          %add3A_316 = arith.addi %add3A_315, %mul3A_314 : vector<16xi32>
          %add3A_317 = arith.constant 0 : i32
          %add3A_318 = vector.broadcast %add3A_317 : i32 to vector<16xi32>
          %add3A_319 = arith.addi %iota3A, %add3A_318 : vector<16xi32>
          tpu.vector_store_idx %arg15[%add3A_316, %add3A_319], %gather3A : memref<32x64xf32, #tpu.memory_space<vmem>>[vector<16xi32>, vector<16xi32>], vector<16xf32>,
          %add3A_320 = arith.constant 16 : i32
          %add3A_321 = vector.broadcast %add3A_320 : i32 to vector<16xi32>
          %add3A_322 = arith.addi %iota3A, %add3A_321 : vector<16xi32>
          %mul3A_323 = arith.constant 0 : i32
          %mul3A_324 = vector.broadcast %mul3A_323 : i32 to vector<16xi32>
          %mul3A_325 = arith.muli %iota3A, %mul3A_324 : vector<16xi32>
          %add3A_326 = vector.broadcast %sub3A_290 : i32 to vector<16xi32>
          %add3A_327 = arith.addi %add3A_326, %mul3A_325 : vector<16xi32>
          %gather3A_328 = tpu.vector_load_idx %arg13[%add3A_322, %add3A_327] : memref<64x512xf32, #tpu.memory_space<vmem>>[vector<16xi32>, vector<16xi32>], vector<16xf32>,
          %mul3A_329 = arith.constant 0 : i32
          %mul3A_330 = vector.broadcast %mul3A_329 : i32 to vector<16xi32>
          %mul3A_331 = arith.muli %iota3A, %mul3A_330 : vector<16xi32>
          %add3A_332 = vector.broadcast %and3A_303 : i32 to vector<16xi32>
          %add3A_333 = arith.addi %add3A_332, %mul3A_331 : vector<16xi32>
          %add3A_334 = arith.constant 16 : i32
          %add3A_335 = vector.broadcast %add3A_334 : i32 to vector<16xi32>
          %add3A_336 = arith.addi %iota3A, %add3A_335 : vector<16xi32>
          tpu.vector_store_idx %arg15[%add3A_333, %add3A_336], %gather3A_328 : memref<32x64xf32, #tpu.memory_space<vmem>>[vector<16xi32>, vector<16xi32>], vector<16xf32>,
          %add3A_337 = arith.constant 32 : i32
          %add3A_338 = vector.broadcast %add3A_337 : i32 to vector<16xi32>
          %add3A_339 = arith.addi %iota3A, %add3A_338 : vector<16xi32>
          %mul3A_340 = arith.constant 0 : i32
          %mul3A_341 = vector.broadcast %mul3A_340 : i32 to vector<16xi32>
          %mul3A_342 = arith.muli %iota3A, %mul3A_341 : vector<16xi32>
          %add3A_343 = vector.broadcast %sub3A_290 : i32 to vector<16xi32>
          %add3A_344 = arith.addi %add3A_343, %mul3A_342 : vector<16xi32>
          %gather3A_345 = tpu.vector_load_idx %arg13[%add3A_339, %add3A_344] : memref<64x512xf32, #tpu.memory_space<vmem>>[vector<16xi32>, vector<16xi32>], vector<16xf32>,
          %mul3A_346 = arith.constant 0 : i32
          %mul3A_347 = vector.broadcast %mul3A_346 : i32 to vector<16xi32>
          %mul3A_348 = arith.muli %iota3A, %mul3A_347 : vector<16xi32>
          %add3A_349 = vector.broadcast %and3A_303 : i32 to vector<16xi32>
          %add3A_350 = arith.addi %add3A_349, %mul3A_348 : vector<16xi32>
          %add3A_351 = arith.constant 32 : i32
          %add3A_352 = vector.broadcast %add3A_351 : i32 to vector<16xi32>
          %add3A_353 = arith.addi %iota3A, %add3A_352 : vector<16xi32>
          tpu.vector_store_idx %arg15[%add3A_350, %add3A_353], %gather3A_345 : memref<32x64xf32, #tpu.memory_space<vmem>>[vector<16xi32>, vector<16xi32>], vector<16xf32>,
          %add3A_354 = arith.constant 48 : i32
          %add3A_355 = vector.broadcast %add3A_354 : i32 to vector<16xi32>
          %add3A_356 = arith.addi %iota3A, %add3A_355 : vector<16xi32>
          %mul3A_357 = arith.constant 0 : i32
          %mul3A_358 = vector.broadcast %mul3A_357 : i32 to vector<16xi32>
          %mul3A_359 = arith.muli %iota3A, %mul3A_358 : vector<16xi32>
          %add3A_360 = vector.broadcast %sub3A_290 : i32 to vector<16xi32>
          %add3A_361 = arith.addi %add3A_360, %mul3A_359 : vector<16xi32>
          %gather3A_362 = tpu.vector_load_idx %arg13[%add3A_356, %add3A_361] : memref<64x512xf32, #tpu.memory_space<vmem>>[vector<16xi32>, vector<16xi32>], vector<16xf32>,
          %mul3A_363 = arith.constant 0 : i32
          %mul3A_364 = vector.broadcast %mul3A_363 : i32 to vector<16xi32>
          %mul3A_365 = arith.muli %iota3A, %mul3A_364 : vector<16xi32>
          %add3A_366 = vector.broadcast %and3A_303 : i32 to vector<16xi32>
          %add3A_367 = arith.addi %add3A_366, %mul3A_365 : vector<16xi32>
          %add3A_368 = arith.constant 48 : i32
          %add3A_369 = vector.broadcast %add3A_368 : i32 to vector<16xi32>
          %add3A_370 = arith.addi %iota3A, %add3A_369 : vector<16xi32>
          tpu.vector_store_idx %arg15[%add3A_367, %add3A_370], %gather3A_362 : memref<32x64xf32, #tpu.memory_space<vmem>>[vector<16xi32>, vector<16xi32>], vector<16xf32>,
          %dma_start3A_371 = arith.constant 0 : i32
          %dma_start3A_372 = tpu.memref_slice %arg15[%and3A_303, %dma_start3A_371] : memref<32x64xf32, #tpu.memory_space<vmem>> -> memref<1x64xf32, #tpu.memory_space<vmem>>
          %dma_start3A_373 = arith.constant 0 : i32
          %dma_start3A_374 = tpu.memref_slice %arg6[%reduce_max3A_301, %dma_start3A_373] : memref<16384x64xf32, #tpu.memory_space<hbm>> -> memref<1x64xf32, #tpu.memory_space<hbm>>
          %dma_start3A_375 = arith.constant 0 : i32
          %dma_start3A_376 = tpu.memref_slice %arg6[%reduce_max3A_301, %dma_start3A_375] : memref<16384x64xf32, #tpu.memory_space<hbm>> -> memref<1x64xf32, #tpu.memory_space<hbm>>
          %dma_start3A_377 = arith.constant 0 : i32
          %dma_start3A_378 = tpu.memref_slice %arg15[%and3A_303, %dma_start3A_377] : memref<32x64xf32, #tpu.memory_space<vmem>> -> memref<1x64xf32, #tpu.memory_space<vmem>>
          tpu.enqueue_dma source(%dma_start3A_378 : memref<1x64xf32, #tpu.memory_space<vmem>>) target(%dma_start3A_376 : memref<1x64xf32, #tpu.memory_space<hbm>>) target_semaphore(%arg20 : memref<!tpu.dma_semaphore, #tpu.memory_space<semaphore_mem>>)
          %not3A = arith.constant dense<true> : vector<16xi1>
          %not3A_379 = arith.xori %eq3A_280, %not3A : vector<16xi1>
          %and3A_380 = arith.andi %while3A_275, %not3A_379 : vector<16xi1>
          %add3A_381 = arith.constant 1 : i32
          %add3A_382 = arith.addi %while3A_276, %add3A_381 : i32
          scf.yield %and3A_380, %add3A_382 : vector<16xi1>, i32
        }
        %while3A_272 = arith.constant 1 : i32
        %while3A_273:2 = scf.for %while3A_274 = %while3A_269 to %while3A_265 step %while3A_272 iter_args(%while3A_275 = %while3A_271#0, %while3A_276 = %while3A_271#1) -> (vector<16xi1>, i32)  : i32 {
          %all_reduce_ffs3A = tpu.all_reduce %while3A_275 {dim = 0 : i64, kind = #tpu.reduction_kind<find_first_set>} : vector<16xi1> -> vector<16xi32>
          %slice3A_277 = vector.extract_strided_slice %all_reduce_ffs3A {offsets = [0], sizes = [1], strides = [1]} : vector<16xi32> to vector<1xi32>
          %squeeze3A_278 = vector.extract %slice3A_277[0] : i32 from vector<1xi32>
          %eq3A_279 = vector.broadcast %squeeze3A_278 : i32 to vector<16xi32>
          %eq3A_280 = arith.cmpi eq, %iota3A, %eq3A_279 : vector<16xi32>
          %jit3A_281 = arith.constant 0 : i32
          %broadcast_in_dim3A = vector.broadcast %jit3A_281 : i32 to vector<16xi32>
          %select_n3A_282 = arith.select %eq3A_280, %get3A_236, %broadcast_in_dim3A : vector<16xi1>, vector<16xi32>
          %reduce_max3A = arith.constant true
          %reduce_max3A_283 = vector.broadcast %reduce_max3A : i1 to vector<16xi1>
          %reduce_max3A_284 = arith.constant -2147483648 : i32
          %reduce_max3A_285 = vector.broadcast %reduce_max3A_284 : i32 to vector<16xi32>
          %reduce_max3A_286 = arith.xori %select_n3A_282, %reduce_max3A_285 : vector<16xi32>
          %reduce_max3A_287 = tpu.scan <max>, %reduce_max3A_286 masked %reduce_max3A_283 : vector<16xi32>, vector<16xi1> -> vector<16xi32>
          %reduce_max3A_288 = arith.xori %reduce_max3A_287, %reduce_max3A_285 : vector<16xi32>
          %reduce_max3A_289 = vector.extract %reduce_max3A_288[15] : i32 from vector<16xi32>
          %sub3A_290 = arith.subi %reduce_max3A_289, %add3A_215 : i32
          %jit3A_291 = arith.constant 0 : i32
          %broadcast_in_dim3A_292 = vector.broadcast %jit3A_291 : i32 to vector<16xi32>
          %select_n3A_293 = arith.select %eq3A_280, %get3A_240, %broadcast_in_dim3A_292 : vector<16xi1>, vector<16xi32>
          %reduce_max3A_294 = arith.constant true
          %reduce_max3A_295 = vector.broadcast %reduce_max3A_294 : i1 to vector<16xi1>
          %reduce_max3A_296 = arith.constant -2147483648 : i32
          %reduce_max3A_297 = vector.broadcast %reduce_max3A_296 : i32 to vector<16xi32>
          %reduce_max3A_298 = arith.xori %select_n3A_293, %reduce_max3A_297 : vector<16xi32>
          %reduce_max3A_299 = tpu.scan <max>, %reduce_max3A_298 masked %reduce_max3A_295 : vector<16xi32>, vector<16xi1> -> vector<16xi32>
          %reduce_max3A_300 = arith.xori %reduce_max3A_299, %reduce_max3A_297 : vector<16xi32>
          %reduce_max3A_301 = vector.extract %reduce_max3A_300[15] : i32 from vector<16xi32>
          %and3A_302 = arith.constant 31 : i32
          %and3A_303 = arith.andi %while3A_276, %and3A_302 : i32
          %add3A_304 = arith.constant 0 : i32
          %add3A_305 = vector.broadcast %add3A_304 : i32 to vector<16xi32>
          %add3A_306 = arith.addi %iota3A, %add3A_305 : vector<16xi32>
          %mul3A_307 = arith.constant 0 : i32
          %mul3A_308 = vector.broadcast %mul3A_307 : i32 to vector<16xi32>
          %mul3A_309 = arith.muli %iota3A, %mul3A_308 : vector<16xi32>
          %add3A_310 = vector.broadcast %sub3A_290 : i32 to vector<16xi32>
          %add3A_311 = arith.addi %add3A_310, %mul3A_309 : vector<16xi32>
          %gather3A = tpu.vector_load_idx %arg13[%add3A_306, %add3A_311] : memref<64x512xf32, #tpu.memory_space<vmem>>[vector<16xi32>, vector<16xi32>], vector<16xf32>,
          %mul3A_312 = arith.constant 0 : i32
          %mul3A_313 = vector.broadcast %mul3A_312 : i32 to vector<16xi32>
          %mul3A_314 = arith.muli %iota3A, %mul3A_313 : vector<16xi32>
          %add3A_315 = vector.broadcast %and3A_303 : i32 to vector<16xi32>
          %add3A_316 = arith.addi %add3A_315, %mul3A_314 : vector<16xi32>
          %add3A_317 = arith.constant 0 : i32
          %add3A_318 = vector.broadcast %add3A_317 : i32 to vector<16xi32>
          %add3A_319 = arith.addi %iota3A, %add3A_318 : vector<16xi32>
          tpu.vector_store_idx %arg15[%add3A_316, %add3A_319], %gather3A : memref<32x64xf32, #tpu.memory_space<vmem>>[vector<16xi32>, vector<16xi32>], vector<16xf32>,
          %add3A_320 = arith.constant 16 : i32
          %add3A_321 = vector.broadcast %add3A_320 : i32 to vector<16xi32>
          %add3A_322 = arith.addi %iota3A, %add3A_321 : vector<16xi32>
          %mul3A_323 = arith.constant 0 : i32
          %mul3A_324 = vector.broadcast %mul3A_323 : i32 to vector<16xi32>
          %mul3A_325 = arith.muli %iota3A, %mul3A_324 : vector<16xi32>
          %add3A_326 = vector.broadcast %sub3A_290 : i32 to vector<16xi32>
          %add3A_327 = arith.addi %add3A_326, %mul3A_325 : vector<16xi32>
          %gather3A_328 = tpu.vector_load_idx %arg13[%add3A_322, %add3A_327] : memref<64x512xf32, #tpu.memory_space<vmem>>[vector<16xi32>, vector<16xi32>], vector<16xf32>,
          %mul3A_329 = arith.constant 0 : i32
          %mul3A_330 = vector.broadcast %mul3A_329 : i32 to vector<16xi32>
          %mul3A_331 = arith.muli %iota3A, %mul3A_330 : vector<16xi32>
          %add3A_332 = vector.broadcast %and3A_303 : i32 to vector<16xi32>
          %add3A_333 = arith.addi %add3A_332, %mul3A_331 : vector<16xi32>
          %add3A_334 = arith.constant 16 : i32
          %add3A_335 = vector.broadcast %add3A_334 : i32 to vector<16xi32>
          %add3A_336 = arith.addi %iota3A, %add3A_335 : vector<16xi32>
          tpu.vector_store_idx %arg15[%add3A_333, %add3A_336], %gather3A_328 : memref<32x64xf32, #tpu.memory_space<vmem>>[vector<16xi32>, vector<16xi32>], vector<16xf32>,
          %add3A_337 = arith.constant 32 : i32
          %add3A_338 = vector.broadcast %add3A_337 : i32 to vector<16xi32>
          %add3A_339 = arith.addi %iota3A, %add3A_338 : vector<16xi32>
          %mul3A_340 = arith.constant 0 : i32
          %mul3A_341 = vector.broadcast %mul3A_340 : i32 to vector<16xi32>
          %mul3A_342 = arith.muli %iota3A, %mul3A_341 : vector<16xi32>
          %add3A_343 = vector.broadcast %sub3A_290 : i32 to vector<16xi32>
          %add3A_344 = arith.addi %add3A_343, %mul3A_342 : vector<16xi32>
          %gather3A_345 = tpu.vector_load_idx %arg13[%add3A_339, %add3A_344] : memref<64x512xf32, #tpu.memory_space<vmem>>[vector<16xi32>, vector<16xi32>], vector<16xf32>,
          %mul3A_346 = arith.constant 0 : i32
          %mul3A_347 = vector.broadcast %mul3A_346 : i32 to vector<16xi32>
          %mul3A_348 = arith.muli %iota3A, %mul3A_347 : vector<16xi32>
          %add3A_349 = vector.broadcast %and3A_303 : i32 to vector<16xi32>
          %add3A_350 = arith.addi %add3A_349, %mul3A_348 : vector<16xi32>
          %add3A_351 = arith.constant 32 : i32
          %add3A_352 = vector.broadcast %add3A_351 : i32 to vector<16xi32>
          %add3A_353 = arith.addi %iota3A, %add3A_352 : vector<16xi32>
          tpu.vector_store_idx %arg15[%add3A_350, %add3A_353], %gather3A_345 : memref<32x64xf32, #tpu.memory_space<vmem>>[vector<16xi32>, vector<16xi32>], vector<16xf32>,
          %add3A_354 = arith.constant 48 : i32
          %add3A_355 = vector.broadcast %add3A_354 : i32 to vector<16xi32>
          %add3A_356 = arith.addi %iota3A, %add3A_355 : vector<16xi32>
          %mul3A_357 = arith.constant 0 : i32
          %mul3A_358 = vector.broadcast %mul3A_357 : i32 to vector<16xi32>
          %mul3A_359 = arith.muli %iota3A, %mul3A_358 : vector<16xi32>
          %add3A_360 = vector.broadcast %sub3A_290 : i32 to vector<16xi32>
          %add3A_361 = arith.addi %add3A_360, %mul3A_359 : vector<16xi32>
          %gather3A_362 = tpu.vector_load_idx %arg13[%add3A_356, %add3A_361] : memref<64x512xf32, #tpu.memory_space<vmem>>[vector<16xi32>, vector<16xi32>], vector<16xf32>,
          %mul3A_363 = arith.constant 0 : i32
          %mul3A_364 = vector.broadcast %mul3A_363 : i32 to vector<16xi32>
          %mul3A_365 = arith.muli %iota3A, %mul3A_364 : vector<16xi32>
          %add3A_366 = vector.broadcast %and3A_303 : i32 to vector<16xi32>
          %add3A_367 = arith.addi %add3A_366, %mul3A_365 : vector<16xi32>
          %add3A_368 = arith.constant 48 : i32
          %add3A_369 = vector.broadcast %add3A_368 : i32 to vector<16xi32>
          %add3A_370 = arith.addi %iota3A, %add3A_369 : vector<16xi32>
          tpu.vector_store_idx %arg15[%add3A_367, %add3A_370], %gather3A_362 : memref<32x64xf32, #tpu.memory_space<vmem>>[vector<16xi32>, vector<16xi32>], vector<16xf32>,
          %dma_start3A_371 = arith.constant 0 : i32
          %dma_start3A_372 = tpu.memref_slice %arg15[%and3A_303, %dma_start3A_371] : memref<32x64xf32, #tpu.memory_space<vmem>> -> memref<1x64xf32, #tpu.memory_space<vmem>>
          %dma_start3A_373 = arith.constant 0 : i32
          %dma_start3A_374 = tpu.memref_slice %arg6[%reduce_max3A_301, %dma_start3A_373] : memref<16384x64xf32, #tpu.memory_space<hbm>> -> memref<1x64xf32, #tpu.memory_space<hbm>>
          %dma_start3A_375 = arith.constant 0 : i32
          %dma_start3A_376 = tpu.memref_slice %arg6[%reduce_max3A_301, %dma_start3A_375] : memref<16384x64xf32, #tpu.memory_space<hbm>> -> memref<1x64xf32, #tpu.memory_space<hbm>>
          %dma_start3A_377 = arith.constant 0 : i32
          %dma_start3A_378 = tpu.memref_slice %arg15[%and3A_303, %dma_start3A_377] : memref<32x64xf32, #tpu.memory_space<vmem>> -> memref<1x64xf32, #tpu.memory_space<vmem>>
          tpu.enqueue_dma source(%dma_start3A_378 : memref<1x64xf32, #tpu.memory_space<vmem>>) target(%dma_start3A_376 : memref<1x64xf32, #tpu.memory_space<hbm>>) target_semaphore(%arg20 : memref<!tpu.dma_semaphore, #tpu.memory_space<semaphore_mem>>)
          %not3A = arith.constant dense<true> : vector<16xi1>
          %not3A_379 = arith.xori %eq3A_280, %not3A : vector<16xi1>
          %and3A_380 = arith.andi %while3A_275, %not3A_379 : vector<16xi1>
          %add3A_381 = arith.constant 1 : i32
          %add3A_382 = arith.addi %while3A_276, %add3A_381 : i32
          scf.yield %and3A_380, %add3A_382 : vector<16xi1>, i32
        }
        scf.yield %while3A_273#1, %add3A_262 : i32, i32
      }
      scf.yield %while3A_230#0, %while3A_230#1 : i32, i32
    }
    %eq3A_135 = arith.constant 31 : i32
    %eq3A_136 = arith.cmpi eq, %add3A, %eq3A_135 : i32
    %convert_element_type3A = arith.extui %eq3A_136 : i1 to i32
    %cond3A = arith.constant 0 : i32
    %cond3A_137 = arith.cmpi ne, %convert_element_type3A, %cond3A : i32
    scf.if %cond3A_137 {
      "tpu.region"() ({
        %run_scoped3A = tpu.sem_alloc : memref<!tpu.dma_semaphore, #tpu.memory_space<semaphore_mem>>
        tpu.enqueue_dma source(%arg5 : memref<65x64xf32, #tpu.memory_space<hbm>>) target(%arg14 : memref<65x64xf32, #tpu.memory_space<vmem>>) target_semaphore(%run_scoped3A : memref<!tpu.dma_semaphore, #tpu.memory_space<semaphore_mem>>)
        tpu.wait_dma2 semaphore(%run_scoped3A : memref<!tpu.dma_semaphore, #tpu.memory_space<semaphore_mem>>) src(%arg5 : memref<65x64xf32, #tpu.memory_space<hbm>>) dst(%arg14 : memref<65x64xf32, #tpu.memory_space<vmem>>)
        tpu.yield
      }) : () -> ()
    } else {
    }
    %eq3A_138 = arith.constant 31 : i32
    %eq3A_139 = arith.cmpi eq, %add3A, %eq3A_138 : i32
    %jit3A_140 = arith.constant 1000001 : i32
    %jit3A_141 = arith.constant 999936 : i32
    %select_n3A_142 = arith.select %eq3A_139, %jit3A_140, %jit3A_141 : i32
    %while3A_143 = arith.constant 0 : i32
    %while3A_144 = arith.subi %select_n3A_91, %while3A_143 : i32
    %while3A_145 = arith.addi %while3A_143, %while3A_144 : i32
    %while3A_146 = arith.constant 1 : i32
    %while3A_147 = arith.divsi %while3A_144, %while3A_146 : i32
    %while3A_148 = arith.muli %while3A_147, %while3A_146 : i32
    %while3A_149 = arith.addi %while3A_143, %while3A_148 : i32
    %while3A_150 = arith.constant 1 : i32
    %while3A_151:2 = scf.for %while3A_167 = %while3A_143 to %while3A_149 step %while3A_150 iter_args(%while3A_168 = %while3A_134#0, %while3A_169 = %while3A_134#1) -> (i32, i32)  : i32 {
      %mul3A_170 = arith.constant 16 : i32
      %mul3A_171 = arith.muli %while3A_167, %mul3A_170 : i32
      %get3A = arith.index_cast %mul3A_171 : i32 to index
      %get3A_172 = tpu.vector_load %arg10[%get3A] {strides = array<i32>} : memref<16384xi32, #tpu.memory_space<vmem>>, vector<16xi32>,
      %mul3A_173 = arith.constant 16 : i32
      %mul3A_174 = arith.muli %while3A_167, %mul3A_173 : i32
      %get3A_175 = arith.index_cast %mul3A_174 : i32 to index
      %get3A_176 = tpu.vector_load %arg11[%get3A_175] {strides = array<i32>} : memref<16384xi32, #tpu.memory_space<vmem>>, vector<16xi32>,
      %mul3A_177 = arith.constant 16 : i32
      %mul3A_178 = arith.muli %while3A_167, %mul3A_177 : i32
      %add3A_179 = vector.broadcast %mul3A_178 : i32 to vector<16xi32>
      %add3A_180 = arith.addi %iota3A, %add3A_179 : vector<16xi32>
      %lt3A = vector.broadcast %scan3A_68 : i32 to vector<16xi32>
      %lt3A_181 = arith.cmpi slt, %add3A_180, %lt3A : vector<16xi32>
      %ge3A = arith.constant 999936 : i32
      %ge3A_182 = vector.broadcast %ge3A : i32 to vector<16xi32>
      %ge3A_183 = arith.cmpi sge, %get3A_172, %ge3A_182 : vector<16xi32>
      %and3A_184 = arith.andi %lt3A_181, %ge3A_183 : vector<16xi1>
      %lt3A_185 = vector.broadcast %select_n3A_142 : i32 to vector<16xi32>
      %lt3A_186 = arith.cmpi slt, %get3A_172, %lt3A_185 : vector<16xi32>
      %and3A_187 = arith.andi %and3A_184, %lt3A_186 : vector<16xi1>
      %all_reduce_population_count3A = tpu.all_reduce %and3A_187 {dim = 0 : i64, kind = #tpu.reduction_kind<sum>} : vector<16xi1> -> vector<16xi32>
      %slice3A = vector.extract_strided_slice %all_reduce_population_count3A {offsets = [0], sizes = [1], strides = [1]} : vector<16xi32> to vector<1xi32>
      %squeeze3A = vector.extract %slice3A[0] : i32 from vector<1xi32>
      %sub3A_188 = arith.subi %while3A_168, %while3A_169 : i32
      %add3A_189 = arith.addi %sub3A_188, %squeeze3A : i32
      %gt3A = arith.constant 32 : i32
      %gt3A_190 = arith.cmpi sgt, %add3A_189, %gt3A : i32
      %sub3A_191 = arith.subi %while3A_168, %while3A_169 : i32
      %jit3A_192 = arith.constant 0 : i32
      %select_n3A_193 = arith.select %gt3A_190, %sub3A_191, %jit3A_192 : i32
      %convert_element_type3A_194 = arith.extui %gt3A_190 : i1 to i32
      %cond3A_195 = arith.constant 0 : i32
      %cond3A_196 = arith.cmpi ne, %convert_element_type3A_194, %cond3A_195 : i32
      scf.if %cond3A_196 {
        %while3A_209 = arith.constant 0 : i32
        %while3A_210 = arith.constant 0 : i32
        %while3A_211 = arith.subi %select_n3A_193, %while3A_209 : i32
        %while3A_212 = arith.addi %while3A_209, %while3A_211 : i32
        %while3A_213 = arith.constant 1 : i32
        %while3A_214 = arith.divsi %while3A_211, %while3A_213 : i32
        %while3A_215 = arith.muli %while3A_214, %while3A_213 : i32
        %while3A_216 = arith.addi %while3A_209, %while3A_215 : i32
        %while3A_217 = arith.constant 1 : i32
        %while3A_218 = scf.for %while3A_221 = %while3A_209 to %while3A_216 step %while3A_217 iter_args(%while3A_222 = %while3A_210) -> (i32)  : i32 {
          %dma_wait3A_223 = arith.constant 0 : i32
          %dma_wait3A_224 = arith.constant 0 : i32
          %dma_wait3A_225 = tpu.memref_slice %arg15[%dma_wait3A_223, %dma_wait3A_224] : memref<32x64xf32, #tpu.memory_space<vmem>> -> memref<1x64xf32, #tpu.memory_space<vmem>>
          %dma_wait3A_226 = arith.constant 0 : i32
          %dma_wait3A_227 = arith.constant 0 : i32
          %dma_wait3A_228 = tpu.memref_slice %arg6[%dma_wait3A_226, %dma_wait3A_227] : memref<16384x64xf32, #tpu.memory_space<hbm>> -> memref<1x64xf32, #tpu.memory_space<hbm>>
          %dma_wait3A_229 = arith.constant 0 : i32
          %dma_wait3A_230 = arith.constant 0 : i32
          %dma_wait3A_231 = tpu.memref_slice %arg6[%dma_wait3A_229, %dma_wait3A_230] : memref<16384x64xf32, #tpu.memory_space<hbm>> -> memref<1x64xf32, #tpu.memory_space<hbm>>
          %dma_wait3A_232 = arith.constant 0 : i32
          %dma_wait3A_233 = arith.constant 0 : i32
          %dma_wait3A_234 = tpu.memref_slice %arg15[%dma_wait3A_232, %dma_wait3A_233] : memref<32x64xf32, #tpu.memory_space<vmem>> -> memref<1x64xf32, #tpu.memory_space<vmem>>
          tpu.wait_dma2 semaphore(%arg20 : memref<!tpu.dma_semaphore, #tpu.memory_space<semaphore_mem>>) src(%dma_wait3A_234 : memref<1x64xf32, #tpu.memory_space<vmem>>) dst(%dma_wait3A_231 : memref<1x64xf32, #tpu.memory_space<hbm>>)
          %while3A_235 = arith.constant 0 : i32
          scf.yield %while3A_235 : i32
        }
        %while3A_219 = arith.constant 1 : i32
        %while3A_220 = scf.for %while3A_221 = %while3A_216 to %while3A_212 step %while3A_219 iter_args(%while3A_222 = %while3A_218) -> (i32)  : i32 {
          %dma_wait3A_223 = arith.constant 0 : i32
          %dma_wait3A_224 = arith.constant 0 : i32
          %dma_wait3A_225 = tpu.memref_slice %arg15[%dma_wait3A_223, %dma_wait3A_224] : memref<32x64xf32, #tpu.memory_space<vmem>> -> memref<1x64xf32, #tpu.memory_space<vmem>>
          %dma_wait3A_226 = arith.constant 0 : i32
          %dma_wait3A_227 = arith.constant 0 : i32
          %dma_wait3A_228 = tpu.memref_slice %arg6[%dma_wait3A_226, %dma_wait3A_227] : memref<16384x64xf32, #tpu.memory_space<hbm>> -> memref<1x64xf32, #tpu.memory_space<hbm>>
          %dma_wait3A_229 = arith.constant 0 : i32
          %dma_wait3A_230 = arith.constant 0 : i32
          %dma_wait3A_231 = tpu.memref_slice %arg6[%dma_wait3A_229, %dma_wait3A_230] : memref<16384x64xf32, #tpu.memory_space<hbm>> -> memref<1x64xf32, #tpu.memory_space<hbm>>
          %dma_wait3A_232 = arith.constant 0 : i32
          %dma_wait3A_233 = arith.constant 0 : i32
          %dma_wait3A_234 = tpu.memref_slice %arg15[%dma_wait3A_232, %dma_wait3A_233] : memref<32x64xf32, #tpu.memory_space<vmem>> -> memref<1x64xf32, #tpu.memory_space<vmem>>
          tpu.wait_dma2 semaphore(%arg20 : memref<!tpu.dma_semaphore, #tpu.memory_space<semaphore_mem>>) src(%dma_wait3A_234 : memref<1x64xf32, #tpu.memory_space<vmem>>) dst(%dma_wait3A_231 : memref<1x64xf32, #tpu.memory_space<hbm>>)
          %while3A_235 = arith.constant 0 : i32
          scf.yield %while3A_235 : i32
        }
      } else {
      }
      %add3A_197 = arith.addi %while3A_169, %select_n3A_193 : i32
      %while3A_198 = arith.constant 0 : i32
      %while3A_199 = arith.subi %squeeze3A, %while3A_198 : i32
      %while3A_200 = arith.addi %while3A_198, %while3A_199 : i32
      %while3A_201 = arith.constant 1 : i32
      %while3A_202 = arith.divsi %while3A_199, %while3A_201 : i32
      %while3A_203 = arith.muli %while3A_202, %while3A_201 : i32
      %while3A_204 = arith.addi %while3A_198, %while3A_203 : i32
      %while3A_205 = arith.constant 1 : i32
      %while3A_206:2 = scf.for %while3A_209 = %while3A_198 to %while3A_204 step %while3A_205 iter_args(%while3A_210 = %and3A_187, %while3A_211 = %while3A_168) -> (vector<16xi1>, i32)  : i32 {
        %all_reduce_ffs3A = tpu.all_reduce %while3A_210 {dim = 0 : i64, kind = #tpu.reduction_kind<find_first_set>} : vector<16xi1> -> vector<16xi32>
        %slice3A_212 = vector.extract_strided_slice %all_reduce_ffs3A {offsets = [0], sizes = [1], strides = [1]} : vector<16xi32> to vector<1xi32>
        %squeeze3A_213 = vector.extract %slice3A_212[0] : i32 from vector<1xi32>
        %eq3A_214 = vector.broadcast %squeeze3A_213 : i32 to vector<16xi32>
        %eq3A_215 = arith.cmpi eq, %iota3A, %eq3A_214 : vector<16xi32>
        %jit3A_216 = arith.constant 0 : i32
        %broadcast_in_dim3A = vector.broadcast %jit3A_216 : i32 to vector<16xi32>
        %select_n3A_217 = arith.select %eq3A_215, %get3A_172, %broadcast_in_dim3A : vector<16xi1>, vector<16xi32>
        %reduce_max3A = arith.constant true
        %reduce_max3A_218 = vector.broadcast %reduce_max3A : i1 to vector<16xi1>
        %reduce_max3A_219 = arith.constant -2147483648 : i32
        %reduce_max3A_220 = vector.broadcast %reduce_max3A_219 : i32 to vector<16xi32>
        %reduce_max3A_221 = arith.xori %select_n3A_217, %reduce_max3A_220 : vector<16xi32>
        %reduce_max3A_222 = tpu.scan <max>, %reduce_max3A_221 masked %reduce_max3A_218 : vector<16xi32>, vector<16xi1> -> vector<16xi32>
        %reduce_max3A_223 = arith.xori %reduce_max3A_222, %reduce_max3A_220 : vector<16xi32>
        %reduce_max3A_224 = vector.extract %reduce_max3A_223[15] : i32 from vector<16xi32>
        %sub3A_225 = arith.constant 999936 : i32
        %sub3A_226 = arith.subi %reduce_max3A_224, %sub3A_225 : i32
        %jit3A_227 = arith.constant 0 : i32
        %broadcast_in_dim3A_228 = vector.broadcast %jit3A_227 : i32 to vector<16xi32>
        %select_n3A_229 = arith.select %eq3A_215, %get3A_176, %broadcast_in_dim3A_228 : vector<16xi1>, vector<16xi32>
        %reduce_max3A_230 = arith.constant true
        %reduce_max3A_231 = vector.broadcast %reduce_max3A_230 : i1 to vector<16xi1>
        %reduce_max3A_232 = arith.constant -2147483648 : i32
        %reduce_max3A_233 = vector.broadcast %reduce_max3A_232 : i32 to vector<16xi32>
        %reduce_max3A_234 = arith.xori %select_n3A_229, %reduce_max3A_233 : vector<16xi32>
        %reduce_max3A_235 = tpu.scan <max>, %reduce_max3A_234 masked %reduce_max3A_231 : vector<16xi32>, vector<16xi1> -> vector<16xi32>
        %reduce_max3A_236 = arith.xori %reduce_max3A_235, %reduce_max3A_233 : vector<16xi32>
        %reduce_max3A_237 = vector.extract %reduce_max3A_236[15] : i32 from vector<16xi32>
        %and3A_238 = arith.constant 31 : i32
        %and3A_239 = arith.andi %while3A_211, %and3A_238 : i32
        %mul3A_240 = arith.constant 0 : i32
        %mul3A_241 = vector.broadcast %mul3A_240 : i32 to vector<16xi32>
        %mul3A_242 = arith.muli %iota3A, %mul3A_241 : vector<16xi32>
        %add3A_243 = vector.broadcast %sub3A_226 : i32 to vector<16xi32>
        %add3A_244 = arith.addi %add3A_243, %mul3A_242 : vector<16xi32>
        %add3A_245 = arith.constant 0 : i32
        %add3A_246 = vector.broadcast %add3A_245 : i32 to vector<16xi32>
        %add3A_247 = arith.addi %iota3A, %add3A_246 : vector<16xi32>
        %gather3A = tpu.vector_load_idx %arg14[%add3A_244, %add3A_247] : memref<65x64xf32, #tpu.memory_space<vmem>>[vector<16xi32>, vector<16xi32>], vector<16xf32>,
        %mul3A_248 = arith.constant 0 : i32
        %mul3A_249 = vector.broadcast %mul3A_248 : i32 to vector<16xi32>
        %mul3A_250 = arith.muli %iota3A, %mul3A_249 : vector<16xi32>
        %add3A_251 = vector.broadcast %and3A_239 : i32 to vector<16xi32>
        %add3A_252 = arith.addi %add3A_251, %mul3A_250 : vector<16xi32>
        %add3A_253 = arith.constant 0 : i32
        %add3A_254 = vector.broadcast %add3A_253 : i32 to vector<16xi32>
        %add3A_255 = arith.addi %iota3A, %add3A_254 : vector<16xi32>
        tpu.vector_store_idx %arg15[%add3A_252, %add3A_255], %gather3A : memref<32x64xf32, #tpu.memory_space<vmem>>[vector<16xi32>, vector<16xi32>], vector<16xf32>,
        %mul3A_256 = arith.constant 0 : i32
        %mul3A_257 = vector.broadcast %mul3A_256 : i32 to vector<16xi32>
        %mul3A_258 = arith.muli %iota3A, %mul3A_257 : vector<16xi32>
        %add3A_259 = vector.broadcast %sub3A_226 : i32 to vector<16xi32>
        %add3A_260 = arith.addi %add3A_259, %mul3A_258 : vector<16xi32>
        %add3A_261 = arith.constant 16 : i32
        %add3A_262 = vector.broadcast %add3A_261 : i32 to vector<16xi32>
        %add3A_263 = arith.addi %iota3A, %add3A_262 : vector<16xi32>
        %gather3A_264 = tpu.vector_load_idx %arg14[%add3A_260, %add3A_263] : memref<65x64xf32, #tpu.memory_space<vmem>>[vector<16xi32>, vector<16xi32>], vector<16xf32>,
        %mul3A_265 = arith.constant 0 : i32
        %mul3A_266 = vector.broadcast %mul3A_265 : i32 to vector<16xi32>
        %mul3A_267 = arith.muli %iota3A, %mul3A_266 : vector<16xi32>
        %add3A_268 = vector.broadcast %and3A_239 : i32 to vector<16xi32>
        %add3A_269 = arith.addi %add3A_268, %mul3A_267 : vector<16xi32>
        %add3A_270 = arith.constant 16 : i32
        %add3A_271 = vector.broadcast %add3A_270 : i32 to vector<16xi32>
        %add3A_272 = arith.addi %iota3A, %add3A_271 : vector<16xi32>
        tpu.vector_store_idx %arg15[%add3A_269, %add3A_272], %gather3A_264 : memref<32x64xf32, #tpu.memory_space<vmem>>[vector<16xi32>, vector<16xi32>], vector<16xf32>,
        %mul3A_273 = arith.constant 0 : i32
        %mul3A_274 = vector.broadcast %mul3A_273 : i32 to vector<16xi32>
        %mul3A_275 = arith.muli %iota3A, %mul3A_274 : vector<16xi32>
        %add3A_276 = vector.broadcast %sub3A_226 : i32 to vector<16xi32>
        %add3A_277 = arith.addi %add3A_276, %mul3A_275 : vector<16xi32>
        %add3A_278 = arith.constant 32 : i32
        %add3A_279 = vector.broadcast %add3A_278 : i32 to vector<16xi32>
        %add3A_280 = arith.addi %iota3A, %add3A_279 : vector<16xi32>
        %gather3A_281 = tpu.vector_load_idx %arg14[%add3A_277, %add3A_280] : memref<65x64xf32, #tpu.memory_space<vmem>>[vector<16xi32>, vector<16xi32>], vector<16xf32>,
        %mul3A_282 = arith.constant 0 : i32
        %mul3A_283 = vector.broadcast %mul3A_282 : i32 to vector<16xi32>
        %mul3A_284 = arith.muli %iota3A, %mul3A_283 : vector<16xi32>
        %add3A_285 = vector.broadcast %and3A_239 : i32 to vector<16xi32>
        %add3A_286 = arith.addi %add3A_285, %mul3A_284 : vector<16xi32>
        %add3A_287 = arith.constant 32 : i32
        %add3A_288 = vector.broadcast %add3A_287 : i32 to vector<16xi32>
        %add3A_289 = arith.addi %iota3A, %add3A_288 : vector<16xi32>
        tpu.vector_store_idx %arg15[%add3A_286, %add3A_289], %gather3A_281 : memref<32x64xf32, #tpu.memory_space<vmem>>[vector<16xi32>, vector<16xi32>], vector<16xf32>,
        %mul3A_290 = arith.constant 0 : i32
        %mul3A_291 = vector.broadcast %mul3A_290 : i32 to vector<16xi32>
        %mul3A_292 = arith.muli %iota3A, %mul3A_291 : vector<16xi32>
        %add3A_293 = vector.broadcast %sub3A_226 : i32 to vector<16xi32>
        %add3A_294 = arith.addi %add3A_293, %mul3A_292 : vector<16xi32>
        %add3A_295 = arith.constant 48 : i32
        %add3A_296 = vector.broadcast %add3A_295 : i32 to vector<16xi32>
        %add3A_297 = arith.addi %iota3A, %add3A_296 : vector<16xi32>
        %gather3A_298 = tpu.vector_load_idx %arg14[%add3A_294, %add3A_297] : memref<65x64xf32, #tpu.memory_space<vmem>>[vector<16xi32>, vector<16xi32>], vector<16xf32>,
        %mul3A_299 = arith.constant 0 : i32
        %mul3A_300 = vector.broadcast %mul3A_299 : i32 to vector<16xi32>
        %mul3A_301 = arith.muli %iota3A, %mul3A_300 : vector<16xi32>
        %add3A_302 = vector.broadcast %and3A_239 : i32 to vector<16xi32>
        %add3A_303 = arith.addi %add3A_302, %mul3A_301 : vector<16xi32>
        %add3A_304 = arith.constant 48 : i32
        %add3A_305 = vector.broadcast %add3A_304 : i32 to vector<16xi32>
        %add3A_306 = arith.addi %iota3A, %add3A_305 : vector<16xi32>
        tpu.vector_store_idx %arg15[%add3A_303, %add3A_306], %gather3A_298 : memref<32x64xf32, #tpu.memory_space<vmem>>[vector<16xi32>, vector<16xi32>], vector<16xf32>,
        %dma_start3A_307 = arith.constant 0 : i32
        %dma_start3A_308 = tpu.memref_slice %arg15[%and3A_239, %dma_start3A_307] : memref<32x64xf32, #tpu.memory_space<vmem>> -> memref<1x64xf32, #tpu.memory_space<vmem>>
        %dma_start3A_309 = arith.constant 0 : i32
        %dma_start3A_310 = tpu.memref_slice %arg6[%reduce_max3A_237, %dma_start3A_309] : memref<16384x64xf32, #tpu.memory_space<hbm>> -> memref<1x64xf32, #tpu.memory_space<hbm>>
        %dma_start3A_311 = arith.constant 0 : i32
        %dma_start3A_312 = tpu.memref_slice %arg6[%reduce_max3A_237, %dma_start3A_311] : memref<16384x64xf32, #tpu.memory_space<hbm>> -> memref<1x64xf32, #tpu.memory_space<hbm>>
        %dma_start3A_313 = arith.constant 0 : i32
        %dma_start3A_314 = tpu.memref_slice %arg15[%and3A_239, %dma_start3A_313] : memref<32x64xf32, #tpu.memory_space<vmem>> -> memref<1x64xf32, #tpu.memory_space<vmem>>
        tpu.enqueue_dma source(%dma_start3A_314 : memref<1x64xf32, #tpu.memory_space<vmem>>) target(%dma_start3A_312 : memref<1x64xf32, #tpu.memory_space<hbm>>) target_semaphore(%arg20 : memref<!tpu.dma_semaphore, #tpu.memory_space<semaphore_mem>>)
        %not3A = arith.constant dense<true> : vector<16xi1>
        %not3A_315 = arith.xori %eq3A_215, %not3A : vector<16xi1>
        %and3A_316 = arith.andi %while3A_210, %not3A_315 : vector<16xi1>
        %add3A_317 = arith.constant 1 : i32
        %add3A_318 = arith.addi %while3A_211, %add3A_317 : i32
        scf.yield %and3A_316, %add3A_318 : vector<16xi1>, i32
      }
      %while3A_207 = arith.constant 1 : i32
      %while3A_208:2 = scf.for %while3A_209 = %while3A_204 to %while3A_200 step %while3A_207 iter_args(%while3A_210 = %while3A_206#0, %while3A_211 = %while3A_206#1) -> (vector<16xi1>, i32)  : i32 {
        %all_reduce_ffs3A = tpu.all_reduce %while3A_210 {dim = 0 : i64, kind = #tpu.reduction_kind<find_first_set>} : vector<16xi1> -> vector<16xi32>
        %slice3A_212 = vector.extract_strided_slice %all_reduce_ffs3A {offsets = [0], sizes = [1], strides = [1]} : vector<16xi32> to vector<1xi32>
        %squeeze3A_213 = vector.extract %slice3A_212[0] : i32 from vector<1xi32>
        %eq3A_214 = vector.broadcast %squeeze3A_213 : i32 to vector<16xi32>
        %eq3A_215 = arith.cmpi eq, %iota3A, %eq3A_214 : vector<16xi32>
        %jit3A_216 = arith.constant 0 : i32
        %broadcast_in_dim3A = vector.broadcast %jit3A_216 : i32 to vector<16xi32>
        %select_n3A_217 = arith.select %eq3A_215, %get3A_172, %broadcast_in_dim3A : vector<16xi1>, vector<16xi32>
        %reduce_max3A = arith.constant true
        %reduce_max3A_218 = vector.broadcast %reduce_max3A : i1 to vector<16xi1>
        %reduce_max3A_219 = arith.constant -2147483648 : i32
        %reduce_max3A_220 = vector.broadcast %reduce_max3A_219 : i32 to vector<16xi32>
        %reduce_max3A_221 = arith.xori %select_n3A_217, %reduce_max3A_220 : vector<16xi32>
        %reduce_max3A_222 = tpu.scan <max>, %reduce_max3A_221 masked %reduce_max3A_218 : vector<16xi32>, vector<16xi1> -> vector<16xi32>
        %reduce_max3A_223 = arith.xori %reduce_max3A_222, %reduce_max3A_220 : vector<16xi32>
        %reduce_max3A_224 = vector.extract %reduce_max3A_223[15] : i32 from vector<16xi32>
        %sub3A_225 = arith.constant 999936 : i32
        %sub3A_226 = arith.subi %reduce_max3A_224, %sub3A_225 : i32
        %jit3A_227 = arith.constant 0 : i32
        %broadcast_in_dim3A_228 = vector.broadcast %jit3A_227 : i32 to vector<16xi32>
        %select_n3A_229 = arith.select %eq3A_215, %get3A_176, %broadcast_in_dim3A_228 : vector<16xi1>, vector<16xi32>
        %reduce_max3A_230 = arith.constant true
        %reduce_max3A_231 = vector.broadcast %reduce_max3A_230 : i1 to vector<16xi1>
        %reduce_max3A_232 = arith.constant -2147483648 : i32
        %reduce_max3A_233 = vector.broadcast %reduce_max3A_232 : i32 to vector<16xi32>
        %reduce_max3A_234 = arith.xori %select_n3A_229, %reduce_max3A_233 : vector<16xi32>
        %reduce_max3A_235 = tpu.scan <max>, %reduce_max3A_234 masked %reduce_max3A_231 : vector<16xi32>, vector<16xi1> -> vector<16xi32>
        %reduce_max3A_236 = arith.xori %reduce_max3A_235, %reduce_max3A_233 : vector<16xi32>
        %reduce_max3A_237 = vector.extract %reduce_max3A_236[15] : i32 from vector<16xi32>
        %and3A_238 = arith.constant 31 : i32
        %and3A_239 = arith.andi %while3A_211, %and3A_238 : i32
        %mul3A_240 = arith.constant 0 : i32
        %mul3A_241 = vector.broadcast %mul3A_240 : i32 to vector<16xi32>
        %mul3A_242 = arith.muli %iota3A, %mul3A_241 : vector<16xi32>
        %add3A_243 = vector.broadcast %sub3A_226 : i32 to vector<16xi32>
        %add3A_244 = arith.addi %add3A_243, %mul3A_242 : vector<16xi32>
        %add3A_245 = arith.constant 0 : i32
        %add3A_246 = vector.broadcast %add3A_245 : i32 to vector<16xi32>
        %add3A_247 = arith.addi %iota3A, %add3A_246 : vector<16xi32>
        %gather3A = tpu.vector_load_idx %arg14[%add3A_244, %add3A_247] : memref<65x64xf32, #tpu.memory_space<vmem>>[vector<16xi32>, vector<16xi32>], vector<16xf32>,
        %mul3A_248 = arith.constant 0 : i32
        %mul3A_249 = vector.broadcast %mul3A_248 : i32 to vector<16xi32>
        %mul3A_250 = arith.muli %iota3A, %mul3A_249 : vector<16xi32>
        %add3A_251 = vector.broadcast %and3A_239 : i32 to vector<16xi32>
        %add3A_252 = arith.addi %add3A_251, %mul3A_250 : vector<16xi32>
        %add3A_253 = arith.constant 0 : i32
        %add3A_254 = vector.broadcast %add3A_253 : i32 to vector<16xi32>
        %add3A_255 = arith.addi %iota3A, %add3A_254 : vector<16xi32>
        tpu.vector_store_idx %arg15[%add3A_252, %add3A_255], %gather3A : memref<32x64xf32, #tpu.memory_space<vmem>>[vector<16xi32>, vector<16xi32>], vector<16xf32>,
        %mul3A_256 = arith.constant 0 : i32
        %mul3A_257 = vector.broadcast %mul3A_256 : i32 to vector<16xi32>
        %mul3A_258 = arith.muli %iota3A, %mul3A_257 : vector<16xi32>
        %add3A_259 = vector.broadcast %sub3A_226 : i32 to vector<16xi32>
        %add3A_260 = arith.addi %add3A_259, %mul3A_258 : vector<16xi32>
        %add3A_261 = arith.constant 16 : i32
        %add3A_262 = vector.broadcast %add3A_261 : i32 to vector<16xi32>
        %add3A_263 = arith.addi %iota3A, %add3A_262 : vector<16xi32>
        %gather3A_264 = tpu.vector_load_idx %arg14[%add3A_260, %add3A_263] : memref<65x64xf32, #tpu.memory_space<vmem>>[vector<16xi32>, vector<16xi32>], vector<16xf32>,
        %mul3A_265 = arith.constant 0 : i32
        %mul3A_266 = vector.broadcast %mul3A_265 : i32 to vector<16xi32>
        %mul3A_267 = arith.muli %iota3A, %mul3A_266 : vector<16xi32>
        %add3A_268 = vector.broadcast %and3A_239 : i32 to vector<16xi32>
        %add3A_269 = arith.addi %add3A_268, %mul3A_267 : vector<16xi32>
        %add3A_270 = arith.constant 16 : i32
        %add3A_271 = vector.broadcast %add3A_270 : i32 to vector<16xi32>
        %add3A_272 = arith.addi %iota3A, %add3A_271 : vector<16xi32>
        tpu.vector_store_idx %arg15[%add3A_269, %add3A_272], %gather3A_264 : memref<32x64xf32, #tpu.memory_space<vmem>>[vector<16xi32>, vector<16xi32>], vector<16xf32>,
        %mul3A_273 = arith.constant 0 : i32
        %mul3A_274 = vector.broadcast %mul3A_273 : i32 to vector<16xi32>
        %mul3A_275 = arith.muli %iota3A, %mul3A_274 : vector<16xi32>
        %add3A_276 = vector.broadcast %sub3A_226 : i32 to vector<16xi32>
        %add3A_277 = arith.addi %add3A_276, %mul3A_275 : vector<16xi32>
        %add3A_278 = arith.constant 32 : i32
        %add3A_279 = vector.broadcast %add3A_278 : i32 to vector<16xi32>
        %add3A_280 = arith.addi %iota3A, %add3A_279 : vector<16xi32>
        %gather3A_281 = tpu.vector_load_idx %arg14[%add3A_277, %add3A_280] : memref<65x64xf32, #tpu.memory_space<vmem>>[vector<16xi32>, vector<16xi32>], vector<16xf32>,
        %mul3A_282 = arith.constant 0 : i32
        %mul3A_283 = vector.broadcast %mul3A_282 : i32 to vector<16xi32>
        %mul3A_284 = arith.muli %iota3A, %mul3A_283 : vector<16xi32>
        %add3A_285 = vector.broadcast %and3A_239 : i32 to vector<16xi32>
        %add3A_286 = arith.addi %add3A_285, %mul3A_284 : vector<16xi32>
        %add3A_287 = arith.constant 32 : i32
        %add3A_288 = vector.broadcast %add3A_287 : i32 to vector<16xi32>
        %add3A_289 = arith.addi %iota3A, %add3A_288 : vector<16xi32>
        tpu.vector_store_idx %arg15[%add3A_286, %add3A_289], %gather3A_281 : memref<32x64xf32, #tpu.memory_space<vmem>>[vector<16xi32>, vector<16xi32>], vector<16xf32>,
        %mul3A_290 = arith.constant 0 : i32
        %mul3A_291 = vector.broadcast %mul3A_290 : i32 to vector<16xi32>
        %mul3A_292 = arith.muli %iota3A, %mul3A_291 : vector<16xi32>
        %add3A_293 = vector.broadcast %sub3A_226 : i32 to vector<16xi32>
        %add3A_294 = arith.addi %add3A_293, %mul3A_292 : vector<16xi32>
        %add3A_295 = arith.constant 48 : i32
        %add3A_296 = vector.broadcast %add3A_295 : i32 to vector<16xi32>
        %add3A_297 = arith.addi %iota3A, %add3A_296 : vector<16xi32>
        %gather3A_298 = tpu.vector_load_idx %arg14[%add3A_294, %add3A_297] : memref<65x64xf32, #tpu.memory_space<vmem>>[vector<16xi32>, vector<16xi32>], vector<16xf32>,
        %mul3A_299 = arith.constant 0 : i32
        %mul3A_300 = vector.broadcast %mul3A_299 : i32 to vector<16xi32>
        %mul3A_301 = arith.muli %iota3A, %mul3A_300 : vector<16xi32>
        %add3A_302 = vector.broadcast %and3A_239 : i32 to vector<16xi32>
        %add3A_303 = arith.addi %add3A_302, %mul3A_301 : vector<16xi32>
        %add3A_304 = arith.constant 48 : i32
        %add3A_305 = vector.broadcast %add3A_304 : i32 to vector<16xi32>
        %add3A_306 = arith.addi %iota3A, %add3A_305 : vector<16xi32>
        tpu.vector_store_idx %arg15[%add3A_303, %add3A_306], %gather3A_298 : memref<32x64xf32, #tpu.memory_space<vmem>>[vector<16xi32>, vector<16xi32>], vector<16xf32>,
        %dma_start3A_307 = arith.constant 0 : i32
        %dma_start3A_308 = tpu.memref_slice %arg15[%and3A_239, %dma_start3A_307] : memref<32x64xf32, #tpu.memory_space<vmem>> -> memref<1x64xf32, #tpu.memory_space<vmem>>
        %dma_start3A_309 = arith.constant 0 : i32
        %dma_start3A_310 = tpu.memref_slice %arg6[%reduce_max3A_237, %dma_start3A_309] : memref<16384x64xf32, #tpu.memory_space<hbm>> -> memref<1x64xf32, #tpu.memory_space<hbm>>
        %dma_start3A_311 = arith.constant 0 : i32
        %dma_start3A_312 = tpu.memref_slice %arg6[%reduce_max3A_237, %dma_start3A_311] : memref<16384x64xf32, #tpu.memory_space<hbm>> -> memref<1x64xf32, #tpu.memory_space<hbm>>
        %dma_start3A_313 = arith.constant 0 : i32
        %dma_start3A_314 = tpu.memref_slice %arg15[%and3A_239, %dma_start3A_313] : memref<32x64xf32, #tpu.memory_space<vmem>> -> memref<1x64xf32, #tpu.memory_space<vmem>>
        tpu.enqueue_dma source(%dma_start3A_314 : memref<1x64xf32, #tpu.memory_space<vmem>>) target(%dma_start3A_312 : memref<1x64xf32, #tpu.memory_space<hbm>>) target_semaphore(%arg20 : memref<!tpu.dma_semaphore, #tpu.memory_space<semaphore_mem>>)
        %not3A = arith.constant dense<true> : vector<16xi1>
        %not3A_315 = arith.xori %eq3A_215, %not3A : vector<16xi1>
        %and3A_316 = arith.andi %while3A_210, %not3A_315 : vector<16xi1>
        %add3A_317 = arith.constant 1 : i32
        %add3A_318 = arith.addi %while3A_211, %add3A_317 : i32
        scf.yield %and3A_316, %add3A_318 : vector<16xi1>, i32
      }
      scf.yield %while3A_208#1, %add3A_197 : i32, i32
    }
    %while3A_152 = arith.constant 1 : i32
    %while3A_153:2 = scf.for %while3A_167 = %while3A_149 to %while3A_145 step %while3A_152 iter_args(%while3A_168 = %while3A_151#0, %while3A_169 = %while3A_151#1) -> (i32, i32)  : i32 {
      %mul3A_170 = arith.constant 16 : i32
      %mul3A_171 = arith.muli %while3A_167, %mul3A_170 : i32
      %get3A = arith.index_cast %mul3A_171 : i32 to index
      %get3A_172 = tpu.vector_load %arg10[%get3A] {strides = array<i32>} : memref<16384xi32, #tpu.memory_space<vmem>>, vector<16xi32>,
      %mul3A_173 = arith.constant 16 : i32
      %mul3A_174 = arith.muli %while3A_167, %mul3A_173 : i32
      %get3A_175 = arith.index_cast %mul3A_174 : i32 to index
      %get3A_176 = tpu.vector_load %arg11[%get3A_175] {strides = array<i32>} : memref<16384xi32, #tpu.memory_space<vmem>>, vector<16xi32>,
      %mul3A_177 = arith.constant 16 : i32
      %mul3A_178 = arith.muli %while3A_167, %mul3A_177 : i32
      %add3A_179 = vector.broadcast %mul3A_178 : i32 to vector<16xi32>
      %add3A_180 = arith.addi %iota3A, %add3A_179 : vector<16xi32>
      %lt3A = vector.broadcast %scan3A_68 : i32 to vector<16xi32>
      %lt3A_181 = arith.cmpi slt, %add3A_180, %lt3A : vector<16xi32>
      %ge3A = arith.constant 999936 : i32
      %ge3A_182 = vector.broadcast %ge3A : i32 to vector<16xi32>
      %ge3A_183 = arith.cmpi sge, %get3A_172, %ge3A_182 : vector<16xi32>
      %and3A_184 = arith.andi %lt3A_181, %ge3A_183 : vector<16xi1>
      %lt3A_185 = vector.broadcast %select_n3A_142 : i32 to vector<16xi32>
      %lt3A_186 = arith.cmpi slt, %get3A_172, %lt3A_185 : vector<16xi32>
      %and3A_187 = arith.andi %and3A_184, %lt3A_186 : vector<16xi1>
      %all_reduce_population_count3A = tpu.all_reduce %and3A_187 {dim = 0 : i64, kind = #tpu.reduction_kind<sum>} : vector<16xi1> -> vector<16xi32>
      %slice3A = vector.extract_strided_slice %all_reduce_population_count3A {offsets = [0], sizes = [1], strides = [1]} : vector<16xi32> to vector<1xi32>
      %squeeze3A = vector.extract %slice3A[0] : i32 from vector<1xi32>
      %sub3A_188 = arith.subi %while3A_168, %while3A_169 : i32
      %add3A_189 = arith.addi %sub3A_188, %squeeze3A : i32
      %gt3A = arith.constant 32 : i32
      %gt3A_190 = arith.cmpi sgt, %add3A_189, %gt3A : i32
      %sub3A_191 = arith.subi %while3A_168, %while3A_169 : i32
      %jit3A_192 = arith.constant 0 : i32
      %select_n3A_193 = arith.select %gt3A_190, %sub3A_191, %jit3A_192 : i32
      %convert_element_type3A_194 = arith.extui %gt3A_190 : i1 to i32
      %cond3A_195 = arith.constant 0 : i32
      %cond3A_196 = arith.cmpi ne, %convert_element_type3A_194, %cond3A_195 : i32
      scf.if %cond3A_196 {
        %while3A_209 = arith.constant 0 : i32
        %while3A_210 = arith.constant 0 : i32
        %while3A_211 = arith.subi %select_n3A_193, %while3A_209 : i32
        %while3A_212 = arith.addi %while3A_209, %while3A_211 : i32
        %while3A_213 = arith.constant 1 : i32
        %while3A_214 = arith.divsi %while3A_211, %while3A_213 : i32
        %while3A_215 = arith.muli %while3A_214, %while3A_213 : i32
        %while3A_216 = arith.addi %while3A_209, %while3A_215 : i32
        %while3A_217 = arith.constant 1 : i32
        %while3A_218 = scf.for %while3A_221 = %while3A_209 to %while3A_216 step %while3A_217 iter_args(%while3A_222 = %while3A_210) -> (i32)  : i32 {
          %dma_wait3A_223 = arith.constant 0 : i32
          %dma_wait3A_224 = arith.constant 0 : i32
          %dma_wait3A_225 = tpu.memref_slice %arg15[%dma_wait3A_223, %dma_wait3A_224] : memref<32x64xf32, #tpu.memory_space<vmem>> -> memref<1x64xf32, #tpu.memory_space<vmem>>
          %dma_wait3A_226 = arith.constant 0 : i32
          %dma_wait3A_227 = arith.constant 0 : i32
          %dma_wait3A_228 = tpu.memref_slice %arg6[%dma_wait3A_226, %dma_wait3A_227] : memref<16384x64xf32, #tpu.memory_space<hbm>> -> memref<1x64xf32, #tpu.memory_space<hbm>>
          %dma_wait3A_229 = arith.constant 0 : i32
          %dma_wait3A_230 = arith.constant 0 : i32
          %dma_wait3A_231 = tpu.memref_slice %arg6[%dma_wait3A_229, %dma_wait3A_230] : memref<16384x64xf32, #tpu.memory_space<hbm>> -> memref<1x64xf32, #tpu.memory_space<hbm>>
          %dma_wait3A_232 = arith.constant 0 : i32
          %dma_wait3A_233 = arith.constant 0 : i32
          %dma_wait3A_234 = tpu.memref_slice %arg15[%dma_wait3A_232, %dma_wait3A_233] : memref<32x64xf32, #tpu.memory_space<vmem>> -> memref<1x64xf32, #tpu.memory_space<vmem>>
          tpu.wait_dma2 semaphore(%arg20 : memref<!tpu.dma_semaphore, #tpu.memory_space<semaphore_mem>>) src(%dma_wait3A_234 : memref<1x64xf32, #tpu.memory_space<vmem>>) dst(%dma_wait3A_231 : memref<1x64xf32, #tpu.memory_space<hbm>>)
          %while3A_235 = arith.constant 0 : i32
          scf.yield %while3A_235 : i32
        }
        %while3A_219 = arith.constant 1 : i32
        %while3A_220 = scf.for %while3A_221 = %while3A_216 to %while3A_212 step %while3A_219 iter_args(%while3A_222 = %while3A_218) -> (i32)  : i32 {
          %dma_wait3A_223 = arith.constant 0 : i32
          %dma_wait3A_224 = arith.constant 0 : i32
          %dma_wait3A_225 = tpu.memref_slice %arg15[%dma_wait3A_223, %dma_wait3A_224] : memref<32x64xf32, #tpu.memory_space<vmem>> -> memref<1x64xf32, #tpu.memory_space<vmem>>
          %dma_wait3A_226 = arith.constant 0 : i32
          %dma_wait3A_227 = arith.constant 0 : i32
          %dma_wait3A_228 = tpu.memref_slice %arg6[%dma_wait3A_226, %dma_wait3A_227] : memref<16384x64xf32, #tpu.memory_space<hbm>> -> memref<1x64xf32, #tpu.memory_space<hbm>>
          %dma_wait3A_229 = arith.constant 0 : i32
          %dma_wait3A_230 = arith.constant 0 : i32
          %dma_wait3A_231 = tpu.memref_slice %arg6[%dma_wait3A_229, %dma_wait3A_230] : memref<16384x64xf32, #tpu.memory_space<hbm>> -> memref<1x64xf32, #tpu.memory_space<hbm>>
          %dma_wait3A_232 = arith.constant 0 : i32
          %dma_wait3A_233 = arith.constant 0 : i32
          %dma_wait3A_234 = tpu.memref_slice %arg15[%dma_wait3A_232, %dma_wait3A_233] : memref<32x64xf32, #tpu.memory_space<vmem>> -> memref<1x64xf32, #tpu.memory_space<vmem>>
          tpu.wait_dma2 semaphore(%arg20 : memref<!tpu.dma_semaphore, #tpu.memory_space<semaphore_mem>>) src(%dma_wait3A_234 : memref<1x64xf32, #tpu.memory_space<vmem>>) dst(%dma_wait3A_231 : memref<1x64xf32, #tpu.memory_space<hbm>>)
          %while3A_235 = arith.constant 0 : i32
          scf.yield %while3A_235 : i32
        }
      } else {
      }
      %add3A_197 = arith.addi %while3A_169, %select_n3A_193 : i32
      %while3A_198 = arith.constant 0 : i32
      %while3A_199 = arith.subi %squeeze3A, %while3A_198 : i32
      %while3A_200 = arith.addi %while3A_198, %while3A_199 : i32
      %while3A_201 = arith.constant 1 : i32
      %while3A_202 = arith.divsi %while3A_199, %while3A_201 : i32
      %while3A_203 = arith.muli %while3A_202, %while3A_201 : i32
      %while3A_204 = arith.addi %while3A_198, %while3A_203 : i32
      %while3A_205 = arith.constant 1 : i32
      %while3A_206:2 = scf.for %while3A_209 = %while3A_198 to %while3A_204 step %while3A_205 iter_args(%while3A_210 = %and3A_187, %while3A_211 = %while3A_168) -> (vector<16xi1>, i32)  : i32 {
        %all_reduce_ffs3A = tpu.all_reduce %while3A_210 {dim = 0 : i64, kind = #tpu.reduction_kind<find_first_set>} : vector<16xi1> -> vector<16xi32>
        %slice3A_212 = vector.extract_strided_slice %all_reduce_ffs3A {offsets = [0], sizes = [1], strides = [1]} : vector<16xi32> to vector<1xi32>
        %squeeze3A_213 = vector.extract %slice3A_212[0] : i32 from vector<1xi32>
        %eq3A_214 = vector.broadcast %squeeze3A_213 : i32 to vector<16xi32>
        %eq3A_215 = arith.cmpi eq, %iota3A, %eq3A_214 : vector<16xi32>
        %jit3A_216 = arith.constant 0 : i32
        %broadcast_in_dim3A = vector.broadcast %jit3A_216 : i32 to vector<16xi32>
        %select_n3A_217 = arith.select %eq3A_215, %get3A_172, %broadcast_in_dim3A : vector<16xi1>, vector<16xi32>
        %reduce_max3A = arith.constant true
        %reduce_max3A_218 = vector.broadcast %reduce_max3A : i1 to vector<16xi1>
        %reduce_max3A_219 = arith.constant -2147483648 : i32
        %reduce_max3A_220 = vector.broadcast %reduce_max3A_219 : i32 to vector<16xi32>
        %reduce_max3A_221 = arith.xori %select_n3A_217, %reduce_max3A_220 : vector<16xi32>
        %reduce_max3A_222 = tpu.scan <max>, %reduce_max3A_221 masked %reduce_max3A_218 : vector<16xi32>, vector<16xi1> -> vector<16xi32>
        %reduce_max3A_223 = arith.xori %reduce_max3A_222, %reduce_max3A_220 : vector<16xi32>
        %reduce_max3A_224 = vector.extract %reduce_max3A_223[15] : i32 from vector<16xi32>
        %sub3A_225 = arith.constant 999936 : i32
        %sub3A_226 = arith.subi %reduce_max3A_224, %sub3A_225 : i32
        %jit3A_227 = arith.constant 0 : i32
        %broadcast_in_dim3A_228 = vector.broadcast %jit3A_227 : i32 to vector<16xi32>
        %select_n3A_229 = arith.select %eq3A_215, %get3A_176, %broadcast_in_dim3A_228 : vector<16xi1>, vector<16xi32>
        %reduce_max3A_230 = arith.constant true
        %reduce_max3A_231 = vector.broadcast %reduce_max3A_230 : i1 to vector<16xi1>
        %reduce_max3A_232 = arith.constant -2147483648 : i32
        %reduce_max3A_233 = vector.broadcast %reduce_max3A_232 : i32 to vector<16xi32>
        %reduce_max3A_234 = arith.xori %select_n3A_229, %reduce_max3A_233 : vector<16xi32>
        %reduce_max3A_235 = tpu.scan <max>, %reduce_max3A_234 masked %reduce_max3A_231 : vector<16xi32>, vector<16xi1> -> vector<16xi32>
        %reduce_max3A_236 = arith.xori %reduce_max3A_235, %reduce_max3A_233 : vector<16xi32>
        %reduce_max3A_237 = vector.extract %reduce_max3A_236[15] : i32 from vector<16xi32>
        %and3A_238 = arith.constant 31 : i32
        %and3A_239 = arith.andi %while3A_211, %and3A_238 : i32
        %mul3A_240 = arith.constant 0 : i32
        %mul3A_241 = vector.broadcast %mul3A_240 : i32 to vector<16xi32>
        %mul3A_242 = arith.muli %iota3A, %mul3A_241 : vector<16xi32>
        %add3A_243 = vector.broadcast %sub3A_226 : i32 to vector<16xi32>
        %add3A_244 = arith.addi %add3A_243, %mul3A_242 : vector<16xi32>
        %add3A_245 = arith.constant 0 : i32
        %add3A_246 = vector.broadcast %add3A_245 : i32 to vector<16xi32>
        %add3A_247 = arith.addi %iota3A, %add3A_246 : vector<16xi32>
        %gather3A = tpu.vector_load_idx %arg14[%add3A_244, %add3A_247] : memref<65x64xf32, #tpu.memory_space<vmem>>[vector<16xi32>, vector<16xi32>], vector<16xf32>,
        %mul3A_248 = arith.constant 0 : i32
        %mul3A_249 = vector.broadcast %mul3A_248 : i32 to vector<16xi32>
        %mul3A_250 = arith.muli %iota3A, %mul3A_249 : vector<16xi32>
        %add3A_251 = vector.broadcast %and3A_239 : i32 to vector<16xi32>
        %add3A_252 = arith.addi %add3A_251, %mul3A_250 : vector<16xi32>
        %add3A_253 = arith.constant 0 : i32
        %add3A_254 = vector.broadcast %add3A_253 : i32 to vector<16xi32>
        %add3A_255 = arith.addi %iota3A, %add3A_254 : vector<16xi32>
        tpu.vector_store_idx %arg15[%add3A_252, %add3A_255], %gather3A : memref<32x64xf32, #tpu.memory_space<vmem>>[vector<16xi32>, vector<16xi32>], vector<16xf32>,
        %mul3A_256 = arith.constant 0 : i32
        %mul3A_257 = vector.broadcast %mul3A_256 : i32 to vector<16xi32>
        %mul3A_258 = arith.muli %iota3A, %mul3A_257 : vector<16xi32>
        %add3A_259 = vector.broadcast %sub3A_226 : i32 to vector<16xi32>
        %add3A_260 = arith.addi %add3A_259, %mul3A_258 : vector<16xi32>
        %add3A_261 = arith.constant 16 : i32
        %add3A_262 = vector.broadcast %add3A_261 : i32 to vector<16xi32>
        %add3A_263 = arith.addi %iota3A, %add3A_262 : vector<16xi32>
        %gather3A_264 = tpu.vector_load_idx %arg14[%add3A_260, %add3A_263] : memref<65x64xf32, #tpu.memory_space<vmem>>[vector<16xi32>, vector<16xi32>], vector<16xf32>,
        %mul3A_265 = arith.constant 0 : i32
        %mul3A_266 = vector.broadcast %mul3A_265 : i32 to vector<16xi32>
        %mul3A_267 = arith.muli %iota3A, %mul3A_266 : vector<16xi32>
        %add3A_268 = vector.broadcast %and3A_239 : i32 to vector<16xi32>
        %add3A_269 = arith.addi %add3A_268, %mul3A_267 : vector<16xi32>
        %add3A_270 = arith.constant 16 : i32
        %add3A_271 = vector.broadcast %add3A_270 : i32 to vector<16xi32>
        %add3A_272 = arith.addi %iota3A, %add3A_271 : vector<16xi32>
        tpu.vector_store_idx %arg15[%add3A_269, %add3A_272], %gather3A_264 : memref<32x64xf32, #tpu.memory_space<vmem>>[vector<16xi32>, vector<16xi32>], vector<16xf32>,
        %mul3A_273 = arith.constant 0 : i32
        %mul3A_274 = vector.broadcast %mul3A_273 : i32 to vector<16xi32>
        %mul3A_275 = arith.muli %iota3A, %mul3A_274 : vector<16xi32>
        %add3A_276 = vector.broadcast %sub3A_226 : i32 to vector<16xi32>
        %add3A_277 = arith.addi %add3A_276, %mul3A_275 : vector<16xi32>
        %add3A_278 = arith.constant 32 : i32
        %add3A_279 = vector.broadcast %add3A_278 : i32 to vector<16xi32>
        %add3A_280 = arith.addi %iota3A, %add3A_279 : vector<16xi32>
        %gather3A_281 = tpu.vector_load_idx %arg14[%add3A_277, %add3A_280] : memref<65x64xf32, #tpu.memory_space<vmem>>[vector<16xi32>, vector<16xi32>], vector<16xf32>,
        %mul3A_282 = arith.constant 0 : i32
        %mul3A_283 = vector.broadcast %mul3A_282 : i32 to vector<16xi32>
        %mul3A_284 = arith.muli %iota3A, %mul3A_283 : vector<16xi32>
        %add3A_285 = vector.broadcast %and3A_239 : i32 to vector<16xi32>
        %add3A_286 = arith.addi %add3A_285, %mul3A_284 : vector<16xi32>
        %add3A_287 = arith.constant 32 : i32
        %add3A_288 = vector.broadcast %add3A_287 : i32 to vector<16xi32>
        %add3A_289 = arith.addi %iota3A, %add3A_288 : vector<16xi32>
        tpu.vector_store_idx %arg15[%add3A_286, %add3A_289], %gather3A_281 : memref<32x64xf32, #tpu.memory_space<vmem>>[vector<16xi32>, vector<16xi32>], vector<16xf32>,
        %mul3A_290 = arith.constant 0 : i32
        %mul3A_291 = vector.broadcast %mul3A_290 : i32 to vector<16xi32>
        %mul3A_292 = arith.muli %iota3A, %mul3A_291 : vector<16xi32>
        %add3A_293 = vector.broadcast %sub3A_226 : i32 to vector<16xi32>
        %add3A_294 = arith.addi %add3A_293, %mul3A_292 : vector<16xi32>
        %add3A_295 = arith.constant 48 : i32
        %add3A_296 = vector.broadcast %add3A_295 : i32 to vector<16xi32>
        %add3A_297 = arith.addi %iota3A, %add3A_296 : vector<16xi32>
        %gather3A_298 = tpu.vector_load_idx %arg14[%add3A_294, %add3A_297] : memref<65x64xf32, #tpu.memory_space<vmem>>[vector<16xi32>, vector<16xi32>], vector<16xf32>,
        %mul3A_299 = arith.constant 0 : i32
        %mul3A_300 = vector.broadcast %mul3A_299 : i32 to vector<16xi32>
        %mul3A_301 = arith.muli %iota3A, %mul3A_300 : vector<16xi32>
        %add3A_302 = vector.broadcast %and3A_239 : i32 to vector<16xi32>
        %add3A_303 = arith.addi %add3A_302, %mul3A_301 : vector<16xi32>
        %add3A_304 = arith.constant 48 : i32
        %add3A_305 = vector.broadcast %add3A_304 : i32 to vector<16xi32>
        %add3A_306 = arith.addi %iota3A, %add3A_305 : vector<16xi32>
        tpu.vector_store_idx %arg15[%add3A_303, %add3A_306], %gather3A_298 : memref<32x64xf32, #tpu.memory_space<vmem>>[vector<16xi32>, vector<16xi32>], vector<16xf32>,
        %dma_start3A_307 = arith.constant 0 : i32
        %dma_start3A_308 = tpu.memref_slice %arg15[%and3A_239, %dma_start3A_307] : memref<32x64xf32, #tpu.memory_space<vmem>> -> memref<1x64xf32, #tpu.memory_space<vmem>>
        %dma_start3A_309 = arith.constant 0 : i32
        %dma_start3A_310 = tpu.memref_slice %arg6[%reduce_max3A_237, %dma_start3A_309] : memref<16384x64xf32, #tpu.memory_space<hbm>> -> memref<1x64xf32, #tpu.memory_space<hbm>>
        %dma_start3A_311 = arith.constant 0 : i32
        %dma_start3A_312 = tpu.memref_slice %arg6[%reduce_max3A_237, %dma_start3A_311] : memref<16384x64xf32, #tpu.memory_space<hbm>> -> memref<1x64xf32, #tpu.memory_space<hbm>>
        %dma_start3A_313 = arith.constant 0 : i32
        %dma_start3A_314 = tpu.memref_slice %arg15[%and3A_239, %dma_start3A_313] : memref<32x64xf32, #tpu.memory_space<vmem>> -> memref<1x64xf32, #tpu.memory_space<vmem>>
        tpu.enqueue_dma source(%dma_start3A_314 : memref<1x64xf32, #tpu.memory_space<vmem>>) target(%dma_start3A_312 : memref<1x64xf32, #tpu.memory_space<hbm>>) target_semaphore(%arg20 : memref<!tpu.dma_semaphore, #tpu.memory_space<semaphore_mem>>)
        %not3A = arith.constant dense<true> : vector<16xi1>
        %not3A_315 = arith.xori %eq3A_215, %not3A : vector<16xi1>
        %and3A_316 = arith.andi %while3A_210, %not3A_315 : vector<16xi1>
        %add3A_317 = arith.constant 1 : i32
        %add3A_318 = arith.addi %while3A_211, %add3A_317 : i32
        scf.yield %and3A_316, %add3A_318 : vector<16xi1>, i32
      }
      %while3A_207 = arith.constant 1 : i32
      %while3A_208:2 = scf.for %while3A_209 = %while3A_204 to %while3A_200 step %while3A_207 iter_args(%while3A_210 = %while3A_206#0, %while3A_211 = %while3A_206#1) -> (vector<16xi1>, i32)  : i32 {
        %all_reduce_ffs3A = tpu.all_reduce %while3A_210 {dim = 0 : i64, kind = #tpu.reduction_kind<find_first_set>} : vector<16xi1> -> vector<16xi32>
        %slice3A_212 = vector.extract_strided_slice %all_reduce_ffs3A {offsets = [0], sizes = [1], strides = [1]} : vector<16xi32> to vector<1xi32>
        %squeeze3A_213 = vector.extract %slice3A_212[0] : i32 from vector<1xi32>
        %eq3A_214 = vector.broadcast %squeeze3A_213 : i32 to vector<16xi32>
        %eq3A_215 = arith.cmpi eq, %iota3A, %eq3A_214 : vector<16xi32>
        %jit3A_216 = arith.constant 0 : i32
        %broadcast_in_dim3A = vector.broadcast %jit3A_216 : i32 to vector<16xi32>
        %select_n3A_217 = arith.select %eq3A_215, %get3A_172, %broadcast_in_dim3A : vector<16xi1>, vector<16xi32>
        %reduce_max3A = arith.constant true
        %reduce_max3A_218 = vector.broadcast %reduce_max3A : i1 to vector<16xi1>
        %reduce_max3A_219 = arith.constant -2147483648 : i32
        %reduce_max3A_220 = vector.broadcast %reduce_max3A_219 : i32 to vector<16xi32>
        %reduce_max3A_221 = arith.xori %select_n3A_217, %reduce_max3A_220 : vector<16xi32>
        %reduce_max3A_222 = tpu.scan <max>, %reduce_max3A_221 masked %reduce_max3A_218 : vector<16xi32>, vector<16xi1> -> vector<16xi32>
        %reduce_max3A_223 = arith.xori %reduce_max3A_222, %reduce_max3A_220 : vector<16xi32>
        %reduce_max3A_224 = vector.extract %reduce_max3A_223[15] : i32 from vector<16xi32>
        %sub3A_225 = arith.constant 999936 : i32
        %sub3A_226 = arith.subi %reduce_max3A_224, %sub3A_225 : i32
        %jit3A_227 = arith.constant 0 : i32
        %broadcast_in_dim3A_228 = vector.broadcast %jit3A_227 : i32 to vector<16xi32>
        %select_n3A_229 = arith.select %eq3A_215, %get3A_176, %broadcast_in_dim3A_228 : vector<16xi1>, vector<16xi32>
        %reduce_max3A_230 = arith.constant true
        %reduce_max3A_231 = vector.broadcast %reduce_max3A_230 : i1 to vector<16xi1>
        %reduce_max3A_232 = arith.constant -2147483648 : i32
        %reduce_max3A_233 = vector.broadcast %reduce_max3A_232 : i32 to vector<16xi32>
        %reduce_max3A_234 = arith.xori %select_n3A_229, %reduce_max3A_233 : vector<16xi32>
        %reduce_max3A_235 = tpu.scan <max>, %reduce_max3A_234 masked %reduce_max3A_231 : vector<16xi32>, vector<16xi1> -> vector<16xi32>
        %reduce_max3A_236 = arith.xori %reduce_max3A_235, %reduce_max3A_233 : vector<16xi32>
        %reduce_max3A_237 = vector.extract %reduce_max3A_236[15] : i32 from vector<16xi32>
        %and3A_238 = arith.constant 31 : i32
        %and3A_239 = arith.andi %while3A_211, %and3A_238 : i32
        %mul3A_240 = arith.constant 0 : i32
        %mul3A_241 = vector.broadcast %mul3A_240 : i32 to vector<16xi32>
        %mul3A_242 = arith.muli %iota3A, %mul3A_241 : vector<16xi32>
        %add3A_243 = vector.broadcast %sub3A_226 : i32 to vector<16xi32>
        %add3A_244 = arith.addi %add3A_243, %mul3A_242 : vector<16xi32>
        %add3A_245 = arith.constant 0 : i32
        %add3A_246 = vector.broadcast %add3A_245 : i32 to vector<16xi32>
        %add3A_247 = arith.addi %iota3A, %add3A_246 : vector<16xi32>
        %gather3A = tpu.vector_load_idx %arg14[%add3A_244, %add3A_247] : memref<65x64xf32, #tpu.memory_space<vmem>>[vector<16xi32>, vector<16xi32>], vector<16xf32>,
        %mul3A_248 = arith.constant 0 : i32
        %mul3A_249 = vector.broadcast %mul3A_248 : i32 to vector<16xi32>
        %mul3A_250 = arith.muli %iota3A, %mul3A_249 : vector<16xi32>
        %add3A_251 = vector.broadcast %and3A_239 : i32 to vector<16xi32>
        %add3A_252 = arith.addi %add3A_251, %mul3A_250 : vector<16xi32>
        %add3A_253 = arith.constant 0 : i32
        %add3A_254 = vector.broadcast %add3A_253 : i32 to vector<16xi32>
        %add3A_255 = arith.addi %iota3A, %add3A_254 : vector<16xi32>
        tpu.vector_store_idx %arg15[%add3A_252, %add3A_255], %gather3A : memref<32x64xf32, #tpu.memory_space<vmem>>[vector<16xi32>, vector<16xi32>], vector<16xf32>,
        %mul3A_256 = arith.constant 0 : i32
        %mul3A_257 = vector.broadcast %mul3A_256 : i32 to vector<16xi32>
        %mul3A_258 = arith.muli %iota3A, %mul3A_257 : vector<16xi32>
        %add3A_259 = vector.broadcast %sub3A_226 : i32 to vector<16xi32>
        %add3A_260 = arith.addi %add3A_259, %mul3A_258 : vector<16xi32>
        %add3A_261 = arith.constant 16 : i32
        %add3A_262 = vector.broadcast %add3A_261 : i32 to vector<16xi32>
        %add3A_263 = arith.addi %iota3A, %add3A_262 : vector<16xi32>
        %gather3A_264 = tpu.vector_load_idx %arg14[%add3A_260, %add3A_263] : memref<65x64xf32, #tpu.memory_space<vmem>>[vector<16xi32>, vector<16xi32>], vector<16xf32>,
        %mul3A_265 = arith.constant 0 : i32
        %mul3A_266 = vector.broadcast %mul3A_265 : i32 to vector<16xi32>
        %mul3A_267 = arith.muli %iota3A, %mul3A_266 : vector<16xi32>
        %add3A_268 = vector.broadcast %and3A_239 : i32 to vector<16xi32>
        %add3A_269 = arith.addi %add3A_268, %mul3A_267 : vector<16xi32>
        %add3A_270 = arith.constant 16 : i32
        %add3A_271 = vector.broadcast %add3A_270 : i32 to vector<16xi32>
        %add3A_272 = arith.addi %iota3A, %add3A_271 : vector<16xi32>
        tpu.vector_store_idx %arg15[%add3A_269, %add3A_272], %gather3A_264 : memref<32x64xf32, #tpu.memory_space<vmem>>[vector<16xi32>, vector<16xi32>], vector<16xf32>,
        %mul3A_273 = arith.constant 0 : i32
        %mul3A_274 = vector.broadcast %mul3A_273 : i32 to vector<16xi32>
        %mul3A_275 = arith.muli %iota3A, %mul3A_274 : vector<16xi32>
        %add3A_276 = vector.broadcast %sub3A_226 : i32 to vector<16xi32>
        %add3A_277 = arith.addi %add3A_276, %mul3A_275 : vector<16xi32>
        %add3A_278 = arith.constant 32 : i32
        %add3A_279 = vector.broadcast %add3A_278 : i32 to vector<16xi32>
        %add3A_280 = arith.addi %iota3A, %add3A_279 : vector<16xi32>
        %gather3A_281 = tpu.vector_load_idx %arg14[%add3A_277, %add3A_280] : memref<65x64xf32, #tpu.memory_space<vmem>>[vector<16xi32>, vector<16xi32>], vector<16xf32>,
        %mul3A_282 = arith.constant 0 : i32
        %mul3A_283 = vector.broadcast %mul3A_282 : i32 to vector<16xi32>
        %mul3A_284 = arith.muli %iota3A, %mul3A_283 : vector<16xi32>
        %add3A_285 = vector.broadcast %and3A_239 : i32 to vector<16xi32>
        %add3A_286 = arith.addi %add3A_285, %mul3A_284 : vector<16xi32>
        %add3A_287 = arith.constant 32 : i32
        %add3A_288 = vector.broadcast %add3A_287 : i32 to vector<16xi32>
        %add3A_289 = arith.addi %iota3A, %add3A_288 : vector<16xi32>
        tpu.vector_store_idx %arg15[%add3A_286, %add3A_289], %gather3A_281 : memref<32x64xf32, #tpu.memory_space<vmem>>[vector<16xi32>, vector<16xi32>], vector<16xf32>,
        %mul3A_290 = arith.constant 0 : i32
        %mul3A_291 = vector.broadcast %mul3A_290 : i32 to vector<16xi32>
        %mul3A_292 = arith.muli %iota3A, %mul3A_291 : vector<16xi32>
        %add3A_293 = vector.broadcast %sub3A_226 : i32 to vector<16xi32>
        %add3A_294 = arith.addi %add3A_293, %mul3A_292 : vector<16xi32>
        %add3A_295 = arith.constant 48 : i32
        %add3A_296 = vector.broadcast %add3A_295 : i32 to vector<16xi32>
        %add3A_297 = arith.addi %iota3A, %add3A_296 : vector<16xi32>
        %gather3A_298 = tpu.vector_load_idx %arg14[%add3A_294, %add3A_297] : memref<65x64xf32, #tpu.memory_space<vmem>>[vector<16xi32>, vector<16xi32>], vector<16xf32>,
        %mul3A_299 = arith.constant 0 : i32
        %mul3A_300 = vector.broadcast %mul3A_299 : i32 to vector<16xi32>
        %mul3A_301 = arith.muli %iota3A, %mul3A_300 : vector<16xi32>
        %add3A_302 = vector.broadcast %and3A_239 : i32 to vector<16xi32>
        %add3A_303 = arith.addi %add3A_302, %mul3A_301 : vector<16xi32>
        %add3A_304 = arith.constant 48 : i32
        %add3A_305 = vector.broadcast %add3A_304 : i32 to vector<16xi32>
        %add3A_306 = arith.addi %iota3A, %add3A_305 : vector<16xi32>
        tpu.vector_store_idx %arg15[%add3A_303, %add3A_306], %gather3A_298 : memref<32x64xf32, #tpu.memory_space<vmem>>[vector<16xi32>, vector<16xi32>], vector<16xf32>,
        %dma_start3A_307 = arith.constant 0 : i32
        %dma_start3A_308 = tpu.memref_slice %arg15[%and3A_239, %dma_start3A_307] : memref<32x64xf32, #tpu.memory_space<vmem>> -> memref<1x64xf32, #tpu.memory_space<vmem>>
        %dma_start3A_309 = arith.constant 0 : i32
        %dma_start3A_310 = tpu.memref_slice %arg6[%reduce_max3A_237, %dma_start3A_309] : memref<16384x64xf32, #tpu.memory_space<hbm>> -> memref<1x64xf32, #tpu.memory_space<hbm>>
        %dma_start3A_311 = arith.constant 0 : i32
        %dma_start3A_312 = tpu.memref_slice %arg6[%reduce_max3A_237, %dma_start3A_311] : memref<16384x64xf32, #tpu.memory_space<hbm>> -> memref<1x64xf32, #tpu.memory_space<hbm>>
        %dma_start3A_313 = arith.constant 0 : i32
        %dma_start3A_314 = tpu.memref_slice %arg15[%and3A_239, %dma_start3A_313] : memref<32x64xf32, #tpu.memory_space<vmem>> -> memref<1x64xf32, #tpu.memory_space<vmem>>
        tpu.enqueue_dma source(%dma_start3A_314 : memref<1x64xf32, #tpu.memory_space<vmem>>) target(%dma_start3A_312 : memref<1x64xf32, #tpu.memory_space<hbm>>) target_semaphore(%arg20 : memref<!tpu.dma_semaphore, #tpu.memory_space<semaphore_mem>>)
        %not3A = arith.constant dense<true> : vector<16xi1>
        %not3A_315 = arith.xori %eq3A_215, %not3A : vector<16xi1>
        %and3A_316 = arith.andi %while3A_210, %not3A_315 : vector<16xi1>
        %add3A_317 = arith.constant 1 : i32
        %add3A_318 = arith.addi %while3A_211, %add3A_317 : i32
        scf.yield %and3A_316, %add3A_318 : vector<16xi1>, i32
      }
      scf.yield %while3A_208#1, %add3A_197 : i32, i32
    }
    %sub3A_154 = arith.subi %while3A_153#0, %while3A_153#1 : i32
    %while3A_155 = arith.constant 0 : i32
    %while3A_156 = arith.constant 0 : i32
    %while3A_157 = arith.subi %sub3A_154, %while3A_155 : i32
    %while3A_158 = arith.addi %while3A_155, %while3A_157 : i32
    %while3A_159 = arith.constant 1 : i32
    %while3A_160 = arith.divsi %while3A_157, %while3A_159 : i32
    %while3A_161 = arith.muli %while3A_160, %while3A_159 : i32
    %while3A_162 = arith.addi %while3A_155, %while3A_161 : i32
    %while3A_163 = arith.constant 1 : i32
    %while3A_164 = scf.for %while3A_167 = %while3A_155 to %while3A_162 step %while3A_163 iter_args(%while3A_168 = %while3A_156) -> (i32)  : i32 {
      %dma_wait3A_169 = arith.constant 0 : i32
      %dma_wait3A_170 = arith.constant 0 : i32
      %dma_wait3A_171 = tpu.memref_slice %arg15[%dma_wait3A_169, %dma_wait3A_170] : memref<32x64xf32, #tpu.memory_space<vmem>> -> memref<1x64xf32, #tpu.memory_space<vmem>>
      %dma_wait3A_172 = arith.constant 0 : i32
      %dma_wait3A_173 = arith.constant 0 : i32
      %dma_wait3A_174 = tpu.memref_slice %arg6[%dma_wait3A_172, %dma_wait3A_173] : memref<16384x64xf32, #tpu.memory_space<hbm>> -> memref<1x64xf32, #tpu.memory_space<hbm>>
      %dma_wait3A_175 = arith.constant 0 : i32
      %dma_wait3A_176 = arith.constant 0 : i32
      %dma_wait3A_177 = tpu.memref_slice %arg6[%dma_wait3A_175, %dma_wait3A_176] : memref<16384x64xf32, #tpu.memory_space<hbm>> -> memref<1x64xf32, #tpu.memory_space<hbm>>
      %dma_wait3A_178 = arith.constant 0 : i32
      %dma_wait3A_179 = arith.constant 0 : i32
      %dma_wait3A_180 = tpu.memref_slice %arg15[%dma_wait3A_178, %dma_wait3A_179] : memref<32x64xf32, #tpu.memory_space<vmem>> -> memref<1x64xf32, #tpu.memory_space<vmem>>
      tpu.wait_dma2 semaphore(%arg20 : memref<!tpu.dma_semaphore, #tpu.memory_space<semaphore_mem>>) src(%dma_wait3A_180 : memref<1x64xf32, #tpu.memory_space<vmem>>) dst(%dma_wait3A_177 : memref<1x64xf32, #tpu.memory_space<hbm>>)
      %while3A_181 = arith.constant 0 : i32
      scf.yield %while3A_181 : i32
    }
    %while3A_165 = arith.constant 1 : i32
    %while3A_166 = scf.for %while3A_167 = %while3A_162 to %while3A_158 step %while3A_165 iter_args(%while3A_168 = %while3A_164) -> (i32)  : i32 {
      %dma_wait3A_169 = arith.constant 0 : i32
      %dma_wait3A_170 = arith.constant 0 : i32
      %dma_wait3A_171 = tpu.memref_slice %arg15[%dma_wait3A_169, %dma_wait3A_170] : memref<32x64xf32, #tpu.memory_space<vmem>> -> memref<1x64xf32, #tpu.memory_space<vmem>>
      %dma_wait3A_172 = arith.constant 0 : i32
      %dma_wait3A_173 = arith.constant 0 : i32
      %dma_wait3A_174 = tpu.memref_slice %arg6[%dma_wait3A_172, %dma_wait3A_173] : memref<16384x64xf32, #tpu.memory_space<hbm>> -> memref<1x64xf32, #tpu.memory_space<hbm>>
      %dma_wait3A_175 = arith.constant 0 : i32
      %dma_wait3A_176 = arith.constant 0 : i32
      %dma_wait3A_177 = tpu.memref_slice %arg6[%dma_wait3A_175, %dma_wait3A_176] : memref<16384x64xf32, #tpu.memory_space<hbm>> -> memref<1x64xf32, #tpu.memory_space<hbm>>
      %dma_wait3A_178 = arith.constant 0 : i32
      %dma_wait3A_179 = arith.constant 0 : i32
      %dma_wait3A_180 = tpu.memref_slice %arg15[%dma_wait3A_178, %dma_wait3A_179] : memref<32x64xf32, #tpu.memory_space<vmem>> -> memref<1x64xf32, #tpu.memory_space<vmem>>
      tpu.wait_dma2 semaphore(%arg20 : memref<!tpu.dma_semaphore, #tpu.memory_space<semaphore_mem>>) src(%dma_wait3A_180 : memref<1x64xf32, #tpu.memory_space<vmem>>) dst(%dma_wait3A_177 : memref<1x64xf32, #tpu.memory_space<hbm>>)
      %while3A_181 = arith.constant 0 : i32
      scf.yield %while3A_181 : i32
    }
    return
  }
}

</mosaic_0001>

<sc_bundles>
// kernel: kernel.3.cloned.1.call-start
scs
__scs_entry_jumppad:
0x0: {  	(pc) =	sbr.rel $0x88, $3  }
0x1: {  	(tag) =	ssettag $0x0;
	lr =	simm.s32 $0x1  }
0x2: {  	[smem:$0x3F9E] =	sst lr;
	_ =	strace $0xD0000000  }
0x3: {  	_ = 	snop  }
0x4: {  	_ = 	snop  }
0x5: {  	_ = 	snop  }
0x6: {  	_ = 	snop  }
0x7: {  	_ = 	snop  }
__scs_overlays_trampoline_lowered:
0x8: {  	[smem:$0x3FAD] =	sst s0  }
0x9: {  	[smem:$0x3FAE] =	sst s1  }
0xa: {  	[smem:$0x3FAF] =	sst s2  }
0xb: {  	[smem:$0x3FB0] =	sst s3  }
0xc: {  	[smem:$0x3FB1] =	sst s4  }
0xd: {  	[smem:$0x3FB2] =	sst s5  }
0xe: {  	[smem:$0x3FB3] =	sst s6  }
0xf: {  	[smem:$0x3FB4] =	sst s7  }
0x10: {  	[smem:$0x3FB5] =	sst s8  }
0x11: {  	[smem:$0x3FB6] =	sst s9;
	s0 =	simm.s32 @!p0 $0x0  }
0x12: {  	s1 =	sld [smem:$0x3F9C];
	s0 =	simm.s32 @p0 $0x1  }
0x13: {  	[smem:$0x3FB7] =	sst s0;
	s0 =	simm.s32 @!p1 $0x0  }
0x14: {  	s2 =	sld [smem:$0x3F9B];
	s0 =	simm.s32 @p1 $0x1  }
0x15: {  	[smem:$0x3FB8] =	sst s0;
	s0 =	simm.s32 @!p2 $0x0  }
0x16: {  	s3 =	sld [smem:$0x3FDB];
	s0 =	simm.s32 @p2 $0x1  }
0x17: {  	s4 =	simm.s32 $0x1BF5;
	[smem:$0x3FBA] =	sst s0  }
0x18: {  	s0 =	sld [smem:$0x3F9D];
	_ =	swait.ge [sflag:s4], $0x0  }
0x19: {  	s7 =	sld [smem:$0x3F9E]  }
0x1a: {  	s8 =	sadd.s32 $0xFFFFE003, lr  }
0x1b: {  	s9 =	sadd.s32 $0xFFFFFEF7, lr;
	s5 =	simm.s32 $0xFFFFFFFF;
	p2 =	slt.u32 s8, $0xFFFFF086  }
0x1c: {  	p1 =	slt.u32 s9, $0xF7A;
	s5 =	simm.s32 @!p2 $0x0  }
0x1d: {  	s5 =	simm.s32 @p1 $0x1;
	p0 =	seq.s32 s7, s2  }
0x1e: {  	s7 =	smul.u32 @!p0 $0xF7A, s2;
	p2 =	seq.s32 @!p0 s5, $0x0  }
0x1f: {  	s9 =	smul.u32 $0xF7A, s1;
	s8 =	simm.s32 @!p0 $0x1BF5;
	p2 =	por !p2, p0  }
0x20: {  	[sflag:s8] =	ssyncset.s32 @!p0 $0xFFFFF086;
	s6 =	sadd.s32 @!p0 s3, s7;
	s7 =	simm.s32 @!p0 $0x108  }
0x21: {  	s3 =	sadd.s32 s3, s9;
	s6 =	sadd.s32 @!p0 $0x88, s6;
	s7 =	simm.s32 @p2 $0x1082  }
0x22: {  	[simem:s7], [sflag:s8] =	dma.local @!p0 [hbm:s6], $0xF7A  }
0x23: {  	s9 =	sor.u32 $0xD0000000, s2;
	s6 =	simm.s32 $0x108;
	_ =	swait.ge @!p0 [sflag:s8], $0x0  }
0x24: {  	s3 =	sadd.s32 $0x88, s3;
	s6 =	simm.s32 @!p1 $0x1082;
	[sflag:s4] =	ssyncset.s32 $0xFFFFF086  }
0x25: {  	[simem:s6], [sflag:s4] =	dma.local [hbm:s3], $0xF7A  }
0x26: {  	[smem:$0x3F9E] =	sst s1;
	(tag) =	ssettag s2;
	_ =	strace s9  }
0x27: {  	s1 =	sld [smem:$0x3FAE]  }
0x28: {  	s2 =	sld [smem:$0x3FAF]  }
0x29: {  	s4 =	sld [smem:$0x3FB1]  }
0x2a: {  	p0 =	seq.s32 s5, $0x0;
	s5 =	sld [smem:$0x3FB2]  }
0x2b: {  	s6 =	sld [smem:$0x3FB3]  }
0x2c: {  	s7 =	sld [smem:$0x3FB4]  }
0x2d: {  	s3 =	simm.s32 $0x108;
	s8 =	sld [smem:$0x3FB5]  }
0x2e: {  	s3 =	simm.s32 @!p0 $0x1082;
	s9 =	sld [smem:$0x3FB6]  }
0x2f: {  	lr =	sadd.s32 s0, s3;
	s0 =	sld [smem:$0x3FAD]  }
0x30: {  	s3 =	sld [smem:$0x3FB0]  }
0x31: {  	[smem:$0x3FB9] =	sst s10  }
0x32: {  	s10 =	sld [smem:$0x3FB7];
	_ =	sdelay $0x3  }
0x33: {  	p0 =	seq.s32 s10, $0x1;
	s10 =	sld [smem:$0x3FB9];
	_ =	sdelay $0x3  }
0x34: {  	[smem:$0x3FB9] =	sst s10  }
0x35: {  	s10 =	sld [smem:$0x3FB8];
	_ =	sdelay $0x3  }
0x36: {  	p1 =	seq.s32 s10, $0x1;
	s10 =	sld [smem:$0x3FB9];
	_ =	sdelay $0x3  }
0x37: {  	[smem:$0x3FB9] =	sst s10  }
0x38: {  	s10 =	sld [smem:$0x3FBA]  }
0x39: {  	_ = 	snop;
	(pc) =	sbr.ind lr, $3  }
0x3a: {  	_ = 	snop  }
0x3b: {  	_ = 	snop  }
0x3c: {  	p2 =	seq.s32 s10, $0x1;
	s10 =	sld [smem:$0x3FB9]  }
0x3d: {  	_ =	shalt  }
0x3e: {  	_ =	shalt  }
0x3f: {  	_ =	shalt  }
0x40: {  	_ =	shalt  }
0x41: {  	_ =	shalt  }
0x42: {  	_ =	shalt  }
0x43: {  	_ =	shalt  }
0x44: {  	_ =	shalt  }
0x45: {  	_ =	shalt  }
0x46: {  	_ =	shalt  }
0x47: {  	_ =	shalt  }
0x48: {  	_ =	shalt  }
0x49: {  	_ =	shalt  }
0x4a: {  	_ =	shalt  }
0x4b: {  	_ =	shalt  }
0x4c: {  	_ =	shalt  }
0x4d: {  	_ =	shalt  }
0x4e: {  	_ =	shalt  }
0x4f: {  	_ =	shalt  }
0x50: {  	_ =	shalt  }
0x51: {  	_ =	shalt  }
0x52: {  	_ =	shalt  }
0x53: {  	_ =	shalt  }
0x54: {  	_ =	shalt  }
0x55: {  	_ =	shalt  }
0x56: {  	_ =	shalt  }
0x57: {  	_ =	shalt  }
0x58: {  	_ =	shalt  }
0x59: {  	_ =	shalt  }
0x5a: {  	_ =	shalt  }
0x5b: {  	_ =	shalt  }
0x5c: {  	_ =	shalt  }
0x5d: {  	_ =	shalt  }
0x5e: {  	_ =	shalt  }
0x5f: {  	_ =	shalt  }
0x60: {  	_ =	shalt  }
0x61: {  	_ =	shalt  }
0x62: {  	_ =	shalt  }
0x63: {  	_ =	shalt  }
0x64: {  	_ =	shalt  }
0x65: {  	_ =	shalt  }
0x66: {  	_ =	shalt  }
0x67: {  	_ =	shalt  }
0x68: {  	_ =	shalt  }
0x69: {  	_ =	shalt  }
0x6a: {  	_ =	shalt  }
0x6b: {  	_ =	shalt  }
0x6c: {  	_ =	shalt  }
0x6d: {  	_ =	shalt  }
0x6e: {  	_ =	shalt  }
0x6f: {  	_ =	shalt  }
0x70: {  	_ =	shalt  }
0x71: {  	_ =	shalt  }
0x72: {  	_ =	shalt  }
0x73: {  	_ =	shalt  }
0x74: {  	_ =	shalt  }
0x75: {  	_ =	shalt  }
0x76: {  	_ =	shalt  }
0x77: {  	_ =	shalt  }
0x78: {  	_ =	shalt  }
0x79: {  	_ =	shalt  }
0x7a: {  	_ =	shalt  }
0x7b: {  	_ =	shalt  }
0x7c: {  	_ =	shalt  }
0x7d: {  	_ =	shalt  }
0x7e: {  	_ =	shalt  }
0x7f: {  	_ =	shalt  }
0x80: {  	_ =	shalt  }
0x81: {  	_ =	shalt  }
0x82: {  	_ =	shalt  }
0x83: {  	_ =	shalt  }
0x84: {  	_ =	shalt  }
0x85: {  	_ =	shalt  }
0x86: {  	_ =	shalt  }
0x87: {  	_ =	shalt  }
.Lfunc_end0:
.L_simem_size_0:
called_computation_lowered:
.L_overlay_start_0:
0x88: {  	s2 =	sld [smem:$0x3FD9]  }
0x89: {  	s3 =	sld [smem:$0x3FFE];
	_ =	sdelay $0x1  }
0x8a: {  	s1 =	srdreg.scid  }
0x8b: {  	s0 =	sand.u32 $0x1, s1  }
0x8c: {  	s17 =	sshll.u32 s0, $0xA;
	s2 =	sadd.s32 s3, s2  }
0x8d: {  	s2 =	sadd.s32 s2, s17  }
0x8e: {  	[smem:$0x3FC5] =	sst s2  }
0x8f: {  	_ = 	snop  }
0x90: {  	s2 =	sld [smem:$0x3FC9]  }
0x91: {  	s18 =	sld [smem:$0x3FC8]  }
0x92: {  	s4 =	sld [smem:$0x3FC7]  }
0x93: {  	s5 =	sld [smem:$0x3FD0];
	(tm) =	ssettm $0x1  }
0x94: {  	s6 =	sld [smem:$0x3FFB];
	_ =	sdelay $0x3  }
0x95: {  	_ =	strace s6  }
0x96: {  	s6 =	sld [smem:$0x3FFC];
	_ =	sdelay $0x3  }
0x97: {  	_ =	strace s6  }
0x98: {  	s6 =	sld [smem:$0x3FFD];
	_ =	sdelay $0x3  }
0x99: {  	_ =	strace s6  }
0x9a: {  	_ =	strace $0x8FFFFFFF  }
0x9b: {  	s19 =	sld [smem:$0x3FDB];
	_ =	sdelay $0x1  }
0x9c: {  	s7 =	simm.s32 $_scs_section_size  }
0x9d: {  	s8 =	simm.s32 $_size__tile_overlayer_lowered;
	s9 =	simm.s32 $_tile_overlayer_lowered  }
0x9e: {  	s22 =	simm.s32 $0x1BFF;
	s21 =	sshll.u32 s9, $0x1;
	s6 =	sadd.s32 s7, s19  }
0x9f: {  	s10 =	simm.s32 $0x0;
	s20 =	sshll.u32 s8, $0x1;
	s8 =	sadd.s32 s21, s6  }
0xa0: {  	[timem:s10], [sflag:s22] =	dma.local [hbm:s8], s20  }
0xa1: {  	_ =	swait.ge [sflag:s22], s20  }
0xa2: {  	s7 =	ssub.s32 $0x0, s20;
	[sflag:s22] =	ssyncset.done $0x0  }
0xa3: {  	[sflag:s22] =	ssyncadd.s32 s7;
	_ =	sdelay $0x1  }
0xa4: {  	s23 =	simm.s32 $0x1B8B  }
0xa5: {  	_ =	swait.ge [sflag:s23], $0x1  }
0xa6: {  	[sflag:s23] =	ssyncset.done $0x0  }
0xa7: {  	s25 =	simm.s32 $0x1B8E;
	s24 =	sld [smem:$0x3FFE];
	[sflag:s23] =	ssyncadd.s32 $0xFFFFFFFF  }
0xa8: {  	s26 =	simm.s32 $execute0_lowered;
	[smem:$0x3FD2] =	sst s25  }
0xa9: {  	s8 =	sshll.u32 s26, $0x1;
	_ =	strace $0x80000046;
	[dreg:$0x1] =	wrdreg $0xFFFFFFFF  }
0xaa: {  	s28 =	simm.s32 $_size_execute0_lowered;
	s6 =	sadd.s32 s6, s8;
	[dreg:$0x0] =	wrdreg $0x0  }
0xab: {  	s8 =	sshll.u32 s28, $0x1;
	[dreg:$0x2] =	wrdreg s6  }
0xac: {  	[dreg:$0x3] =	wrdreg s8  }
0xad: {  	[dreg:$0x4] =	wrdreg $0xC0  }
0xae: {  	_ =	task [dreg:s10], $0x5FFFF  }
0xaf: {  	[dreg:$0x1] =	wrdreg $0xFFFFFFFF  }
0xb0: {  	[dreg:$0x0] =	wrdreg $0x60  }
0xb1: {  	[dreg:$0x2] =	wrdreg s2  }
0xb2: {  	[dreg:$0x3] =	wrdreg s18  }
0xb3: {  	[dreg:$0x4] =	wrdreg s4  }
0xb4: {  	[dreg:$0x5] =	wrdreg s5  }
0xb5: {  	[dreg:$0x6] =	wrdreg s24  }
0xb6: {  	[dreg:$0x7] =	wrdreg $0x1C4000  }
0xb7: {  	[dreg:$0x8] =	wrdreg $0x9  }
0xb8: {  	_ =	task.clear_ibuf [dreg:s10], $0x9FFFF;
	_ =	strace $0x90000046  }
0xb9: {  	s29 =	simm.s32 $0x9;
	_ =	strace $0x80000048  }
0xba: {  	_ =	swait.ge [sflag:s29], $0x1  }
0xbb: {  	[sflag:s29] =	ssyncadd.s32 $0xFFFFFFFF  }
0xbc: {  	_ =	strace $0x90000048  }
0xbd: {  	_ =	sfence  }
0xbe: {  	s30 =	sld [smem:$0x0];
	_ =	sdelay $0x2  }
0xbf: {  	s31 =	sshll.u32 s1, $0xD;
	s1 =	sshrl.u32 s1, $0x2  }
0xc0: {  	s3 =	sand.u32 $0x4000, s31;
	s1 =	sadd.s32 s1, s30  }
0xc1: {  	s0 =	sor.u32 s3, s0;
	s1 =	sshll.u32 s1, $0x11  }
0xc2: {  	s0 =	sor.u32 s1, s0  }
0xc3: {  	s0 =	sadd.s32 $0x8F2B, s0  }
0xc4: {  	[sflag:s0] =	ssyncadd.remote.s32 $0x1  }
0xc5: {  	_ =	sfence.sel $0xFFFF  }
0xc6: {  	[dreg:$0x0] =	wrdreg $0xFFFFFFFF;
	(pc) =	sbr.abs _section_cstart, $3  }
0xc7: {  	[dreg:$0x1] =	wrdreg $0xFFFFFFFF  }
0xc8: {  	_ =	task.clear_ibuf [dreg:s10], $0x2FFFF;
	_ =	strace $0x9FFFFFFF  }
0xc9: {  	(tm) =	ssettm $0x7FFFFFFF  }
tec
execute0_lowered:
.L_overlay_start_1:
0x0: {  	(tag) =	ssettag $0x1  }
0x1: {  	v0 =	vimm.s32 $0x1380  }
0x2: {  	vm14 =	vcmask $0x300;
	vm13 =	vcmask $0x704;
	vm12 =	vcmask $0xB08  }
0x3: {  	vm11 =	vcmask $0xF0C;
	vm10 =	vcmask $0x1310;
	vm9 =	vcmask $0x1714  }
0x4: {  	vm8 =	vcmask $0x1B18;
	vm7 =	vcmask $0x1F1C;
	vm6 =	vcmask $0x2320  }
0x5: {  	vm5 =	vcmask $0x2724;
	vm4 =	vcmask $0x2B28;
	vm2 =	vcmask $0x2F2C  }
0x6: {  	vm3 =	vcmask $0x3330;
	vm1 =	vcmask $0x3734;
	v0 =	vsel vm14, $0x0, v0  }
0x7: {  	vm0 =	vcmask $0x3B38;
	v4 =	vimm.s32 $0x3380;
	v0 =	vsel vm13, $0x80, v0  }
0x8: {  	v5 =	vimm.s32 $0x5380;
	v6 =	vimm.s32 $0x7380;
	v0 =	vsel vm12, $0x100, v0  }
0x9: {  	s0 =	srdreg.scid;
	s10 =	stileid.u32;
	v4 =	vsel vm14, $0x2000, v4;
	v5 =	vsel vm14, $0x4000, v5;
	v0 =	vsel vm11, $0x180, v0  }
0xa: {  	s4 =	rddreg [dreg:$0x0];
	s2 =	sand.u32 $0x1, s0;
	s16 =	sshll.u32 s10, $0x1;
	v6 =	vsel vm14, $0x6000, v6;
	v4 =	vsel vm13, $0x2080, v4;
	v0 =	vsel vm10, $0x200, v0  }
0xb: {  	s5 =	rddreg [dreg:$0x4];
	s0 =	sor.u32 s2, s16;
	v5 =	vsel vm13, $0x4080, v5;
	v6 =	vsel vm13, $0x6080, v6;
	v0 =	vsel vm9, $0x280, v0  }
0xc: {  	s11 =	rddreg [dreg:$0x5];
	s7 =	simm.s32 $0x0;
	s1 =	smul.u32 $0x7A00, s0;
	v4 =	vsel vm12, $0x2100, v4;
	v5 =	vsel vm12, $0x4100, v5;
	v0 =	vsel vm8, $0x300, v0  }
0xd: {  	s28 =	simm.s32 $0x5;
	s30 =	simm.s32 $0x1;
	s31 =	simm.s32 $0x2;
	v6 =	vsel vm12, $0x6100, v6;
	v4 =	vsel vm11, $0x2180, v4;
	v0 =	vsel vm7, $0x380, v0  }
0xe: {  	[smem:$0x7FF] =	sst s7;
	p0 =	seq.s32 s0, $0x1F;
	v5 =	vsel vm11, $0x4180, v5;
	v6 =	vsel vm11, $0x6180, v6;
	s3 =	sadd.s32 $0x7A00, s1;
	v0 =	vsel vm6, $0x1000, v0  }
0xf: {  	s9 =	sadd.s32 $0x400, s5;
	s19 =	sshll.u32 s10, $0x7;
	v4 =	vsel vm10, $0x2200, v4;
	v5 =	vsel vm10, $0x4200, v5;
	s3 =	simm.s32 @p0 $0xF4241;
	v1 =	vsel vm5, $0x1080, v0  }
0x10: {  	s20 =	sshll.u32 s10, $0xA;
	s4 =	sadd.s32 s4, s19;
	v6 =	vsel vm10, $0x6200, v6;
	v2 =	vsel vm4, $0x1100, v1;
	v1 =	vmov s3;
	s3 =	rddreg [dreg:$0x2]  }
0x11: {  	s21 =	sadd.s32 $0x800, s11;
	v4 =	vsel vm9, $0x2280, v4;
	v5 =	vsel vm9, $0x4280, v5;
	v6 =	vsel vm9, $0x6280, v6;
	_ =	strace $0x80000047;
	[dreg:$0x9] =	wrdreg s4  }
0x12: {  	s22 =	sadd.s32 $0x1000, s11;
	s23 =	sadd.s32 $0x1800, s11;
	v4 =	vsel vm8, $0x2300, v4;
	v5 =	vsel vm8, $0x4300, v5;
	v6 =	vsel vm8, $0x6300, v6;
	[dreg:$0xb] =	wrdreg s21  }
0x13: {  	s24 =	sadd.s32 $0x2000, s11;
	s25 =	sadd.s32 $0x2800, s11;
	v4 =	vsel vm7, $0x2380, v4;
	v5 =	vsel vm7, $0x4380, v5;
	v6 =	vsel vm7, $0x6380, v6;
	[dreg:$0xc] =	wrdreg s22  }
0x14: {  	s26 =	sadd.s32 $0x3000, s11;
	s2 =	ssub.s32 $0x2, s2;
	v4 =	vsel vm6, $0x3000, v4;
	v5 =	vsel vm6, $0x5000, v5;
	v6 =	vsel vm6, $0x7000, v6;
	[dreg:$0xd] =	wrdreg s23  }
0x15: {  	s8 =	smul.u32 $0x3D000, s0;
	s6 =	sshrl.u32 s2, $0x1;
	v0 =	vmov s1;
	v4 =	vsel vm5, $0x3080, v4;
	v5 =	vsel vm5, $0x5080, v5;
	[dreg:$0xe] =	wrdreg s24  }
0x16: {  	s29 =	sadd.s32 $0x3800, s11;
	s2 =	ssub.s32 s2, s6;
	v6 =	vsel vm5, $0x7080, v6;
	[dreg:$0xf] =	wrdreg s25;
	v4 =	vsel vm4, $0x3100, v4;
	v5 =	vsel vm4, $0x5100, v5  }
0x17: {  	s17 =	sshrl.u32 s8, $0x3;
	s4 =	sadd.s32 s20, s11;
	[dreg:$0x10] =	wrdreg s26;
	v6 =	vsel vm4, $0x7100, v6;
	v3 =	vsel vm2, $0x1180, v2;
	v2 =	vlaneseq.u32  }
0x18: {  	[dreg:$0x11] =	wrdreg s29;
	s21 =	simm.s32 $0x3E;
	s22 =	smax.u32 s2, $0x1;
	v4 =	vsel vm2, $0x3180, v4;
	v5 =	vsel vm2, $0x5180, v5;
	v6 =	vsel vm2, $0x7180, v6  }
.Ltmp0:
0x19: {  	s25 =	simm.s32 $0x9000;
	s26 =	simm.s32 $0x11000;
	v3 =	vsel vm3, $0x1200, v3;
	v4 =	vsel vm3, $0x3200, v4;
	v5 =	vsel vm3, $0x5200, v5;
	(pc) =	sbr.rel .LBB2_1-.Ltmp0, $4  }
0x1a: {  	s2 =	simm.s32 $0x19000;
	s18 =	sadd.s32 s3, s1;
	s5 =	sadd.s32 s3, s17;
	v8 =	vsel vm3, $0x7200, v6;
	v9 =	vor.u32 $0x30, v2;
	v3 =	vsel vm1, $0x1280, v3  }
0x1b: {  	[dreg:$0xa] =	wrdreg s4;
	s21 =	simm.s32 @!p0 $0x3D;
	p0 =	sne.s32 s0, $0x1F;
	v4 =	vsel vm1, $0x3280, v4;
	v7 =	vsel vm1, $0x5280, v5;
	v5 =	vor.u32 $0x10, v2  }
0x1c: {  	s0 =	simm.s32 $0x1B400;
	[dreg:$0x7] =	wrdreg s18;
	s5 =	sadd.s32 $0x200, s5;
	v8 =	vsel vm1, $0x7280, v8;
	v3 =	vsel vm0, $0x1300, v3;
	v4 =	vsel vm0, $0x3300, v4  }
0x1d: {  	s4 =	simm.s32 $0x0;
	[dreg:$0x8] =	wrdreg s5;
	s5 =	simm.s32 $0x4;
	v6 =	vsel vm0, $0x5300, v7;
	v7 =	vor.u32 $0x20, v2;
	v8 =	vsel vm0, $0x7300, v8  }
.LBB2_73:
0x1e: {  	[sflag:s5] =	ssyncadd.s32 $0xFFFFFF80  }
.LBB2_74:
0x1f: {  	s4 =	sadd.s32 $0x1, s4  }
0x20: {  	p1 =	sne.s32 s4, s22  }
.Ltmp1:
0x21: {  	_ = 	snop;
	(pc) =	sbr.rel @!p1 .LBB2_75-.Ltmp1, $1  }
0x22: {  	_ =	sdelay $0x3  }
.LBB2_1:
0x23: {  	s6 =	rddreg [dreg:$0x7];
	s10 =	simm.s32 $0x7A1400;
	s11 =	simm.s32 $0x1000  }
0x24: {  	[tilespmem:s25], [sflag:$0x2] =	stream.strided.gather [hbm4b:s6+s11], $0x8000, s10, s11, $0x38;
	[tilespmem:$0x1C800] =	vst v63  }
0x25: {  	s17 =	rddreg [dreg:$0x8]  }
0x26: {  	[tilespmem:s26], [sflag:$0x3] =	stream.strided.gather [hbm4b:s17+s11], $0x8000, s10, s11, $0x38;
	[tilespmem:$0x1C800] =	vst v63  }
0x27: {  	s18 =	rddreg [dreg:$0x9]  }
0x28: {  	[tilespmem:s7], [sflag:$0x5] =	stream.linear.gather [hbm4b:s18+s7], $0x400, $0x38;
	[tilespmem:$0x1C800] =	vst v63  }
0x29: {  	_ =	swait.ge [sflag:s28], $0x400  }
0x2a: {  	[sflag:s28] =	ssyncset.done $0x0  }
0x2b: {  	[sflag:s28] =	ssyncadd.s32 $0xFFFFFC00  }
0x2c: {  	s20 =	simm.s32 $0x400;
	s19 =	rddreg [dreg:$0x1]  }
0x2d: {  	[tilespmem:s20], [sflag:$0x1] =	stream.indirect.gather [hbm4b:s19+s20], $0x1, s7, s20, $0xb8;
	[tilespmem:$0x1C800] =	vst v63  }
0x2e: {  	_ =	swait.ge [sflag:s30], $0x400  }
0x2f: {  	[sflag:s30] =	ssyncset.done $0x0  }
0x30: {  	s23 =	rddreg [dreg:$0xa];
	[sflag:s30] =	ssyncadd.s32 $0xFFFFFC00  }
0x31: {  	[spmem:s23] =	stream.linear.scatter [tilespmem:s20], [sflag:$0x5], $0x400, $0x38;
	[tilespmem:$0x1C800] =	vst v63  }
0x32: {  	_ =	swait.ge [sflag:s28], $0x400  }
0x33: {  	[sflag:s28] =	ssyncset.done $0x0  }
0x34: {  	[sflag:s28] =	ssyncadd.s32 $0xFFFFFC00  }
0x35: {  	[bflag:$0x0] =	sbarrier.arrive $0xFFFF  }
0x36: {  	s24 =	simm.s32 $0x800;
	s29 =	rddreg [dreg:$0x5]  }
0x37: {  	[tilespmem:s24], [sflag:$0x5] =	stream.linear.gather [spmem:s29], $0x800, $0x38;
	[tilespmem:$0x1C800] =	vst v63  }
0x38: {  	_ =	swait.ge [sflag:s28], $0x800  }
0x39: {  	[sflag:s28] =	ssyncset.done $0x0  }
0x3a: {  	[sflag:s28] =	ssyncadd.s32 $0xFFFFF800  }
0x3b: {  	v10 =	vld [tilespmem:s24+$0x0];
	_ =	sdelay $0x4  }
0x3c: {  	vm0 =	vge.s32 v10, v0;
	vm1 =	vlt.s32 v10, v1  }
0x3d: {  	vm0 =	vmand vm0, vm1  }
0x3e: {  	v11 =	vmpcnt.ones.xlane vm0;
	_ =	sdelay $0x1  }
0x3f: {  	(v2sf) =	vpush v11, $0x0;
	_ =	sdelay $0x4  }
0x40: {  	[tilespmem:s7+$0x1000] =	vst.msk vm0, v10;
	v10 =	vor.u32 s7, v2  }
0x41: {  	s11 =	simm.s32 $0x810;
	[tilespmem:s7+$0x5000] =	vst.msk vm0, v10  }
0x42: {  	s12 =	simm.s32 $0x20;
	s6 =	simm.s32 $0x10;
	s10 =	simm.s32 $0x0;
	v10 =	vld [tilespmem:s11+$0x0]  }
.LBB2_2:
0x43: {  	p1 =	sne.s32 s12, $0x7F0;
	_ =	sdelay $0x3  }
0x44: {  	vm0 =	vge.s32 v10, v0;
	vm1 =	vlt.s32 v10, v1  }
0x45: {  	vm0 =	vmand vm0, vm1  }
0x46: {  	v11 =	vmpcnt.ones.xlane vm0  }
0x47: {  	s13 =	spop (v2sf)  }
0x48: {  	(v2sf) =	vpush v11, $0x0;
	s10 =	sadd.s32 s10, s13  }
0x49: {  	[tilespmem:s10+$0x1000] =	vst.msk vm0, v10;
	v10 =	vor.u32 s6, v2;
	s6 =	smov.u32 s12  }
0x4a: {  	[tilespmem:s10+$0x5000] =	vst.msk vm0, v10  }
.Ltmp2:
0x4b: {  	(pc) =	sbr.rel @p1 .LBB2_2-.Ltmp2, $3  }
0x4c: {  	_ =	sdelay $0x1  }
0x4d: {  	s11 =	sadd.s32 $0x10, s11  }
0x4e: {  	s12 =	sadd.s32 $0x10, s12;
	v10 =	vld [tilespmem:s11+$0x0]  }
0x4f: {  	_ =	sdelay $0x3  }
0x50: {  	vm0 =	vge.s32 v10, v0;
	vm1 =	vlt.s32 v10, v1  }
0x51: {  	vm0 =	vmand vm0, vm1  }
0x52: {  	v11 =	vmpcnt.ones.xlane vm0;
	_ =	sdelay $0x1  }
0x53: {  	(v2sf) =	vpush v11, $0x0;
	_ =	sdelay $0x9  }
0x54: {  	s11 =	spop (v2sf)  }
0x55: {  	s10 =	sadd.s32 s10, s11  }
0x56: {  	[tilespmem:s10+$0x1000] =	vst.msk vm0, v10;
	v10 =	vor.u32 s6, v2  }
0x57: {  	s29 =	simm.s32 $0x800;
	s12 =	rddreg [dreg:$0xb];
	[tilespmem:s10+$0x5000] =	vst.msk vm0, v10  }
0x58: {  	[tilespmem:s29], [sflag:$0x5] =	stream.linear.gather [spmem:s12], $0x800, $0x38;
	[tilespmem:$0x1C800] =	vst v63  }
0x59: {  	s24 =	spop (v2sf)  }
0x5a: {  	_ =	swait.ge [sflag:s28], $0x800  }
0x5b: {  	[sflag:s28] =	ssyncset.done $0x0  }
0x5c: {  	[sflag:s28] =	ssyncadd.s32 $0xFFFFF800  }
0x5d: {  	v10 =	vld [tilespmem:s29+$0x0];
	_ =	sdelay $0x4  }
0x5e: {  	vm14 =	vge.s32 v10, v0;
	vm15 =	vlt.s32 v10, v1  }
0x5f: {  	vm0 =	vmand vm14, vm15  }
0x60: {  	v11 =	vmpcnt.ones.xlane vm0;
	_ =	sdelay $0x1  }
0x61: {  	(v2sf) =	vpush v11, $0x0;
	_ =	sdelay $0x3  }
0x62: {  	s6 =	sadd.s32 s10, s24  }
0x63: {  	[tilespmem:s6+$0x1000] =	vst.msk vm0, v10;
	v10 =	vor.u32 s29, v2  }
0x64: {  	s10 =	simm.s32 $0x810;
	[tilespmem:s6+$0x5000] =	vst.msk vm0, v10  }
0x65: {  	s11 =	simm.s32 $0x820;
	s12 =	simm.s32 $0x810;
	v10 =	vld [tilespmem:s10+$0x0]  }
.LBB2_4:
0x66: {  	p1 =	sne.s32 s11, $0xFF0;
	_ =	sdelay $0x3  }
0x67: {  	vm0 =	vge.s32 v10, v0;
	vm1 =	vlt.s32 v10, v1  }
0x68: {  	vm0 =	vmand vm0, vm1  }
0x69: {  	v11 =	vmpcnt.ones.xlane vm0  }
0x6a: {  	s13 =	spop (v2sf)  }
0x6b: {  	(v2sf) =	vpush v11, $0x0;
	s6 =	sadd.s32 s6, s13  }
0x6c: {  	[tilespmem:s6+$0x1000] =	vst.msk vm0, v10;
	v10 =	vor.u32 s10, v2;
	s10 =	smov.u32 s11  }
0x6d: {  	[tilespmem:s6+$0x5000] =	vst.msk vm0, v10  }
.Ltmp3:
0x6e: {  	(pc) =	sbr.rel @p1 .LBB2_4-.Ltmp3, $3  }
0x6f: {  	_ =	sdelay $0x1  }
0x70: {  	s12 =	sadd.s32 $0x10, s12  }
0x71: {  	s11 =	sadd.s32 $0x10, s11;
	v10 =	vld [tilespmem:s12+$0x0]  }
0x72: {  	_ =	sdelay $0x3  }
0x73: {  	vm0 =	vge.s32 v10, v0;
	vm1 =	vlt.s32 v10, v1  }
0x74: {  	vm0 =	vmand vm0, vm1  }
0x75: {  	v11 =	vmpcnt.ones.xlane vm0;
	_ =	sdelay $0x1  }
0x76: {  	(v2sf) =	vpush v11, $0x0;
	_ =	sdelay $0x9  }
0x77: {  	s11 =	spop (v2sf)  }
0x78: {  	s6 =	sadd.s32 s6, s11  }
0x79: {  	[tilespmem:s6+$0x1000] =	vst.msk vm0, v10;
	v10 =	vor.u32 s10, v2  }
0x7a: {  	s24 =	simm.s32 $0x800;
	s12 =	rddreg [dreg:$0xc];
	[tilespmem:s6+$0x5000] =	vst.msk vm0, v10  }
0x7b: {  	[tilespmem:s24], [sflag:$0x5] =	stream.linear.gather [spmem:s12], $0x800, $0x38;
	[tilespmem:$0x1C800] =	vst v63  }
0x7c: {  	s23 =	spop (v2sf)  }
0x7d: {  	_ =	swait.ge [sflag:s28], $0x800  }
0x7e: {  	[sflag:s28] =	ssyncset.done $0x0  }
0x7f: {  	[sflag:s28] =	ssyncadd.s32 $0xFFFFF800  }
0x80: {  	v10 =	vld [tilespmem:s24+$0x0];
	_ =	sdelay $0x4  }
0x81: {  	vm14 =	vge.s32 v10, v0;
	vm15 =	vlt.s32 v10, v1  }
0x82: {  	vm0 =	vmand vm14, vm15  }
0x83: {  	v11 =	vmpcnt.ones.xlane vm0;
	_ =	sdelay $0x1  }
0x84: {  	(v2sf) =	vpush v11, $0x0;
	_ =	sdelay $0x3  }
0x85: {  	s29 =	simm.s32 $0x1000;
	s6 =	sadd.s32 s6, s23  }
0x86: {  	[tilespmem:s6+$0x1000] =	vst.msk vm0, v10;
	v10 =	vor.u32 s29, v2  }
0x87: {  	s11 =	simm.s32 $0x810;
	[tilespmem:s6+$0x5000] =	vst.msk vm0, v10  }
0x88: {  	s10 =	simm.s32 $0x1010;
	s12 =	simm.s32 $0x1020;
	v10 =	vld [tilespmem:s11+$0x0]  }
.LBB2_6:
0x89: {  	p1 =	sne.s32 s12, $0x17F0;
	_ =	sdelay $0x3  }
0x8a: {  	vm0 =	vge.s32 v10, v0;
	vm1 =	vlt.s32 v10, v1  }
0x8b: {  	vm0 =	vmand vm0, vm1  }
0x8c: {  	v11 =	vmpcnt.ones.xlane vm0  }
0x8d: {  	s13 =	spop (v2sf)  }
0x8e: {  	(v2sf) =	vpush v11, $0x0;
	s6 =	sadd.s32 s6, s13  }
0x8f: {  	[tilespmem:s6+$0x1000] =	vst.msk vm0, v10;
	v10 =	vor.u32 s10, v2;
	s10 =	smov.u32 s12  }
0x90: {  	[tilespmem:s6+$0x5000] =	vst.msk vm0, v10  }
.Ltmp4:
0x91: {  	(pc) =	sbr.rel @p1 .LBB2_6-.Ltmp4, $3  }
0x92: {  	_ =	sdelay $0x1  }
0x93: {  	s11 =	sadd.s32 $0x10, s11  }
0x94: {  	s12 =	sadd.s32 $0x10, s12;
	v10 =	vld [tilespmem:s11+$0x0]  }
0x95: {  	_ =	sdelay $0x3  }
0x96: {  	vm0 =	vge.s32 v10, v0;
	vm1 =	vlt.s32 v10, v1  }
0x97: {  	vm0 =	vmand vm0, vm1  }
0x98: {  	v11 =	vmpcnt.ones.xlane vm0;
	_ =	sdelay $0x1  }
0x99: {  	(v2sf) =	vpush v11, $0x0;
	_ =	sdelay $0x9  }
0x9a: {  	s11 =	spop (v2sf)  }
0x9b: {  	s6 =	sadd.s32 s6, s11  }
0x9c: {  	[tilespmem:s6+$0x1000] =	vst.msk vm0, v10;
	v10 =	vor.u32 s10, v2  }
0x9d: {  	s24 =	simm.s32 $0x800;
	s12 =	rddreg [dreg:$0xd];
	[tilespmem:s6+$0x5000] =	vst.msk vm0, v10  }
0x9e: {  	[tilespmem:s24], [sflag:$0x5] =	stream.linear.gather [spmem:s12], $0x800, $0x38;
	[tilespmem:$0x1C800] =	vst v63  }
0x9f: {  	s23 =	spop (v2sf)  }
0xa0: {  	_ =	swait.ge [sflag:s28], $0x800  }
0xa1: {  	[sflag:s28] =	ssyncset.done $0x0  }
0xa2: {  	[sflag:s28] =	ssyncadd.s32 $0xFFFFF800  }
0xa3: {  	v10 =	vld [tilespmem:s24+$0x0];
	_ =	sdelay $0x4  }
0xa4: {  	vm14 =	vge.s32 v10, v0;
	vm15 =	vlt.s32 v10, v1  }
0xa5: {  	vm0 =	vmand vm14, vm15  }
0xa6: {  	v11 =	vmpcnt.ones.xlane vm0;
	_ =	sdelay $0x1  }
0xa7: {  	(v2sf) =	vpush v11, $0x0;
	_ =	sdelay $0x3  }
0xa8: {  	s29 =	simm.s32 $0x1800;
	s6 =	sadd.s32 s6, s23  }
0xa9: {  	[tilespmem:s6+$0x1000] =	vst.msk vm0, v10;
	v10 =	vor.u32 s29, v2  }
0xaa: {  	s11 =	simm.s32 $0x810;
	[tilespmem:s6+$0x5000] =	vst.msk vm0, v10  }
0xab: {  	s10 =	simm.s32 $0x1810;
	s12 =	simm.s32 $0x1820;
	v10 =	vld [tilespmem:s11+$0x0]  }
.LBB2_8:
0xac: {  	p1 =	sne.s32 s12, $0x1FF0;
	_ =	sdelay $0x3  }
0xad: {  	vm0 =	vge.s32 v10, v0;
	vm1 =	vlt.s32 v10, v1  }
0xae: {  	vm0 =	vmand vm0, vm1  }
0xaf: {  	v11 =	vmpcnt.ones.xlane vm0  }
0xb0: {  	s13 =	spop (v2sf)  }
0xb1: {  	(v2sf) =	vpush v11, $0x0;
	s6 =	sadd.s32 s6, s13  }
0xb2: {  	[tilespmem:s6+$0x1000] =	vst.msk vm0, v10;
	v10 =	vor.u32 s10, v2;
	s10 =	smov.u32 s12  }
0xb3: {  	[tilespmem:s6+$0x5000] =	vst.msk vm0, v10  }
.Ltmp5:
0xb4: {  	(pc) =	sbr.rel @p1 .LBB2_8-.Ltmp5, $3  }
0xb5: {  	_ =	sdelay $0x1  }
0xb6: {  	s11 =	sadd.s32 $0x10, s11  }
0xb7: {  	s12 =	sadd.s32 $0x10, s12;
	v10 =	vld [tilespmem:s11+$0x0]  }
0xb8: {  	_ =	sdelay $0x3  }
0xb9: {  	vm0 =	vge.s32 v10, v0;
	vm1 =	vlt.s32 v10, v1  }
0xba: {  	vm0 =	vmand vm0, vm1  }
0xbb: {  	v11 =	vmpcnt.ones.xlane vm0;
	_ =	sdelay $0x1  }
0xbc: {  	(v2sf) =	vpush v11, $0x0;
	_ =	sdelay $0x9  }
0xbd: {  	s11 =	spop (v2sf)  }
0xbe: {  	s6 =	sadd.s32 s6, s11  }
0xbf: {  	[tilespmem:s6+$0x1000] =	vst.msk vm0, v10;
	v10 =	vor.u32 s10, v2  }
0xc0: {  	s24 =	simm.s32 $0x800;
	s12 =	rddreg [dreg:$0xe];
	[tilespmem:s6+$0x5000] =	vst.msk vm0, v10  }
0xc1: {  	[tilespmem:s24], [sflag:$0x5] =	stream.linear.gather [spmem:s12], $0x800, $0x38;
	[tilespmem:$0x1C800] =	vst v63  }
0xc2: {  	s23 =	spop (v2sf)  }
0xc3: {  	_ =	swait.ge [sflag:s28], $0x800  }
0xc4: {  	[sflag:s28] =	ssyncset.done $0x0  }
0xc5: {  	[sflag:s28] =	ssyncadd.s32 $0xFFFFF800  }
0xc6: {  	v10 =	vld [tilespmem:s24+$0x0];
	_ =	sdelay $0x4  }
0xc7: {  	vm14 =	vge.s32 v10, v0;
	vm15 =	vlt.s32 v10, v1  }
0xc8: {  	vm0 =	vmand vm14, vm15  }
0xc9: {  	v11 =	vmpcnt.ones.xlane vm0;
	_ =	sdelay $0x1  }
0xca: {  	(v2sf) =	vpush v11, $0x0;
	_ =	sdelay $0x3  }
0xcb: {  	s29 =	simm.s32 $0x2000;
	s6 =	sadd.s32 s6, s23  }
0xcc: {  	[tilespmem:s6+$0x1000] =	vst.msk vm0, v10;
	v10 =	vor.u32 s29, v2  }
0xcd: {  	s11 =	simm.s32 $0x810;
	[tilespmem:s6+$0x5000] =	vst.msk vm0, v10  }
0xce: {  	s10 =	simm.s32 $0x2010;
	s12 =	simm.s32 $0x2020;
	v10 =	vld [tilespmem:s11+$0x0]  }
.LBB2_10:
0xcf: {  	p1 =	sne.s32 s12, $0x27F0;
	_ =	sdelay $0x3  }
0xd0: {  	vm0 =	vge.s32 v10, v0;
	vm1 =	vlt.s32 v10, v1  }
0xd1: {  	vm0 =	vmand vm0, vm1  }
0xd2: {  	v11 =	vmpcnt.ones.xlane vm0  }
0xd3: {  	s13 =	spop (v2sf)  }
0xd4: {  	(v2sf) =	vpush v11, $0x0;
	s6 =	sadd.s32 s6, s13  }
0xd5: {  	[tilespmem:s6+$0x1000] =	vst.msk vm0, v10;
	v10 =	vor.u32 s10, v2;
	s10 =	smov.u32 s12  }
0xd6: {  	[tilespmem:s6+$0x5000] =	vst.msk vm0, v10  }
.Ltmp6:
0xd7: {  	(pc) =	sbr.rel @p1 .LBB2_10-.Ltmp6, $3  }
0xd8: {  	_ =	sdelay $0x1  }
0xd9: {  	s11 =	sadd.s32 $0x10, s11  }
0xda: {  	s12 =	sadd.s32 $0x10, s12;
	v10 =	vld [tilespmem:s11+$0x0]  }
0xdb: {  	_ =	sdelay $0x3  }
0xdc: {  	vm0 =	vge.s32 v10, v0;
	vm1 =	vlt.s32 v10, v1  }
0xdd: {  	vm0 =	vmand vm0, vm1  }
0xde: {  	v11 =	vmpcnt.ones.xlane vm0;
	_ =	sdelay $0x1  }
0xdf: {  	(v2sf) =	vpush v11, $0x0;
	_ =	sdelay $0x9  }
0xe0: {  	s11 =	spop (v2sf)  }
0xe1: {  	s6 =	sadd.s32 s6, s11  }
0xe2: {  	[tilespmem:s6+$0x1000] =	vst.msk vm0, v10;
	v10 =	vor.u32 s10, v2  }
0xe3: {  	s24 =	simm.s32 $0x800;
	s12 =	rddreg [dreg:$0xf];
	[tilespmem:s6+$0x5000] =	vst.msk vm0, v10  }
0xe4: {  	[tilespmem:s24], [sflag:$0x5] =	stream.linear.gather [spmem:s12], $0x800, $0x38;
	[tilespmem:$0x1C800] =	vst v63  }
0xe5: {  	s23 =	spop (v2sf)  }
0xe6: {  	_ =	swait.ge [sflag:s28], $0x800  }
0xe7: {  	[sflag:s28] =	ssyncset.done $0x0  }
0xe8: {  	[sflag:s28] =	ssyncadd.s32 $0xFFFFF800  }
0xe9: {  	v10 =	vld [tilespmem:s24+$0x0];
	_ =	sdelay $0x4  }
0xea: {  	vm14 =	vge.s32 v10, v0;
	vm15 =	vlt.s32 v10, v1  }
0xeb: {  	vm0 =	vmand vm14, vm15  }
0xec: {  	v11 =	vmpcnt.ones.xlane vm0;
	_ =	sdelay $0x1  }
0xed: {  	(v2sf) =	vpush v11, $0x0;
	_ =	sdelay $0x3  }
0xee: {  	s29 =	simm.s32 $0x2800;
	s6 =	sadd.s32 s6, s23  }
0xef: {  	[tilespmem:s6+$0x1000] =	vst.msk vm0, v10;
	v10 =	vor.u32 s29, v2  }
0xf0: {  	s11 =	simm.s32 $0x810;
	[tilespmem:s6+$0x5000] =	vst.msk vm0, v10  }
0xf1: {  	s10 =	simm.s32 $0x2810;
	s12 =	simm.s32 $0x2820;
	v10 =	vld [tilespmem:s11+$0x0]  }
.LBB2_12:
0xf2: {  	p1 =	sne.s32 s12, $0x2FF0;
	_ =	sdelay $0x3  }
0xf3: {  	vm0 =	vge.s32 v10, v0;
	vm1 =	vlt.s32 v10, v1  }
0xf4: {  	vm0 =	vmand vm0, vm1  }
0xf5: {  	v11 =	vmpcnt.ones.xlane vm0  }
0xf6: {  	s13 =	spop (v2sf)  }
0xf7: {  	(v2sf) =	vpush v11, $0x0;
	s6 =	sadd.s32 s6, s13  }
0xf8: {  	[tilespmem:s6+$0x1000] =	vst.msk vm0, v10;
	v10 =	vor.u32 s10, v2;
	s10 =	smov.u32 s12  }
0xf9: {  	[tilespmem:s6+$0x5000] =	vst.msk vm0, v10  }
.Ltmp7:
0xfa: {  	(pc) =	sbr.rel @p1 .LBB2_12-.Ltmp7, $3  }
0xfb: {  	_ =	sdelay $0x1  }
0xfc: {  	s11 =	sadd.s32 $0x10, s11  }
0xfd: {  	s12 =	sadd.s32 $0x10, s12;
	v10 =	vld [tilespmem:s11+$0x0]  }
0xfe: {  	_ =	sdelay $0x3  }
0xff: {  	vm0 =	vge.s32 v10, v0;
	vm1 =	vlt.s32 v10, v1  }
0x100: {  	vm0 =	vmand vm0, vm1  }
0x101: {  	v11 =	vmpcnt.ones.xlane vm0;
	_ =	sdelay $0x1  }
0x102: {  	(v2sf) =	vpush v11, $0x0;
	_ =	sdelay $0x9  }
0x103: {  	s11 =	spop (v2sf)  }
0x104: {  	s6 =	sadd.s32 s6, s11  }
0x105: {  	[tilespmem:s6+$0x1000] =	vst.msk vm0, v10;
	v10 =	vor.u32 s10, v2  }
0x106: {  	s24 =	simm.s32 $0x800;
	s12 =	rddreg [dreg:$0x10];
	[tilespmem:s6+$0x5000] =	vst.msk vm0, v10  }
0x107: {  	[tilespmem:s24], [sflag:$0x5] =	stream.linear.gather [spmem:s12], $0x800, $0x38;
	[tilespmem:$0x1C800] =	vst v63  }
0x108: {  	s23 =	spop (v2sf)  }
0x109: {  	_ =	swait.ge [sflag:s28], $0x800  }
0x10a: {  	[sflag:s28] =	ssyncset.done $0x0  }
0x10b: {  	[sflag:s28] =	ssyncadd.s32 $0xFFFFF800  }
0x10c: {  	v10 =	vld [tilespmem:s24+$0x0];
	_ =	sdelay $0x4  }
0x10d: {  	vm14 =	vge.s32 v10, v0;
	vm15 =	vlt.s32 v10, v1  }
0x10e: {  	vm0 =	vmand vm14, vm15  }
0x10f: {  	v11 =	vmpcnt.ones.xlane vm0;
	_ =	sdelay $0x1  }
0x110: {  	(v2sf) =	vpush v11, $0x0;
	_ =	sdelay $0x3  }
0x111: {  	s29 =	simm.s32 $0x3000;
	s6 =	sadd.s32 s6, s23  }
0x112: {  	[tilespmem:s6+$0x1000] =	vst.msk vm0, v10;
	v10 =	vor.u32 s29, v2  }
0x113: {  	s11 =	simm.s32 $0x810;
	[tilespmem:s6+$0x5000] =	vst.msk vm0, v10  }
0x114: {  	s10 =	simm.s32 $0x3010;
	s12 =	simm.s32 $0x3020;
	v10 =	vld [tilespmem:s11+$0x0]  }
.LBB2_14:
0x115: {  	p1 =	sne.s32 s12, $0x37F0;
	_ =	sdelay $0x3  }
0x116: {  	vm0 =	vge.s32 v10, v0;
	vm1 =	vlt.s32 v10, v1  }
0x117: {  	vm0 =	vmand vm0, vm1  }
0x118: {  	v11 =	vmpcnt.ones.xlane vm0  }
0x119: {  	s13 =	spop (v2sf)  }
0x11a: {  	(v2sf) =	vpush v11, $0x0;
	s6 =	sadd.s32 s6, s13  }
0x11b: {  	[tilespmem:s6+$0x1000] =	vst.msk vm0, v10;
	v10 =	vor.u32 s10, v2;
	s10 =	smov.u32 s12  }
0x11c: {  	[tilespmem:s6+$0x5000] =	vst.msk vm0, v10  }
.Ltmp8:
0x11d: {  	(pc) =	sbr.rel @p1 .LBB2_14-.Ltmp8, $3  }
0x11e: {  	_ =	sdelay $0x1  }
0x11f: {  	s11 =	sadd.s32 $0x10, s11  }
0x120: {  	s12 =	sadd.s32 $0x10, s12;
	v10 =	vld [tilespmem:s11+$0x0]  }
0x121: {  	_ =	sdelay $0x3  }
0x122: {  	vm0 =	vge.s32 v10, v0;
	vm1 =	vlt.s32 v10, v1  }
0x123: {  	vm0 =	vmand vm0, vm1  }
0x124: {  	v11 =	vmpcnt.ones.xlane vm0;
	_ =	sdelay $0x1  }
0x125: {  	(v2sf) =	vpush v11, $0x0;
	_ =	sdelay $0x9  }
0x126: {  	s11 =	spop (v2sf)  }
0x127: {  	s6 =	sadd.s32 s6, s11  }
0x128: {  	[tilespmem:s6+$0x1000] =	vst.msk vm0, v10;
	v10 =	vor.u32 s10, v2  }
0x129: {  	s24 =	simm.s32 $0x800;
	s12 =	rddreg [dreg:$0x11];
	[tilespmem:s6+$0x5000] =	vst.msk vm0, v10  }
0x12a: {  	[tilespmem:s24], [sflag:$0x5] =	stream.linear.gather [spmem:s12], $0x800, $0x38;
	[tilespmem:$0x1C800] =	vst v63  }
0x12b: {  	s23 =	spop (v2sf)  }
0x12c: {  	_ =	swait.ge [sflag:s28], $0x800  }
0x12d: {  	[sflag:s28] =	ssyncset.done $0x0  }
0x12e: {  	[sflag:s28] =	ssyncadd.s32 $0xFFFFF800  }
0x12f: {  	v10 =	vld [tilespmem:s24+$0x0];
	_ =	sdelay $0x4  }
0x130: {  	vm14 =	vge.s32 v10, v0;
	vm15 =	vlt.s32 v10, v1  }
0x131: {  	vm0 =	vmand vm14, vm15  }
0x132: {  	v11 =	vmpcnt.ones.xlane vm0;
	_ =	sdelay $0x1  }
0x133: {  	(v2sf) =	vpush v11, $0x0;
	_ =	sdelay $0x3  }
0x134: {  	s29 =	simm.s32 $0x3800;
	s10 =	sadd.s32 s6, s23  }
0x135: {  	[tilespmem:s10+$0x1000] =	vst.msk vm0, v10;
	v10 =	vor.u32 s29, v2  }
0x136: {  	s11 =	simm.s32 $0x810;
	[tilespmem:s10+$0x5000] =	vst.msk vm0, v10  }
0x137: {  	s12 =	simm.s32 $0x3820;
	s6 =	simm.s32 $0x3810;
	v10 =	vld [tilespmem:s11+$0x0]  }
.LBB2_16:
0x138: {  	p1 =	sne.s32 s12, $0x3FF0;
	_ =	sdelay $0x3  }
0x139: {  	vm0 =	vge.s32 v10, v0;
	vm1 =	vlt.s32 v10, v1  }
0x13a: {  	vm0 =	vmand vm0, vm1  }
0x13b: {  	v11 =	vmpcnt.ones.xlane vm0  }
0x13c: {  	s13 =	spop (v2sf)  }
0x13d: {  	(v2sf) =	vpush v11, $0x0;
	s10 =	sadd.s32 s10, s13  }
0x13e: {  	[tilespmem:s10+$0x1000] =	vst.msk vm0, v10;
	v10 =	vor.u32 s6, v2;
	s6 =	smov.u32 s12  }
0x13f: {  	[tilespmem:s10+$0x5000] =	vst.msk vm0, v10  }
.Ltmp9:
0x140: {  	(pc) =	sbr.rel @p1 .LBB2_16-.Ltmp9, $3  }
0x141: {  	_ =	sdelay $0x1  }
0x142: {  	s11 =	sadd.s32 $0x10, s11  }
0x143: {  	s12 =	sadd.s32 $0x10, s12;
	v10 =	vld [tilespmem:s11+$0x0]  }
0x144: {  	_ =	sdelay $0x3  }
0x145: {  	vm0 =	vge.s32 v10, v0;
	vm1 =	vlt.s32 v10, v1  }
0x146: {  	vm0 =	vmand vm0, vm1  }
0x147: {  	v11 =	vmpcnt.ones.xlane vm0;
	_ =	sdelay $0x1  }
0x148: {  	(v2sf) =	vpush v11, $0x0;
	_ =	sdelay $0xd  }
0x149: {  	s11 =	spop (v2sf)  }
0x14a: {  	s11 =	sadd.s32 s10, s11;
	s24 =	spop (v2sf)  }
0x14b: {  	s12 =	sadd.s32 s11, s24  }
0x14c: {  	s10 =	sadd.s32 $0xF, s12  }
0x14d: {  	s13 =	sand.u32 $0xF, s10  }
0x14e: {  	s29 =	sshra.s32 s10, $0x1F;
	p2 =	slt.s32 s10, $0x1;
	p1 =	sne.s32 s13, $0x0  }
.Ltmp10:
0x14f: {  	s13 =	sshrl.u32 s29, $0x1C;
	p1 =	por !p2, !p1;
	(pc) =	sbr.rel .LBB2_18-.Ltmp10, $4  }
0x150: {  	s10 =	sadd.s32 s13, s10;
	s13 =	simm.s32 $0x1;
	p1 =	por !p1, !p1  }
0x151: {  	s10 =	sshra.s32 s10, $0x4;
	s13 =	simm.s32 @!p1 $0x0  }
0x152: {  	s15 =	simm.s32 $0x0;
	v11 =	vor.u32 s6, v2;
	[tilespmem:s11+$0x1000] =	vst.msk vm0, v10;
	s10 =	ssub.s32 s10, s13  }
0x153: {  	s23 =	simm.s32 $0x0;
	s6 =	simm.s32 $0x0;
	[tilespmem:s11+$0x5000] =	vst.msk vm0, v11;
	v10 =	vmov s12;
	p1 =	slt.s32 s10, $0x1  }
.LBB2_52:
0x154: {  	s23 =	sadd.s32 $0x1, s23  }
0x155: {  	p2 =	sne.s32 s23, $0x1F  }
.Ltmp11:
0x156: {  	_ = 	snop;
	(pc) =	sbr.rel @!p2 .LBB2_53-.Ltmp11, $1  }
0x157: {  	_ =	sdelay $0x3  }
.LBB2_18:
0x158: {  	s12 =	sshllo.u32 s23, $0x1;
	p2 =	seq.s32 s23, $0x0  }
0x159: {  	p3 =	sge.u32 @!p2 s12, s21  }
0x15a: {  	p2 =	por p3, p2  }
.Ltmp12:
0x15b: {  	_ =	swait.ge [sflag:s31], $0x8000;
	s11 =	sshll.u32 @!p2 s12, $0xC;
	(pc) =	sbr.rel @p1 .LBB2_35-.Ltmp12, $4  }
0x15c: {  	[sflag:s31] =	ssyncset.done $0x0;
	s11 =	sadd.s32 @!p2 s8, s11  }
0x15d: {  	[sflag:s31] =	ssyncadd.s32 $0xFFFF8000;
	s13 =	simm.s32 @!p2 $0x1000;
	s11 =	sshrl.u32 @!p2 s11, $0x3  }
0x15e: {  	s14 =	simm.s32 @!p2 $0x7A1400;
	s16 =	simm.s32 @!p2 $0x11000;
	s11 =	sadd.s32 @!p2 s3, s11  }
0x15f: {  	[tilespmem:s16], [sflag:$0x3] =	stream.strided.gather @!p2 [hbm4b:s11+s13], $0x8000, s14, s13, $0x38;
	[tilespmem:$0x1C800] =	vst v63  }
.Ltmp13:
0x160: {  	(pc) =	sbr.rel .LBB2_20-.Ltmp13, $4  }
0x161: {  	s11 =	sshll.u32 s23, $0xA  }
0x162: {  	s24 =	sadd.s32 s1, s11  }
0x163: {  	s11 =	sadd.s32 $0x200, s24  }
0x164: {  	s13 =	simm.s32 $0x0;
	v11 =	vmov s24;
	v12 =	vmov s11  }
.LBB2_26:
0x165: {  	s11 =	smov.u32 s15  }
.LBB2_33:
0x166: {  	_ =	sdelay $0x1  }
0x167: {  	[hbm4b:s18+s7] =	stream.linear.scatter @p3 [tilespmem:s20], [sflag:$0x4], $0x80, $0x38;
	v13, _, _ =	vpop (xrf0);
	[tilespmem:$0x1C800] =	vst v63  }
0x168: {  	s16 =	sand.u32 @p2 $0xF80, s19;
	(v2sf) =	vpush v13, $0xF  }
0x169: {  	v14 =	vld.idx.msk @p2 [tilespmem:v16+s25+$0x0], $0xffff;
	v16 =	vor.u32 @p2 s16, v2  }
0x16a: {  	v13 =	vadd.s32 @p2 v4, v15;
	_ =	sdelay $0x3  }
0x16b: {  	[tilespmem:v16+s0+$0x0] =	vst.idx.msk @p2 $0xffff, v14  }
0x16c: {  	v14 =	vor.u32 @p2 s16, v5;
	v13 =	vld.idx.msk @p2 [tilespmem:v13+s25+$0x0], $0xffff  }
0x16d: {  	v16 =	vadd.s32 @p2 v6, v15;
	_ =	sdelay $0x3  }
0x16e: {  	[tilespmem:v14+s0+$0x0] =	vst.idx.msk @p2 $0xffff, v13  }
0x16f: {  	v14 =	vor.u32 @p2 s16, v7;
	v13 =	vld.idx.msk @p2 [tilespmem:v16+s25+$0x0], $0xffff  }
0x170: {  	v15 =	vadd.s32 @p2 v8, v15  }
0x171: {  	s29 =	spop (v2sf)  }
0x172: {  	s18 =	ssub.s32 s29, s24  }
0x173: {  	v61 =	vmov s18  }
0x174: {  	[tilespmem:v14+s0+$0x0] =	vst.idx.msk @p2 $0xffff, v13;
	v13 =	vshll.u32 v61, $0x3  }
0x175: {  	v14 =	vld.idx.msk @p2 [tilespmem:v15+s25+$0x0], $0xffff;
	v15 =	vor.u32 @p2 s16, v9;
	v16 =	vand.u32 $0x7F, v61;
	v13 =	vand.u32 $0xFFFFFC00, v13  }
0x176: {  	v13 =	vor.u32 v16, v13  }
0x177: {  	s11 =	sadd.s32 @p2 $0x1, s11;
	v16 =	vadd.s32 v3, v13  }
0x178: {  	s15 =	smov.u32 @p2 s11  }
0x179: {  	s11 =	sadd.s32 @p2 $0x1B400, s16;
	s19 =	sshll.u32 s15, $0x7;
	s16 =	sadd.s32 @p2 s9, s17  }
0x17a: {  	s11 =	smov.u32 @p2 s11;
	s20 =	sand.u32 $0xF80, s19;
	s16 =	smov.u32 @p2 s16;
	[tilespmem:v15+s0+$0x0] =	vst.idx.msk @p2 $0xffff, v14  }
0x17b: {  	[hbm4b:s16+s7] =	stream.linear.scatter @p2 [tilespmem:s11], [sflag:$0x4], $0x80, $0x38;
	[tilespmem:$0x1C800] =	vst v63  }
0x17c: {  	v15 =	vor.u32 s20, v2;
	v14 =	vld.idx.msk [tilespmem:v16+s25+$0x0], $0xffff  }
0x17d: {  	v62 =	vadd.s32 v4, v13;
	_ =	sdelay $0x2  }
0x17e: {  	v17, _, _ =	vpop (xrf0)  }
0x17f: {  	(v2sf) =	vpush v17, $0xF;
	[tilespmem:v15+s0+$0x0] =	vst.idx.msk $0xffff, v14  }
0x180: {  	v15 =	vor.u32 s20, v5;
	v14 =	vld.idx.msk [tilespmem:v62+s25+$0x0], $0xffff  }
0x181: {  	v63 =	vadd.s32 v6, v13;
	_ =	sdelay $0x3  }
0x182: {  	[tilespmem:v15+s0+$0x0] =	vst.idx.msk $0xffff, v14  }
0x183: {  	v15 =	vor.u32 s20, v7;
	v14 =	vld.idx.msk [tilespmem:v63+s25+$0x0], $0xffff  }
0x184: {  	v13 =	vadd.s32 v8, v13;
	_ =	sdelay $0x3  }
0x185: {  	[tilespmem:v15+s0+$0x0] =	vst.idx.msk $0xffff, v14  }
0x186: {  	v14 =	vor.u32 s20, v9;
	v13 =	vld.idx.msk [tilespmem:v13+s25+$0x0], $0xffff;
	_ =	sdelay $0x1  }
0x187: {  	s29 =	spop (v2sf)  }
0x188: {  	s16 =	sshll.u32 s29, $0x4  }
0x189: {  	s16 =	sand.u32 $0x1FFFFFF0, s16  }
0x18a: {  	s15 =	sadd.s32 $0x1, s15;
	s11 =	sadd.s32 $0x1B400, s20;
	s16 =	sadd.s32 s9, s16;
	[tilespmem:v14+s0+$0x0] =	vst.idx.msk $0xffff, v13  }
0x18b: {  	[hbm4b:s16+s7] =	stream.linear.scatter [tilespmem:s11], [sflag:$0x4], $0x80, $0x38;
	[tilespmem:$0x1C800] =	vst v63  }
.LBB2_34:
0x18c: {  	s13 =	sadd.s32 $0x1, s13  }
0x18d: {  	p2 =	sne.s32 s13, s10  }
.Ltmp14:
0x18e: {  	_ = 	snop;
	(pc) =	sbr.rel @!p2 .LBB2_35-.Ltmp14, $2  }
0x18f: {  	_ =	sdelay $0x2  }
0x190: {  	s6 =	sadd.s32 s6, s14  }
.LBB2_20:
0x191: {  	s17 =	sshll.u32 s13, $0x4  }
0x192: {  	v13 =	vld [tilespmem:s17+$0x1000];
	_ =	sdelay $0x3  }
0x193: {  	v14 =	vor.u32 s17, v2  }
0x194: {  	vm0 =	vlt.s32 v14, v10;
	vm1 =	vlt.s32 v13, v12  }
0x195: {  	vm2 =	vge.s32 v13, v11;
	vm0 =	vmand vm0, vm1  }
0x196: {  	vm0 =	vmand vm0, vm2  }
0x197: {  	v14 =	vmpcnt.ones.xlane vm0;
	_ =	sdelay $0x1  }
0x198: {  	(v2sf) =	vpush v14, $0x0;
	_ =	sdelay $0xe  }
0x199: {  	s16 =	ssub.s32 s15, s6;
	s11 =	spop (v2sf)  }
0x19a: {  	s18 =	sadd.s32 s16, s11  }
0x19b: {  	s14 =	smov.u32 s16;
	p2 =	sgt.s32 s18, $0x20  }
0x19c: {  	p3 =	slt.s32 s18, $0x21;
	s14 =	simm.s32 @!p2 $0x0  }
0x19d: {  	p2 =	slt.s32 @!p3 s14, $0x1  }
0x19e: {  	p2 =	por p3, p2  }
.Ltmp15:
0x19f: {  	_ = 	snop;
	(pc) =	sbr.rel @p2 .LBB2_24-.Ltmp15, $2  }
0x1a0: {  	_ =	sdelay $0x2  }
0x1a1: {  	v14 =	vld [tilespmem:s17+$0x5000]  }
0x1a2: {  	p2 =	sne.s32 s16, $0x1  }
.Ltmp16:
0x1a3: {  	_ = 	snop;
	(pc) =	sbr.rel @!p2 .LBB2_23-.Ltmp16, $3  }
0x1a4: {  	_ =	sdelay $0x1  }
0x1a5: {  	_ =	swait.ge [sflag:s5], $0x80  }
0x1a6: {  	s16 =	sadd.s32 $0xFFFFFFFF, s16;
	[sflag:s5] =	ssyncset.done $0x0  }
.LBB2_22:
0x1a7: {  	p2 =	sne.s32 s16, $0x1;
	s16 =	sadd.s32 $0xFFFFFFFF, s16;
	[sflag:s5] =	ssyncadd.s32 $0xFFFFFF80  }
.Ltmp17:
0x1a8: {  	(pc) =	sbr.rel @p2 .LBB2_22-.Ltmp17, $3  }
0x1a9: {  	_ =	sdelay $0x1  }
0x1aa: {  	_ =	swait.ge [sflag:s5], $0x80  }
0x1ab: {  	[sflag:s5] =	ssyncset.done $0x0  }
.LBB2_23:
0x1ac: {  	[sflag:s5] =	ssyncadd.s32 $0xFFFFFF80  }
.LBB2_24:
0x1ad: {  	p2 =	slt.s32 s11, $0x1  }
.Ltmp18:
0x1ae: {  	_ = 	snop;
	(pc) =	sbr.rel @p2 .LBB2_34-.Ltmp18, $1  }
0x1af: {  	_ =	sdelay $0x3  }
0x1b0: {  	v15 =	vmctz.xlane vm0;
	_ =	sdelay $0x1  }
0x1b1: {  	v15 =	vbroadcast v15, $0x0;
	_ =	sdelay $0x1  }
0x1b2: {  	v13 =	vxor.u32 $0x80000000, v13;
	p4 =	sne.s32 s11, $0x1;
	vm1 =	vne.s32 v15, v2  }
.Ltmp19:
0x1b3: {  	v15 =	vsel vm1, $0x80000000, v13;
	(pc) =	sbr.rel @!p4 .LBB2_26-.Ltmp19, $4  }
0x1b4: {  	(xrf0) =	vmax.scan.msk.u32 $0xffff, v15  }
0x1b5: {  	v14 =	vxor.u32 $0x80000000, v14  }
0x1b6: {  	v16 =	vsel vm1, $0x80000000, v14  }
0x1b7: {  	s11 =	sadd.s32 $0xFFFFFFFF, s11;
	p2 =	por $0x0, $0x0;
	p3 =	por $0x0, $0x0;
	vm0 =	vmand vm0, vm1;
	(xrf0) =	vmax.scan.msk.u32 $0xffff, v16  }
0x1b8: {  	_ =	sdelay $0x1  }
0x1b9: {  	v15, _, _ =	vpop (xrf0)  }
0x1ba: {  	(v2sf) =	vpush v15, $0xF;
	_ =	sdelay $0x4  }
0x1bb: {  	v15, _, _ =	vpop (xrf0)  }
0x1bc: {  	(v2sf) =	vpush v15, $0xF;
	_ =	sdelay $0x7  }
0x1bd: {  	v15 =	vmctz.xlane vm0  }
0x1be: {  	s16 =	spop (v2sf)  }
0x1bf: {  	v15 =	vbroadcast v15, $0x0;
	s16 =	ssub.s32 s16, s24  }
0x1c0: {  	v16 =	vmov s16  }
0x1c1: {  	p4 =	sne.s32 s11, $0x1;
	vm1 =	vne.s32 v15, v2;
	v17 =	vshll.u32 v16, $0x3  }
.Ltmp20:
0x1c2: {  	v15 =	vand.u32 $0x7F, v16;
	v16 =	vand.u32 $0xFFFFFC00, v17;
	v17 =	vsel vm1, $0x80000000, v13;
	(pc) =	sbr.rel @!p4 .LBB2_28-.Ltmp20, $4  }
0x1c3: {  	(xrf0) =	vmax.scan.msk.u32 $0xffff, v17  }
0x1c4: {  	s17 =	spop (v2sf)  }
0x1c5: {  	s19 =	sshll.u32 s15, $0x7;
	v18 =	vsel vm1, $0x80000000, v14;
	s29 =	sshll.u32 s17, $0x4;
	v15 =	vor.u32 v15, v16  }
0x1c6: {  	p2 =	por $0x1, $0x1;
	vm0 =	vmand vm0, vm1;
	s16 =	sadd.s32 $0xFFFFFFFF, s11;
	s17 =	sand.u32 $0x1FFFFFF0, s29;
	v16 =	vadd.s32 v3, v15;
	(xrf0) =	vmax.scan.msk.u32 $0xffff, v18  }
0x1c7: {  	_ =	sdelay $0x2  }
0x1c8: {  	s18 =	sand.u32 $0xF80, s19  }
0x1c9: {  	v16 =	vld.idx.msk [tilespmem:v16+s25+$0x0], $0xffff;
	v17 =	vor.u32 s18, v2;
	v18, _, _ =	vpop (xrf0)  }
0x1ca: {  	v19 =	vadd.s32 v4, v15;
	(v2sf) =	vpush v18, $0xF;
	_ =	sdelay $0x3  }
0x1cb: {  	[tilespmem:v17+s0+$0x0] =	vst.idx.msk $0xffff, v16  }
0x1cc: {  	v18, _, _ =	vpop (xrf0);
	v17 =	vor.u32 s18, v5;
	v16 =	vld.idx.msk [tilespmem:v19+s25+$0x0], $0xffff  }
0x1cd: {  	(v2sf) =	vpush v18, $0xF;
	v18 =	vadd.s32 v6, v15;
	_ =	sdelay $0x3  }
0x1ce: {  	[tilespmem:v17+s0+$0x0] =	vst.idx.msk $0xffff, v16  }
0x1cf: {  	v17 =	vor.u32 s18, v7;
	v16 =	vld.idx.msk [tilespmem:v18+s25+$0x0], $0xffff  }
0x1d0: {  	v15 =	vadd.s32 v8, v15;
	_ =	sdelay $0x2  }
0x1d1: {  	v18 =	vmctz.xlane vm0;
	s11 =	spop (v2sf)  }
0x1d2: {  	[tilespmem:v17+s0+$0x0] =	vst.idx.msk $0xffff, v16;
	s11 =	ssub.s32 s11, s24  }
0x1d3: {  	v16 =	vbroadcast v18, $0x0;
	v17 =	vld.idx.msk [tilespmem:v15+s25+$0x0], $0xffff;
	v15 =	vmov s11  }
0x1d4: {  	v18 =	vor.u32 s18, v9;
	v19 =	vshll.u32 v15, $0x3  }
0x1d5: {  	p4 =	sne.s32 s16, $0x1;
	vm1 =	vne.s32 v16, v2;
	v15 =	vand.u32 $0x7F, v15;
	v16 =	vand.u32 $0xFFFFFC00, v19  }
.Ltmp21:
0x1d6: {  	v19 =	vsel vm1, $0x80000000, v13;
	v15 =	vor.u32 v15, v16;
	(pc) =	sbr.rel @!p4 .LBB2_30-.Ltmp21, $4  }
0x1d7: {  	(xrf0) =	vmax.scan.msk.u32 $0xffff, v19;
	v16 =	vadd.s32 v3, v15  }
0x1d8: {  	s16 =	sadd.s32 $0xFFFFFFFF, s16;
	s11 =	sadd.s32 $0x1, s15;
	s19 =	spop (v2sf);
	v20 =	vsel vm1, $0x80000000, v14  }
0x1d9: {  	p3 =	por $0x1, $0x1;
	s20 =	sshll.u32 s19, $0x4;
	s19 =	sshll.u32 s11, $0x7;
	(xrf0) =	vmax.scan.msk.u32 $0xffff, v20  }
0x1da: {  	vm0 =	vmand vm0, vm1;
	s29 =	sand.u32 $0x1FFFFFF0, s20;
	s20 =	sadd.s32 $0x1B400, s18;
	s18 =	sadd.s32 s9, s17;
	[tilespmem:v18+s0+$0x0] =	vst.idx.msk $0xffff, v17  }
.LBB2_31:
0x1db: {  	[hbm4b:s18+s7] =	stream.linear.scatter [tilespmem:s20], [sflag:$0x4], $0x80, $0x38;
	[tilespmem:$0x1C800] =	vst v63  }
0x1dc: {  	p4 =	sne.s32 s16, $0x1;
	s16 =	sadd.s32 $0xFFFFFFFF, s16;
	s17 =	sand.u32 $0xF80, s19;
	v16 =	vld.idx.msk [tilespmem:v16+s25+$0x0], $0xffff  }
0x1dd: {  	s18 =	smov.u32 s29;
	v17 =	vor.u32 s17, v2  }
0x1de: {  	v19 =	vadd.s32 v4, v15;
	v18, _, _ =	vpop (xrf0)  }
0x1df: {  	(v2sf) =	vpush v18, $0xF;
	v18, _, _ =	vpop (xrf0)  }
0x1e0: {  	(v2sf) =	vpush v18, $0xF;
	_ =	sdelay $0x1  }
0x1e1: {  	[tilespmem:v17+s0+$0x0] =	vst.idx.msk $0xffff, v16  }
0x1e2: {  	v16 =	vld.idx.msk [tilespmem:v19+s25+$0x0], $0xffff  }
0x1e3: {  	v17 =	vor.u32 s17, v5  }
0x1e4: {  	v18 =	vadd.s32 v6, v15;
	_ =	sdelay $0x3  }
0x1e5: {  	[tilespmem:v17+s0+$0x0] =	vst.idx.msk $0xffff, v16  }
0x1e6: {  	v16 =	vld.idx.msk [tilespmem:v18+s25+$0x0], $0xffff  }
0x1e7: {  	v17 =	vor.u32 s17, v7  }
0x1e8: {  	v15 =	vadd.s32 v8, v15;
	_ =	sdelay $0x1  }
0x1e9: {  	s19 =	spop (v2sf)  }
0x1ea: {  	v18 =	vmctz.xlane vm0;
	s19 =	ssub.s32 s19, s24;
	s20 =	spop (v2sf)  }
0x1eb: {  	v19 =	vmov s19;
	s19 =	sshll.u32 s20, $0x4;
	[tilespmem:v17+s0+$0x0] =	vst.idx.msk $0xffff, v16  }
0x1ec: {  	v16 =	vbroadcast v18, $0x0;
	v17 =	vshll.u32 v19, $0x3;
	s29 =	sand.u32 $0x1FFFFFF0, s19;
	v18 =	vld.idx.msk [tilespmem:v15+s25+$0x0], $0xffff  }
0x1ed: {  	v15 =	vand.u32 $0x7F, v19;
	v19 =	vor.u32 s17, v9;
	v17 =	vand.u32 $0xFFFFFC00, v17  }
.Ltmp22:
0x1ee: {  	vm1 =	vne.s32 v16, v2;
	v15 =	vor.u32 v15, v17;
	(pc) =	sbr.rel @p4 .LBB2_31-.Ltmp22, $4  }
0x1ef: {  	v17 =	vsel vm1, $0x80000000, v13;
	vm0 =	vmand vm0, vm1;
	v16 =	vadd.s32 v3, v15  }
0x1f0: {  	v20 =	vsel vm1, $0x80000000, v14;
	(xrf0) =	vmax.scan.msk.u32 $0xffff, v17  }
0x1f1: {  	s11 =	sadd.s32 $0x1, s11;
	(xrf0) =	vmax.scan.msk.u32 $0xffff, v20  }
0x1f2: {  	s18 =	sadd.s32 s9, s18;
	s20 =	sadd.s32 $0x1B400, s17;
	s19 =	sshll.u32 s11, $0x7;
	[tilespmem:v19+s0+$0x0] =	vst.idx.msk $0xffff, v18  }
.Ltmp23:
0x1f3: {  	(pc) =	sbr.rel .LBB2_33-.Ltmp23, $2  }
0x1f4: {  	_ =	sdelay $0x2  }
0x1f5: {  	s17 =	smov.u32 s29  }
.LBB2_28:
.Ltmp24:
0x1f6: {  	(pc) =	sbr.rel .LBB2_33-.Ltmp24, $2  }
0x1f7: {  	_ =	sdelay $0x2  }
0x1f8: {  	s11 =	smov.u32 s15  }
.LBB2_30:
.Ltmp25:
0x1f9: {  	(pc) =	sbr.rel .LBB2_33-.Ltmp25, $2  }
0x1fa: {  	_ =	sdelay $0x2  }
0x1fb: {  	s17 =	smov.u32 s29  }
.LBB2_35:
0x1fc: {  	s11 =	sshll.u32 s23, $0x1  }
0x1fd: {  	s11 =	sadd.s32 $0x2, s11  }
0x1fe: {  	p2 =	sge.u32 s11, s21  }
0x1ff: {  	s11 =	sshll.u32 @!p2 s11, $0xC  }
0x200: {  	s11 =	sadd.s32 @!p2 s8, s11  }
0x201: {  	s13 =	simm.s32 @!p2 $0x1000;
	s11 =	sshrl.u32 @!p2 s11, $0x3  }
0x202: {  	s14 =	simm.s32 @!p2 $0x7A1400;
	s16 =	simm.s32 @!p2 $0x9000;
	s11 =	sadd.s32 @!p2 s3, s11  }
0x203: {  	[tilespmem:s16], [sflag:$0x2] =	stream.strided.gather @!p2 [hbm4b:s11+s13], $0x8000, s14, s13, $0x38;
	[tilespmem:$0x1C800] =	vst v63  }
.Ltmp26:
0x204: {  	p2 =	sge.u32 s12, s21;
	(pc) =	sbr.rel @p1 .LBB2_52-.Ltmp26, $4  }
0x205: {  	s11 =	simm.s32 @!p2 $0x3  }
0x206: {  	_ =	swait.ge @!p2 [sflag:s11], $0x8000  }
0x207: {  	[sflag:s11] =	ssyncset.done @!p2 $0x0  }
0x208: {  	[sflag:s11] =	ssyncadd.s32 @!p2 $0xFFFF8000  }
.Ltmp27:
0x209: {  	s11 =	sshll.u32 s12, $0x9;
	(pc) =	sbr.rel .LBB2_37-.Ltmp27, $4  }
0x20a: {  	s24 =	sadd.s32 s1, s11  }
0x20b: {  	p2 =	slt.u32 s12, s21;
	s11 =	sadd.s32 $0x200, s24;
	s12 =	smov.u32 s24  }
0x20c: {  	s12 =	smov.u32 @p2 s11  }
0x20d: {  	v11 =	vmov s24;
	v12 =	vmov s12;
	s12 =	simm.s32 $0x0  }
.LBB2_43:
0x20e: {  	s11 =	smov.u32 s15  }
.LBB2_50:
0x20f: {  	_ =	sdelay $0x1  }
0x210: {  	[hbm4b:s17+s7] =	stream.linear.scatter @p3 [tilespmem:s20], [sflag:$0x4], $0x80, $0x38;
	v13, _, _ =	vpop (xrf0);
	[tilespmem:$0x1C800] =	vst v63  }
0x211: {  	s14 =	sand.u32 @p2 $0xF80, s19;
	(v2sf) =	vpush v13, $0xF  }
0x212: {  	v14 =	vld.idx.msk @p2 [tilespmem:v16+s26+$0x0], $0xffff;
	v16 =	vor.u32 @p2 s14, v2  }
0x213: {  	v13 =	vadd.s32 @p2 v4, v15;
	_ =	sdelay $0x3  }
0x214: {  	[tilespmem:v16+s0+$0x0] =	vst.idx.msk @p2 $0xffff, v14  }
0x215: {  	v14 =	vor.u32 @p2 s14, v5;
	v13 =	vld.idx.msk @p2 [tilespmem:v13+s26+$0x0], $0xffff  }
0x216: {  	v16 =	vadd.s32 @p2 v6, v15;
	_ =	sdelay $0x3  }
0x217: {  	[tilespmem:v14+s0+$0x0] =	vst.idx.msk @p2 $0xffff, v13  }
0x218: {  	v14 =	vor.u32 @p2 s14, v7;
	v13 =	vld.idx.msk @p2 [tilespmem:v16+s26+$0x0], $0xffff  }
0x219: {  	v15 =	vadd.s32 @p2 v8, v15  }
0x21a: {  	s18 =	spop (v2sf)  }
0x21b: {  	s17 =	ssub.s32 s18, s24  }
0x21c: {  	v61 =	vmov s17  }
0x21d: {  	[tilespmem:v14+s0+$0x0] =	vst.idx.msk @p2 $0xffff, v13;
	v13 =	vshll.u32 v61, $0x3  }
0x21e: {  	v14 =	vld.idx.msk @p2 [tilespmem:v15+s26+$0x0], $0xffff;
	v15 =	vor.u32 @p2 s14, v9;
	v16 =	vand.u32 $0x7F, v61;
	v13 =	vand.u32 $0xFFFFFC00, v13  }
0x21f: {  	v13 =	vor.u32 v16, v13  }
0x220: {  	s11 =	sadd.s32 @p2 $0x1, s11;
	v16 =	vadd.s32 v3, v13  }
0x221: {  	s15 =	smov.u32 @p2 s11  }
0x222: {  	s11 =	sadd.s32 @p2 $0x1B400, s14;
	s19 =	sshll.u32 s15, $0x7;
	s14 =	sadd.s32 @p2 s9, s16  }
0x223: {  	s11 =	smov.u32 @p2 s11;
	s20 =	sand.u32 $0xF80, s19;
	s14 =	smov.u32 @p2 s14;
	[tilespmem:v15+s0+$0x0] =	vst.idx.msk @p2 $0xffff, v14  }
0x224: {  	[hbm4b:s14+s7] =	stream.linear.scatter @p2 [tilespmem:s11], [sflag:$0x4], $0x80, $0x38;
	[tilespmem:$0x1C800] =	vst v63  }
0x225: {  	v15 =	vor.u32 s20, v2;
	v14 =	vld.idx.msk [tilespmem:v16+s26+$0x0], $0xffff  }
0x226: {  	v62 =	vadd.s32 v4, v13;
	_ =	sdelay $0x2  }
0x227: {  	v17, _, _ =	vpop (xrf0)  }
0x228: {  	(v2sf) =	vpush v17, $0xF;
	[tilespmem:v15+s0+$0x0] =	vst.idx.msk $0xffff, v14  }
0x229: {  	v15 =	vor.u32 s20, v5;
	v14 =	vld.idx.msk [tilespmem:v62+s26+$0x0], $0xffff  }
0x22a: {  	v63 =	vadd.s32 v6, v13;
	_ =	sdelay $0x3  }
0x22b: {  	[tilespmem:v15+s0+$0x0] =	vst.idx.msk $0xffff, v14  }
0x22c: {  	v15 =	vor.u32 s20, v7;
	v14 =	vld.idx.msk [tilespmem:v63+s26+$0x0], $0xffff  }
0x22d: {  	v13 =	vadd.s32 v8, v13;
	_ =	sdelay $0x3  }
0x22e: {  	[tilespmem:v15+s0+$0x0] =	vst.idx.msk $0xffff, v14  }
0x22f: {  	v14 =	vor.u32 s20, v9;
	v13 =	vld.idx.msk [tilespmem:v13+s26+$0x0], $0xffff;
	_ =	sdelay $0x1  }
0x230: {  	s29 =	spop (v2sf)  }
0x231: {  	s14 =	sshll.u32 s29, $0x4  }
0x232: {  	s14 =	sand.u32 $0x1FFFFFF0, s14  }
0x233: {  	s15 =	sadd.s32 $0x1, s15;
	s11 =	sadd.s32 $0x1B400, s20;
	s14 =	sadd.s32 s9, s14;
	[tilespmem:v14+s0+$0x0] =	vst.idx.msk $0xffff, v13  }
0x234: {  	[hbm4b:s14+s7] =	stream.linear.scatter [tilespmem:s11], [sflag:$0x4], $0x80, $0x38;
	[tilespmem:$0x1C800] =	vst v63  }
.LBB2_51:
0x235: {  	s12 =	sadd.s32 $0x1, s12  }
0x236: {  	p2 =	sne.s32 s12, s10  }
.Ltmp28:
0x237: {  	_ = 	snop;
	(pc) =	sbr.rel @!p2 .LBB2_52-.Ltmp28, $2  }
0x238: {  	_ =	sdelay $0x2  }
0x239: {  	s6 =	sadd.s32 s6, s13  }
.LBB2_37:
0x23a: {  	s16 =	sshll.u32 s12, $0x4  }
0x23b: {  	v13 =	vld [tilespmem:s16+$0x1000];
	_ =	sdelay $0x3  }
0x23c: {  	v14 =	vor.u32 s16, v2  }
0x23d: {  	vm0 =	vlt.s32 v14, v10;
	vm1 =	vlt.s32 v13, v12  }
0x23e: {  	vm2 =	vge.s32 v13, v11;
	vm0 =	vmand vm0, vm1  }
0x23f: {  	vm0 =	vmand vm0, vm2  }
0x240: {  	v14 =	vmpcnt.ones.xlane vm0;
	_ =	sdelay $0x1  }
0x241: {  	(v2sf) =	vpush v14, $0x0;
	_ =	sdelay $0xe  }
0x242: {  	s14 =	ssub.s32 s15, s6;
	s11 =	spop (v2sf)  }
0x243: {  	s17 =	sadd.s32 s14, s11  }
0x244: {  	s13 =	smov.u32 s14;
	p2 =	sgt.s32 s17, $0x20  }
0x245: {  	p3 =	slt.s32 s17, $0x21;
	s13 =	simm.s32 @!p2 $0x0  }
0x246: {  	p2 =	slt.s32 @!p3 s13, $0x1  }
0x247: {  	p2 =	por p3, p2  }
.Ltmp29:
0x248: {  	_ = 	snop;
	(pc) =	sbr.rel @p2 .LBB2_41-.Ltmp29, $2  }
0x249: {  	_ =	sdelay $0x2  }
0x24a: {  	v14 =	vld [tilespmem:s16+$0x5000]  }
0x24b: {  	p2 =	sne.s32 s14, $0x1  }
.Ltmp30:
0x24c: {  	_ = 	snop;
	(pc) =	sbr.rel @!p2 .LBB2_40-.Ltmp30, $3  }
0x24d: {  	_ =	sdelay $0x1  }
0x24e: {  	_ =	swait.ge [sflag:s5], $0x80  }
0x24f: {  	s14 =	sadd.s32 $0xFFFFFFFF, s14;
	[sflag:s5] =	ssyncset.done $0x0  }
.LBB2_39:
0x250: {  	p2 =	sne.s32 s14, $0x1;
	s14 =	sadd.s32 $0xFFFFFFFF, s14;
	[sflag:s5] =	ssyncadd.s32 $0xFFFFFF80  }
.Ltmp31:
0x251: {  	(pc) =	sbr.rel @p2 .LBB2_39-.Ltmp31, $3  }
0x252: {  	_ =	sdelay $0x1  }
0x253: {  	_ =	swait.ge [sflag:s5], $0x80  }
0x254: {  	[sflag:s5] =	ssyncset.done $0x0  }
.LBB2_40:
0x255: {  	[sflag:s5] =	ssyncadd.s32 $0xFFFFFF80  }
.LBB2_41:
0x256: {  	p2 =	slt.s32 s11, $0x1  }
.Ltmp32:
0x257: {  	_ = 	snop;
	(pc) =	sbr.rel @p2 .LBB2_51-.Ltmp32, $1  }
0x258: {  	_ =	sdelay $0x3  }
0x259: {  	v15 =	vmctz.xlane vm0;
	_ =	sdelay $0x1  }
0x25a: {  	v15 =	vbroadcast v15, $0x0;
	_ =	sdelay $0x1  }
0x25b: {  	v13 =	vxor.u32 $0x80000000, v13;
	p4 =	sne.s32 s11, $0x1;
	vm1 =	vne.s32 v15, v2  }
.Ltmp33:
0x25c: {  	v15 =	vsel vm1, $0x80000000, v13;
	(pc) =	sbr.rel @!p4 .LBB2_43-.Ltmp33, $4  }
0x25d: {  	(xrf0) =	vmax.scan.msk.u32 $0xffff, v15  }
0x25e: {  	v14 =	vxor.u32 $0x80000000, v14  }
0x25f: {  	v16 =	vsel vm1, $0x80000000, v14  }
0x260: {  	s11 =	sadd.s32 $0xFFFFFFFF, s11;
	p2 =	por $0x0, $0x0;
	p3 =	por $0x0, $0x0;
	vm0 =	vmand vm0, vm1;
	(xrf0) =	vmax.scan.msk.u32 $0xffff, v16  }
0x261: {  	_ =	sdelay $0x1  }
0x262: {  	v15, _, _ =	vpop (xrf0)  }
0x263: {  	(v2sf) =	vpush v15, $0xF;
	_ =	sdelay $0x4  }
0x264: {  	v15, _, _ =	vpop (xrf0)  }
0x265: {  	(v2sf) =	vpush v15, $0xF;
	_ =	sdelay $0x7  }
0x266: {  	v15 =	vmctz.xlane vm0  }
0x267: {  	s14 =	spop (v2sf)  }
0x268: {  	v15 =	vbroadcast v15, $0x0;
	s14 =	ssub.s32 s14, s24  }
0x269: {  	v16 =	vmov s14  }
0x26a: {  	p4 =	sne.s32 s11, $0x1;
	vm1 =	vne.s32 v15, v2;
	v17 =	vshll.u32 v16, $0x3  }
.Ltmp34:
0x26b: {  	v15 =	vand.u32 $0x7F, v16;
	v16 =	vand.u32 $0xFFFFFC00, v17;
	v17 =	vsel vm1, $0x80000000, v13;
	(pc) =	sbr.rel @!p4 .LBB2_45-.Ltmp34, $4  }
0x26c: {  	(xrf0) =	vmax.scan.msk.u32 $0xffff, v17  }
0x26d: {  	s16 =	spop (v2sf)  }
0x26e: {  	s19 =	sshll.u32 s15, $0x7;
	v18 =	vsel vm1, $0x80000000, v14;
	s29 =	sshll.u32 s16, $0x4;
	v15 =	vor.u32 v15, v16  }
0x26f: {  	p2 =	por $0x1, $0x1;
	vm0 =	vmand vm0, vm1;
	s14 =	sadd.s32 $0xFFFFFFFF, s11;
	s16 =	sand.u32 $0x1FFFFFF0, s29;
	v16 =	vadd.s32 v3, v15;
	(xrf0) =	vmax.scan.msk.u32 $0xffff, v18  }
0x270: {  	_ =	sdelay $0x2  }
0x271: {  	s17 =	sand.u32 $0xF80, s19  }
0x272: {  	v16 =	vld.idx.msk [tilespmem:v16+s26+$0x0], $0xffff;
	v17 =	vor.u32 s17, v2;
	v18, _, _ =	vpop (xrf0)  }
0x273: {  	v19 =	vadd.s32 v4, v15;
	(v2sf) =	vpush v18, $0xF;
	_ =	sdelay $0x3  }
0x274: {  	[tilespmem:v17+s0+$0x0] =	vst.idx.msk $0xffff, v16  }
0x275: {  	v18, _, _ =	vpop (xrf0);
	v17 =	vor.u32 s17, v5;
	v16 =	vld.idx.msk [tilespmem:v19+s26+$0x0], $0xffff  }
0x276: {  	(v2sf) =	vpush v18, $0xF;
	v18 =	vadd.s32 v6, v15;
	_ =	sdelay $0x3  }
0x277: {  	[tilespmem:v17+s0+$0x0] =	vst.idx.msk $0xffff, v16  }
0x278: {  	v17 =	vor.u32 s17, v7;
	v16 =	vld.idx.msk [tilespmem:v18+s26+$0x0], $0xffff  }
0x279: {  	v15 =	vadd.s32 v8, v15;
	_ =	sdelay $0x2  }
0x27a: {  	v18 =	vmctz.xlane vm0;
	s11 =	spop (v2sf)  }
0x27b: {  	[tilespmem:v17+s0+$0x0] =	vst.idx.msk $0xffff, v16;
	s11 =	ssub.s32 s11, s24  }
0x27c: {  	v16 =	vbroadcast v18, $0x0;
	v17 =	vld.idx.msk [tilespmem:v15+s26+$0x0], $0xffff;
	v15 =	vmov s11  }
0x27d: {  	v18 =	vor.u32 s17, v9;
	v19 =	vshll.u32 v15, $0x3  }
0x27e: {  	p4 =	sne.s32 s14, $0x1;
	vm1 =	vne.s32 v16, v2;
	v15 =	vand.u32 $0x7F, v15;
	v16 =	vand.u32 $0xFFFFFC00, v19  }
.Ltmp35:
0x27f: {  	v19 =	vsel vm1, $0x80000000, v13;
	v15 =	vor.u32 v15, v16;
	(pc) =	sbr.rel @!p4 .LBB2_47-.Ltmp35, $4  }
0x280: {  	(xrf0) =	vmax.scan.msk.u32 $0xffff, v19;
	v16 =	vadd.s32 v3, v15  }
0x281: {  	s14 =	sadd.s32 $0xFFFFFFFF, s14;
	p3 =	por $0x1, $0x1;
	s29 =	spop (v2sf);
	v20 =	vsel vm1, $0x80000000, v14  }
0x282: {  	s20 =	sadd.s32 $0x1B400, s17;
	s11 =	sadd.s32 $0x1, s15;
	s18 =	sshll.u32 s29, $0x4;
	(xrf0) =	vmax.scan.msk.u32 $0xffff, v20  }
0x283: {  	s17 =	sadd.s32 s9, s16;
	s19 =	sshll.u32 s11, $0x7;
	vm0 =	vmand vm0, vm1;
	s18 =	sand.u32 $0x1FFFFFF0, s18;
	[tilespmem:v18+s0+$0x0] =	vst.idx.msk $0xffff, v17  }
.LBB2_48:
0x284: {  	[hbm4b:s17+s7] =	stream.linear.scatter [tilespmem:s20], [sflag:$0x4], $0x80, $0x38;
	[tilespmem:$0x1C800] =	vst v63  }
0x285: {  	p4 =	sne.s32 s14, $0x1;
	s14 =	sadd.s32 $0xFFFFFFFF, s14;
	s16 =	sand.u32 $0xF80, s19;
	v16 =	vld.idx.msk [tilespmem:v16+s26+$0x0], $0xffff  }
0x286: {  	s17 =	smov.u32 s18;
	v17 =	vor.u32 s16, v2  }
0x287: {  	v19 =	vadd.s32 v4, v15;
	v18, _, _ =	vpop (xrf0)  }
0x288: {  	(v2sf) =	vpush v18, $0xF;
	v18, _, _ =	vpop (xrf0)  }
0x289: {  	(v2sf) =	vpush v18, $0xF;
	_ =	sdelay $0x1  }
0x28a: {  	[tilespmem:v17+s0+$0x0] =	vst.idx.msk $0xffff, v16  }
0x28b: {  	v16 =	vld.idx.msk [tilespmem:v19+s26+$0x0], $0xffff  }
0x28c: {  	v17 =	vor.u32 s16, v5  }
0x28d: {  	v18 =	vadd.s32 v6, v15;
	_ =	sdelay $0x3  }
0x28e: {  	[tilespmem:v17+s0+$0x0] =	vst.idx.msk $0xffff, v16  }
0x28f: {  	v16 =	vld.idx.msk [tilespmem:v18+s26+$0x0], $0xffff  }
0x290: {  	v17 =	vor.u32 s16, v7  }
0x291: {  	v15 =	vadd.s32 v8, v15;
	_ =	sdelay $0x1  }
0x292: {  	s18 =	spop (v2sf)  }
0x293: {  	v18 =	vmctz.xlane vm0;
	s18 =	ssub.s32 s18, s24;
	s19 =	spop (v2sf)  }
0x294: {  	v19 =	vmov s18;
	s18 =	sshll.u32 s19, $0x4;
	[tilespmem:v17+s0+$0x0] =	vst.idx.msk $0xffff, v16  }
0x295: {  	v16 =	vbroadcast v18, $0x0;
	v17 =	vshll.u32 v19, $0x3;
	s18 =	sand.u32 $0x1FFFFFF0, s18;
	v18 =	vld.idx.msk [tilespmem:v15+s26+$0x0], $0xffff  }
0x296: {  	v15 =	vand.u32 $0x7F, v19;
	v19 =	vor.u32 s16, v9;
	v17 =	vand.u32 $0xFFFFFC00, v17  }
.Ltmp36:
0x297: {  	vm1 =	vne.s32 v16, v2;
	v15 =	vor.u32 v15, v17;
	(pc) =	sbr.rel @p4 .LBB2_48-.Ltmp36, $4  }
0x298: {  	v17 =	vsel vm1, $0x80000000, v13;
	vm0 =	vmand vm0, vm1;
	v16 =	vadd.s32 v3, v15  }
0x299: {  	v20 =	vsel vm1, $0x80000000, v14;
	(xrf0) =	vmax.scan.msk.u32 $0xffff, v17  }
0x29a: {  	s11 =	sadd.s32 $0x1, s11;
	(xrf0) =	vmax.scan.msk.u32 $0xffff, v20  }
0x29b: {  	s20 =	sadd.s32 $0x1B400, s16;
	s17 =	sadd.s32 s9, s17;
	s19 =	sshll.u32 s11, $0x7;
	[tilespmem:v19+s0+$0x0] =	vst.idx.msk $0xffff, v18  }
.Ltmp37:
0x29c: {  	(pc) =	sbr.rel .LBB2_50-.Ltmp37, $2  }
0x29d: {  	_ =	sdelay $0x2  }
0x29e: {  	s16 =	smov.u32 s18  }
.LBB2_45:
.Ltmp38:
0x29f: {  	(pc) =	sbr.rel .LBB2_50-.Ltmp38, $2  }
0x2a0: {  	_ =	sdelay $0x2  }
0x2a1: {  	s11 =	smov.u32 s15  }
.LBB2_47:
.Ltmp39:
0x2a2: {  	(pc) =	sbr.rel .LBB2_50-.Ltmp39, $2  }
0x2a3: {  	_ =	sdelay $0x2  }
0x2a4: {  	s16 =	smov.u32 s18  }
.LBB2_53:
0x2a5: {  	s11 =	simm.s32 @!p0 $0x0;
	s12 =	simm.s32 @!p0 $0x19000;
	s13 =	rddreg [dreg:$0x3]  }
0x2a6: {  	[tilespmem:s12], [sflag:$0x5] =	stream.linear.gather @!p0 [hbm4b:s13+s11], $0x2080, $0x38;
	[tilespmem:$0x1C800] =	vst v63  }
.Ltmp40:
0x2a7: {  	_ = 	snop;
	(pc) =	sbr.rel @p1 .LBB2_70-.Ltmp40, $4  }
0x2a8: {  	s11 =	simm.s32 @!p0 $0x5  }
0x2a9: {  	_ =	swait.ge @!p0 [sflag:s11], $0x2080  }
0x2aa: {  	[sflag:s11] =	ssyncset.done @!p0 $0x0  }
0x2ab: {  	[sflag:s11] =	ssyncadd.s32 @!p0 $0xFFFFDF80  }
.Ltmp41:
0x2ac: {  	(pc) =	sbr.rel .LBB2_55-.Ltmp41, $4  }
0x2ad: {  	_ = 	snop  }
0x2ae: {  	s11 =	simm.s32 @!p0 $0xF4241  }
0x2af: {  	s11 =	simm.s32 @p0 $0xF4200  }
0x2b0: {  	s12 =	simm.s32 $0x0;
	v11 =	vmov s11  }
.LBB2_61:
0x2b1: {  	s11 =	smov.u32 s15  }
.LBB2_68:
0x2b2: {  	(xrf0) =	vmax.scan.msk.u32 $0xffff, v17  }
0x2b3: {  	(xrf0) =	vmax.scan.msk.u32 @p1 $0xffff, v12  }
0x2b4: {  	[hbm4b:s17+s7] =	stream.linear.scatter @p2 [tilespmem:s19], [sflag:$0x4], $0x80, $0x38;
	[tilespmem:$0x1C800] =	vst v63  }
0x2b5: {  	s16 =	sand.u32 @p1 $0xF80, s18  }
0x2b6: {  	v12 =	vld.idx.msk @p1 [tilespmem:v16+s2+$0x0], $0xffff;
	v13 =	vor.u32 @p1 s16, v2  }
0x2b7: {  	v14 =	vor.u32 @p1 s14, v5  }
0x2b8: {  	v55, _, _ =	vpop (xrf0)  }
0x2b9: {  	(v2sf) =	vpush v55, $0xF;
	v16, _, _ =	vpop @p1 (xrf0)  }
0x2ba: {  	(v2sf) =	vpush @p1 v16, $0xF  }
0x2bb: {  	[tilespmem:v13+s0+$0x0] =	vst.idx.msk @p1 $0xffff, v12  }
0x2bc: {  	v13 =	vor.u32 @p1 s16, v5;
	v12 =	vld.idx.msk @p1 [tilespmem:v14+s2+$0x0], $0xffff  }
0x2bd: {  	v14 =	vor.u32 @p1 s14, v7;
	_ =	sdelay $0x3  }
0x2be: {  	[tilespmem:v13+s0+$0x0] =	vst.idx.msk @p1 $0xffff, v12  }
0x2bf: {  	v13 =	vor.u32 @p1 s16, v7;
	v12 =	vld.idx.msk @p1 [tilespmem:v14+s2+$0x0], $0xffff  }
0x2c0: {  	v14 =	vor.u32 @p1 s14, v9;
	_ =	sdelay $0x3  }
0x2c1: {  	[tilespmem:v13+s0+$0x0] =	vst.idx.msk @p1 $0xffff, v12  }
0x2c2: {  	v13 =	vor.u32 @p1 s16, v9;
	v12 =	vld.idx.msk @p1 [tilespmem:v14+s2+$0x0], $0xffff;
	s23 =	spop (v2sf)  }
0x2c3: {  	s17 =	spop @p1 (v2sf);
	s14 =	sshll.u32 s23, $0x7  }
0x2c4: {  	s17 =	sshll.u32 @p1 s17, $0x4;
	s14 =	sadd.s32 $0xF85F0000, s14  }
0x2c5: {  	s11 =	sadd.s32 @p1 $0x1, s11;
	s17 =	sand.u32 @p1 $0x1FFFFFF0, s17;
	v56 =	vor.u32 s14, v2  }
0x2c6: {  	s15 =	smov.u32 @p1 s11;
	s11 =	sadd.s32 @p1 $0x1B400, s16;
	s16 =	sadd.s32 @p1 s9, s17  }
0x2c7: {  	s11 =	smov.u32 @p1 s11;
	s24 =	sshll.u32 s15, $0x7;
	(xrf0) =	vmax.scan.msk.u32 $0xffff, v15;
	[tilespmem:v13+s0+$0x0] =	vst.idx.msk @p1 $0xffff, v12;
	s16 =	smov.u32 @p1 s16  }
0x2c8: {  	[hbm4b:s16+s7] =	stream.linear.scatter @p1 [tilespmem:s11], [sflag:$0x4], $0x80, $0x38;
	[tilespmem:$0x1C800] =	vst v63  }
0x2c9: {  	s11 =	sand.u32 $0xF80, s24  }
0x2ca: {  	v57 =	vor.u32 s11, v2;
	v12 =	vld.idx.msk [tilespmem:v56+s2+$0x0], $0xffff  }
0x2cb: {  	v58 =	vor.u32 s14, v5;
	_ =	sdelay $0x2  }
0x2cc: {  	v15, _, _ =	vpop (xrf0)  }
0x2cd: {  	(v2sf) =	vpush v15, $0xF;
	[tilespmem:v57+s0+$0x0] =	vst.idx.msk $0xffff, v12  }
0x2ce: {  	v59 =	vor.u32 s11, v5;
	v12 =	vld.idx.msk [tilespmem:v58+s2+$0x0], $0xffff  }
0x2cf: {  	v60 =	vor.u32 s14, v7;
	_ =	sdelay $0x3  }
0x2d0: {  	[tilespmem:v59+s0+$0x0] =	vst.idx.msk $0xffff, v12  }
0x2d1: {  	v61 =	vor.u32 s11, v7;
	v12 =	vld.idx.msk [tilespmem:v60+s2+$0x0], $0xffff  }
0x2d2: {  	v62 =	vor.u32 s14, v9;
	_ =	sdelay $0x3  }
0x2d3: {  	[tilespmem:v61+s0+$0x0] =	vst.idx.msk $0xffff, v12  }
0x2d4: {  	v63 =	vor.u32 s11, v9;
	v12 =	vld.idx.msk [tilespmem:v62+s2+$0x0], $0xffff;
	_ =	sdelay $0x1  }
0x2d5: {  	s29 =	spop (v2sf)  }
0x2d6: {  	s14 =	sshll.u32 s29, $0x4  }
0x2d7: {  	s14 =	sand.u32 $0x1FFFFFF0, s14  }
0x2d8: {  	s15 =	sadd.s32 $0x1, s15;
	s11 =	sadd.s32 $0x1B400, s11;
	s14 =	sadd.s32 s9, s14;
	[tilespmem:v63+s0+$0x0] =	vst.idx.msk $0xffff, v12  }
0x2d9: {  	[hbm4b:s14+s7] =	stream.linear.scatter [tilespmem:s11], [sflag:$0x4], $0x80, $0x38;
	[tilespmem:$0x1C800] =	vst v63  }
.LBB2_69:
0x2da: {  	s12 =	sadd.s32 $0x1, s12  }
0x2db: {  	p1 =	sne.s32 s12, s10  }
.Ltmp42:
0x2dc: {  	_ = 	snop;
	(pc) =	sbr.rel @!p1 .LBB2_70-.Ltmp42, $2  }
0x2dd: {  	_ =	sdelay $0x2  }
0x2de: {  	s6 =	sadd.s32 s6, s13  }
.LBB2_55:
0x2df: {  	s16 =	sshll.u32 s12, $0x4  }
0x2e0: {  	v12 =	vld [tilespmem:s16+$0x1000];
	_ =	sdelay $0x3  }
0x2e1: {  	v13 =	vor.u32 s16, v2  }
0x2e2: {  	vm0 =	vlt.s32 v13, v10;
	vm1 =	vlt.s32 v12, v11  }
0x2e3: {  	vm2 =	vgt.s32 v12, $0xF41FF;
	vm0 =	vmand vm0, vm1  }
0x2e4: {  	vm0 =	vmand vm0, vm2  }
0x2e5: {  	v13 =	vmpcnt.ones.xlane vm0;
	_ =	sdelay $0x1  }
0x2e6: {  	(v2sf) =	vpush v13, $0x0;
	_ =	sdelay $0xe  }
0x2e7: {  	s14 =	ssub.s32 s15, s6;
	s11 =	spop (v2sf)  }
0x2e8: {  	s17 =	sadd.s32 s14, s11  }
0x2e9: {  	s13 =	smov.u32 s14;
	p1 =	sgt.s32 s17, $0x20  }
0x2ea: {  	p2 =	slt.s32 s17, $0x21;
	s13 =	simm.s32 @!p1 $0x0  }
0x2eb: {  	p1 =	slt.s32 @!p2 s13, $0x1  }
0x2ec: {  	p1 =	por p2, p1  }
.Ltmp43:
0x2ed: {  	_ = 	snop;
	(pc) =	sbr.rel @p1 .LBB2_59-.Ltmp43, $2  }
0x2ee: {  	_ =	sdelay $0x2  }
0x2ef: {  	v13 =	vld [tilespmem:s16+$0x5000]  }
0x2f0: {  	p1 =	sne.s32 s14, $0x1  }
.Ltmp44:
0x2f1: {  	_ = 	snop;
	(pc) =	sbr.rel @!p1 .LBB2_58-.Ltmp44, $3  }
0x2f2: {  	_ =	sdelay $0x1  }
0x2f3: {  	_ =	swait.ge [sflag:s5], $0x80  }
0x2f4: {  	s14 =	sadd.s32 $0xFFFFFFFF, s14;
	[sflag:s5] =	ssyncset.done $0x0  }
.LBB2_57:
0x2f5: {  	p1 =	sne.s32 s14, $0x1;
	s14 =	sadd.s32 $0xFFFFFFFF, s14;
	[sflag:s5] =	ssyncadd.s32 $0xFFFFFF80  }
.Ltmp45:
0x2f6: {  	(pc) =	sbr.rel @p1 .LBB2_57-.Ltmp45, $3  }
0x2f7: {  	_ =	sdelay $0x1  }
0x2f8: {  	_ =	swait.ge [sflag:s5], $0x80  }
0x2f9: {  	[sflag:s5] =	ssyncset.done $0x0  }
.LBB2_58:
0x2fa: {  	[sflag:s5] =	ssyncadd.s32 $0xFFFFFF80  }
.LBB2_59:
0x2fb: {  	p1 =	slt.s32 s11, $0x1  }
.Ltmp46:
0x2fc: {  	_ = 	snop;
	(pc) =	sbr.rel @p1 .LBB2_69-.Ltmp46, $1  }
0x2fd: {  	_ =	sdelay $0x3  }
0x2fe: {  	v14 =	vmctz.xlane vm0;
	p3 =	sne.s32 s11, $0x1  }
.Ltmp47:
0x2ff: {  	_ = 	snop;
	(pc) =	sbr.rel @!p3 .LBB2_61-.Ltmp47, $3  }
0x300: {  	v14 =	vbroadcast v14, $0x0;
	_ =	sdelay $0x1  }
0x301: {  	v12 =	vxor.u32 $0x80000000, v12;
	v13 =	vxor.u32 $0x80000000, v13;
	vm1 =	vne.s32 v14, v2  }
0x302: {  	s11 =	sadd.s32 $0xFFFFFFFF, s11;
	p1 =	por $0x0, $0x0;
	p2 =	por $0x0, $0x0;
	v17 =	vsel vm1, $0x80000000, v12;
	v15 =	vsel vm1, $0x80000000, v13;
	vm0 =	vmand vm0, vm1  }
0x303: {  	(xrf0) =	vmax.scan.msk.u32 $0xffff, v17;
	_ =	sdelay $0x5  }
0x304: {  	v14, _, _ =	vpop (xrf0)  }
0x305: {  	(v2sf) =	vpush v14, $0xF;
	_ =	sdelay $0xb  }
0x306: {  	v14 =	vmctz.xlane vm0  }
0x307: {  	p3 =	sne.s32 s11, $0x1  }
.Ltmp48:
0x308: {  	v14 =	vbroadcast v14, $0x0;
	(pc) =	sbr.rel @!p3 .LBB2_63-.Ltmp48, $4  }
0x309: {  	s14 =	spop (v2sf)  }
0x30a: {  	vm1 =	vne.s32 v14, v2;
	s14 =	sshll.u32 s14, $0x7  }
0x30b: {  	v17 =	vsel vm1, $0x80000000, v12;
	s14 =	sadd.s32 $0xF85F0000, s14  }
0x30c: {  	s16 =	sadd.s32 $0xFFFFFFFF, s11;
	s18 =	sshll.u32 s15, $0x7;
	p1 =	por $0x1, $0x1;
	v14 =	vsel vm1, $0x80000000, v13;
	vm0 =	vmand vm0, vm1;
	v16 =	vor.u32 s14, v2  }
0x30d: {  	(xrf0) =	vmax.scan.msk.u32 $0xffff, v17;
	_ =	sdelay $0x1  }
0x30e: {  	(xrf0) =	vmax.scan.msk.u32 $0xffff, v15  }
0x30f: {  	s17 =	sand.u32 $0xF80, s18  }
0x310: {  	v15 =	vld.idx.msk [tilespmem:v16+s2+$0x0], $0xffff;
	v16 =	vor.u32 s17, v2  }
0x311: {  	v17 =	vor.u32 s14, v5  }
0x312: {  	v18, _, _ =	vpop (xrf0)  }
0x313: {  	(v2sf) =	vpush v18, $0xF  }
0x314: {  	v18, _, _ =	vpop (xrf0)  }
0x315: {  	[tilespmem:v16+s0+$0x0] =	vst.idx.msk $0xffff, v15;
	(v2sf) =	vpush v18, $0xF  }
0x316: {  	v16 =	vor.u32 s17, v5;
	v15 =	vld.idx.msk [tilespmem:v17+s2+$0x0], $0xffff  }
0x317: {  	v17 =	vor.u32 s14, v7;
	_ =	sdelay $0x3  }
0x318: {  	[tilespmem:v16+s0+$0x0] =	vst.idx.msk $0xffff, v15  }
0x319: {  	v16 =	vor.u32 s17, v7;
	v15 =	vld.idx.msk [tilespmem:v17+s2+$0x0], $0xffff  }
0x31a: {  	v17 =	vor.u32 s14, v9;
	_ =	sdelay $0x3  }
0x31b: {  	[tilespmem:v16+s0+$0x0] =	vst.idx.msk $0xffff, v15  }
0x31c: {  	p3 =	sne.s32 s16, $0x1;
	v19 =	vor.u32 s17, v9;
	v15 =	vmctz.xlane vm0;
	v18 =	vld.idx.msk [tilespmem:v17+s2+$0x0], $0xffff;
	s11 =	spop (v2sf)  }
.Ltmp49:
0x31d: {  	s11 =	sshll.u32 s11, $0x7;
	(pc) =	sbr.rel @!p3 .LBB2_65-.Ltmp49, $4  }
0x31e: {  	v15 =	vbroadcast v15, $0x0;
	s29 =	spop (v2sf);
	s14 =	sadd.s32 $0xF85F0000, s11  }
0x31f: {  	s16 =	sadd.s32 $0xFFFFFFFF, s16;
	s18 =	sshll.u32 s29, $0x4;
	v16 =	vor.u32 s14, v2  }
0x320: {  	p2 =	por $0x1, $0x1;
	vm1 =	vne.s32 v15, v2;
	s11 =	sadd.s32 $0x1, s15;
	s20 =	sand.u32 $0x1FFFFFF0, s18  }
0x321: {  	s19 =	sadd.s32 $0x1B400, s17;
	v17 =	vsel vm1, $0x80000000, v12;
	v15 =	vsel vm1, $0x80000000, v13;
	vm0 =	vmand vm0, vm1;
	[tilespmem:v19+s0+$0x0] =	vst.idx.msk $0xffff, v18;
	s18 =	sshll.u32 s11, $0x7;
	s17 =	sadd.s32 s9, s20  }
.LBB2_66:
0x322: {  	(xrf0) =	vmax.scan.msk.u32 $0xffff, v17  }
0x323: {  	[hbm4b:s17+s7] =	stream.linear.scatter [tilespmem:s19], [sflag:$0x4], $0x80, $0x38;
	[tilespmem:$0x1C800] =	vst v63  }
0x324: {  	p3 =	sne.s32 s16, $0x1;
	s16 =	sadd.s32 $0xFFFFFFFF, s16;
	s17 =	sand.u32 $0xF80, s18;
	v16 =	vld.idx.msk [tilespmem:v16+s2+$0x0], $0xffff  }
0x325: {  	v17 =	vor.u32 s17, v2  }
0x326: {  	v18 =	vor.u32 s14, v5;
	(xrf0) =	vmax.scan.msk.u32 $0xffff, v14;
	v14 =	vmov v15;
	_ =	sdelay $0x2  }
0x327: {  	v15, _, _ =	vpop (xrf0)  }
0x328: {  	(v2sf) =	vpush v15, $0xF;
	[tilespmem:v17+s0+$0x0] =	vst.idx.msk $0xffff, v16  }
0x329: {  	v15 =	vld.idx.msk [tilespmem:v18+s2+$0x0], $0xffff  }
0x32a: {  	v16 =	vor.u32 s17, v5;
	v17, _, _ =	vpop (xrf0)  }
0x32b: {  	v18 =	vor.u32 s14, v7;
	(v2sf) =	vpush v17, $0xF;
	_ =	sdelay $0x3  }
0x32c: {  	[tilespmem:v16+s0+$0x0] =	vst.idx.msk $0xffff, v15  }
0x32d: {  	v15 =	vld.idx.msk [tilespmem:v18+s2+$0x0], $0xffff  }
0x32e: {  	v16 =	vor.u32 s17, v7  }
0x32f: {  	v17 =	vor.u32 s14, v9;
	_ =	sdelay $0x3  }
0x330: {  	[tilespmem:v16+s0+$0x0] =	vst.idx.msk $0xffff, v15  }
0x331: {  	s14 =	spop (v2sf);
	v18 =	vld.idx.msk [tilespmem:v17+s2+$0x0], $0xffff  }
0x332: {  	v19 =	vor.u32 s17, v9;
	v15 =	vmctz.xlane vm0;
	s14 =	sshll.u32 s14, $0x7  }
.Ltmp50:
0x333: {  	s14 =	sadd.s32 $0xF85F0000, s14;
	(pc) =	sbr.rel @p3 .LBB2_66-.Ltmp50, $4  }
0x334: {  	v15 =	vbroadcast v15, $0x0;
	v16 =	vor.u32 s14, v2;
	s18 =	spop (v2sf)  }
0x335: {  	s18 =	sshll.u32 s18, $0x4  }
0x336: {  	s11 =	sadd.s32 $0x1, s11;
	vm1 =	vne.s32 v15, v2;
	s20 =	sand.u32 $0x1FFFFFF0, s18  }
0x337: {  	s19 =	sadd.s32 $0x1B400, s17;
	v17 =	vsel vm1, $0x80000000, v12;
	v15 =	vsel vm1, $0x80000000, v13;
	vm0 =	vmand vm0, vm1;
	s18 =	sshll.u32 s11, $0x7;
	[tilespmem:v19+s0+$0x0] =	vst.idx.msk $0xffff, v18;
	s17 =	sadd.s32 s9, s20  }
.Ltmp51:
0x338: {  	(pc) =	sbr.rel .LBB2_68-.Ltmp51, $2  }
0x339: {  	_ =	sdelay $0x2  }
0x33a: {  	v12 =	vmov v14  }
.LBB2_63:
.Ltmp52:
0x33b: {  	(pc) =	sbr.rel .LBB2_68-.Ltmp52, $2  }
0x33c: {  	_ =	sdelay $0x2  }
0x33d: {  	v12 =	vmov v15;
	v15 =	vmov v14;
	s11 =	smov.u32 s15  }
.LBB2_65:
.Ltmp53:
0x33e: {  	(pc) =	sbr.rel .LBB2_68-.Ltmp53, $2  }
0x33f: {  	_ =	sdelay $0x2  }
0x340: {  	v12 =	vmov v14  }
.LBB2_70:
0x341: {  	s6 =	ssub.s32 s15, s6  }
0x342: {  	p1 =	slt.s32 s6, $0x1  }
.Ltmp54:
0x343: {  	_ = 	snop;
	(pc) =	sbr.rel @p1 .LBB2_74-.Ltmp54, $1  }
0x344: {  	_ =	sdelay $0x3  }
0x345: {  	p1 =	sne.s32 s6, $0x1  }
.Ltmp55:
0x346: {  	_ = 	snop;
	(pc) =	sbr.rel @!p1 .LBB2_73-.Ltmp55, $3  }
0x347: {  	_ =	sdelay $0x1  }
0x348: {  	_ =	swait.ge [sflag:s5], $0x80  }
0x349: {  	s6 =	sadd.s32 $0xFFFFFFFF, s6;
	[sflag:s5] =	ssyncset.done $0x0  }
.LBB2_72:
0x34a: {  	p1 =	sne.s32 s6, $0x1;
	s6 =	sadd.s32 $0xFFFFFFFF, s6;
	[sflag:s5] =	ssyncadd.s32 $0xFFFFFF80  }
.Ltmp56:
0x34b: {  	(pc) =	sbr.rel @p1 .LBB2_72-.Ltmp56, $3  }
0x34c: {  	_ =	sdelay $0x1  }
0x34d: {  	_ =	swait.ge [sflag:s5], $0x80  }
0x34e: {  	[sflag:s5] =	ssyncset.done $0x0  }
.Ltmp57:
0x34f: {  	_ = 	snop;
	(pc) =	sbr.rel .LBB2_73-.Ltmp57, $1  }
0x350: {  	_ =	sdelay $0x3  }
.LBB2_75:
0x351: {  	_ =	sfence.sel $0x180000  }
0x352: {  	[bflag:$0x0] =	sbarrier.arrive $0xFFFF  }
0x353: {  	_ =	strace $0x90000047  }
0x354: {  	s0 =	stileid.u32;
	[bflag:$0x2] =	sbarrier.arrive $0xFFFF  }
0x355: {  	p0 =	sne.s32 s0, $0x0;
	s0 =	rddreg [dreg:$0x6]  }
0x356: {  	s0 =	sadd.s32 @!p0 $0x100000, s0  }
0x357: {  	[sflag:s0] =	ssyncadd.tile.s32 @!p0 $0x1;
	_ =	shalt  }
.Lfunc_end2:
_tile_overlayer_lowered:
.L_overlay_start_2:
0x358: {  	(tag) =	ssettag $0x2  }
0x359: {  	s0 =	rddreg [dreg:$0x0];
	s2 =	stileid.u32  }
0x35a: {  	s1 =	rddreg [dreg:$0x1];
	p0 =	sne.s32 s2, $0x0  }
0x35b: {  	s3 =	rddreg [dreg:$0x2];
	[bflag:$0x3] =	sbarrier.arrive $0xFFFF;
	s2 =	simm.s32 @!p0 $0x1C05  }
0x35c: {  	[timem:s3], [sflag:s2] =	dma.local @!p0 [hbm:s0], s1  }
0x35d: {  	s0 =	simm.s32 @!p0 $0x5  }
0x35e: {  	_ =	swait.ge @!p0 [sflag:s0], s1  }
0x35f: {  	s1 =	ssub.s32 @!p0 $0x0, s1;
	[sflag:s0] =	ssyncset.done @!p0 $0x0  }
0x360: {  	[sflag:s0] =	ssyncadd.s32 @!p0 s1  }
0x361: {  	[bflag:$0x3] =	sbarrier.arrive $0xFFFF  }
0x362: {  	_ =	shalt  }

</sc_bundles>
